<compile_context>
chip_gen: v7x
topology: tpu7x:2x2x1
jax: 0.10.2.dev20260603
libtpu: 0.0.44.dev20260713+nightly
codegen_flags: <defaults>
</compile_context>

<pallas_src>
import jax
import jax.numpy as jnp
from jax import lax
from jax.experimental import pallas as pl
from jax.experimental.pallas import tpu as pltpu
from jax.experimental.pallas import tpu_sc as plsc

D = 128
K = 20
NC = 2
NS = 16
NW = NC * NS
LANES = 16
CHUNK = 128
R = 10000
SENT = -1
PASSES = 2


def _sc_gather_sum(idx3, E, zeros_blk, B, CB):
    vocab = E.shape[0]
    n_phases = vocab // R
    n_sub = CB // CHUNK
    n_entries = K * CB
    half = B // PASSES
    mesh = plsc.VectorSubcoreMesh(core_axis_name="c", subcore_axis_name="s")

    def body(idx_hbm, e_hbm, z_hbm, out_hbm, idx_v, phase_v, acc_v,
             shard_v, sem):
        w = lax.axis_index("s") * NC + lax.axis_index("c")
        s = lax.axis_index("s")

        n_stage = 10
        r_sub = R // n_stage

        def rewrite(lo, buf):
            @pl.loop(0, n_entries // LANES, unroll=8)
            def _rewrite(i):
                raw = idx_v[pl.ds(i * LANES, LANES)]
                inr = (raw >= lo) & (raw < lo + R)
                phase_v[buf, pl.ds(i * LANES, LANES)] = jnp.where(
                    inr, raw - lo, SENT)

        for pi in range(PASSES):
            pltpu.sync_copy(idx_hbm.at[pi, w], idx_v)
            pltpu.sync_copy(z_hbm, acc_v)
            rewrite(0, 0)

            @pl.loop(0, n_phases)
            def _phase(p):
                lo = p * R
                buf = p % 2

                @pl.when(s < n_stage)
                def _stage():
                    pltpu.sync_copy(
                        e_hbm.at[pl.ds(lo + s * r_sub, r_sub)],
                        shard_v.at[pl.ds(s * r_sub, r_sub)])

                plsc.subcore_barrier()

                cps = []
                for c in range(n_sub):
                    dst = acc_v.at[pl.ds(c * CHUNK, CHUNK)]
                    for k in range(K):
                        src = shard_v.at[plsc.Indices(
                            phase_v.at[buf,
                                       pl.ds(k * CB + c * CHUNK, CHUNK)],
                            ignored_value=SENT)]
                        cps.append(pltpu.async_copy(src, dst, sem,
                                                    add=True))

                @pl.when(p + 1 < n_phases)
                def _next():
                    rewrite((p + 1) * R, 1 - buf)

                for cp in cps:
                    cp.wait()

                plsc.subcore_barrier()

            pltpu.sync_copy(
                acc_v, out_hbm.at[pl.ds(pi * half + w * CB, CB)])

    run = pl.kernel(
        body,
        out_type=jax.ShapeDtypeStruct((B, D), jnp.float32),
        mesh=mesh,
        scratch_types=[
            pltpu.VMEM((n_entries,), jnp.int32),
            pltpu.VMEM((2, n_entries), jnp.int32),
            pltpu.VMEM((CB, D), jnp.float32),
            pltpu.VMEM_SHARED((R, D), jnp.float32),
            pltpu.SemaphoreType.DMA,
        ],
    )
    return run(idx3, E, zeros_blk)


def _epilogue(S, genes, doses, types2, Wt, b2, B):
    BLK = 2048
    grid = (B // BLK,)

    def body(s_ref, g_ref, d_ref, t_ref, wt_ref, b_ref, o_ref):
        g = g_ref[...]
        nv = jnp.sum((g >= 0).astype(jnp.float32), axis=1, keepdims=True)
        pooled = s_ref[...] / jnp.maximum(nv, 1.0)
        wt = wt_ref[...]
        mod = (d_ref[...] * wt[0:1, :]
               + jnp.where(t_ref[...] == 0, wt[1:2, :], wt[2:3, :])
               + b_ref[...])
        o_ref[...] = pooled + mod

    return pl.pallas_call(
        body,
        grid=grid,
        in_specs=[
            pl.BlockSpec((BLK, D), lambda i: (i, 0)),
            pl.BlockSpec((BLK, K), lambda i: (i, 0)),
            pl.BlockSpec((BLK, 1), lambda i: (i, 0)),
            pl.BlockSpec((BLK, 1), lambda i: (i, 0)),
            pl.BlockSpec((3, D), lambda i: (0, 0)),
            pl.BlockSpec((1, D), lambda i: (0, 0)),
        ],
        out_specs=pl.BlockSpec((BLK, D), lambda i: (i, 0)),
        out_shape=jax.ShapeDtypeStruct((B, D), jnp.float32),
    )(S, genes, doses, types2, Wt, b2)


def kernel(perturbation_genes, doses, types, E, W, b):
    B = perturbation_genes.shape[0]
    CB = B // (NW * PASSES)

    raw = perturbation_genes.astype(jnp.int32)
    idx3 = (raw.T.reshape(K, PASSES, NW, CB)
            .transpose(1, 2, 0, 3).reshape(PASSES, NW, K * CB))
    zeros_blk = jnp.zeros((CB, D), jnp.float32)

    S = _sc_gather_sum(idx3, E, zeros_blk, B, CB)

    types2 = types.reshape(B, 1).astype(jnp.int32)
    Wt = W.T
    b2 = b.reshape(1, D)
    return _epilogue(S, perturbation_genes, doses, types2, Wt, b2, B)

# --- scband reference (transcript-rebuilt; emitter-appended) ---
"""Pipeline reference for scband-perturbation-embedder-40175124087142 (READ-ONLY COPY).

The authoritative reference and input builder live on the scoring server;
editing this copy changes nothing except your own understanding.
"""

import jax, jax.numpy as jnp
import numpy as np

VOCAB = 100000
D_MODEL = 128
B = 16384
K = 20
N_TYPES = 2
DOSE_DIM = 1


def setup_inputs(seed: int = 0) -> dict:
    key = jax.random.key(seed)
    k1, k2, k3, k4, k5, k6 = jax.random.split(key, 6)
    perturbation_genes = jax.random.randint(k1, (B, K), 0, VOCAB)
    # value -1 marks 'no perturbation' padding slots (variable-k batches)
    pad_mask = jax.random.uniform(k2, (B, K)) < 0.3
    perturbation_genes = jnp.where(pad_mask, -1, perturbation_genes)
    doses = jax.random.uniform(k3, (B, DOSE_DIM), dtype=jnp.float32)
    types = jax.random.randint(k4, (B,), 0, N_TYPES)
    E = jax.random.normal(k5, (VOCAB, D_MODEL), dtype=jnp.float32) * 0.02
    W = jax.random.normal(k6, (D_MODEL, DOSE_DIM + N_TYPES), dtype=jnp.float32) * 0.1
    b = jnp.zeros((D_MODEL,), dtype=jnp.float32)
    return {
        "perturbation_genes": perturbation_genes,
        "doses": doses,
        "types": types,
        "E": E,
        "W": W,
        "b": b,
    }


def reference(perturbation_genes, doses, types, E, W, b):
    # mask over non-padded entries
    gene_mask = (perturbation_genes >= 0).astype(jnp.float32)
    safe_idx = jnp.clip(perturbation_genes, 0, None)
    # embedding gather: (B, K, d_model)
    e_genes = jnp.take(E, safe_idx, axis=0)
    weighted = e_genes * gene_mask[..., None]
    n_valid = jnp.clip(jnp.sum(gene_mask, axis=1, keepdims=True), 1.0, None)
    pooled = jnp.sum(weighted, axis=1) / n_valid
    type_oh = jax.nn.one_hot(types, N_TYPES, dtype=jnp.float32)
    modulator = jnp.concatenate([doses, type_oh], axis=-1) @ W.T + b
    context = pooled + modulator
    return context

if __name__ == "__main__":
    import jax
    _d = setup_inputs()
    print(jax.jit(kernel)(*tuple(_d.values())))

</pallas_src>

<mosaic_0001>
#map = affine_map<(d0, d1) -> (0, 0, 0)>
#map1 = affine_map<(d0, d1) -> (0, 0)>
module attributes {stable_mosaic.version = 14 : i64} {
  func.func @body(%arg0: i32, %arg1: i32, %arg2: memref<2x32x5120xi32, #tpu.memory_space<hbm>>, %arg3: memref<100000x128xf32, #tpu.memory_space<hbm>>, %arg4: memref<256x128xf32, #tpu.memory_space<hbm>>, %arg5: memref<16384x128xf32, #tpu.memory_space<hbm>>, %arg6: memref<5120xi32, #tpu.memory_space<vmem>>, %arg7: memref<2x5120xi32, #tpu.memory_space<vmem>>, %arg8: memref<256x128xf32, #tpu.memory_space<vmem>>, %arg9: memref<10000x128xf32, #tpu.memory_space<vmem_shared>>, %arg10: memref<!tpu.dma_semaphore, #tpu.memory_space<semaphore_mem>>) attributes {dimension_semantics = [#tpu.dimension_semantics<core_parallel>, #tpu.dimension_semantics<subcore_parallel>], iteration_bounds = array<i64: 2, 16>, scalar_prefetch = 0 : i64, scratch_operands = 5 : i64, tpu.core_type = #tpu.core_type<sc_vector_subcore>, window_params = [{transform_indices = #map}, {transform_indices = #map1}, {transform_indices = #map1}, {transform_indices = #map1}]} {
    %mul3A = arith.constant 2 : i32
    %mul3A_0 = arith.muli %arg1, %mul3A : i32
    %add3A = arith.addi %mul3A_0, %arg0 : i32
    %run_scoped3A = arith.constant 0 : i32
    "tpu.region"() ({
      %run_scoped3A_29 = tpu.sem_alloc : memref<!tpu.dma_semaphore, #tpu.memory_space<semaphore_mem>>
      %dma_start3A = arith.constant 0 : i32
      %dma_start3A_30 = tpu.memref_slice %arg2[%run_scoped3A, %add3A, %dma_start3A] : memref<2x32x5120xi32, #tpu.memory_space<hbm>> -> memref<1x1x5120xi32, #tpu.memory_space<hbm>>
      %dma_start3A_31 = tpu.memref_squeeze %dma_start3A_30 : memref<1x1x5120xi32, #tpu.memory_space<hbm>> -> memref<5120xi32, #tpu.memory_space<hbm>>
      %dma_start3A_32 = arith.constant 0 : i32
      %dma_start3A_33 = tpu.memref_slice %arg2[%run_scoped3A, %add3A, %dma_start3A_32] : memref<2x32x5120xi32, #tpu.memory_space<hbm>> -> memref<1x1x5120xi32, #tpu.memory_space<hbm>>
      %dma_start3A_34 = tpu.memref_squeeze %dma_start3A_33 : memref<1x1x5120xi32, #tpu.memory_space<hbm>> -> memref<5120xi32, #tpu.memory_space<hbm>>
      tpu.enqueue_dma source(%dma_start3A_34 : memref<5120xi32, #tpu.memory_space<hbm>>) target(%arg6 : memref<5120xi32, #tpu.memory_space<vmem>>) target_semaphore(%run_scoped3A_29 : memref<!tpu.dma_semaphore, #tpu.memory_space<semaphore_mem>>)
      %dma_wait3A = arith.constant 0 : i32
      %dma_wait3A_35 = tpu.memref_slice %arg2[%run_scoped3A, %add3A, %dma_wait3A] : memref<2x32x5120xi32, #tpu.memory_space<hbm>> -> memref<1x1x5120xi32, #tpu.memory_space<hbm>>
      %dma_wait3A_36 = tpu.memref_squeeze %dma_wait3A_35 : memref<1x1x5120xi32, #tpu.memory_space<hbm>> -> memref<5120xi32, #tpu.memory_space<hbm>>
      %dma_wait3A_37 = arith.constant 0 : i32
      %dma_wait3A_38 = tpu.memref_slice %arg2[%run_scoped3A, %add3A, %dma_wait3A_37] : memref<2x32x5120xi32, #tpu.memory_space<hbm>> -> memref<1x1x5120xi32, #tpu.memory_space<hbm>>
      %dma_wait3A_39 = tpu.memref_squeeze %dma_wait3A_38 : memref<1x1x5120xi32, #tpu.memory_space<hbm>> -> memref<5120xi32, #tpu.memory_space<hbm>>
      tpu.wait_dma2 semaphore(%run_scoped3A_29 : memref<!tpu.dma_semaphore, #tpu.memory_space<semaphore_mem>>) src(%dma_wait3A_39 : memref<5120xi32, #tpu.memory_space<hbm>>) dst(%arg6 : memref<5120xi32, #tpu.memory_space<vmem>>)
      tpu.yield
    }) : () -> ()
    "tpu.region"() ({
      %run_scoped3A_29 = tpu.sem_alloc : memref<!tpu.dma_semaphore, #tpu.memory_space<semaphore_mem>>
      tpu.enqueue_dma source(%arg4 : memref<256x128xf32, #tpu.memory_space<hbm>>) target(%arg8 : memref<256x128xf32, #tpu.memory_space<vmem>>) target_semaphore(%run_scoped3A_29 : memref<!tpu.dma_semaphore, #tpu.memory_space<semaphore_mem>>)
      tpu.wait_dma2 semaphore(%run_scoped3A_29 : memref<!tpu.dma_semaphore, #tpu.memory_space<semaphore_mem>>) src(%arg4 : memref<256x128xf32, #tpu.memory_space<hbm>>) dst(%arg8 : memref<256x128xf32, #tpu.memory_space<vmem>>)
      tpu.yield
    }) : () -> ()
    %scan3A = arith.constant 0 : i32
    %scan3A_1 = arith.constant 320 : i32
    %scan3A_2 = arith.addi %scan3A, %scan3A_1 : i32
    %scan3A_3 = arith.constant 8 : i32
    scf.for %scan3A_29 = %scan3A to %scan3A_2 step %scan3A_3  : i32 {
      %mul3A_30 = arith.constant 1 : i32
      %mul3A_31 = arith.muli %scan3A_29, %mul3A_30 : i32
      %add3A_32 = arith.constant 0 : i32
      %add3A_33 = arith.addi %add3A_32, %mul3A_31 : i32
      %mul3A_34 = arith.constant 16 : i32
      %mul3A_35 = arith.muli %add3A_33, %mul3A_34 : i32
      %get3A = arith.index_cast %mul3A_35 : i32 to index
      %get3A_36 = tpu.vector_load %arg6[%get3A] {strides = array<i32>} : memref<5120xi32, #tpu.memory_space<vmem>>, vector<16xi32>,
      %get3A_37 = vector.shape_cast %get3A_36 : vector<16xi32> to vector<16xi32>
      %ge3A = arith.constant 0 : i32
      %ge3A_38 = vector.broadcast %ge3A : i32 to vector<16xi32>
      %ge3A_39 = arith.cmpi sge, %get3A_37, %ge3A_38 : vector<16xi32>
      %lt3A = arith.constant 10000 : i32
      %lt3A_40 = vector.broadcast %lt3A : i32 to vector<16xi32>
      %lt3A_41 = arith.cmpi slt, %get3A_37, %lt3A_40 : vector<16xi32>
      %and3A = arith.andi %ge3A_39, %lt3A_41 : vector<16xi1>
      %sub3A = arith.constant 0 : i32
      %sub3A_42 = vector.broadcast %sub3A : i32 to vector<16xi32>
      %sub3A_43 = arith.subi %get3A_37, %sub3A_42 : vector<16xi32>
      %jit3A = arith.constant -1 : i32
      %broadcast_in_dim3A = vector.broadcast %jit3A : i32 to vector<16xi32>
      %select_n3A = arith.select %and3A, %sub3A_43, %broadcast_in_dim3A : vector<16xi1>, vector<16xi32>
      %mul3A_44 = arith.constant 16 : i32
      %mul3A_45 = arith.muli %add3A_33, %mul3A_44 : i32
      %swap3A = arith.constant 0 : i32
      %swap3A_46 = arith.index_cast %swap3A : i32 to index
      %swap3A_47 = arith.index_cast %mul3A_45 : i32 to index
      %swap3A_48 = tpu.vector_load %arg7[%swap3A_46, %swap3A_47] {strides = array<i32>} : memref<2x5120xi32, #tpu.memory_space<vmem>>, vector<1x16xi32>,
      %swap3A_49 = vector.shape_cast %swap3A_48 : vector<1x16xi32> to vector<16xi32>
      %swap3A_50 = vector.shape_cast %select_n3A : vector<16xi32> to vector<1x16xi32>
      tpu.vector_store %arg7[%swap3A_46, %swap3A_47], %swap3A_50 {strides = array<i32>} : memref<2x5120xi32, #tpu.memory_space<vmem>>, vector<1x16xi32>,
      %scan3A_51 = arith.constant 1 : i32
      %scan3A_52 = arith.addi %scan3A_29, %scan3A_51 : i32
      %mul3A_53 = arith.constant 1 : i32
      %mul3A_54 = arith.muli %scan3A_52, %mul3A_53 : i32
      %add3A_55 = arith.constant 0 : i32
      %add3A_56 = arith.addi %add3A_55, %mul3A_54 : i32
      %mul3A_57 = arith.constant 16 : i32
      %mul3A_58 = arith.muli %add3A_56, %mul3A_57 : i32
      %get3A_59 = arith.index_cast %mul3A_58 : i32 to index
      %get3A_60 = tpu.vector_load %arg6[%get3A_59] {strides = array<i32>} : memref<5120xi32, #tpu.memory_space<vmem>>, vector<16xi32>,
      %get3A_61 = vector.shape_cast %get3A_60 : vector<16xi32> to vector<16xi32>
      %ge3A_62 = arith.constant 0 : i32
      %ge3A_63 = vector.broadcast %ge3A_62 : i32 to vector<16xi32>
      %ge3A_64 = arith.cmpi sge, %get3A_61, %ge3A_63 : vector<16xi32>
      %lt3A_65 = arith.constant 10000 : i32
      %lt3A_66 = vector.broadcast %lt3A_65 : i32 to vector<16xi32>
      %lt3A_67 = arith.cmpi slt, %get3A_61, %lt3A_66 : vector<16xi32>
      %and3A_68 = arith.andi %ge3A_64, %lt3A_67 : vector<16xi1>
      %sub3A_69 = arith.constant 0 : i32
      %sub3A_70 = vector.broadcast %sub3A_69 : i32 to vector<16xi32>
      %sub3A_71 = arith.subi %get3A_61, %sub3A_70 : vector<16xi32>
      %jit3A_72 = arith.constant -1 : i32
      %broadcast_in_dim3A_73 = vector.broadcast %jit3A_72 : i32 to vector<16xi32>
      %select_n3A_74 = arith.select %and3A_68, %sub3A_71, %broadcast_in_dim3A_73 : vector<16xi1>, vector<16xi32>
      %mul3A_75 = arith.constant 16 : i32
      %mul3A_76 = arith.muli %add3A_56, %mul3A_75 : i32
      %swap3A_77 = arith.constant 0 : i32
      %swap3A_78 = arith.index_cast %swap3A_77 : i32 to index
      %swap3A_79 = arith.index_cast %mul3A_76 : i32 to index
      %swap3A_80 = tpu.vector_load %arg7[%swap3A_78, %swap3A_79] {strides = array<i32>} : memref<2x5120xi32, #tpu.memory_space<vmem>>, vector<1x16xi32>,
      %swap3A_81 = vector.shape_cast %swap3A_80 : vector<1x16xi32> to vector<16xi32>
      %swap3A_82 = vector.shape_cast %select_n3A_74 : vector<16xi32> to vector<1x16xi32>
      tpu.vector_store %arg7[%swap3A_78, %swap3A_79], %swap3A_82 {strides = array<i32>} : memref<2x5120xi32, #tpu.memory_space<vmem>>, vector<1x16xi32>,
      %scan3A_83 = arith.constant 2 : i32
      %scan3A_84 = arith.addi %scan3A_29, %scan3A_83 : i32
      %mul3A_85 = arith.constant 1 : i32
      %mul3A_86 = arith.muli %scan3A_84, %mul3A_85 : i32
      %add3A_87 = arith.constant 0 : i32
      %add3A_88 = arith.addi %add3A_87, %mul3A_86 : i32
      %mul3A_89 = arith.constant 16 : i32
      %mul3A_90 = arith.muli %add3A_88, %mul3A_89 : i32
      %get3A_91 = arith.index_cast %mul3A_90 : i32 to index
      %get3A_92 = tpu.vector_load %arg6[%get3A_91] {strides = array<i32>} : memref<5120xi32, #tpu.memory_space<vmem>>, vector<16xi32>,
      %get3A_93 = vector.shape_cast %get3A_92 : vector<16xi32> to vector<16xi32>
      %ge3A_94 = arith.constant 0 : i32
      %ge3A_95 = vector.broadcast %ge3A_94 : i32 to vector<16xi32>
      %ge3A_96 = arith.cmpi sge, %get3A_93, %ge3A_95 : vector<16xi32>
      %lt3A_97 = arith.constant 10000 : i32
      %lt3A_98 = vector.broadcast %lt3A_97 : i32 to vector<16xi32>
      %lt3A_99 = arith.cmpi slt, %get3A_93, %lt3A_98 : vector<16xi32>
      %and3A_100 = arith.andi %ge3A_96, %lt3A_99 : vector<16xi1>
      %sub3A_101 = arith.constant 0 : i32
      %sub3A_102 = vector.broadcast %sub3A_101 : i32 to vector<16xi32>
      %sub3A_103 = arith.subi %get3A_93, %sub3A_102 : vector<16xi32>
      %jit3A_104 = arith.constant -1 : i32
      %broadcast_in_dim3A_105 = vector.broadcast %jit3A_104 : i32 to vector<16xi32>
      %select_n3A_106 = arith.select %and3A_100, %sub3A_103, %broadcast_in_dim3A_105 : vector<16xi1>, vector<16xi32>
      %mul3A_107 = arith.constant 16 : i32
      %mul3A_108 = arith.muli %add3A_88, %mul3A_107 : i32
      %swap3A_109 = arith.constant 0 : i32
      %swap3A_110 = arith.index_cast %swap3A_109 : i32 to index
      %swap3A_111 = arith.index_cast %mul3A_108 : i32 to index
      %swap3A_112 = tpu.vector_load %arg7[%swap3A_110, %swap3A_111] {strides = array<i32>} : memref<2x5120xi32, #tpu.memory_space<vmem>>, vector<1x16xi32>,
      %swap3A_113 = vector.shape_cast %swap3A_112 : vector<1x16xi32> to vector<16xi32>
      %swap3A_114 = vector.shape_cast %select_n3A_106 : vector<16xi32> to vector<1x16xi32>
      tpu.vector_store %arg7[%swap3A_110, %swap3A_111], %swap3A_114 {strides = array<i32>} : memref<2x5120xi32, #tpu.memory_space<vmem>>, vector<1x16xi32>,
      %scan3A_115 = arith.constant 3 : i32
      %scan3A_116 = arith.addi %scan3A_29, %scan3A_115 : i32
      %mul3A_117 = arith.constant 1 : i32
      %mul3A_118 = arith.muli %scan3A_116, %mul3A_117 : i32
      %add3A_119 = arith.constant 0 : i32
      %add3A_120 = arith.addi %add3A_119, %mul3A_118 : i32
      %mul3A_121 = arith.constant 16 : i32
      %mul3A_122 = arith.muli %add3A_120, %mul3A_121 : i32
      %get3A_123 = arith.index_cast %mul3A_122 : i32 to index
      %get3A_124 = tpu.vector_load %arg6[%get3A_123] {strides = array<i32>} : memref<5120xi32, #tpu.memory_space<vmem>>, vector<16xi32>,
      %get3A_125 = vector.shape_cast %get3A_124 : vector<16xi32> to vector<16xi32>
      %ge3A_126 = arith.constant 0 : i32
      %ge3A_127 = vector.broadcast %ge3A_126 : i32 to vector<16xi32>
      %ge3A_128 = arith.cmpi sge, %get3A_125, %ge3A_127 : vector<16xi32>
      %lt3A_129 = arith.constant 10000 : i32
      %lt3A_130 = vector.broadcast %lt3A_129 : i32 to vector<16xi32>
      %lt3A_131 = arith.cmpi slt, %get3A_125, %lt3A_130 : vector<16xi32>
      %and3A_132 = arith.andi %ge3A_128, %lt3A_131 : vector<16xi1>
      %sub3A_133 = arith.constant 0 : i32
      %sub3A_134 = vector.broadcast %sub3A_133 : i32 to vector<16xi32>
      %sub3A_135 = arith.subi %get3A_125, %sub3A_134 : vector<16xi32>
      %jit3A_136 = arith.constant -1 : i32
      %broadcast_in_dim3A_137 = vector.broadcast %jit3A_136 : i32 to vector<16xi32>
      %select_n3A_138 = arith.select %and3A_132, %sub3A_135, %broadcast_in_dim3A_137 : vector<16xi1>, vector<16xi32>
      %mul3A_139 = arith.constant 16 : i32
      %mul3A_140 = arith.muli %add3A_120, %mul3A_139 : i32
      %swap3A_141 = arith.constant 0 : i32
      %swap3A_142 = arith.index_cast %swap3A_141 : i32 to index
      %swap3A_143 = arith.index_cast %mul3A_140 : i32 to index
      %swap3A_144 = tpu.vector_load %arg7[%swap3A_142, %swap3A_143] {strides = array<i32>} : memref<2x5120xi32, #tpu.memory_space<vmem>>, vector<1x16xi32>,
      %swap3A_145 = vector.shape_cast %swap3A_144 : vector<1x16xi32> to vector<16xi32>
      %swap3A_146 = vector.shape_cast %select_n3A_138 : vector<16xi32> to vector<1x16xi32>
      tpu.vector_store %arg7[%swap3A_142, %swap3A_143], %swap3A_146 {strides = array<i32>} : memref<2x5120xi32, #tpu.memory_space<vmem>>, vector<1x16xi32>,
      %scan3A_147 = arith.constant 4 : i32
      %scan3A_148 = arith.addi %scan3A_29, %scan3A_147 : i32
      %mul3A_149 = arith.constant 1 : i32
      %mul3A_150 = arith.muli %scan3A_148, %mul3A_149 : i32
      %add3A_151 = arith.constant 0 : i32
      %add3A_152 = arith.addi %add3A_151, %mul3A_150 : i32
      %mul3A_153 = arith.constant 16 : i32
      %mul3A_154 = arith.muli %add3A_152, %mul3A_153 : i32
      %get3A_155 = arith.index_cast %mul3A_154 : i32 to index
      %get3A_156 = tpu.vector_load %arg6[%get3A_155] {strides = array<i32>} : memref<5120xi32, #tpu.memory_space<vmem>>, vector<16xi32>,
      %get3A_157 = vector.shape_cast %get3A_156 : vector<16xi32> to vector<16xi32>
      %ge3A_158 = arith.constant 0 : i32
      %ge3A_159 = vector.broadcast %ge3A_158 : i32 to vector<16xi32>
      %ge3A_160 = arith.cmpi sge, %get3A_157, %ge3A_159 : vector<16xi32>
      %lt3A_161 = arith.constant 10000 : i32
      %lt3A_162 = vector.broadcast %lt3A_161 : i32 to vector<16xi32>
      %lt3A_163 = arith.cmpi slt, %get3A_157, %lt3A_162 : vector<16xi32>
      %and3A_164 = arith.andi %ge3A_160, %lt3A_163 : vector<16xi1>
      %sub3A_165 = arith.constant 0 : i32
      %sub3A_166 = vector.broadcast %sub3A_165 : i32 to vector<16xi32>
      %sub3A_167 = arith.subi %get3A_157, %sub3A_166 : vector<16xi32>
      %jit3A_168 = arith.constant -1 : i32
      %broadcast_in_dim3A_169 = vector.broadcast %jit3A_168 : i32 to vector<16xi32>
      %select_n3A_170 = arith.select %and3A_164, %sub3A_167, %broadcast_in_dim3A_169 : vector<16xi1>, vector<16xi32>
      %mul3A_171 = arith.constant 16 : i32
      %mul3A_172 = arith.muli %add3A_152, %mul3A_171 : i32
      %swap3A_173 = arith.constant 0 : i32
      %swap3A_174 = arith.index_cast %swap3A_173 : i32 to index
      %swap3A_175 = arith.index_cast %mul3A_172 : i32 to index
      %swap3A_176 = tpu.vector_load %arg7[%swap3A_174, %swap3A_175] {strides = array<i32>} : memref<2x5120xi32, #tpu.memory_space<vmem>>, vector<1x16xi32>,
      %swap3A_177 = vector.shape_cast %swap3A_176 : vector<1x16xi32> to vector<16xi32>
      %swap3A_178 = vector.shape_cast %select_n3A_170 : vector<16xi32> to vector<1x16xi32>
      tpu.vector_store %arg7[%swap3A_174, %swap3A_175], %swap3A_178 {strides = array<i32>} : memref<2x5120xi32, #tpu.memory_space<vmem>>, vector<1x16xi32>,
      %scan3A_179 = arith.constant 5 : i32
      %scan3A_180 = arith.addi %scan3A_29, %scan3A_179 : i32
      %mul3A_181 = arith.constant 1 : i32
      %mul3A_182 = arith.muli %scan3A_180, %mul3A_181 : i32
      %add3A_183 = arith.constant 0 : i32
      %add3A_184 = arith.addi %add3A_183, %mul3A_182 : i32
      %mul3A_185 = arith.constant 16 : i32
      %mul3A_186 = arith.muli %add3A_184, %mul3A_185 : i32
      %get3A_187 = arith.index_cast %mul3A_186 : i32 to index
      %get3A_188 = tpu.vector_load %arg6[%get3A_187] {strides = array<i32>} : memref<5120xi32, #tpu.memory_space<vmem>>, vector<16xi32>,
      %get3A_189 = vector.shape_cast %get3A_188 : vector<16xi32> to vector<16xi32>
      %ge3A_190 = arith.constant 0 : i32
      %ge3A_191 = vector.broadcast %ge3A_190 : i32 to vector<16xi32>
      %ge3A_192 = arith.cmpi sge, %get3A_189, %ge3A_191 : vector<16xi32>
      %lt3A_193 = arith.constant 10000 : i32
      %lt3A_194 = vector.broadcast %lt3A_193 : i32 to vector<16xi32>
      %lt3A_195 = arith.cmpi slt, %get3A_189, %lt3A_194 : vector<16xi32>
      %and3A_196 = arith.andi %ge3A_192, %lt3A_195 : vector<16xi1>
      %sub3A_197 = arith.constant 0 : i32
      %sub3A_198 = vector.broadcast %sub3A_197 : i32 to vector<16xi32>
      %sub3A_199 = arith.subi %get3A_189, %sub3A_198 : vector<16xi32>
      %jit3A_200 = arith.constant -1 : i32
      %broadcast_in_dim3A_201 = vector.broadcast %jit3A_200 : i32 to vector<16xi32>
      %select_n3A_202 = arith.select %and3A_196, %sub3A_199, %broadcast_in_dim3A_201 : vector<16xi1>, vector<16xi32>
      %mul3A_203 = arith.constant 16 : i32
      %mul3A_204 = arith.muli %add3A_184, %mul3A_203 : i32
      %swap3A_205 = arith.constant 0 : i32
      %swap3A_206 = arith.index_cast %swap3A_205 : i32 to index
      %swap3A_207 = arith.index_cast %mul3A_204 : i32 to index
      %swap3A_208 = tpu.vector_load %arg7[%swap3A_206, %swap3A_207] {strides = array<i32>} : memref<2x5120xi32, #tpu.memory_space<vmem>>, vector<1x16xi32>,
      %swap3A_209 = vector.shape_cast %swap3A_208 : vector<1x16xi32> to vector<16xi32>
      %swap3A_210 = vector.shape_cast %select_n3A_202 : vector<16xi32> to vector<1x16xi32>
      tpu.vector_store %arg7[%swap3A_206, %swap3A_207], %swap3A_210 {strides = array<i32>} : memref<2x5120xi32, #tpu.memory_space<vmem>>, vector<1x16xi32>,
      %scan3A_211 = arith.constant 6 : i32
      %scan3A_212 = arith.addi %scan3A_29, %scan3A_211 : i32
      %mul3A_213 = arith.constant 1 : i32
      %mul3A_214 = arith.muli %scan3A_212, %mul3A_213 : i32
      %add3A_215 = arith.constant 0 : i32
      %add3A_216 = arith.addi %add3A_215, %mul3A_214 : i32
      %mul3A_217 = arith.constant 16 : i32
      %mul3A_218 = arith.muli %add3A_216, %mul3A_217 : i32
      %get3A_219 = arith.index_cast %mul3A_218 : i32 to index
      %get3A_220 = tpu.vector_load %arg6[%get3A_219] {strides = array<i32>} : memref<5120xi32, #tpu.memory_space<vmem>>, vector<16xi32>,
      %get3A_221 = vector.shape_cast %get3A_220 : vector<16xi32> to vector<16xi32>
      %ge3A_222 = arith.constant 0 : i32
      %ge3A_223 = vector.broadcast %ge3A_222 : i32 to vector<16xi32>
      %ge3A_224 = arith.cmpi sge, %get3A_221, %ge3A_223 : vector<16xi32>
      %lt3A_225 = arith.constant 10000 : i32
      %lt3A_226 = vector.broadcast %lt3A_225 : i32 to vector<16xi32>
      %lt3A_227 = arith.cmpi slt, %get3A_221, %lt3A_226 : vector<16xi32>
      %and3A_228 = arith.andi %ge3A_224, %lt3A_227 : vector<16xi1>
      %sub3A_229 = arith.constant 0 : i32
      %sub3A_230 = vector.broadcast %sub3A_229 : i32 to vector<16xi32>
      %sub3A_231 = arith.subi %get3A_221, %sub3A_230 : vector<16xi32>
      %jit3A_232 = arith.constant -1 : i32
      %broadcast_in_dim3A_233 = vector.broadcast %jit3A_232 : i32 to vector<16xi32>
      %select_n3A_234 = arith.select %and3A_228, %sub3A_231, %broadcast_in_dim3A_233 : vector<16xi1>, vector<16xi32>
      %mul3A_235 = arith.constant 16 : i32
      %mul3A_236 = arith.muli %add3A_216, %mul3A_235 : i32
      %swap3A_237 = arith.constant 0 : i32
      %swap3A_238 = arith.index_cast %swap3A_237 : i32 to index
      %swap3A_239 = arith.index_cast %mul3A_236 : i32 to index
      %swap3A_240 = tpu.vector_load %arg7[%swap3A_238, %swap3A_239] {strides = array<i32>} : memref<2x5120xi32, #tpu.memory_space<vmem>>, vector<1x16xi32>,
      %swap3A_241 = vector.shape_cast %swap3A_240 : vector<1x16xi32> to vector<16xi32>
      %swap3A_242 = vector.shape_cast %select_n3A_234 : vector<16xi32> to vector<1x16xi32>
      tpu.vector_store %arg7[%swap3A_238, %swap3A_239], %swap3A_242 {strides = array<i32>} : memref<2x5120xi32, #tpu.memory_space<vmem>>, vector<1x16xi32>,
      %scan3A_243 = arith.constant 7 : i32
      %scan3A_244 = arith.addi %scan3A_29, %scan3A_243 : i32
      %mul3A_245 = arith.constant 1 : i32
      %mul3A_246 = arith.muli %scan3A_244, %mul3A_245 : i32
      %add3A_247 = arith.constant 0 : i32
      %add3A_248 = arith.addi %add3A_247, %mul3A_246 : i32
      %mul3A_249 = arith.constant 16 : i32
      %mul3A_250 = arith.muli %add3A_248, %mul3A_249 : i32
      %get3A_251 = arith.index_cast %mul3A_250 : i32 to index
      %get3A_252 = tpu.vector_load %arg6[%get3A_251] {strides = array<i32>} : memref<5120xi32, #tpu.memory_space<vmem>>, vector<16xi32>,
      %get3A_253 = vector.shape_cast %get3A_252 : vector<16xi32> to vector<16xi32>
      %ge3A_254 = arith.constant 0 : i32
      %ge3A_255 = vector.broadcast %ge3A_254 : i32 to vector<16xi32>
      %ge3A_256 = arith.cmpi sge, %get3A_253, %ge3A_255 : vector<16xi32>
      %lt3A_257 = arith.constant 10000 : i32
      %lt3A_258 = vector.broadcast %lt3A_257 : i32 to vector<16xi32>
      %lt3A_259 = arith.cmpi slt, %get3A_253, %lt3A_258 : vector<16xi32>
      %and3A_260 = arith.andi %ge3A_256, %lt3A_259 : vector<16xi1>
      %sub3A_261 = arith.constant 0 : i32
      %sub3A_262 = vector.broadcast %sub3A_261 : i32 to vector<16xi32>
      %sub3A_263 = arith.subi %get3A_253, %sub3A_262 : vector<16xi32>
      %jit3A_264 = arith.constant -1 : i32
      %broadcast_in_dim3A_265 = vector.broadcast %jit3A_264 : i32 to vector<16xi32>
      %select_n3A_266 = arith.select %and3A_260, %sub3A_263, %broadcast_in_dim3A_265 : vector<16xi1>, vector<16xi32>
      %mul3A_267 = arith.constant 16 : i32
      %mul3A_268 = arith.muli %add3A_248, %mul3A_267 : i32
      %swap3A_269 = arith.constant 0 : i32
      %swap3A_270 = arith.index_cast %swap3A_269 : i32 to index
      %swap3A_271 = arith.index_cast %mul3A_268 : i32 to index
      %swap3A_272 = tpu.vector_load %arg7[%swap3A_270, %swap3A_271] {strides = array<i32>} : memref<2x5120xi32, #tpu.memory_space<vmem>>, vector<1x16xi32>,
      %swap3A_273 = vector.shape_cast %swap3A_272 : vector<1x16xi32> to vector<16xi32>
      %swap3A_274 = vector.shape_cast %select_n3A_266 : vector<16xi32> to vector<1x16xi32>
      tpu.vector_store %arg7[%swap3A_270, %swap3A_271], %swap3A_274 {strides = array<i32>} : memref<2x5120xi32, #tpu.memory_space<vmem>>, vector<1x16xi32>,
    }
    %scan3A_4 = arith.constant 320 : i32
    %scan3A_5 = arith.constant 0 : i32
    %scan3A_6 = arith.constant 10 : i32
    %scan3A_7 = arith.addi %scan3A_5, %scan3A_6 : i32
    %scan3A_8 = arith.constant 1 : i32
    scf.for %scan3A_29 = %scan3A_5 to %scan3A_7 step %scan3A_8  : i32 {
      %mul3A_30 = arith.constant 1 : i32
      %mul3A_31 = arith.muli %scan3A_29, %mul3A_30 : i32
      %add3A_32 = arith.constant 0 : i32
      %add3A_33 = arith.addi %add3A_32, %mul3A_31 : i32
      %mul3A_34 = arith.constant 10000 : i32
      %mul3A_35 = arith.muli %add3A_33, %mul3A_34 : i32
      %jit3A = arith.constant 2 : i32
      %eq3A = arith.constant 0 : i32
      %eq3A_36 = arith.cmpi eq, %jit3A, %eq3A : i32
      %jit3A_37 = arith.constant 1 : i32
      %select_n3A = arith.select %eq3A_36, %jit3A_37, %jit3A : i32
      %rem3A = arith.remsi %add3A_33, %select_n3A : i32
      %ne3A = arith.constant 0 : i32
      %ne3A_38 = arith.cmpi ne, %rem3A, %ne3A : i32
      %lt3A = arith.constant 0 : i32
      %lt3A_39 = arith.cmpi slt, %rem3A, %lt3A : i32
      %lt3A_40 = arith.constant 0 : i32
      %lt3A_41 = arith.cmpi slt, %select_n3A, %lt3A_40 : i32
      %ne3A_42 = arith.xori %lt3A_39, %lt3A_41 : i1
      %and3A = arith.andi %ne3A_42, %ne3A_38 : i1
      %add3A_43 = arith.addi %rem3A, %select_n3A : i32
      %select_n3A_44 = arith.select %and3A, %add3A_43, %rem3A : i32
      %lt3A_45 = arith.constant 10 : i32
      %lt3A_46 = arith.cmpi slt, %arg1, %lt3A_45 : i32
      %convert_element_type3A = arith.extui %lt3A_46 : i1 to i32
      %cond3A = arith.constant 0 : i32
      %cond3A_47 = arith.cmpi ne, %convert_element_type3A, %cond3A : i32
      scf.if %cond3A_47 {
        %mul3A_814 = arith.constant 1000 : i32
        %mul3A_815 = arith.muli %arg1, %mul3A_814 : i32
        %add3A_816 = arith.addi %mul3A_35, %mul3A_815 : i32
        %mul3A_817 = arith.constant 1000 : i32
        %mul3A_818 = arith.muli %arg1, %mul3A_817 : i32
        "tpu.region"() ({
          %run_scoped3A_819 = tpu.sem_alloc : memref<!tpu.dma_semaphore, #tpu.memory_space<semaphore_mem>>
          %dma_start3A_820 = arith.constant 0 : i32
          %dma_start3A_821 = tpu.memref_slice %arg9[%mul3A_818, %dma_start3A_820] : memref<10000x128xf32, #tpu.memory_space<vmem_shared>> -> memref<1000x128xf32, #tpu.memory_space<vmem_shared>>
          %dma_start3A_822 = arith.constant 0 : i32
          %dma_start3A_823 = tpu.memref_slice %arg3[%add3A_816, %dma_start3A_822] : memref<100000x128xf32, #tpu.memory_space<hbm>> -> memref<1000x128xf32, #tpu.memory_space<hbm>>
          tpu.enqueue_dma source(%dma_start3A_823 : memref<1000x128xf32, #tpu.memory_space<hbm>>) target(%dma_start3A_821 : memref<1000x128xf32, #tpu.memory_space<vmem_shared>>) target_semaphore(%run_scoped3A_819 : memref<!tpu.dma_semaphore, #tpu.memory_space<semaphore_mem>>)
          %dma_wait3A_824 = arith.constant 0 : i32
          %dma_wait3A_825 = tpu.memref_slice %arg9[%mul3A_818, %dma_wait3A_824] : memref<10000x128xf32, #tpu.memory_space<vmem_shared>> -> memref<1000x128xf32, #tpu.memory_space<vmem_shared>>
          %dma_wait3A_826 = arith.constant 0 : i32
          %dma_wait3A_827 = tpu.memref_slice %arg3[%add3A_816, %dma_wait3A_826] : memref<100000x128xf32, #tpu.memory_space<hbm>> -> memref<1000x128xf32, #tpu.memory_space<hbm>>
          tpu.wait_dma2 semaphore(%run_scoped3A_819 : memref<!tpu.dma_semaphore, #tpu.memory_space<semaphore_mem>>) src(%dma_wait3A_827 : memref<1000x128xf32, #tpu.memory_space<hbm>>) dst(%dma_wait3A_825 : memref<1000x128xf32, #tpu.memory_space<vmem_shared>>)
          tpu.yield
        }) : () -> ()
      } else {
      }
      %barrier3A = arith.constant 0 : index
      tpu.barrier barrier_id(%barrier3A)
      %dma_start3A = arith.constant 0 : i32
      %dma_start3A_48 = arith.constant 0 : i32
      %dma_start3A_49 = tpu.memref_slice %arg8[%dma_start3A, %dma_start3A_48] : memref<256x128xf32, #tpu.memory_space<vmem>> -> memref<128x128xf32, #tpu.memory_space<vmem>>
      %dma_start3A_50 = arith.constant 0 : i32
      %dma_start3A_51 = tpu.memref_slice %arg7[%select_n3A_44, %dma_start3A_50] : memref<2x5120xi32, #tpu.memory_space<vmem>> -> memref<1x128xi32, #tpu.memory_space<vmem>>
      %dma_start3A_52 = tpu.memref_squeeze %dma_start3A_51 : memref<1x128xi32, #tpu.memory_space<vmem>> -> memref<128xi32, #tpu.memory_space<vmem>>
      %dma_start3A_53 = arith.constant 0 : i32
      %dma_start3A_54 = arith.constant 0 : i32
      %dma_start3A_55 = tpu.memref_slice %arg9[%dma_start3A_53, %dma_start3A_54] : memref<10000x128xf32, #tpu.memory_space<vmem_shared>> -> memref<10000x128xf32, #tpu.memory_space<vmem_shared>>
      %dma_start3A_56 = arith.constant -1 : i32
      tpu.enqueue_indirect_dma source(%dma_start3A_55 : memref<10000x128xf32, #tpu.memory_space<vmem_shared>>) target(%dma_start3A_49 : memref<128x128xf32, #tpu.memory_space<vmem>>) offsets(%dma_start3A_52 : memref<128xi32, #tpu.memory_space<vmem>>) offset_filter(%dma_start3A_56) semaphore(%arg10 : memref<!tpu.dma_semaphore, #tpu.memory_space<semaphore_mem>>) {add = true}
      %dma_start3A_57 = arith.constant 0 : i32
      %dma_start3A_58 = arith.constant 0 : i32
      %dma_start3A_59 = tpu.memref_slice %arg8[%dma_start3A_57, %dma_start3A_58] : memref<256x128xf32, #tpu.memory_space<vmem>> -> memref<128x128xf32, #tpu.memory_space<vmem>>
      %dma_start3A_60 = arith.constant 256 : i32
      %dma_start3A_61 = tpu.memref_slice %arg7[%select_n3A_44, %dma_start3A_60] : memref<2x5120xi32, #tpu.memory_space<vmem>> -> memref<1x128xi32, #tpu.memory_space<vmem>>
      %dma_start3A_62 = tpu.memref_squeeze %dma_start3A_61 : memref<1x128xi32, #tpu.memory_space<vmem>> -> memref<128xi32, #tpu.memory_space<vmem>>
      %dma_start3A_63 = arith.constant 0 : i32
      %dma_start3A_64 = arith.constant 0 : i32
      %dma_start3A_65 = tpu.memref_slice %arg9[%dma_start3A_63, %dma_start3A_64] : memref<10000x128xf32, #tpu.memory_space<vmem_shared>> -> memref<10000x128xf32, #tpu.memory_space<vmem_shared>>
      %dma_start3A_66 = arith.constant -1 : i32
      tpu.enqueue_indirect_dma source(%dma_start3A_65 : memref<10000x128xf32, #tpu.memory_space<vmem_shared>>) target(%dma_start3A_59 : memref<128x128xf32, #tpu.memory_space<vmem>>) offsets(%dma_start3A_62 : memref<128xi32, #tpu.memory_space<vmem>>) offset_filter(%dma_start3A_66) semaphore(%arg10 : memref<!tpu.dma_semaphore, #tpu.memory_space<semaphore_mem>>) {add = true}
      %dma_start3A_67 = arith.constant 0 : i32
      %dma_start3A_68 = arith.constant 0 : i32
      %dma_start3A_69 = tpu.memref_slice %arg8[%dma_start3A_67, %dma_start3A_68] : memref<256x128xf32, #tpu.memory_space<vmem>> -> memref<128x128xf32, #tpu.memory_space<vmem>>
      %dma_start3A_70 = arith.constant 512 : i32
      %dma_start3A_71 = tpu.memref_slice %arg7[%select_n3A_44, %dma_start3A_70] : memref<2x5120xi32, #tpu.memory_space<vmem>> -> memref<1x128xi32, #tpu.memory_space<vmem>>
      %dma_start3A_72 = tpu.memref_squeeze %dma_start3A_71 : memref<1x128xi32, #tpu.memory_space<vmem>> -> memref<128xi32, #tpu.memory_space<vmem>>
      %dma_start3A_73 = arith.constant 0 : i32
      %dma_start3A_74 = arith.constant 0 : i32
      %dma_start3A_75 = tpu.memref_slice %arg9[%dma_start3A_73, %dma_start3A_74] : memref<10000x128xf32, #tpu.memory_space<vmem_shared>> -> memref<10000x128xf32, #tpu.memory_space<vmem_shared>>
      %dma_start3A_76 = arith.constant -1 : i32
      tpu.enqueue_indirect_dma source(%dma_start3A_75 : memref<10000x128xf32, #tpu.memory_space<vmem_shared>>) target(%dma_start3A_69 : memref<128x128xf32, #tpu.memory_space<vmem>>) offsets(%dma_start3A_72 : memref<128xi32, #tpu.memory_space<vmem>>) offset_filter(%dma_start3A_76) semaphore(%arg10 : memref<!tpu.dma_semaphore, #tpu.memory_space<semaphore_mem>>) {add = true}
      %dma_start3A_77 = arith.constant 0 : i32
      %dma_start3A_78 = arith.constant 0 : i32
      %dma_start3A_79 = tpu.memref_slice %arg8[%dma_start3A_77, %dma_start3A_78] : memref<256x128xf32, #tpu.memory_space<vmem>> -> memref<128x128xf32, #tpu.memory_space<vmem>>
      %dma_start3A_80 = arith.constant 768 : i32
      %dma_start3A_81 = tpu.memref_slice %arg7[%select_n3A_44, %dma_start3A_80] : memref<2x5120xi32, #tpu.memory_space<vmem>> -> memref<1x128xi32, #tpu.memory_space<vmem>>
      %dma_start3A_82 = tpu.memref_squeeze %dma_start3A_81 : memref<1x128xi32, #tpu.memory_space<vmem>> -> memref<128xi32, #tpu.memory_space<vmem>>
      %dma_start3A_83 = arith.constant 0 : i32
      %dma_start3A_84 = arith.constant 0 : i32
      %dma_start3A_85 = tpu.memref_slice %arg9[%dma_start3A_83, %dma_start3A_84] : memref<10000x128xf32, #tpu.memory_space<vmem_shared>> -> memref<10000x128xf32, #tpu.memory_space<vmem_shared>>
      %dma_start3A_86 = arith.constant -1 : i32
      tpu.enqueue_indirect_dma source(%dma_start3A_85 : memref<10000x128xf32, #tpu.memory_space<vmem_shared>>) target(%dma_start3A_79 : memref<128x128xf32, #tpu.memory_space<vmem>>) offsets(%dma_start3A_82 : memref<128xi32, #tpu.memory_space<vmem>>) offset_filter(%dma_start3A_86) semaphore(%arg10 : memref<!tpu.dma_semaphore, #tpu.memory_space<semaphore_mem>>) {add = true}
      %dma_start3A_87 = arith.constant 0 : i32
      %dma_start3A_88 = arith.constant 0 : i32
      %dma_start3A_89 = tpu.memref_slice %arg8[%dma_start3A_87, %dma_start3A_88] : memref<256x128xf32, #tpu.memory_space<vmem>> -> memref<128x128xf32, #tpu.memory_space<vmem>>
      %dma_start3A_90 = arith.constant 1024 : i32
      %dma_start3A_91 = tpu.memref_slice %arg7[%select_n3A_44, %dma_start3A_90] : memref<2x5120xi32, #tpu.memory_space<vmem>> -> memref<1x128xi32, #tpu.memory_space<vmem>>
      %dma_start3A_92 = tpu.memref_squeeze %dma_start3A_91 : memref<1x128xi32, #tpu.memory_space<vmem>> -> memref<128xi32, #tpu.memory_space<vmem>>
      %dma_start3A_93 = arith.constant 0 : i32
      %dma_start3A_94 = arith.constant 0 : i32
      %dma_start3A_95 = tpu.memref_slice %arg9[%dma_start3A_93, %dma_start3A_94] : memref<10000x128xf32, #tpu.memory_space<vmem_shared>> -> memref<10000x128xf32, #tpu.memory_space<vmem_shared>>
      %dma_start3A_96 = arith.constant -1 : i32
      tpu.enqueue_indirect_dma source(%dma_start3A_95 : memref<10000x128xf32, #tpu.memory_space<vmem_shared>>) target(%dma_start3A_89 : memref<128x128xf32, #tpu.memory_space<vmem>>) offsets(%dma_start3A_92 : memref<128xi32, #tpu.memory_space<vmem>>) offset_filter(%dma_start3A_96) semaphore(%arg10 : memref<!tpu.dma_semaphore, #tpu.memory_space<semaphore_mem>>) {add = true}
      %dma_start3A_97 = arith.constant 0 : i32
      %dma_start3A_98 = arith.constant 0 : i32
      %dma_start3A_99 = tpu.memref_slice %arg8[%dma_start3A_97, %dma_start3A_98] : memref<256x128xf32, #tpu.memory_space<vmem>> -> memref<128x128xf32, #tpu.memory_space<vmem>>
      %dma_start3A_100 = arith.constant 1280 : i32
      %dma_start3A_101 = tpu.memref_slice %arg7[%select_n3A_44, %dma_start3A_100] : memref<2x5120xi32, #tpu.memory_space<vmem>> -> memref<1x128xi32, #tpu.memory_space<vmem>>
      %dma_start3A_102 = tpu.memref_squeeze %dma_start3A_101 : memref<1x128xi32, #tpu.memory_space<vmem>> -> memref<128xi32, #tpu.memory_space<vmem>>
      %dma_start3A_103 = arith.constant 0 : i32
      %dma_start3A_104 = arith.constant 0 : i32
      %dma_start3A_105 = tpu.memref_slice %arg9[%dma_start3A_103, %dma_start3A_104] : memref<10000x128xf32, #tpu.memory_space<vmem_shared>> -> memref<10000x128xf32, #tpu.memory_space<vmem_shared>>
      %dma_start3A_106 = arith.constant -1 : i32
      tpu.enqueue_indirect_dma source(%dma_start3A_105 : memref<10000x128xf32, #tpu.memory_space<vmem_shared>>) target(%dma_start3A_99 : memref<128x128xf32, #tpu.memory_space<vmem>>) offsets(%dma_start3A_102 : memref<128xi32, #tpu.memory_space<vmem>>) offset_filter(%dma_start3A_106) semaphore(%arg10 : memref<!tpu.dma_semaphore, #tpu.memory_space<semaphore_mem>>) {add = true}
      %dma_start3A_107 = arith.constant 0 : i32
      %dma_start3A_108 = arith.constant 0 : i32
      %dma_start3A_109 = tpu.memref_slice %arg8[%dma_start3A_107, %dma_start3A_108] : memref<256x128xf32, #tpu.memory_space<vmem>> -> memref<128x128xf32, #tpu.memory_space<vmem>>
      %dma_start3A_110 = arith.constant 1536 : i32
      %dma_start3A_111 = tpu.memref_slice %arg7[%select_n3A_44, %dma_start3A_110] : memref<2x5120xi32, #tpu.memory_space<vmem>> -> memref<1x128xi32, #tpu.memory_space<vmem>>
      %dma_start3A_112 = tpu.memref_squeeze %dma_start3A_111 : memref<1x128xi32, #tpu.memory_space<vmem>> -> memref<128xi32, #tpu.memory_space<vmem>>
      %dma_start3A_113 = arith.constant 0 : i32
      %dma_start3A_114 = arith.constant 0 : i32
      %dma_start3A_115 = tpu.memref_slice %arg9[%dma_start3A_113, %dma_start3A_114] : memref<10000x128xf32, #tpu.memory_space<vmem_shared>> -> memref<10000x128xf32, #tpu.memory_space<vmem_shared>>
      %dma_start3A_116 = arith.constant -1 : i32
      tpu.enqueue_indirect_dma source(%dma_start3A_115 : memref<10000x128xf32, #tpu.memory_space<vmem_shared>>) target(%dma_start3A_109 : memref<128x128xf32, #tpu.memory_space<vmem>>) offsets(%dma_start3A_112 : memref<128xi32, #tpu.memory_space<vmem>>) offset_filter(%dma_start3A_116) semaphore(%arg10 : memref<!tpu.dma_semaphore, #tpu.memory_space<semaphore_mem>>) {add = true}
      %dma_start3A_117 = arith.constant 0 : i32
      %dma_start3A_118 = arith.constant 0 : i32
      %dma_start3A_119 = tpu.memref_slice %arg8[%dma_start3A_117, %dma_start3A_118] : memref<256x128xf32, #tpu.memory_space<vmem>> -> memref<128x128xf32, #tpu.memory_space<vmem>>
      %dma_start3A_120 = arith.constant 1792 : i32
      %dma_start3A_121 = tpu.memref_slice %arg7[%select_n3A_44, %dma_start3A_120] : memref<2x5120xi32, #tpu.memory_space<vmem>> -> memref<1x128xi32, #tpu.memory_space<vmem>>
      %dma_start3A_122 = tpu.memref_squeeze %dma_start3A_121 : memref<1x128xi32, #tpu.memory_space<vmem>> -> memref<128xi32, #tpu.memory_space<vmem>>
      %dma_start3A_123 = arith.constant 0 : i32
      %dma_start3A_124 = arith.constant 0 : i32
      %dma_start3A_125 = tpu.memref_slice %arg9[%dma_start3A_123, %dma_start3A_124] : memref<10000x128xf32, #tpu.memory_space<vmem_shared>> -> memref<10000x128xf32, #tpu.memory_space<vmem_shared>>
      %dma_start3A_126 = arith.constant -1 : i32
      tpu.enqueue_indirect_dma source(%dma_start3A_125 : memref<10000x128xf32, #tpu.memory_space<vmem_shared>>) target(%dma_start3A_119 : memref<128x128xf32, #tpu.memory_space<vmem>>) offsets(%dma_start3A_122 : memref<128xi32, #tpu.memory_space<vmem>>) offset_filter(%dma_start3A_126) semaphore(%arg10 : memref<!tpu.dma_semaphore, #tpu.memory_space<semaphore_mem>>) {add = true}
      %dma_start3A_127 = arith.constant 0 : i32
      %dma_start3A_128 = arith.constant 0 : i32
      %dma_start3A_129 = tpu.memref_slice %arg8[%dma_start3A_127, %dma_start3A_128] : memref<256x128xf32, #tpu.memory_space<vmem>> -> memref<128x128xf32, #tpu.memory_space<vmem>>
      %dma_start3A_130 = arith.constant 2048 : i32
      %dma_start3A_131 = tpu.memref_slice %arg7[%select_n3A_44, %dma_start3A_130] : memref<2x5120xi32, #tpu.memory_space<vmem>> -> memref<1x128xi32, #tpu.memory_space<vmem>>
      %dma_start3A_132 = tpu.memref_squeeze %dma_start3A_131 : memref<1x128xi32, #tpu.memory_space<vmem>> -> memref<128xi32, #tpu.memory_space<vmem>>
      %dma_start3A_133 = arith.constant 0 : i32
      %dma_start3A_134 = arith.constant 0 : i32
      %dma_start3A_135 = tpu.memref_slice %arg9[%dma_start3A_133, %dma_start3A_134] : memref<10000x128xf32, #tpu.memory_space<vmem_shared>> -> memref<10000x128xf32, #tpu.memory_space<vmem_shared>>
      %dma_start3A_136 = arith.constant -1 : i32
      tpu.enqueue_indirect_dma source(%dma_start3A_135 : memref<10000x128xf32, #tpu.memory_space<vmem_shared>>) target(%dma_start3A_129 : memref<128x128xf32, #tpu.memory_space<vmem>>) offsets(%dma_start3A_132 : memref<128xi32, #tpu.memory_space<vmem>>) offset_filter(%dma_start3A_136) semaphore(%arg10 : memref<!tpu.dma_semaphore, #tpu.memory_space<semaphore_mem>>) {add = true}
      %dma_start3A_137 = arith.constant 0 : i32
      %dma_start3A_138 = arith.constant 0 : i32
      %dma_start3A_139 = tpu.memref_slice %arg8[%dma_start3A_137, %dma_start3A_138] : memref<256x128xf32, #tpu.memory_space<vmem>> -> memref<128x128xf32, #tpu.memory_space<vmem>>
      %dma_start3A_140 = arith.constant 2304 : i32
      %dma_start3A_141 = tpu.memref_slice %arg7[%select_n3A_44, %dma_start3A_140] : memref<2x5120xi32, #tpu.memory_space<vmem>> -> memref<1x128xi32, #tpu.memory_space<vmem>>
      %dma_start3A_142 = tpu.memref_squeeze %dma_start3A_141 : memref<1x128xi32, #tpu.memory_space<vmem>> -> memref<128xi32, #tpu.memory_space<vmem>>
      %dma_start3A_143 = arith.constant 0 : i32
      %dma_start3A_144 = arith.constant 0 : i32
      %dma_start3A_145 = tpu.memref_slice %arg9[%dma_start3A_143, %dma_start3A_144] : memref<10000x128xf32, #tpu.memory_space<vmem_shared>> -> memref<10000x128xf32, #tpu.memory_space<vmem_shared>>
      %dma_start3A_146 = arith.constant -1 : i32
      tpu.enqueue_indirect_dma source(%dma_start3A_145 : memref<10000x128xf32, #tpu.memory_space<vmem_shared>>) target(%dma_start3A_139 : memref<128x128xf32, #tpu.memory_space<vmem>>) offsets(%dma_start3A_142 : memref<128xi32, #tpu.memory_space<vmem>>) offset_filter(%dma_start3A_146) semaphore(%arg10 : memref<!tpu.dma_semaphore, #tpu.memory_space<semaphore_mem>>) {add = true}
      %dma_start3A_147 = arith.constant 0 : i32
      %dma_start3A_148 = arith.constant 0 : i32
      %dma_start3A_149 = tpu.memref_slice %arg8[%dma_start3A_147, %dma_start3A_148] : memref<256x128xf32, #tpu.memory_space<vmem>> -> memref<128x128xf32, #tpu.memory_space<vmem>>
      %dma_start3A_150 = arith.constant 2560 : i32
      %dma_start3A_151 = tpu.memref_slice %arg7[%select_n3A_44, %dma_start3A_150] : memref<2x5120xi32, #tpu.memory_space<vmem>> -> memref<1x128xi32, #tpu.memory_space<vmem>>
      %dma_start3A_152 = tpu.memref_squeeze %dma_start3A_151 : memref<1x128xi32, #tpu.memory_space<vmem>> -> memref<128xi32, #tpu.memory_space<vmem>>
      %dma_start3A_153 = arith.constant 0 : i32
      %dma_start3A_154 = arith.constant 0 : i32
      %dma_start3A_155 = tpu.memref_slice %arg9[%dma_start3A_153, %dma_start3A_154] : memref<10000x128xf32, #tpu.memory_space<vmem_shared>> -> memref<10000x128xf32, #tpu.memory_space<vmem_shared>>
      %dma_start3A_156 = arith.constant -1 : i32
      tpu.enqueue_indirect_dma source(%dma_start3A_155 : memref<10000x128xf32, #tpu.memory_space<vmem_shared>>) target(%dma_start3A_149 : memref<128x128xf32, #tpu.memory_space<vmem>>) offsets(%dma_start3A_152 : memref<128xi32, #tpu.memory_space<vmem>>) offset_filter(%dma_start3A_156) semaphore(%arg10 : memref<!tpu.dma_semaphore, #tpu.memory_space<semaphore_mem>>) {add = true}
      %dma_start3A_157 = arith.constant 0 : i32
      %dma_start3A_158 = arith.constant 0 : i32
      %dma_start3A_159 = tpu.memref_slice %arg8[%dma_start3A_157, %dma_start3A_158] : memref<256x128xf32, #tpu.memory_space<vmem>> -> memref<128x128xf32, #tpu.memory_space<vmem>>
      %dma_start3A_160 = arith.constant 2816 : i32
      %dma_start3A_161 = tpu.memref_slice %arg7[%select_n3A_44, %dma_start3A_160] : memref<2x5120xi32, #tpu.memory_space<vmem>> -> memref<1x128xi32, #tpu.memory_space<vmem>>
      %dma_start3A_162 = tpu.memref_squeeze %dma_start3A_161 : memref<1x128xi32, #tpu.memory_space<vmem>> -> memref<128xi32, #tpu.memory_space<vmem>>
      %dma_start3A_163 = arith.constant 0 : i32
      %dma_start3A_164 = arith.constant 0 : i32
      %dma_start3A_165 = tpu.memref_slice %arg9[%dma_start3A_163, %dma_start3A_164] : memref<10000x128xf32, #tpu.memory_space<vmem_shared>> -> memref<10000x128xf32, #tpu.memory_space<vmem_shared>>
      %dma_start3A_166 = arith.constant -1 : i32
      tpu.enqueue_indirect_dma source(%dma_start3A_165 : memref<10000x128xf32, #tpu.memory_space<vmem_shared>>) target(%dma_start3A_159 : memref<128x128xf32, #tpu.memory_space<vmem>>) offsets(%dma_start3A_162 : memref<128xi32, #tpu.memory_space<vmem>>) offset_filter(%dma_start3A_166) semaphore(%arg10 : memref<!tpu.dma_semaphore, #tpu.memory_space<semaphore_mem>>) {add = true}
      %dma_start3A_167 = arith.constant 0 : i32
      %dma_start3A_168 = arith.constant 0 : i32
      %dma_start3A_169 = tpu.memref_slice %arg8[%dma_start3A_167, %dma_start3A_168] : memref<256x128xf32, #tpu.memory_space<vmem>> -> memref<128x128xf32, #tpu.memory_space<vmem>>
      %dma_start3A_170 = arith.constant 3072 : i32
      %dma_start3A_171 = tpu.memref_slice %arg7[%select_n3A_44, %dma_start3A_170] : memref<2x5120xi32, #tpu.memory_space<vmem>> -> memref<1x128xi32, #tpu.memory_space<vmem>>
      %dma_start3A_172 = tpu.memref_squeeze %dma_start3A_171 : memref<1x128xi32, #tpu.memory_space<vmem>> -> memref<128xi32, #tpu.memory_space<vmem>>
      %dma_start3A_173 = arith.constant 0 : i32
      %dma_start3A_174 = arith.constant 0 : i32
      %dma_start3A_175 = tpu.memref_slice %arg9[%dma_start3A_173, %dma_start3A_174] : memref<10000x128xf32, #tpu.memory_space<vmem_shared>> -> memref<10000x128xf32, #tpu.memory_space<vmem_shared>>
      %dma_start3A_176 = arith.constant -1 : i32
      tpu.enqueue_indirect_dma source(%dma_start3A_175 : memref<10000x128xf32, #tpu.memory_space<vmem_shared>>) target(%dma_start3A_169 : memref<128x128xf32, #tpu.memory_space<vmem>>) offsets(%dma_start3A_172 : memref<128xi32, #tpu.memory_space<vmem>>) offset_filter(%dma_start3A_176) semaphore(%arg10 : memref<!tpu.dma_semaphore, #tpu.memory_space<semaphore_mem>>) {add = true}
      %dma_start3A_177 = arith.constant 0 : i32
      %dma_start3A_178 = arith.constant 0 : i32
      %dma_start3A_179 = tpu.memref_slice %arg8[%dma_start3A_177, %dma_start3A_178] : memref<256x128xf32, #tpu.memory_space<vmem>> -> memref<128x128xf32, #tpu.memory_space<vmem>>
      %dma_start3A_180 = arith.constant 3328 : i32
      %dma_start3A_181 = tpu.memref_slice %arg7[%select_n3A_44, %dma_start3A_180] : memref<2x5120xi32, #tpu.memory_space<vmem>> -> memref<1x128xi32, #tpu.memory_space<vmem>>
      %dma_start3A_182 = tpu.memref_squeeze %dma_start3A_181 : memref<1x128xi32, #tpu.memory_space<vmem>> -> memref<128xi32, #tpu.memory_space<vmem>>
      %dma_start3A_183 = arith.constant 0 : i32
      %dma_start3A_184 = arith.constant 0 : i32
      %dma_start3A_185 = tpu.memref_slice %arg9[%dma_start3A_183, %dma_start3A_184] : memref<10000x128xf32, #tpu.memory_space<vmem_shared>> -> memref<10000x128xf32, #tpu.memory_space<vmem_shared>>
      %dma_start3A_186 = arith.constant -1 : i32
      tpu.enqueue_indirect_dma source(%dma_start3A_185 : memref<10000x128xf32, #tpu.memory_space<vmem_shared>>) target(%dma_start3A_179 : memref<128x128xf32, #tpu.memory_space<vmem>>) offsets(%dma_start3A_182 : memref<128xi32, #tpu.memory_space<vmem>>) offset_filter(%dma_start3A_186) semaphore(%arg10 : memref<!tpu.dma_semaphore, #tpu.memory_space<semaphore_mem>>) {add = true}
      %dma_start3A_187 = arith.constant 0 : i32
      %dma_start3A_188 = arith.constant 0 : i32
      %dma_start3A_189 = tpu.memref_slice %arg8[%dma_start3A_187, %dma_start3A_188] : memref<256x128xf32, #tpu.memory_space<vmem>> -> memref<128x128xf32, #tpu.memory_space<vmem>>
      %dma_start3A_190 = arith.constant 3584 : i32
      %dma_start3A_191 = tpu.memref_slice %arg7[%select_n3A_44, %dma_start3A_190] : memref<2x5120xi32, #tpu.memory_space<vmem>> -> memref<1x128xi32, #tpu.memory_space<vmem>>
      %dma_start3A_192 = tpu.memref_squeeze %dma_start3A_191 : memref<1x128xi32, #tpu.memory_space<vmem>> -> memref<128xi32, #tpu.memory_space<vmem>>
      %dma_start3A_193 = arith.constant 0 : i32
      %dma_start3A_194 = arith.constant 0 : i32
      %dma_start3A_195 = tpu.memref_slice %arg9[%dma_start3A_193, %dma_start3A_194] : memref<10000x128xf32, #tpu.memory_space<vmem_shared>> -> memref<10000x128xf32, #tpu.memory_space<vmem_shared>>
      %dma_start3A_196 = arith.constant -1 : i32
      tpu.enqueue_indirect_dma source(%dma_start3A_195 : memref<10000x128xf32, #tpu.memory_space<vmem_shared>>) target(%dma_start3A_189 : memref<128x128xf32, #tpu.memory_space<vmem>>) offsets(%dma_start3A_192 : memref<128xi32, #tpu.memory_space<vmem>>) offset_filter(%dma_start3A_196) semaphore(%arg10 : memref<!tpu.dma_semaphore, #tpu.memory_space<semaphore_mem>>) {add = true}
      %dma_start3A_197 = arith.constant 0 : i32
      %dma_start3A_198 = arith.constant 0 : i32
      %dma_start3A_199 = tpu.memref_slice %arg8[%dma_start3A_197, %dma_start3A_198] : memref<256x128xf32, #tpu.memory_space<vmem>> -> memref<128x128xf32, #tpu.memory_space<vmem>>
      %dma_start3A_200 = arith.constant 3840 : i32
      %dma_start3A_201 = tpu.memref_slice %arg7[%select_n3A_44, %dma_start3A_200] : memref<2x5120xi32, #tpu.memory_space<vmem>> -> memref<1x128xi32, #tpu.memory_space<vmem>>
      %dma_start3A_202 = tpu.memref_squeeze %dma_start3A_201 : memref<1x128xi32, #tpu.memory_space<vmem>> -> memref<128xi32, #tpu.memory_space<vmem>>
      %dma_start3A_203 = arith.constant 0 : i32
      %dma_start3A_204 = arith.constant 0 : i32
      %dma_start3A_205 = tpu.memref_slice %arg9[%dma_start3A_203, %dma_start3A_204] : memref<10000x128xf32, #tpu.memory_space<vmem_shared>> -> memref<10000x128xf32, #tpu.memory_space<vmem_shared>>
      %dma_start3A_206 = arith.constant -1 : i32
      tpu.enqueue_indirect_dma source(%dma_start3A_205 : memref<10000x128xf32, #tpu.memory_space<vmem_shared>>) target(%dma_start3A_199 : memref<128x128xf32, #tpu.memory_space<vmem>>) offsets(%dma_start3A_202 : memref<128xi32, #tpu.memory_space<vmem>>) offset_filter(%dma_start3A_206) semaphore(%arg10 : memref<!tpu.dma_semaphore, #tpu.memory_space<semaphore_mem>>) {add = true}
      %dma_start3A_207 = arith.constant 0 : i32
      %dma_start3A_208 = arith.constant 0 : i32
      %dma_start3A_209 = tpu.memref_slice %arg8[%dma_start3A_207, %dma_start3A_208] : memref<256x128xf32, #tpu.memory_space<vmem>> -> memref<128x128xf32, #tpu.memory_space<vmem>>
      %dma_start3A_210 = arith.constant 4096 : i32
      %dma_start3A_211 = tpu.memref_slice %arg7[%select_n3A_44, %dma_start3A_210] : memref<2x5120xi32, #tpu.memory_space<vmem>> -> memref<1x128xi32, #tpu.memory_space<vmem>>
      %dma_start3A_212 = tpu.memref_squeeze %dma_start3A_211 : memref<1x128xi32, #tpu.memory_space<vmem>> -> memref<128xi32, #tpu.memory_space<vmem>>
      %dma_start3A_213 = arith.constant 0 : i32
      %dma_start3A_214 = arith.constant 0 : i32
      %dma_start3A_215 = tpu.memref_slice %arg9[%dma_start3A_213, %dma_start3A_214] : memref<10000x128xf32, #tpu.memory_space<vmem_shared>> -> memref<10000x128xf32, #tpu.memory_space<vmem_shared>>
      %dma_start3A_216 = arith.constant -1 : i32
      tpu.enqueue_indirect_dma source(%dma_start3A_215 : memref<10000x128xf32, #tpu.memory_space<vmem_shared>>) target(%dma_start3A_209 : memref<128x128xf32, #tpu.memory_space<vmem>>) offsets(%dma_start3A_212 : memref<128xi32, #tpu.memory_space<vmem>>) offset_filter(%dma_start3A_216) semaphore(%arg10 : memref<!tpu.dma_semaphore, #tpu.memory_space<semaphore_mem>>) {add = true}
      %dma_start3A_217 = arith.constant 0 : i32
      %dma_start3A_218 = arith.constant 0 : i32
      %dma_start3A_219 = tpu.memref_slice %arg8[%dma_start3A_217, %dma_start3A_218] : memref<256x128xf32, #tpu.memory_space<vmem>> -> memref<128x128xf32, #tpu.memory_space<vmem>>
      %dma_start3A_220 = arith.constant 4352 : i32
      %dma_start3A_221 = tpu.memref_slice %arg7[%select_n3A_44, %dma_start3A_220] : memref<2x5120xi32, #tpu.memory_space<vmem>> -> memref<1x128xi32, #tpu.memory_space<vmem>>
      %dma_start3A_222 = tpu.memref_squeeze %dma_start3A_221 : memref<1x128xi32, #tpu.memory_space<vmem>> -> memref<128xi32, #tpu.memory_space<vmem>>
      %dma_start3A_223 = arith.constant 0 : i32
      %dma_start3A_224 = arith.constant 0 : i32
      %dma_start3A_225 = tpu.memref_slice %arg9[%dma_start3A_223, %dma_start3A_224] : memref<10000x128xf32, #tpu.memory_space<vmem_shared>> -> memref<10000x128xf32, #tpu.memory_space<vmem_shared>>
      %dma_start3A_226 = arith.constant -1 : i32
      tpu.enqueue_indirect_dma source(%dma_start3A_225 : memref<10000x128xf32, #tpu.memory_space<vmem_shared>>) target(%dma_start3A_219 : memref<128x128xf32, #tpu.memory_space<vmem>>) offsets(%dma_start3A_222 : memref<128xi32, #tpu.memory_space<vmem>>) offset_filter(%dma_start3A_226) semaphore(%arg10 : memref<!tpu.dma_semaphore, #tpu.memory_space<semaphore_mem>>) {add = true}
      %dma_start3A_227 = arith.constant 0 : i32
      %dma_start3A_228 = arith.constant 0 : i32
      %dma_start3A_229 = tpu.memref_slice %arg8[%dma_start3A_227, %dma_start3A_228] : memref<256x128xf32, #tpu.memory_space<vmem>> -> memref<128x128xf32, #tpu.memory_space<vmem>>
      %dma_start3A_230 = arith.constant 4608 : i32
      %dma_start3A_231 = tpu.memref_slice %arg7[%select_n3A_44, %dma_start3A_230] : memref<2x5120xi32, #tpu.memory_space<vmem>> -> memref<1x128xi32, #tpu.memory_space<vmem>>
      %dma_start3A_232 = tpu.memref_squeeze %dma_start3A_231 : memref<1x128xi32, #tpu.memory_space<vmem>> -> memref<128xi32, #tpu.memory_space<vmem>>
      %dma_start3A_233 = arith.constant 0 : i32
      %dma_start3A_234 = arith.constant 0 : i32
      %dma_start3A_235 = tpu.memref_slice %arg9[%dma_start3A_233, %dma_start3A_234] : memref<10000x128xf32, #tpu.memory_space<vmem_shared>> -> memref<10000x128xf32, #tpu.memory_space<vmem_shared>>
      %dma_start3A_236 = arith.constant -1 : i32
      tpu.enqueue_indirect_dma source(%dma_start3A_235 : memref<10000x128xf32, #tpu.memory_space<vmem_shared>>) target(%dma_start3A_229 : memref<128x128xf32, #tpu.memory_space<vmem>>) offsets(%dma_start3A_232 : memref<128xi32, #tpu.memory_space<vmem>>) offset_filter(%dma_start3A_236) semaphore(%arg10 : memref<!tpu.dma_semaphore, #tpu.memory_space<semaphore_mem>>) {add = true}
      %dma_start3A_237 = arith.constant 0 : i32
      %dma_start3A_238 = arith.constant 0 : i32
      %dma_start3A_239 = tpu.memref_slice %arg8[%dma_start3A_237, %dma_start3A_238] : memref<256x128xf32, #tpu.memory_space<vmem>> -> memref<128x128xf32, #tpu.memory_space<vmem>>
      %dma_start3A_240 = arith.constant 4864 : i32
      %dma_start3A_241 = tpu.memref_slice %arg7[%select_n3A_44, %dma_start3A_240] : memref<2x5120xi32, #tpu.memory_space<vmem>> -> memref<1x128xi32, #tpu.memory_space<vmem>>
      %dma_start3A_242 = tpu.memref_squeeze %dma_start3A_241 : memref<1x128xi32, #tpu.memory_space<vmem>> -> memref<128xi32, #tpu.memory_space<vmem>>
      %dma_start3A_243 = arith.constant 0 : i32
      %dma_start3A_244 = arith.constant 0 : i32
      %dma_start3A_245 = tpu.memref_slice %arg9[%dma_start3A_243, %dma_start3A_244] : memref<10000x128xf32, #tpu.memory_space<vmem_shared>> -> memref<10000x128xf32, #tpu.memory_space<vmem_shared>>
      %dma_start3A_246 = arith.constant -1 : i32
      tpu.enqueue_indirect_dma source(%dma_start3A_245 : memref<10000x128xf32, #tpu.memory_space<vmem_shared>>) target(%dma_start3A_239 : memref<128x128xf32, #tpu.memory_space<vmem>>) offsets(%dma_start3A_242 : memref<128xi32, #tpu.memory_space<vmem>>) offset_filter(%dma_start3A_246) semaphore(%arg10 : memref<!tpu.dma_semaphore, #tpu.memory_space<semaphore_mem>>) {add = true}
      %dma_start3A_247 = arith.constant 128 : i32
      %dma_start3A_248 = arith.constant 0 : i32
      %dma_start3A_249 = tpu.memref_slice %arg8[%dma_start3A_247, %dma_start3A_248] : memref<256x128xf32, #tpu.memory_space<vmem>> -> memref<128x128xf32, #tpu.memory_space<vmem>>
      %dma_start3A_250 = arith.constant 128 : i32
      %dma_start3A_251 = tpu.memref_slice %arg7[%select_n3A_44, %dma_start3A_250] : memref<2x5120xi32, #tpu.memory_space<vmem>> -> memref<1x128xi32, #tpu.memory_space<vmem>>
      %dma_start3A_252 = tpu.memref_squeeze %dma_start3A_251 : memref<1x128xi32, #tpu.memory_space<vmem>> -> memref<128xi32, #tpu.memory_space<vmem>>
      %dma_start3A_253 = arith.constant 0 : i32
      %dma_start3A_254 = arith.constant 0 : i32
      %dma_start3A_255 = tpu.memref_slice %arg9[%dma_start3A_253, %dma_start3A_254] : memref<10000x128xf32, #tpu.memory_space<vmem_shared>> -> memref<10000x128xf32, #tpu.memory_space<vmem_shared>>
      %dma_start3A_256 = arith.constant -1 : i32
      tpu.enqueue_indirect_dma source(%dma_start3A_255 : memref<10000x128xf32, #tpu.memory_space<vmem_shared>>) target(%dma_start3A_249 : memref<128x128xf32, #tpu.memory_space<vmem>>) offsets(%dma_start3A_252 : memref<128xi32, #tpu.memory_space<vmem>>) offset_filter(%dma_start3A_256) semaphore(%arg10 : memref<!tpu.dma_semaphore, #tpu.memory_space<semaphore_mem>>) {add = true}
      %dma_start3A_257 = arith.constant 128 : i32
      %dma_start3A_258 = arith.constant 0 : i32
      %dma_start3A_259 = tpu.memref_slice %arg8[%dma_start3A_257, %dma_start3A_258] : memref<256x128xf32, #tpu.memory_space<vmem>> -> memref<128x128xf32, #tpu.memory_space<vmem>>
      %dma_start3A_260 = arith.constant 384 : i32
      %dma_start3A_261 = tpu.memref_slice %arg7[%select_n3A_44, %dma_start3A_260] : memref<2x5120xi32, #tpu.memory_space<vmem>> -> memref<1x128xi32, #tpu.memory_space<vmem>>
      %dma_start3A_262 = tpu.memref_squeeze %dma_start3A_261 : memref<1x128xi32, #tpu.memory_space<vmem>> -> memref<128xi32, #tpu.memory_space<vmem>>
      %dma_start3A_263 = arith.constant 0 : i32
      %dma_start3A_264 = arith.constant 0 : i32
      %dma_start3A_265 = tpu.memref_slice %arg9[%dma_start3A_263, %dma_start3A_264] : memref<10000x128xf32, #tpu.memory_space<vmem_shared>> -> memref<10000x128xf32, #tpu.memory_space<vmem_shared>>
      %dma_start3A_266 = arith.constant -1 : i32
      tpu.enqueue_indirect_dma source(%dma_start3A_265 : memref<10000x128xf32, #tpu.memory_space<vmem_shared>>) target(%dma_start3A_259 : memref<128x128xf32, #tpu.memory_space<vmem>>) offsets(%dma_start3A_262 : memref<128xi32, #tpu.memory_space<vmem>>) offset_filter(%dma_start3A_266) semaphore(%arg10 : memref<!tpu.dma_semaphore, #tpu.memory_space<semaphore_mem>>) {add = true}
      %dma_start3A_267 = arith.constant 128 : i32
      %dma_start3A_268 = arith.constant 0 : i32
      %dma_start3A_269 = tpu.memref_slice %arg8[%dma_start3A_267, %dma_start3A_268] : memref<256x128xf32, #tpu.memory_space<vmem>> -> memref<128x128xf32, #tpu.memory_space<vmem>>
      %dma_start3A_270 = arith.constant 640 : i32
      %dma_start3A_271 = tpu.memref_slice %arg7[%select_n3A_44, %dma_start3A_270] : memref<2x5120xi32, #tpu.memory_space<vmem>> -> memref<1x128xi32, #tpu.memory_space<vmem>>
      %dma_start3A_272 = tpu.memref_squeeze %dma_start3A_271 : memref<1x128xi32, #tpu.memory_space<vmem>> -> memref<128xi32, #tpu.memory_space<vmem>>
      %dma_start3A_273 = arith.constant 0 : i32
      %dma_start3A_274 = arith.constant 0 : i32
      %dma_start3A_275 = tpu.memref_slice %arg9[%dma_start3A_273, %dma_start3A_274] : memref<10000x128xf32, #tpu.memory_space<vmem_shared>> -> memref<10000x128xf32, #tpu.memory_space<vmem_shared>>
      %dma_start3A_276 = arith.constant -1 : i32
      tpu.enqueue_indirect_dma source(%dma_start3A_275 : memref<10000x128xf32, #tpu.memory_space<vmem_shared>>) target(%dma_start3A_269 : memref<128x128xf32, #tpu.memory_space<vmem>>) offsets(%dma_start3A_272 : memref<128xi32, #tpu.memory_space<vmem>>) offset_filter(%dma_start3A_276) semaphore(%arg10 : memref<!tpu.dma_semaphore, #tpu.memory_space<semaphore_mem>>) {add = true}
      %dma_start3A_277 = arith.constant 128 : i32
      %dma_start3A_278 = arith.constant 0 : i32
      %dma_start3A_279 = tpu.memref_slice %arg8[%dma_start3A_277, %dma_start3A_278] : memref<256x128xf32, #tpu.memory_space<vmem>> -> memref<128x128xf32, #tpu.memory_space<vmem>>
      %dma_start3A_280 = arith.constant 896 : i32
      %dma_start3A_281 = tpu.memref_slice %arg7[%select_n3A_44, %dma_start3A_280] : memref<2x5120xi32, #tpu.memory_space<vmem>> -> memref<1x128xi32, #tpu.memory_space<vmem>>
      %dma_start3A_282 = tpu.memref_squeeze %dma_start3A_281 : memref<1x128xi32, #tpu.memory_space<vmem>> -> memref<128xi32, #tpu.memory_space<vmem>>
      %dma_start3A_283 = arith.constant 0 : i32
      %dma_start3A_284 = arith.constant 0 : i32
      %dma_start3A_285 = tpu.memref_slice %arg9[%dma_start3A_283, %dma_start3A_284] : memref<10000x128xf32, #tpu.memory_space<vmem_shared>> -> memref<10000x128xf32, #tpu.memory_space<vmem_shared>>
      %dma_start3A_286 = arith.constant -1 : i32
      tpu.enqueue_indirect_dma source(%dma_start3A_285 : memref<10000x128xf32, #tpu.memory_space<vmem_shared>>) target(%dma_start3A_279 : memref<128x128xf32, #tpu.memory_space<vmem>>) offsets(%dma_start3A_282 : memref<128xi32, #tpu.memory_space<vmem>>) offset_filter(%dma_start3A_286) semaphore(%arg10 : memref<!tpu.dma_semaphore, #tpu.memory_space<semaphore_mem>>) {add = true}
      %dma_start3A_287 = arith.constant 128 : i32
      %dma_start3A_288 = arith.constant 0 : i32
      %dma_start3A_289 = tpu.memref_slice %arg8[%dma_start3A_287, %dma_start3A_288] : memref<256x128xf32, #tpu.memory_space<vmem>> -> memref<128x128xf32, #tpu.memory_space<vmem>>
      %dma_start3A_290 = arith.constant 1152 : i32
      %dma_start3A_291 = tpu.memref_slice %arg7[%select_n3A_44, %dma_start3A_290] : memref<2x5120xi32, #tpu.memory_space<vmem>> -> memref<1x128xi32, #tpu.memory_space<vmem>>
      %dma_start3A_292 = tpu.memref_squeeze %dma_start3A_291 : memref<1x128xi32, #tpu.memory_space<vmem>> -> memref<128xi32, #tpu.memory_space<vmem>>
      %dma_start3A_293 = arith.constant 0 : i32
      %dma_start3A_294 = arith.constant 0 : i32
      %dma_start3A_295 = tpu.memref_slice %arg9[%dma_start3A_293, %dma_start3A_294] : memref<10000x128xf32, #tpu.memory_space<vmem_shared>> -> memref<10000x128xf32, #tpu.memory_space<vmem_shared>>
      %dma_start3A_296 = arith.constant -1 : i32
      tpu.enqueue_indirect_dma source(%dma_start3A_295 : memref<10000x128xf32, #tpu.memory_space<vmem_shared>>) target(%dma_start3A_289 : memref<128x128xf32, #tpu.memory_space<vmem>>) offsets(%dma_start3A_292 : memref<128xi32, #tpu.memory_space<vmem>>) offset_filter(%dma_start3A_296) semaphore(%arg10 : memref<!tpu.dma_semaphore, #tpu.memory_space<semaphore_mem>>) {add = true}
      %dma_start3A_297 = arith.constant 128 : i32
      %dma_start3A_298 = arith.constant 0 : i32
      %dma_start3A_299 = tpu.memref_slice %arg8[%dma_start3A_297, %dma_start3A_298] : memref<256x128xf32, #tpu.memory_space<vmem>> -> memref<128x128xf32, #tpu.memory_space<vmem>>
      %dma_start3A_300 = arith.constant 1408 : i32
      %dma_start3A_301 = tpu.memref_slice %arg7[%select_n3A_44, %dma_start3A_300] : memref<2x5120xi32, #tpu.memory_space<vmem>> -> memref<1x128xi32, #tpu.memory_space<vmem>>
      %dma_start3A_302 = tpu.memref_squeeze %dma_start3A_301 : memref<1x128xi32, #tpu.memory_space<vmem>> -> memref<128xi32, #tpu.memory_space<vmem>>
      %dma_start3A_303 = arith.constant 0 : i32
      %dma_start3A_304 = arith.constant 0 : i32
      %dma_start3A_305 = tpu.memref_slice %arg9[%dma_start3A_303, %dma_start3A_304] : memref<10000x128xf32, #tpu.memory_space<vmem_shared>> -> memref<10000x128xf32, #tpu.memory_space<vmem_shared>>
      %dma_start3A_306 = arith.constant -1 : i32
      tpu.enqueue_indirect_dma source(%dma_start3A_305 : memref<10000x128xf32, #tpu.memory_space<vmem_shared>>) target(%dma_start3A_299 : memref<128x128xf32, #tpu.memory_space<vmem>>) offsets(%dma_start3A_302 : memref<128xi32, #tpu.memory_space<vmem>>) offset_filter(%dma_start3A_306) semaphore(%arg10 : memref<!tpu.dma_semaphore, #tpu.memory_space<semaphore_mem>>) {add = true}
      %dma_start3A_307 = arith.constant 128 : i32
      %dma_start3A_308 = arith.constant 0 : i32
      %dma_start3A_309 = tpu.memref_slice %arg8[%dma_start3A_307, %dma_start3A_308] : memref<256x128xf32, #tpu.memory_space<vmem>> -> memref<128x128xf32, #tpu.memory_space<vmem>>
      %dma_start3A_310 = arith.constant 1664 : i32
      %dma_start3A_311 = tpu.memref_slice %arg7[%select_n3A_44, %dma_start3A_310] : memref<2x5120xi32, #tpu.memory_space<vmem>> -> memref<1x128xi32, #tpu.memory_space<vmem>>
      %dma_start3A_312 = tpu.memref_squeeze %dma_start3A_311 : memref<1x128xi32, #tpu.memory_space<vmem>> -> memref<128xi32, #tpu.memory_space<vmem>>
      %dma_start3A_313 = arith.constant 0 : i32
      %dma_start3A_314 = arith.constant 0 : i32
      %dma_start3A_315 = tpu.memref_slice %arg9[%dma_start3A_313, %dma_start3A_314] : memref<10000x128xf32, #tpu.memory_space<vmem_shared>> -> memref<10000x128xf32, #tpu.memory_space<vmem_shared>>
      %dma_start3A_316 = arith.constant -1 : i32
      tpu.enqueue_indirect_dma source(%dma_start3A_315 : memref<10000x128xf32, #tpu.memory_space<vmem_shared>>) target(%dma_start3A_309 : memref<128x128xf32, #tpu.memory_space<vmem>>) offsets(%dma_start3A_312 : memref<128xi32, #tpu.memory_space<vmem>>) offset_filter(%dma_start3A_316) semaphore(%arg10 : memref<!tpu.dma_semaphore, #tpu.memory_space<semaphore_mem>>) {add = true}
      %dma_start3A_317 = arith.constant 128 : i32
      %dma_start3A_318 = arith.constant 0 : i32
      %dma_start3A_319 = tpu.memref_slice %arg8[%dma_start3A_317, %dma_start3A_318] : memref<256x128xf32, #tpu.memory_space<vmem>> -> memref<128x128xf32, #tpu.memory_space<vmem>>
      %dma_start3A_320 = arith.constant 1920 : i32
      %dma_start3A_321 = tpu.memref_slice %arg7[%select_n3A_44, %dma_start3A_320] : memref<2x5120xi32, #tpu.memory_space<vmem>> -> memref<1x128xi32, #tpu.memory_space<vmem>>
      %dma_start3A_322 = tpu.memref_squeeze %dma_start3A_321 : memref<1x128xi32, #tpu.memory_space<vmem>> -> memref<128xi32, #tpu.memory_space<vmem>>
      %dma_start3A_323 = arith.constant 0 : i32
      %dma_start3A_324 = arith.constant 0 : i32
      %dma_start3A_325 = tpu.memref_slice %arg9[%dma_start3A_323, %dma_start3A_324] : memref<10000x128xf32, #tpu.memory_space<vmem_shared>> -> memref<10000x128xf32, #tpu.memory_space<vmem_shared>>
      %dma_start3A_326 = arith.constant -1 : i32
      tpu.enqueue_indirect_dma source(%dma_start3A_325 : memref<10000x128xf32, #tpu.memory_space<vmem_shared>>) target(%dma_start3A_319 : memref<128x128xf32, #tpu.memory_space<vmem>>) offsets(%dma_start3A_322 : memref<128xi32, #tpu.memory_space<vmem>>) offset_filter(%dma_start3A_326) semaphore(%arg10 : memref<!tpu.dma_semaphore, #tpu.memory_space<semaphore_mem>>) {add = true}
      %dma_start3A_327 = arith.constant 128 : i32
      %dma_start3A_328 = arith.constant 0 : i32
      %dma_start3A_329 = tpu.memref_slice %arg8[%dma_start3A_327, %dma_start3A_328] : memref<256x128xf32, #tpu.memory_space<vmem>> -> memref<128x128xf32, #tpu.memory_space<vmem>>
      %dma_start3A_330 = arith.constant 2176 : i32
      %dma_start3A_331 = tpu.memref_slice %arg7[%select_n3A_44, %dma_start3A_330] : memref<2x5120xi32, #tpu.memory_space<vmem>> -> memref<1x128xi32, #tpu.memory_space<vmem>>
      %dma_start3A_332 = tpu.memref_squeeze %dma_start3A_331 : memref<1x128xi32, #tpu.memory_space<vmem>> -> memref<128xi32, #tpu.memory_space<vmem>>
      %dma_start3A_333 = arith.constant 0 : i32
      %dma_start3A_334 = arith.constant 0 : i32
      %dma_start3A_335 = tpu.memref_slice %arg9[%dma_start3A_333, %dma_start3A_334] : memref<10000x128xf32, #tpu.memory_space<vmem_shared>> -> memref<10000x128xf32, #tpu.memory_space<vmem_shared>>
      %dma_start3A_336 = arith.constant -1 : i32
      tpu.enqueue_indirect_dma source(%dma_start3A_335 : memref<10000x128xf32, #tpu.memory_space<vmem_shared>>) target(%dma_start3A_329 : memref<128x128xf32, #tpu.memory_space<vmem>>) offsets(%dma_start3A_332 : memref<128xi32, #tpu.memory_space<vmem>>) offset_filter(%dma_start3A_336) semaphore(%arg10 : memref<!tpu.dma_semaphore, #tpu.memory_space<semaphore_mem>>) {add = true}
      %dma_start3A_337 = arith.constant 128 : i32
      %dma_start3A_338 = arith.constant 0 : i32
      %dma_start3A_339 = tpu.memref_slice %arg8[%dma_start3A_337, %dma_start3A_338] : memref<256x128xf32, #tpu.memory_space<vmem>> -> memref<128x128xf32, #tpu.memory_space<vmem>>
      %dma_start3A_340 = arith.constant 2432 : i32
      %dma_start3A_341 = tpu.memref_slice %arg7[%select_n3A_44, %dma_start3A_340] : memref<2x5120xi32, #tpu.memory_space<vmem>> -> memref<1x128xi32, #tpu.memory_space<vmem>>
      %dma_start3A_342 = tpu.memref_squeeze %dma_start3A_341 : memref<1x128xi32, #tpu.memory_space<vmem>> -> memref<128xi32, #tpu.memory_space<vmem>>
      %dma_start3A_343 = arith.constant 0 : i32
      %dma_start3A_344 = arith.constant 0 : i32
      %dma_start3A_345 = tpu.memref_slice %arg9[%dma_start3A_343, %dma_start3A_344] : memref<10000x128xf32, #tpu.memory_space<vmem_shared>> -> memref<10000x128xf32, #tpu.memory_space<vmem_shared>>
      %dma_start3A_346 = arith.constant -1 : i32
      tpu.enqueue_indirect_dma source(%dma_start3A_345 : memref<10000x128xf32, #tpu.memory_space<vmem_shared>>) target(%dma_start3A_339 : memref<128x128xf32, #tpu.memory_space<vmem>>) offsets(%dma_start3A_342 : memref<128xi32, #tpu.memory_space<vmem>>) offset_filter(%dma_start3A_346) semaphore(%arg10 : memref<!tpu.dma_semaphore, #tpu.memory_space<semaphore_mem>>) {add = true}
      %dma_start3A_347 = arith.constant 128 : i32
      %dma_start3A_348 = arith.constant 0 : i32
      %dma_start3A_349 = tpu.memref_slice %arg8[%dma_start3A_347, %dma_start3A_348] : memref<256x128xf32, #tpu.memory_space<vmem>> -> memref<128x128xf32, #tpu.memory_space<vmem>>
      %dma_start3A_350 = arith.constant 2688 : i32
      %dma_start3A_351 = tpu.memref_slice %arg7[%select_n3A_44, %dma_start3A_350] : memref<2x5120xi32, #tpu.memory_space<vmem>> -> memref<1x128xi32, #tpu.memory_space<vmem>>
      %dma_start3A_352 = tpu.memref_squeeze %dma_start3A_351 : memref<1x128xi32, #tpu.memory_space<vmem>> -> memref<128xi32, #tpu.memory_space<vmem>>
      %dma_start3A_353 = arith.constant 0 : i32
      %dma_start3A_354 = arith.constant 0 : i32
      %dma_start3A_355 = tpu.memref_slice %arg9[%dma_start3A_353, %dma_start3A_354] : memref<10000x128xf32, #tpu.memory_space<vmem_shared>> -> memref<10000x128xf32, #tpu.memory_space<vmem_shared>>
      %dma_start3A_356 = arith.constant -1 : i32
      tpu.enqueue_indirect_dma source(%dma_start3A_355 : memref<10000x128xf32, #tpu.memory_space<vmem_shared>>) target(%dma_start3A_349 : memref<128x128xf32, #tpu.memory_space<vmem>>) offsets(%dma_start3A_352 : memref<128xi32, #tpu.memory_space<vmem>>) offset_filter(%dma_start3A_356) semaphore(%arg10 : memref<!tpu.dma_semaphore, #tpu.memory_space<semaphore_mem>>) {add = true}
      %dma_start3A_357 = arith.constant 128 : i32
      %dma_start3A_358 = arith.constant 0 : i32
      %dma_start3A_359 = tpu.memref_slice %arg8[%dma_start3A_357, %dma_start3A_358] : memref<256x128xf32, #tpu.memory_space<vmem>> -> memref<128x128xf32, #tpu.memory_space<vmem>>
      %dma_start3A_360 = arith.constant 2944 : i32
      %dma_start3A_361 = tpu.memref_slice %arg7[%select_n3A_44, %dma_start3A_360] : memref<2x5120xi32, #tpu.memory_space<vmem>> -> memref<1x128xi32, #tpu.memory_space<vmem>>
      %dma_start3A_362 = tpu.memref_squeeze %dma_start3A_361 : memref<1x128xi32, #tpu.memory_space<vmem>> -> memref<128xi32, #tpu.memory_space<vmem>>
      %dma_start3A_363 = arith.constant 0 : i32
      %dma_start3A_364 = arith.constant 0 : i32
      %dma_start3A_365 = tpu.memref_slice %arg9[%dma_start3A_363, %dma_start3A_364] : memref<10000x128xf32, #tpu.memory_space<vmem_shared>> -> memref<10000x128xf32, #tpu.memory_space<vmem_shared>>
      %dma_start3A_366 = arith.constant -1 : i32
      tpu.enqueue_indirect_dma source(%dma_start3A_365 : memref<10000x128xf32, #tpu.memory_space<vmem_shared>>) target(%dma_start3A_359 : memref<128x128xf32, #tpu.memory_space<vmem>>) offsets(%dma_start3A_362 : memref<128xi32, #tpu.memory_space<vmem>>) offset_filter(%dma_start3A_366) semaphore(%arg10 : memref<!tpu.dma_semaphore, #tpu.memory_space<semaphore_mem>>) {add = true}
      %dma_start3A_367 = arith.constant 128 : i32
      %dma_start3A_368 = arith.constant 0 : i32
      %dma_start3A_369 = tpu.memref_slice %arg8[%dma_start3A_367, %dma_start3A_368] : memref<256x128xf32, #tpu.memory_space<vmem>> -> memref<128x128xf32, #tpu.memory_space<vmem>>
      %dma_start3A_370 = arith.constant 3200 : i32
      %dma_start3A_371 = tpu.memref_slice %arg7[%select_n3A_44, %dma_start3A_370] : memref<2x5120xi32, #tpu.memory_space<vmem>> -> memref<1x128xi32, #tpu.memory_space<vmem>>
      %dma_start3A_372 = tpu.memref_squeeze %dma_start3A_371 : memref<1x128xi32, #tpu.memory_space<vmem>> -> memref<128xi32, #tpu.memory_space<vmem>>
      %dma_start3A_373 = arith.constant 0 : i32
      %dma_start3A_374 = arith.constant 0 : i32
      %dma_start3A_375 = tpu.memref_slice %arg9[%dma_start3A_373, %dma_start3A_374] : memref<10000x128xf32, #tpu.memory_space<vmem_shared>> -> memref<10000x128xf32, #tpu.memory_space<vmem_shared>>
      %dma_start3A_376 = arith.constant -1 : i32
      tpu.enqueue_indirect_dma source(%dma_start3A_375 : memref<10000x128xf32, #tpu.memory_space<vmem_shared>>) target(%dma_start3A_369 : memref<128x128xf32, #tpu.memory_space<vmem>>) offsets(%dma_start3A_372 : memref<128xi32, #tpu.memory_space<vmem>>) offset_filter(%dma_start3A_376) semaphore(%arg10 : memref<!tpu.dma_semaphore, #tpu.memory_space<semaphore_mem>>) {add = true}
      %dma_start3A_377 = arith.constant 128 : i32
      %dma_start3A_378 = arith.constant 0 : i32
      %dma_start3A_379 = tpu.memref_slice %arg8[%dma_start3A_377, %dma_start3A_378] : memref<256x128xf32, #tpu.memory_space<vmem>> -> memref<128x128xf32, #tpu.memory_space<vmem>>
      %dma_start3A_380 = arith.constant 3456 : i32
      %dma_start3A_381 = tpu.memref_slice %arg7[%select_n3A_44, %dma_start3A_380] : memref<2x5120xi32, #tpu.memory_space<vmem>> -> memref<1x128xi32, #tpu.memory_space<vmem>>
      %dma_start3A_382 = tpu.memref_squeeze %dma_start3A_381 : memref<1x128xi32, #tpu.memory_space<vmem>> -> memref<128xi32, #tpu.memory_space<vmem>>
      %dma_start3A_383 = arith.constant 0 : i32
      %dma_start3A_384 = arith.constant 0 : i32
      %dma_start3A_385 = tpu.memref_slice %arg9[%dma_start3A_383, %dma_start3A_384] : memref<10000x128xf32, #tpu.memory_space<vmem_shared>> -> memref<10000x128xf32, #tpu.memory_space<vmem_shared>>
      %dma_start3A_386 = arith.constant -1 : i32
      tpu.enqueue_indirect_dma source(%dma_start3A_385 : memref<10000x128xf32, #tpu.memory_space<vmem_shared>>) target(%dma_start3A_379 : memref<128x128xf32, #tpu.memory_space<vmem>>) offsets(%dma_start3A_382 : memref<128xi32, #tpu.memory_space<vmem>>) offset_filter(%dma_start3A_386) semaphore(%arg10 : memref<!tpu.dma_semaphore, #tpu.memory_space<semaphore_mem>>) {add = true}
      %dma_start3A_387 = arith.constant 128 : i32
      %dma_start3A_388 = arith.constant 0 : i32
      %dma_start3A_389 = tpu.memref_slice %arg8[%dma_start3A_387, %dma_start3A_388] : memref<256x128xf32, #tpu.memory_space<vmem>> -> memref<128x128xf32, #tpu.memory_space<vmem>>
      %dma_start3A_390 = arith.constant 3712 : i32
      %dma_start3A_391 = tpu.memref_slice %arg7[%select_n3A_44, %dma_start3A_390] : memref<2x5120xi32, #tpu.memory_space<vmem>> -> memref<1x128xi32, #tpu.memory_space<vmem>>
      %dma_start3A_392 = tpu.memref_squeeze %dma_start3A_391 : memref<1x128xi32, #tpu.memory_space<vmem>> -> memref<128xi32, #tpu.memory_space<vmem>>
      %dma_start3A_393 = arith.constant 0 : i32
      %dma_start3A_394 = arith.constant 0 : i32
      %dma_start3A_395 = tpu.memref_slice %arg9[%dma_start3A_393, %dma_start3A_394] : memref<10000x128xf32, #tpu.memory_space<vmem_shared>> -> memref<10000x128xf32, #tpu.memory_space<vmem_shared>>
      %dma_start3A_396 = arith.constant -1 : i32
      tpu.enqueue_indirect_dma source(%dma_start3A_395 : memref<10000x128xf32, #tpu.memory_space<vmem_shared>>) target(%dma_start3A_389 : memref<128x128xf32, #tpu.memory_space<vmem>>) offsets(%dma_start3A_392 : memref<128xi32, #tpu.memory_space<vmem>>) offset_filter(%dma_start3A_396) semaphore(%arg10 : memref<!tpu.dma_semaphore, #tpu.memory_space<semaphore_mem>>) {add = true}
      %dma_start3A_397 = arith.constant 128 : i32
      %dma_start3A_398 = arith.constant 0 : i32
      %dma_start3A_399 = tpu.memref_slice %arg8[%dma_start3A_397, %dma_start3A_398] : memref<256x128xf32, #tpu.memory_space<vmem>> -> memref<128x128xf32, #tpu.memory_space<vmem>>
      %dma_start3A_400 = arith.constant 3968 : i32
      %dma_start3A_401 = tpu.memref_slice %arg7[%select_n3A_44, %dma_start3A_400] : memref<2x5120xi32, #tpu.memory_space<vmem>> -> memref<1x128xi32, #tpu.memory_space<vmem>>
      %dma_start3A_402 = tpu.memref_squeeze %dma_start3A_401 : memref<1x128xi32, #tpu.memory_space<vmem>> -> memref<128xi32, #tpu.memory_space<vmem>>
      %dma_start3A_403 = arith.constant 0 : i32
      %dma_start3A_404 = arith.constant 0 : i32
      %dma_start3A_405 = tpu.memref_slice %arg9[%dma_start3A_403, %dma_start3A_404] : memref<10000x128xf32, #tpu.memory_space<vmem_shared>> -> memref<10000x128xf32, #tpu.memory_space<vmem_shared>>
      %dma_start3A_406 = arith.constant -1 : i32
      tpu.enqueue_indirect_dma source(%dma_start3A_405 : memref<10000x128xf32, #tpu.memory_space<vmem_shared>>) target(%dma_start3A_399 : memref<128x128xf32, #tpu.memory_space<vmem>>) offsets(%dma_start3A_402 : memref<128xi32, #tpu.memory_space<vmem>>) offset_filter(%dma_start3A_406) semaphore(%arg10 : memref<!tpu.dma_semaphore, #tpu.memory_space<semaphore_mem>>) {add = true}
      %dma_start3A_407 = arith.constant 128 : i32
      %dma_start3A_408 = arith.constant 0 : i32
      %dma_start3A_409 = tpu.memref_slice %arg8[%dma_start3A_407, %dma_start3A_408] : memref<256x128xf32, #tpu.memory_space<vmem>> -> memref<128x128xf32, #tpu.memory_space<vmem>>
      %dma_start3A_410 = arith.constant 4224 : i32
      %dma_start3A_411 = tpu.memref_slice %arg7[%select_n3A_44, %dma_start3A_410] : memref<2x5120xi32, #tpu.memory_space<vmem>> -> memref<1x128xi32, #tpu.memory_space<vmem>>
      %dma_start3A_412 = tpu.memref_squeeze %dma_start3A_411 : memref<1x128xi32, #tpu.memory_space<vmem>> -> memref<128xi32, #tpu.memory_space<vmem>>
      %dma_start3A_413 = arith.constant 0 : i32
      %dma_start3A_414 = arith.constant 0 : i32
      %dma_start3A_415 = tpu.memref_slice %arg9[%dma_start3A_413, %dma_start3A_414] : memref<10000x128xf32, #tpu.memory_space<vmem_shared>> -> memref<10000x128xf32, #tpu.memory_space<vmem_shared>>
      %dma_start3A_416 = arith.constant -1 : i32
      tpu.enqueue_indirect_dma source(%dma_start3A_415 : memref<10000x128xf32, #tpu.memory_space<vmem_shared>>) target(%dma_start3A_409 : memref<128x128xf32, #tpu.memory_space<vmem>>) offsets(%dma_start3A_412 : memref<128xi32, #tpu.memory_space<vmem>>) offset_filter(%dma_start3A_416) semaphore(%arg10 : memref<!tpu.dma_semaphore, #tpu.memory_space<semaphore_mem>>) {add = true}
      %dma_start3A_417 = arith.constant 128 : i32
      %dma_start3A_418 = arith.constant 0 : i32
      %dma_start3A_419 = tpu.memref_slice %arg8[%dma_start3A_417, %dma_start3A_418] : memref<256x128xf32, #tpu.memory_space<vmem>> -> memref<128x128xf32, #tpu.memory_space<vmem>>
      %dma_start3A_420 = arith.constant 4480 : i32
      %dma_start3A_421 = tpu.memref_slice %arg7[%select_n3A_44, %dma_start3A_420] : memref<2x5120xi32, #tpu.memory_space<vmem>> -> memref<1x128xi32, #tpu.memory_space<vmem>>
      %dma_start3A_422 = tpu.memref_squeeze %dma_start3A_421 : memref<1x128xi32, #tpu.memory_space<vmem>> -> memref<128xi32, #tpu.memory_space<vmem>>
      %dma_start3A_423 = arith.constant 0 : i32
      %dma_start3A_424 = arith.constant 0 : i32
      %dma_start3A_425 = tpu.memref_slice %arg9[%dma_start3A_423, %dma_start3A_424] : memref<10000x128xf32, #tpu.memory_space<vmem_shared>> -> memref<10000x128xf32, #tpu.memory_space<vmem_shared>>
      %dma_start3A_426 = arith.constant -1 : i32
      tpu.enqueue_indirect_dma source(%dma_start3A_425 : memref<10000x128xf32, #tpu.memory_space<vmem_shared>>) target(%dma_start3A_419 : memref<128x128xf32, #tpu.memory_space<vmem>>) offsets(%dma_start3A_422 : memref<128xi32, #tpu.memory_space<vmem>>) offset_filter(%dma_start3A_426) semaphore(%arg10 : memref<!tpu.dma_semaphore, #tpu.memory_space<semaphore_mem>>) {add = true}
      %dma_start3A_427 = arith.constant 128 : i32
      %dma_start3A_428 = arith.constant 0 : i32
      %dma_start3A_429 = tpu.memref_slice %arg8[%dma_start3A_427, %dma_start3A_428] : memref<256x128xf32, #tpu.memory_space<vmem>> -> memref<128x128xf32, #tpu.memory_space<vmem>>
      %dma_start3A_430 = arith.constant 4736 : i32
      %dma_start3A_431 = tpu.memref_slice %arg7[%select_n3A_44, %dma_start3A_430] : memref<2x5120xi32, #tpu.memory_space<vmem>> -> memref<1x128xi32, #tpu.memory_space<vmem>>
      %dma_start3A_432 = tpu.memref_squeeze %dma_start3A_431 : memref<1x128xi32, #tpu.memory_space<vmem>> -> memref<128xi32, #tpu.memory_space<vmem>>
      %dma_start3A_433 = arith.constant 0 : i32
      %dma_start3A_434 = arith.constant 0 : i32
      %dma_start3A_435 = tpu.memref_slice %arg9[%dma_start3A_433, %dma_start3A_434] : memref<10000x128xf32, #tpu.memory_space<vmem_shared>> -> memref<10000x128xf32, #tpu.memory_space<vmem_shared>>
      %dma_start3A_436 = arith.constant -1 : i32
      tpu.enqueue_indirect_dma source(%dma_start3A_435 : memref<10000x128xf32, #tpu.memory_space<vmem_shared>>) target(%dma_start3A_429 : memref<128x128xf32, #tpu.memory_space<vmem>>) offsets(%dma_start3A_432 : memref<128xi32, #tpu.memory_space<vmem>>) offset_filter(%dma_start3A_436) semaphore(%arg10 : memref<!tpu.dma_semaphore, #tpu.memory_space<semaphore_mem>>) {add = true}
      %dma_start3A_437 = arith.constant 128 : i32
      %dma_start3A_438 = arith.constant 0 : i32
      %dma_start3A_439 = tpu.memref_slice %arg8[%dma_start3A_437, %dma_start3A_438] : memref<256x128xf32, #tpu.memory_space<vmem>> -> memref<128x128xf32, #tpu.memory_space<vmem>>
      %dma_start3A_440 = arith.constant 4992 : i32
      %dma_start3A_441 = tpu.memref_slice %arg7[%select_n3A_44, %dma_start3A_440] : memref<2x5120xi32, #tpu.memory_space<vmem>> -> memref<1x128xi32, #tpu.memory_space<vmem>>
      %dma_start3A_442 = tpu.memref_squeeze %dma_start3A_441 : memref<1x128xi32, #tpu.memory_space<vmem>> -> memref<128xi32, #tpu.memory_space<vmem>>
      %dma_start3A_443 = arith.constant 0 : i32
      %dma_start3A_444 = arith.constant 0 : i32
      %dma_start3A_445 = tpu.memref_slice %arg9[%dma_start3A_443, %dma_start3A_444] : memref<10000x128xf32, #tpu.memory_space<vmem_shared>> -> memref<10000x128xf32, #tpu.memory_space<vmem_shared>>
      %dma_start3A_446 = arith.constant -1 : i32
      tpu.enqueue_indirect_dma source(%dma_start3A_445 : memref<10000x128xf32, #tpu.memory_space<vmem_shared>>) target(%dma_start3A_439 : memref<128x128xf32, #tpu.memory_space<vmem>>) offsets(%dma_start3A_442 : memref<128xi32, #tpu.memory_space<vmem>>) offset_filter(%dma_start3A_446) semaphore(%arg10 : memref<!tpu.dma_semaphore, #tpu.memory_space<semaphore_mem>>) {add = true}
      %add3A_447 = arith.constant 1 : i32
      %add3A_448 = arith.addi %add3A_33, %add3A_447 : i32
      %lt3A_449 = arith.constant 10 : i32
      %lt3A_450 = arith.cmpi slt, %add3A_448, %lt3A_449 : i32
      %convert_element_type3A_451 = arith.extui %lt3A_450 : i1 to i32
      %cond3A_452 = arith.constant 0 : i32
      %cond3A_453 = arith.cmpi ne, %convert_element_type3A_451, %cond3A_452 : i32
      scf.if %cond3A_453 {
        %add3A_814 = arith.constant 1 : i32
        %add3A_815 = arith.addi %add3A_33, %add3A_814 : i32
        %mul3A_816 = arith.constant 10000 : i32
        %mul3A_817 = arith.muli %add3A_815, %mul3A_816 : i32
        %sub3A = arith.constant 1 : i32
        %sub3A_818 = arith.subi %sub3A, %select_n3A_44 : i32
        %scan3A_819 = arith.constant 0 : i32
        %scan3A_820 = arith.constant 320 : i32
        %scan3A_821 = arith.addi %scan3A_819, %scan3A_820 : i32
        %scan3A_822 = arith.constant 8 : i32
        scf.for %scan3A_824 = %scan3A_819 to %scan3A_821 step %scan3A_822  : i32 {
          %mul3A_825 = arith.constant 1 : i32
          %mul3A_826 = arith.muli %scan3A_824, %mul3A_825 : i32
          %add3A_827 = arith.constant 0 : i32
          %add3A_828 = arith.addi %add3A_827, %mul3A_826 : i32
          %mul3A_829 = arith.constant 16 : i32
          %mul3A_830 = arith.muli %add3A_828, %mul3A_829 : i32
          %get3A = arith.index_cast %mul3A_830 : i32 to index
          %get3A_831 = tpu.vector_load %arg6[%get3A] {strides = array<i32>} : memref<5120xi32, #tpu.memory_space<vmem>>, vector<16xi32>,
          %get3A_832 = vector.shape_cast %get3A_831 : vector<16xi32> to vector<16xi32>
          %ge3A = vector.broadcast %mul3A_817 : i32 to vector<16xi32>
          %ge3A_833 = arith.cmpi sge, %get3A_832, %ge3A : vector<16xi32>
          %add3A_834 = arith.constant 10000 : i32
          %add3A_835 = arith.addi %mul3A_817, %add3A_834 : i32
          %lt3A_836 = vector.broadcast %add3A_835 : i32 to vector<16xi32>
          %lt3A_837 = arith.cmpi slt, %get3A_832, %lt3A_836 : vector<16xi32>
          %and3A_838 = arith.andi %ge3A_833, %lt3A_837 : vector<16xi1>
          %sub3A_839 = vector.broadcast %mul3A_817 : i32 to vector<16xi32>
          %sub3A_840 = arith.subi %get3A_832, %sub3A_839 : vector<16xi32>
          %jit3A_841 = arith.constant -1 : i32
          %broadcast_in_dim3A = vector.broadcast %jit3A_841 : i32 to vector<16xi32>
          %select_n3A_842 = arith.select %and3A_838, %sub3A_840, %broadcast_in_dim3A : vector<16xi1>, vector<16xi32>
          %mul3A_843 = arith.constant 16 : i32
          %mul3A_844 = arith.muli %add3A_828, %mul3A_843 : i32
          %swap3A = arith.index_cast %sub3A_818 : i32 to index
          %swap3A_845 = arith.index_cast %mul3A_844 : i32 to index
          %swap3A_846 = tpu.vector_load %arg7[%swap3A, %swap3A_845] {strides = array<i32>} : memref<2x5120xi32, #tpu.memory_space<vmem>>, vector<1x16xi32>,
          %swap3A_847 = vector.shape_cast %swap3A_846 : vector<1x16xi32> to vector<16xi32>
          %swap3A_848 = vector.shape_cast %select_n3A_842 : vector<16xi32> to vector<1x16xi32>
          tpu.vector_store %arg7[%swap3A, %swap3A_845], %swap3A_848 {strides = array<i32>} : memref<2x5120xi32, #tpu.memory_space<vmem>>, vector<1x16xi32>,
          %scan3A_849 = arith.constant 1 : i32
          %scan3A_850 = arith.addi %scan3A_824, %scan3A_849 : i32
          %mul3A_851 = arith.constant 1 : i32
          %mul3A_852 = arith.muli %scan3A_850, %mul3A_851 : i32
          %add3A_853 = arith.constant 0 : i32
          %add3A_854 = arith.addi %add3A_853, %mul3A_852 : i32
          %mul3A_855 = arith.constant 16 : i32
          %mul3A_856 = arith.muli %add3A_854, %mul3A_855 : i32
          %get3A_857 = arith.index_cast %mul3A_856 : i32 to index
          %get3A_858 = tpu.vector_load %arg6[%get3A_857] {strides = array<i32>} : memref<5120xi32, #tpu.memory_space<vmem>>, vector<16xi32>,
          %get3A_859 = vector.shape_cast %get3A_858 : vector<16xi32> to vector<16xi32>
          %ge3A_860 = vector.broadcast %mul3A_817 : i32 to vector<16xi32>
          %ge3A_861 = arith.cmpi sge, %get3A_859, %ge3A_860 : vector<16xi32>
          %add3A_862 = arith.constant 10000 : i32
          %add3A_863 = arith.addi %mul3A_817, %add3A_862 : i32
          %lt3A_864 = vector.broadcast %add3A_863 : i32 to vector<16xi32>
          %lt3A_865 = arith.cmpi slt, %get3A_859, %lt3A_864 : vector<16xi32>
          %and3A_866 = arith.andi %ge3A_861, %lt3A_865 : vector<16xi1>
          %sub3A_867 = vector.broadcast %mul3A_817 : i32 to vector<16xi32>
          %sub3A_868 = arith.subi %get3A_859, %sub3A_867 : vector<16xi32>
          %jit3A_869 = arith.constant -1 : i32
          %broadcast_in_dim3A_870 = vector.broadcast %jit3A_869 : i32 to vector<16xi32>
          %select_n3A_871 = arith.select %and3A_866, %sub3A_868, %broadcast_in_dim3A_870 : vector<16xi1>, vector<16xi32>
          %mul3A_872 = arith.constant 16 : i32
          %mul3A_873 = arith.muli %add3A_854, %mul3A_872 : i32
          %swap3A_874 = arith.index_cast %sub3A_818 : i32 to index
          %swap3A_875 = arith.index_cast %mul3A_873 : i32 to index
          %swap3A_876 = tpu.vector_load %arg7[%swap3A_874, %swap3A_875] {strides = array<i32>} : memref<2x5120xi32, #tpu.memory_space<vmem>>, vector<1x16xi32>,
          %swap3A_877 = vector.shape_cast %swap3A_876 : vector<1x16xi32> to vector<16xi32>
          %swap3A_878 = vector.shape_cast %select_n3A_871 : vector<16xi32> to vector<1x16xi32>
          tpu.vector_store %arg7[%swap3A_874, %swap3A_875], %swap3A_878 {strides = array<i32>} : memref<2x5120xi32, #tpu.memory_space<vmem>>, vector<1x16xi32>,
          %scan3A_879 = arith.constant 2 : i32
          %scan3A_880 = arith.addi %scan3A_824, %scan3A_879 : i32
          %mul3A_881 = arith.constant 1 : i32
          %mul3A_882 = arith.muli %scan3A_880, %mul3A_881 : i32
          %add3A_883 = arith.constant 0 : i32
          %add3A_884 = arith.addi %add3A_883, %mul3A_882 : i32
          %mul3A_885 = arith.constant 16 : i32
          %mul3A_886 = arith.muli %add3A_884, %mul3A_885 : i32
          %get3A_887 = arith.index_cast %mul3A_886 : i32 to index
          %get3A_888 = tpu.vector_load %arg6[%get3A_887] {strides = array<i32>} : memref<5120xi32, #tpu.memory_space<vmem>>, vector<16xi32>,
          %get3A_889 = vector.shape_cast %get3A_888 : vector<16xi32> to vector<16xi32>
          %ge3A_890 = vector.broadcast %mul3A_817 : i32 to vector<16xi32>
          %ge3A_891 = arith.cmpi sge, %get3A_889, %ge3A_890 : vector<16xi32>
          %add3A_892 = arith.constant 10000 : i32
          %add3A_893 = arith.addi %mul3A_817, %add3A_892 : i32
          %lt3A_894 = vector.broadcast %add3A_893 : i32 to vector<16xi32>
          %lt3A_895 = arith.cmpi slt, %get3A_889, %lt3A_894 : vector<16xi32>
          %and3A_896 = arith.andi %ge3A_891, %lt3A_895 : vector<16xi1>
          %sub3A_897 = vector.broadcast %mul3A_817 : i32 to vector<16xi32>
          %sub3A_898 = arith.subi %get3A_889, %sub3A_897 : vector<16xi32>
          %jit3A_899 = arith.constant -1 : i32
          %broadcast_in_dim3A_900 = vector.broadcast %jit3A_899 : i32 to vector<16xi32>
          %select_n3A_901 = arith.select %and3A_896, %sub3A_898, %broadcast_in_dim3A_900 : vector<16xi1>, vector<16xi32>
          %mul3A_902 = arith.constant 16 : i32
          %mul3A_903 = arith.muli %add3A_884, %mul3A_902 : i32
          %swap3A_904 = arith.index_cast %sub3A_818 : i32 to index
          %swap3A_905 = arith.index_cast %mul3A_903 : i32 to index
          %swap3A_906 = tpu.vector_load %arg7[%swap3A_904, %swap3A_905] {strides = array<i32>} : memref<2x5120xi32, #tpu.memory_space<vmem>>, vector<1x16xi32>,
          %swap3A_907 = vector.shape_cast %swap3A_906 : vector<1x16xi32> to vector<16xi32>
          %swap3A_908 = vector.shape_cast %select_n3A_901 : vector<16xi32> to vector<1x16xi32>
          tpu.vector_store %arg7[%swap3A_904, %swap3A_905], %swap3A_908 {strides = array<i32>} : memref<2x5120xi32, #tpu.memory_space<vmem>>, vector<1x16xi32>,
          %scan3A_909 = arith.constant 3 : i32
          %scan3A_910 = arith.addi %scan3A_824, %scan3A_909 : i32
          %mul3A_911 = arith.constant 1 : i32
          %mul3A_912 = arith.muli %scan3A_910, %mul3A_911 : i32
          %add3A_913 = arith.constant 0 : i32
          %add3A_914 = arith.addi %add3A_913, %mul3A_912 : i32
          %mul3A_915 = arith.constant 16 : i32
          %mul3A_916 = arith.muli %add3A_914, %mul3A_915 : i32
          %get3A_917 = arith.index_cast %mul3A_916 : i32 to index
          %get3A_918 = tpu.vector_load %arg6[%get3A_917] {strides = array<i32>} : memref<5120xi32, #tpu.memory_space<vmem>>, vector<16xi32>,
          %get3A_919 = vector.shape_cast %get3A_918 : vector<16xi32> to vector<16xi32>
          %ge3A_920 = vector.broadcast %mul3A_817 : i32 to vector<16xi32>
          %ge3A_921 = arith.cmpi sge, %get3A_919, %ge3A_920 : vector<16xi32>
          %add3A_922 = arith.constant 10000 : i32
          %add3A_923 = arith.addi %mul3A_817, %add3A_922 : i32
          %lt3A_924 = vector.broadcast %add3A_923 : i32 to vector<16xi32>
          %lt3A_925 = arith.cmpi slt, %get3A_919, %lt3A_924 : vector<16xi32>
          %and3A_926 = arith.andi %ge3A_921, %lt3A_925 : vector<16xi1>
          %sub3A_927 = vector.broadcast %mul3A_817 : i32 to vector<16xi32>
          %sub3A_928 = arith.subi %get3A_919, %sub3A_927 : vector<16xi32>
          %jit3A_929 = arith.constant -1 : i32
          %broadcast_in_dim3A_930 = vector.broadcast %jit3A_929 : i32 to vector<16xi32>
          %select_n3A_931 = arith.select %and3A_926, %sub3A_928, %broadcast_in_dim3A_930 : vector<16xi1>, vector<16xi32>
          %mul3A_932 = arith.constant 16 : i32
          %mul3A_933 = arith.muli %add3A_914, %mul3A_932 : i32
          %swap3A_934 = arith.index_cast %sub3A_818 : i32 to index
          %swap3A_935 = arith.index_cast %mul3A_933 : i32 to index
          %swap3A_936 = tpu.vector_load %arg7[%swap3A_934, %swap3A_935] {strides = array<i32>} : memref<2x5120xi32, #tpu.memory_space<vmem>>, vector<1x16xi32>,
          %swap3A_937 = vector.shape_cast %swap3A_936 : vector<1x16xi32> to vector<16xi32>
          %swap3A_938 = vector.shape_cast %select_n3A_931 : vector<16xi32> to vector<1x16xi32>
          tpu.vector_store %arg7[%swap3A_934, %swap3A_935], %swap3A_938 {strides = array<i32>} : memref<2x5120xi32, #tpu.memory_space<vmem>>, vector<1x16xi32>,
          %scan3A_939 = arith.constant 4 : i32
          %scan3A_940 = arith.addi %scan3A_824, %scan3A_939 : i32
          %mul3A_941 = arith.constant 1 : i32
          %mul3A_942 = arith.muli %scan3A_940, %mul3A_941 : i32
          %add3A_943 = arith.constant 0 : i32
          %add3A_944 = arith.addi %add3A_943, %mul3A_942 : i32
          %mul3A_945 = arith.constant 16 : i32
          %mul3A_946 = arith.muli %add3A_944, %mul3A_945 : i32
          %get3A_947 = arith.index_cast %mul3A_946 : i32 to index
          %get3A_948 = tpu.vector_load %arg6[%get3A_947] {strides = array<i32>} : memref<5120xi32, #tpu.memory_space<vmem>>, vector<16xi32>,
          %get3A_949 = vector.shape_cast %get3A_948 : vector<16xi32> to vector<16xi32>
          %ge3A_950 = vector.broadcast %mul3A_817 : i32 to vector<16xi32>
          %ge3A_951 = arith.cmpi sge, %get3A_949, %ge3A_950 : vector<16xi32>
          %add3A_952 = arith.constant 10000 : i32
          %add3A_953 = arith.addi %mul3A_817, %add3A_952 : i32
          %lt3A_954 = vector.broadcast %add3A_953 : i32 to vector<16xi32>
          %lt3A_955 = arith.cmpi slt, %get3A_949, %lt3A_954 : vector<16xi32>
          %and3A_956 = arith.andi %ge3A_951, %lt3A_955 : vector<16xi1>
          %sub3A_957 = vector.broadcast %mul3A_817 : i32 to vector<16xi32>
          %sub3A_958 = arith.subi %get3A_949, %sub3A_957 : vector<16xi32>
          %jit3A_959 = arith.constant -1 : i32
          %broadcast_in_dim3A_960 = vector.broadcast %jit3A_959 : i32 to vector<16xi32>
          %select_n3A_961 = arith.select %and3A_956, %sub3A_958, %broadcast_in_dim3A_960 : vector<16xi1>, vector<16xi32>
          %mul3A_962 = arith.constant 16 : i32
          %mul3A_963 = arith.muli %add3A_944, %mul3A_962 : i32
          %swap3A_964 = arith.index_cast %sub3A_818 : i32 to index
          %swap3A_965 = arith.index_cast %mul3A_963 : i32 to index
          %swap3A_966 = tpu.vector_load %arg7[%swap3A_964, %swap3A_965] {strides = array<i32>} : memref<2x5120xi32, #tpu.memory_space<vmem>>, vector<1x16xi32>,
          %swap3A_967 = vector.shape_cast %swap3A_966 : vector<1x16xi32> to vector<16xi32>
          %swap3A_968 = vector.shape_cast %select_n3A_961 : vector<16xi32> to vector<1x16xi32>
          tpu.vector_store %arg7[%swap3A_964, %swap3A_965], %swap3A_968 {strides = array<i32>} : memref<2x5120xi32, #tpu.memory_space<vmem>>, vector<1x16xi32>,
          %scan3A_969 = arith.constant 5 : i32
          %scan3A_970 = arith.addi %scan3A_824, %scan3A_969 : i32
          %mul3A_971 = arith.constant 1 : i32
          %mul3A_972 = arith.muli %scan3A_970, %mul3A_971 : i32
          %add3A_973 = arith.constant 0 : i32
          %add3A_974 = arith.addi %add3A_973, %mul3A_972 : i32
          %mul3A_975 = arith.constant 16 : i32
          %mul3A_976 = arith.muli %add3A_974, %mul3A_975 : i32
          %get3A_977 = arith.index_cast %mul3A_976 : i32 to index
          %get3A_978 = tpu.vector_load %arg6[%get3A_977] {strides = array<i32>} : memref<5120xi32, #tpu.memory_space<vmem>>, vector<16xi32>,
          %get3A_979 = vector.shape_cast %get3A_978 : vector<16xi32> to vector<16xi32>
          %ge3A_980 = vector.broadcast %mul3A_817 : i32 to vector<16xi32>
          %ge3A_981 = arith.cmpi sge, %get3A_979, %ge3A_980 : vector<16xi32>
          %add3A_982 = arith.constant 10000 : i32
          %add3A_983 = arith.addi %mul3A_817, %add3A_982 : i32
          %lt3A_984 = vector.broadcast %add3A_983 : i32 to vector<16xi32>
          %lt3A_985 = arith.cmpi slt, %get3A_979, %lt3A_984 : vector<16xi32>
          %and3A_986 = arith.andi %ge3A_981, %lt3A_985 : vector<16xi1>
          %sub3A_987 = vector.broadcast %mul3A_817 : i32 to vector<16xi32>
          %sub3A_988 = arith.subi %get3A_979, %sub3A_987 : vector<16xi32>
          %jit3A_989 = arith.constant -1 : i32
          %broadcast_in_dim3A_990 = vector.broadcast %jit3A_989 : i32 to vector<16xi32>
          %select_n3A_991 = arith.select %and3A_986, %sub3A_988, %broadcast_in_dim3A_990 : vector<16xi1>, vector<16xi32>
          %mul3A_992 = arith.constant 16 : i32
          %mul3A_993 = arith.muli %add3A_974, %mul3A_992 : i32
          %swap3A_994 = arith.index_cast %sub3A_818 : i32 to index
          %swap3A_995 = arith.index_cast %mul3A_993 : i32 to index
          %swap3A_996 = tpu.vector_load %arg7[%swap3A_994, %swap3A_995] {strides = array<i32>} : memref<2x5120xi32, #tpu.memory_space<vmem>>, vector<1x16xi32>,
          %swap3A_997 = vector.shape_cast %swap3A_996 : vector<1x16xi32> to vector<16xi32>
          %swap3A_998 = vector.shape_cast %select_n3A_991 : vector<16xi32> to vector<1x16xi32>
          tpu.vector_store %arg7[%swap3A_994, %swap3A_995], %swap3A_998 {strides = array<i32>} : memref<2x5120xi32, #tpu.memory_space<vmem>>, vector<1x16xi32>,
          %scan3A_999 = arith.constant 6 : i32
          %scan3A_1000 = arith.addi %scan3A_824, %scan3A_999 : i32
          %mul3A_1001 = arith.constant 1 : i32
          %mul3A_1002 = arith.muli %scan3A_1000, %mul3A_1001 : i32
          %add3A_1003 = arith.constant 0 : i32
          %add3A_1004 = arith.addi %add3A_1003, %mul3A_1002 : i32
          %mul3A_1005 = arith.constant 16 : i32
          %mul3A_1006 = arith.muli %add3A_1004, %mul3A_1005 : i32
          %get3A_1007 = arith.index_cast %mul3A_1006 : i32 to index
          %get3A_1008 = tpu.vector_load %arg6[%get3A_1007] {strides = array<i32>} : memref<5120xi32, #tpu.memory_space<vmem>>, vector<16xi32>,
          %get3A_1009 = vector.shape_cast %get3A_1008 : vector<16xi32> to vector<16xi32>
          %ge3A_1010 = vector.broadcast %mul3A_817 : i32 to vector<16xi32>
          %ge3A_1011 = arith.cmpi sge, %get3A_1009, %ge3A_1010 : vector<16xi32>
          %add3A_1012 = arith.constant 10000 : i32
          %add3A_1013 = arith.addi %mul3A_817, %add3A_1012 : i32
          %lt3A_1014 = vector.broadcast %add3A_1013 : i32 to vector<16xi32>
          %lt3A_1015 = arith.cmpi slt, %get3A_1009, %lt3A_1014 : vector<16xi32>
          %and3A_1016 = arith.andi %ge3A_1011, %lt3A_1015 : vector<16xi1>
          %sub3A_1017 = vector.broadcast %mul3A_817 : i32 to vector<16xi32>
          %sub3A_1018 = arith.subi %get3A_1009, %sub3A_1017 : vector<16xi32>
          %jit3A_1019 = arith.constant -1 : i32
          %broadcast_in_dim3A_1020 = vector.broadcast %jit3A_1019 : i32 to vector<16xi32>
          %select_n3A_1021 = arith.select %and3A_1016, %sub3A_1018, %broadcast_in_dim3A_1020 : vector<16xi1>, vector<16xi32>
          %mul3A_1022 = arith.constant 16 : i32
          %mul3A_1023 = arith.muli %add3A_1004, %mul3A_1022 : i32
          %swap3A_1024 = arith.index_cast %sub3A_818 : i32 to index
          %swap3A_1025 = arith.index_cast %mul3A_1023 : i32 to index
          %swap3A_1026 = tpu.vector_load %arg7[%swap3A_1024, %swap3A_1025] {strides = array<i32>} : memref<2x5120xi32, #tpu.memory_space<vmem>>, vector<1x16xi32>,
          %swap3A_1027 = vector.shape_cast %swap3A_1026 : vector<1x16xi32> to vector<16xi32>
          %swap3A_1028 = vector.shape_cast %select_n3A_1021 : vector<16xi32> to vector<1x16xi32>
          tpu.vector_store %arg7[%swap3A_1024, %swap3A_1025], %swap3A_1028 {strides = array<i32>} : memref<2x5120xi32, #tpu.memory_space<vmem>>, vector<1x16xi32>,
          %scan3A_1029 = arith.constant 7 : i32
          %scan3A_1030 = arith.addi %scan3A_824, %scan3A_1029 : i32
          %mul3A_1031 = arith.constant 1 : i32
          %mul3A_1032 = arith.muli %scan3A_1030, %mul3A_1031 : i32
          %add3A_1033 = arith.constant 0 : i32
          %add3A_1034 = arith.addi %add3A_1033, %mul3A_1032 : i32
          %mul3A_1035 = arith.constant 16 : i32
          %mul3A_1036 = arith.muli %add3A_1034, %mul3A_1035 : i32
          %get3A_1037 = arith.index_cast %mul3A_1036 : i32 to index
          %get3A_1038 = tpu.vector_load %arg6[%get3A_1037] {strides = array<i32>} : memref<5120xi32, #tpu.memory_space<vmem>>, vector<16xi32>,
          %get3A_1039 = vector.shape_cast %get3A_1038 : vector<16xi32> to vector<16xi32>
          %ge3A_1040 = vector.broadcast %mul3A_817 : i32 to vector<16xi32>
          %ge3A_1041 = arith.cmpi sge, %get3A_1039, %ge3A_1040 : vector<16xi32>
          %add3A_1042 = arith.constant 10000 : i32
          %add3A_1043 = arith.addi %mul3A_817, %add3A_1042 : i32
          %lt3A_1044 = vector.broadcast %add3A_1043 : i32 to vector<16xi32>
          %lt3A_1045 = arith.cmpi slt, %get3A_1039, %lt3A_1044 : vector<16xi32>
          %and3A_1046 = arith.andi %ge3A_1041, %lt3A_1045 : vector<16xi1>
          %sub3A_1047 = vector.broadcast %mul3A_817 : i32 to vector<16xi32>
          %sub3A_1048 = arith.subi %get3A_1039, %sub3A_1047 : vector<16xi32>
          %jit3A_1049 = arith.constant -1 : i32
          %broadcast_in_dim3A_1050 = vector.broadcast %jit3A_1049 : i32 to vector<16xi32>
          %select_n3A_1051 = arith.select %and3A_1046, %sub3A_1048, %broadcast_in_dim3A_1050 : vector<16xi1>, vector<16xi32>
          %mul3A_1052 = arith.constant 16 : i32
          %mul3A_1053 = arith.muli %add3A_1034, %mul3A_1052 : i32
          %swap3A_1054 = arith.index_cast %sub3A_818 : i32 to index
          %swap3A_1055 = arith.index_cast %mul3A_1053 : i32 to index
          %swap3A_1056 = tpu.vector_load %arg7[%swap3A_1054, %swap3A_1055] {strides = array<i32>} : memref<2x5120xi32, #tpu.memory_space<vmem>>, vector<1x16xi32>,
          %swap3A_1057 = vector.shape_cast %swap3A_1056 : vector<1x16xi32> to vector<16xi32>
          %swap3A_1058 = vector.shape_cast %select_n3A_1051 : vector<16xi32> to vector<1x16xi32>
          tpu.vector_store %arg7[%swap3A_1054, %swap3A_1055], %swap3A_1058 {strides = array<i32>} : memref<2x5120xi32, #tpu.memory_space<vmem>>, vector<1x16xi32>,
        }
        %scan3A_823 = arith.constant 320 : i32
      } else {
      }
      %dma_wait3A = arith.constant 0 : i32
      %dma_wait3A_454 = arith.constant 0 : i32
      %dma_wait3A_455 = tpu.memref_slice %arg8[%dma_wait3A, %dma_wait3A_454] : memref<256x128xf32, #tpu.memory_space<vmem>> -> memref<128x128xf32, #tpu.memory_space<vmem>>
      %dma_wait3A_456 = arith.constant 0 : i32
      %dma_wait3A_457 = tpu.memref_slice %arg7[%select_n3A_44, %dma_wait3A_456] : memref<2x5120xi32, #tpu.memory_space<vmem>> -> memref<1x128xi32, #tpu.memory_space<vmem>>
      %dma_wait3A_458 = tpu.memref_squeeze %dma_wait3A_457 : memref<1x128xi32, #tpu.memory_space<vmem>> -> memref<128xi32, #tpu.memory_space<vmem>>
      %dma_wait3A_459 = arith.constant 0 : i32
      %dma_wait3A_460 = arith.constant 0 : i32
      %dma_wait3A_461 = tpu.memref_slice %arg9[%dma_wait3A_459, %dma_wait3A_460] : memref<10000x128xf32, #tpu.memory_space<vmem_shared>> -> memref<10000x128xf32, #tpu.memory_space<vmem_shared>>
      tpu.wait_indirect_dma semaphore(%arg10 : memref<!tpu.dma_semaphore, #tpu.memory_space<semaphore_mem>>) src(%dma_wait3A_461 : memref<10000x128xf32, #tpu.memory_space<vmem_shared>>) dst(%dma_wait3A_455 : memref<128x128xf32, #tpu.memory_space<vmem>>)
      %dma_wait3A_462 = arith.constant 0 : i32
      %dma_wait3A_463 = arith.constant 0 : i32
      %dma_wait3A_464 = tpu.memref_slice %arg8[%dma_wait3A_462, %dma_wait3A_463] : memref<256x128xf32, #tpu.memory_space<vmem>> -> memref<128x128xf32, #tpu.memory_space<vmem>>
      %dma_wait3A_465 = arith.constant 256 : i32
      %dma_wait3A_466 = tpu.memref_slice %arg7[%select_n3A_44, %dma_wait3A_465] : memref<2x5120xi32, #tpu.memory_space<vmem>> -> memref<1x128xi32, #tpu.memory_space<vmem>>
      %dma_wait3A_467 = tpu.memref_squeeze %dma_wait3A_466 : memref<1x128xi32, #tpu.memory_space<vmem>> -> memref<128xi32, #tpu.memory_space<vmem>>
      %dma_wait3A_468 = arith.constant 0 : i32
      %dma_wait3A_469 = arith.constant 0 : i32
      %dma_wait3A_470 = tpu.memref_slice %arg9[%dma_wait3A_468, %dma_wait3A_469] : memref<10000x128xf32, #tpu.memory_space<vmem_shared>> -> memref<10000x128xf32, #tpu.memory_space<vmem_shared>>
      tpu.wait_indirect_dma semaphore(%arg10 : memref<!tpu.dma_semaphore, #tpu.memory_space<semaphore_mem>>) src(%dma_wait3A_470 : memref<10000x128xf32, #tpu.memory_space<vmem_shared>>) dst(%dma_wait3A_464 : memref<128x128xf32, #tpu.memory_space<vmem>>)
      %dma_wait3A_471 = arith.constant 0 : i32
      %dma_wait3A_472 = arith.constant 0 : i32
      %dma_wait3A_473 = tpu.memref_slice %arg8[%dma_wait3A_471, %dma_wait3A_472] : memref<256x128xf32, #tpu.memory_space<vmem>> -> memref<128x128xf32, #tpu.memory_space<vmem>>
      %dma_wait3A_474 = arith.constant 512 : i32
      %dma_wait3A_475 = tpu.memref_slice %arg7[%select_n3A_44, %dma_wait3A_474] : memref<2x5120xi32, #tpu.memory_space<vmem>> -> memref<1x128xi32, #tpu.memory_space<vmem>>
      %dma_wait3A_476 = tpu.memref_squeeze %dma_wait3A_475 : memref<1x128xi32, #tpu.memory_space<vmem>> -> memref<128xi32, #tpu.memory_space<vmem>>
      %dma_wait3A_477 = arith.constant 0 : i32
      %dma_wait3A_478 = arith.constant 0 : i32
      %dma_wait3A_479 = tpu.memref_slice %arg9[%dma_wait3A_477, %dma_wait3A_478] : memref<10000x128xf32, #tpu.memory_space<vmem_shared>> -> memref<10000x128xf32, #tpu.memory_space<vmem_shared>>
      tpu.wait_indirect_dma semaphore(%arg10 : memref<!tpu.dma_semaphore, #tpu.memory_space<semaphore_mem>>) src(%dma_wait3A_479 : memref<10000x128xf32, #tpu.memory_space<vmem_shared>>) dst(%dma_wait3A_473 : memref<128x128xf32, #tpu.memory_space<vmem>>)
      %dma_wait3A_480 = arith.constant 0 : i32
      %dma_wait3A_481 = arith.constant 0 : i32
      %dma_wait3A_482 = tpu.memref_slice %arg8[%dma_wait3A_480, %dma_wait3A_481] : memref<256x128xf32, #tpu.memory_space<vmem>> -> memref<128x128xf32, #tpu.memory_space<vmem>>
      %dma_wait3A_483 = arith.constant 768 : i32
      %dma_wait3A_484 = tpu.memref_slice %arg7[%select_n3A_44, %dma_wait3A_483] : memref<2x5120xi32, #tpu.memory_space<vmem>> -> memref<1x128xi32, #tpu.memory_space<vmem>>
      %dma_wait3A_485 = tpu.memref_squeeze %dma_wait3A_484 : memref<1x128xi32, #tpu.memory_space<vmem>> -> memref<128xi32, #tpu.memory_space<vmem>>
      %dma_wait3A_486 = arith.constant 0 : i32
      %dma_wait3A_487 = arith.constant 0 : i32
      %dma_wait3A_488 = tpu.memref_slice %arg9[%dma_wait3A_486, %dma_wait3A_487] : memref<10000x128xf32, #tpu.memory_space<vmem_shared>> -> memref<10000x128xf32, #tpu.memory_space<vmem_shared>>
      tpu.wait_indirect_dma semaphore(%arg10 : memref<!tpu.dma_semaphore, #tpu.memory_space<semaphore_mem>>) src(%dma_wait3A_488 : memref<10000x128xf32, #tpu.memory_space<vmem_shared>>) dst(%dma_wait3A_482 : memref<128x128xf32, #tpu.memory_space<vmem>>)
      %dma_wait3A_489 = arith.constant 0 : i32
      %dma_wait3A_490 = arith.constant 0 : i32
      %dma_wait3A_491 = tpu.memref_slice %arg8[%dma_wait3A_489, %dma_wait3A_490] : memref<256x128xf32, #tpu.memory_space<vmem>> -> memref<128x128xf32, #tpu.memory_space<vmem>>
      %dma_wait3A_492 = arith.constant 1024 : i32
      %dma_wait3A_493 = tpu.memref_slice %arg7[%select_n3A_44, %dma_wait3A_492] : memref<2x5120xi32, #tpu.memory_space<vmem>> -> memref<1x128xi32, #tpu.memory_space<vmem>>
      %dma_wait3A_494 = tpu.memref_squeeze %dma_wait3A_493 : memref<1x128xi32, #tpu.memory_space<vmem>> -> memref<128xi32, #tpu.memory_space<vmem>>
      %dma_wait3A_495 = arith.constant 0 : i32
      %dma_wait3A_496 = arith.constant 0 : i32
      %dma_wait3A_497 = tpu.memref_slice %arg9[%dma_wait3A_495, %dma_wait3A_496] : memref<10000x128xf32, #tpu.memory_space<vmem_shared>> -> memref<10000x128xf32, #tpu.memory_space<vmem_shared>>
      tpu.wait_indirect_dma semaphore(%arg10 : memref<!tpu.dma_semaphore, #tpu.memory_space<semaphore_mem>>) src(%dma_wait3A_497 : memref<10000x128xf32, #tpu.memory_space<vmem_shared>>) dst(%dma_wait3A_491 : memref<128x128xf32, #tpu.memory_space<vmem>>)
      %dma_wait3A_498 = arith.constant 0 : i32
      %dma_wait3A_499 = arith.constant 0 : i32
      %dma_wait3A_500 = tpu.memref_slice %arg8[%dma_wait3A_498, %dma_wait3A_499] : memref<256x128xf32, #tpu.memory_space<vmem>> -> memref<128x128xf32, #tpu.memory_space<vmem>>
      %dma_wait3A_501 = arith.constant 1280 : i32
      %dma_wait3A_502 = tpu.memref_slice %arg7[%select_n3A_44, %dma_wait3A_501] : memref<2x5120xi32, #tpu.memory_space<vmem>> -> memref<1x128xi32, #tpu.memory_space<vmem>>
      %dma_wait3A_503 = tpu.memref_squeeze %dma_wait3A_502 : memref<1x128xi32, #tpu.memory_space<vmem>> -> memref<128xi32, #tpu.memory_space<vmem>>
      %dma_wait3A_504 = arith.constant 0 : i32
      %dma_wait3A_505 = arith.constant 0 : i32
      %dma_wait3A_506 = tpu.memref_slice %arg9[%dma_wait3A_504, %dma_wait3A_505] : memref<10000x128xf32, #tpu.memory_space<vmem_shared>> -> memref<10000x128xf32, #tpu.memory_space<vmem_shared>>
      tpu.wait_indirect_dma semaphore(%arg10 : memref<!tpu.dma_semaphore, #tpu.memory_space<semaphore_mem>>) src(%dma_wait3A_506 : memref<10000x128xf32, #tpu.memory_space<vmem_shared>>) dst(%dma_wait3A_500 : memref<128x128xf32, #tpu.memory_space<vmem>>)
      %dma_wait3A_507 = arith.constant 0 : i32
      %dma_wait3A_508 = arith.constant 0 : i32
      %dma_wait3A_509 = tpu.memref_slice %arg8[%dma_wait3A_507, %dma_wait3A_508] : memref<256x128xf32, #tpu.memory_space<vmem>> -> memref<128x128xf32, #tpu.memory_space<vmem>>
      %dma_wait3A_510 = arith.constant 1536 : i32
      %dma_wait3A_511 = tpu.memref_slice %arg7[%select_n3A_44, %dma_wait3A_510] : memref<2x5120xi32, #tpu.memory_space<vmem>> -> memref<1x128xi32, #tpu.memory_space<vmem>>
      %dma_wait3A_512 = tpu.memref_squeeze %dma_wait3A_511 : memref<1x128xi32, #tpu.memory_space<vmem>> -> memref<128xi32, #tpu.memory_space<vmem>>
      %dma_wait3A_513 = arith.constant 0 : i32
      %dma_wait3A_514 = arith.constant 0 : i32
      %dma_wait3A_515 = tpu.memref_slice %arg9[%dma_wait3A_513, %dma_wait3A_514] : memref<10000x128xf32, #tpu.memory_space<vmem_shared>> -> memref<10000x128xf32, #tpu.memory_space<vmem_shared>>
      tpu.wait_indirect_dma semaphore(%arg10 : memref<!tpu.dma_semaphore, #tpu.memory_space<semaphore_mem>>) src(%dma_wait3A_515 : memref<10000x128xf32, #tpu.memory_space<vmem_shared>>) dst(%dma_wait3A_509 : memref<128x128xf32, #tpu.memory_space<vmem>>)
      %dma_wait3A_516 = arith.constant 0 : i32
      %dma_wait3A_517 = arith.constant 0 : i32
      %dma_wait3A_518 = tpu.memref_slice %arg8[%dma_wait3A_516, %dma_wait3A_517] : memref<256x128xf32, #tpu.memory_space<vmem>> -> memref<128x128xf32, #tpu.memory_space<vmem>>
      %dma_wait3A_519 = arith.constant 1792 : i32
      %dma_wait3A_520 = tpu.memref_slice %arg7[%select_n3A_44, %dma_wait3A_519] : memref<2x5120xi32, #tpu.memory_space<vmem>> -> memref<1x128xi32, #tpu.memory_space<vmem>>
      %dma_wait3A_521 = tpu.memref_squeeze %dma_wait3A_520 : memref<1x128xi32, #tpu.memory_space<vmem>> -> memref<128xi32, #tpu.memory_space<vmem>>
      %dma_wait3A_522 = arith.constant 0 : i32
      %dma_wait3A_523 = arith.constant 0 : i32
      %dma_wait3A_524 = tpu.memref_slice %arg9[%dma_wait3A_522, %dma_wait3A_523] : memref<10000x128xf32, #tpu.memory_space<vmem_shared>> -> memref<10000x128xf32, #tpu.memory_space<vmem_shared>>
      tpu.wait_indirect_dma semaphore(%arg10 : memref<!tpu.dma_semaphore, #tpu.memory_space<semaphore_mem>>) src(%dma_wait3A_524 : memref<10000x128xf32, #tpu.memory_space<vmem_shared>>) dst(%dma_wait3A_518 : memref<128x128xf32, #tpu.memory_space<vmem>>)
      %dma_wait3A_525 = arith.constant 0 : i32
      %dma_wait3A_526 = arith.constant 0 : i32
      %dma_wait3A_527 = tpu.memref_slice %arg8[%dma_wait3A_525, %dma_wait3A_526] : memref<256x128xf32, #tpu.memory_space<vmem>> -> memref<128x128xf32, #tpu.memory_space<vmem>>
      %dma_wait3A_528 = arith.constant 2048 : i32
      %dma_wait3A_529 = tpu.memref_slice %arg7[%select_n3A_44, %dma_wait3A_528] : memref<2x5120xi32, #tpu.memory_space<vmem>> -> memref<1x128xi32, #tpu.memory_space<vmem>>
      %dma_wait3A_530 = tpu.memref_squeeze %dma_wait3A_529 : memref<1x128xi32, #tpu.memory_space<vmem>> -> memref<128xi32, #tpu.memory_space<vmem>>
      %dma_wait3A_531 = arith.constant 0 : i32
      %dma_wait3A_532 = arith.constant 0 : i32
      %dma_wait3A_533 = tpu.memref_slice %arg9[%dma_wait3A_531, %dma_wait3A_532] : memref<10000x128xf32, #tpu.memory_space<vmem_shared>> -> memref<10000x128xf32, #tpu.memory_space<vmem_shared>>
      tpu.wait_indirect_dma semaphore(%arg10 : memref<!tpu.dma_semaphore, #tpu.memory_space<semaphore_mem>>) src(%dma_wait3A_533 : memref<10000x128xf32, #tpu.memory_space<vmem_shared>>) dst(%dma_wait3A_527 : memref<128x128xf32, #tpu.memory_space<vmem>>)
      %dma_wait3A_534 = arith.constant 0 : i32
      %dma_wait3A_535 = arith.constant 0 : i32
      %dma_wait3A_536 = tpu.memref_slice %arg8[%dma_wait3A_534, %dma_wait3A_535] : memref<256x128xf32, #tpu.memory_space<vmem>> -> memref<128x128xf32, #tpu.memory_space<vmem>>
      %dma_wait3A_537 = arith.constant 2304 : i32
      %dma_wait3A_538 = tpu.memref_slice %arg7[%select_n3A_44, %dma_wait3A_537] : memref<2x5120xi32, #tpu.memory_space<vmem>> -> memref<1x128xi32, #tpu.memory_space<vmem>>
      %dma_wait3A_539 = tpu.memref_squeeze %dma_wait3A_538 : memref<1x128xi32, #tpu.memory_space<vmem>> -> memref<128xi32, #tpu.memory_space<vmem>>
      %dma_wait3A_540 = arith.constant 0 : i32
      %dma_wait3A_541 = arith.constant 0 : i32
      %dma_wait3A_542 = tpu.memref_slice %arg9[%dma_wait3A_540, %dma_wait3A_541] : memref<10000x128xf32, #tpu.memory_space<vmem_shared>> -> memref<10000x128xf32, #tpu.memory_space<vmem_shared>>
      tpu.wait_indirect_dma semaphore(%arg10 : memref<!tpu.dma_semaphore, #tpu.memory_space<semaphore_mem>>) src(%dma_wait3A_542 : memref<10000x128xf32, #tpu.memory_space<vmem_shared>>) dst(%dma_wait3A_536 : memref<128x128xf32, #tpu.memory_space<vmem>>)
      %dma_wait3A_543 = arith.constant 0 : i32
      %dma_wait3A_544 = arith.constant 0 : i32
      %dma_wait3A_545 = tpu.memref_slice %arg8[%dma_wait3A_543, %dma_wait3A_544] : memref<256x128xf32, #tpu.memory_space<vmem>> -> memref<128x128xf32, #tpu.memory_space<vmem>>
      %dma_wait3A_546 = arith.constant 2560 : i32
      %dma_wait3A_547 = tpu.memref_slice %arg7[%select_n3A_44, %dma_wait3A_546] : memref<2x5120xi32, #tpu.memory_space<vmem>> -> memref<1x128xi32, #tpu.memory_space<vmem>>
      %dma_wait3A_548 = tpu.memref_squeeze %dma_wait3A_547 : memref<1x128xi32, #tpu.memory_space<vmem>> -> memref<128xi32, #tpu.memory_space<vmem>>
      %dma_wait3A_549 = arith.constant 0 : i32
      %dma_wait3A_550 = arith.constant 0 : i32
      %dma_wait3A_551 = tpu.memref_slice %arg9[%dma_wait3A_549, %dma_wait3A_550] : memref<10000x128xf32, #tpu.memory_space<vmem_shared>> -> memref<10000x128xf32, #tpu.memory_space<vmem_shared>>
      tpu.wait_indirect_dma semaphore(%arg10 : memref<!tpu.dma_semaphore, #tpu.memory_space<semaphore_mem>>) src(%dma_wait3A_551 : memref<10000x128xf32, #tpu.memory_space<vmem_shared>>) dst(%dma_wait3A_545 : memref<128x128xf32, #tpu.memory_space<vmem>>)
      %dma_wait3A_552 = arith.constant 0 : i32
      %dma_wait3A_553 = arith.constant 0 : i32
      %dma_wait3A_554 = tpu.memref_slice %arg8[%dma_wait3A_552, %dma_wait3A_553] : memref<256x128xf32, #tpu.memory_space<vmem>> -> memref<128x128xf32, #tpu.memory_space<vmem>>
      %dma_wait3A_555 = arith.constant 2816 : i32
      %dma_wait3A_556 = tpu.memref_slice %arg7[%select_n3A_44, %dma_wait3A_555] : memref<2x5120xi32, #tpu.memory_space<vmem>> -> memref<1x128xi32, #tpu.memory_space<vmem>>
      %dma_wait3A_557 = tpu.memref_squeeze %dma_wait3A_556 : memref<1x128xi32, #tpu.memory_space<vmem>> -> memref<128xi32, #tpu.memory_space<vmem>>
      %dma_wait3A_558 = arith.constant 0 : i32
      %dma_wait3A_559 = arith.constant 0 : i32
      %dma_wait3A_560 = tpu.memref_slice %arg9[%dma_wait3A_558, %dma_wait3A_559] : memref<10000x128xf32, #tpu.memory_space<vmem_shared>> -> memref<10000x128xf32, #tpu.memory_space<vmem_shared>>
      tpu.wait_indirect_dma semaphore(%arg10 : memref<!tpu.dma_semaphore, #tpu.memory_space<semaphore_mem>>) src(%dma_wait3A_560 : memref<10000x128xf32, #tpu.memory_space<vmem_shared>>) dst(%dma_wait3A_554 : memref<128x128xf32, #tpu.memory_space<vmem>>)
      %dma_wait3A_561 = arith.constant 0 : i32
      %dma_wait3A_562 = arith.constant 0 : i32
      %dma_wait3A_563 = tpu.memref_slice %arg8[%dma_wait3A_561, %dma_wait3A_562] : memref<256x128xf32, #tpu.memory_space<vmem>> -> memref<128x128xf32, #tpu.memory_space<vmem>>
      %dma_wait3A_564 = arith.constant 3072 : i32
      %dma_wait3A_565 = tpu.memref_slice %arg7[%select_n3A_44, %dma_wait3A_564] : memref<2x5120xi32, #tpu.memory_space<vmem>> -> memref<1x128xi32, #tpu.memory_space<vmem>>
      %dma_wait3A_566 = tpu.memref_squeeze %dma_wait3A_565 : memref<1x128xi32, #tpu.memory_space<vmem>> -> memref<128xi32, #tpu.memory_space<vmem>>
      %dma_wait3A_567 = arith.constant 0 : i32
      %dma_wait3A_568 = arith.constant 0 : i32
      %dma_wait3A_569 = tpu.memref_slice %arg9[%dma_wait3A_567, %dma_wait3A_568] : memref<10000x128xf32, #tpu.memory_space<vmem_shared>> -> memref<10000x128xf32, #tpu.memory_space<vmem_shared>>
      tpu.wait_indirect_dma semaphore(%arg10 : memref<!tpu.dma_semaphore, #tpu.memory_space<semaphore_mem>>) src(%dma_wait3A_569 : memref<10000x128xf32, #tpu.memory_space<vmem_shared>>) dst(%dma_wait3A_563 : memref<128x128xf32, #tpu.memory_space<vmem>>)
      %dma_wait3A_570 = arith.constant 0 : i32
      %dma_wait3A_571 = arith.constant 0 : i32
      %dma_wait3A_572 = tpu.memref_slice %arg8[%dma_wait3A_570, %dma_wait3A_571] : memref<256x128xf32, #tpu.memory_space<vmem>> -> memref<128x128xf32, #tpu.memory_space<vmem>>
      %dma_wait3A_573 = arith.constant 3328 : i32
      %dma_wait3A_574 = tpu.memref_slice %arg7[%select_n3A_44, %dma_wait3A_573] : memref<2x5120xi32, #tpu.memory_space<vmem>> -> memref<1x128xi32, #tpu.memory_space<vmem>>
      %dma_wait3A_575 = tpu.memref_squeeze %dma_wait3A_574 : memref<1x128xi32, #tpu.memory_space<vmem>> -> memref<128xi32, #tpu.memory_space<vmem>>
      %dma_wait3A_576 = arith.constant 0 : i32
      %dma_wait3A_577 = arith.constant 0 : i32
      %dma_wait3A_578 = tpu.memref_slice %arg9[%dma_wait3A_576, %dma_wait3A_577] : memref<10000x128xf32, #tpu.memory_space<vmem_shared>> -> memref<10000x128xf32, #tpu.memory_space<vmem_shared>>
      tpu.wait_indirect_dma semaphore(%arg10 : memref<!tpu.dma_semaphore, #tpu.memory_space<semaphore_mem>>) src(%dma_wait3A_578 : memref<10000x128xf32, #tpu.memory_space<vmem_shared>>) dst(%dma_wait3A_572 : memref<128x128xf32, #tpu.memory_space<vmem>>)
      %dma_wait3A_579 = arith.constant 0 : i32
      %dma_wait3A_580 = arith.constant 0 : i32
      %dma_wait3A_581 = tpu.memref_slice %arg8[%dma_wait3A_579, %dma_wait3A_580] : memref<256x128xf32, #tpu.memory_space<vmem>> -> memref<128x128xf32, #tpu.memory_space<vmem>>
      %dma_wait3A_582 = arith.constant 3584 : i32
      %dma_wait3A_583 = tpu.memref_slice %arg7[%select_n3A_44, %dma_wait3A_582] : memref<2x5120xi32, #tpu.memory_space<vmem>> -> memref<1x128xi32, #tpu.memory_space<vmem>>
      %dma_wait3A_584 = tpu.memref_squeeze %dma_wait3A_583 : memref<1x128xi32, #tpu.memory_space<vmem>> -> memref<128xi32, #tpu.memory_space<vmem>>
      %dma_wait3A_585 = arith.constant 0 : i32
      %dma_wait3A_586 = arith.constant 0 : i32
      %dma_wait3A_587 = tpu.memref_slice %arg9[%dma_wait3A_585, %dma_wait3A_586] : memref<10000x128xf32, #tpu.memory_space<vmem_shared>> -> memref<10000x128xf32, #tpu.memory_space<vmem_shared>>
      tpu.wait_indirect_dma semaphore(%arg10 : memref<!tpu.dma_semaphore, #tpu.memory_space<semaphore_mem>>) src(%dma_wait3A_587 : memref<10000x128xf32, #tpu.memory_space<vmem_shared>>) dst(%dma_wait3A_581 : memref<128x128xf32, #tpu.memory_space<vmem>>)
      %dma_wait3A_588 = arith.constant 0 : i32
      %dma_wait3A_589 = arith.constant 0 : i32
      %dma_wait3A_590 = tpu.memref_slice %arg8[%dma_wait3A_588, %dma_wait3A_589] : memref<256x128xf32, #tpu.memory_space<vmem>> -> memref<128x128xf32, #tpu.memory_space<vmem>>
      %dma_wait3A_591 = arith.constant 3840 : i32
      %dma_wait3A_592 = tpu.memref_slice %arg7[%select_n3A_44, %dma_wait3A_591] : memref<2x5120xi32, #tpu.memory_space<vmem>> -> memref<1x128xi32, #tpu.memory_space<vmem>>
      %dma_wait3A_593 = tpu.memref_squeeze %dma_wait3A_592 : memref<1x128xi32, #tpu.memory_space<vmem>> -> memref<128xi32, #tpu.memory_space<vmem>>
      %dma_wait3A_594 = arith.constant 0 : i32
      %dma_wait3A_595 = arith.constant 0 : i32
      %dma_wait3A_596 = tpu.memref_slice %arg9[%dma_wait3A_594, %dma_wait3A_595] : memref<10000x128xf32, #tpu.memory_space<vmem_shared>> -> memref<10000x128xf32, #tpu.memory_space<vmem_shared>>
      tpu.wait_indirect_dma semaphore(%arg10 : memref<!tpu.dma_semaphore, #tpu.memory_space<semaphore_mem>>) src(%dma_wait3A_596 : memref<10000x128xf32, #tpu.memory_space<vmem_shared>>) dst(%dma_wait3A_590 : memref<128x128xf32, #tpu.memory_space<vmem>>)
      %dma_wait3A_597 = arith.constant 0 : i32
      %dma_wait3A_598 = arith.constant 0 : i32
      %dma_wait3A_599 = tpu.memref_slice %arg8[%dma_wait3A_597, %dma_wait3A_598] : memref<256x128xf32, #tpu.memory_space<vmem>> -> memref<128x128xf32, #tpu.memory_space<vmem>>
      %dma_wait3A_600 = arith.constant 4096 : i32
      %dma_wait3A_601 = tpu.memref_slice %arg7[%select_n3A_44, %dma_wait3A_600] : memref<2x5120xi32, #tpu.memory_space<vmem>> -> memref<1x128xi32, #tpu.memory_space<vmem>>
      %dma_wait3A_602 = tpu.memref_squeeze %dma_wait3A_601 : memref<1x128xi32, #tpu.memory_space<vmem>> -> memref<128xi32, #tpu.memory_space<vmem>>
      %dma_wait3A_603 = arith.constant 0 : i32
      %dma_wait3A_604 = arith.constant 0 : i32
      %dma_wait3A_605 = tpu.memref_slice %arg9[%dma_wait3A_603, %dma_wait3A_604] : memref<10000x128xf32, #tpu.memory_space<vmem_shared>> -> memref<10000x128xf32, #tpu.memory_space<vmem_shared>>
      tpu.wait_indirect_dma semaphore(%arg10 : memref<!tpu.dma_semaphore, #tpu.memory_space<semaphore_mem>>) src(%dma_wait3A_605 : memref<10000x128xf32, #tpu.memory_space<vmem_shared>>) dst(%dma_wait3A_599 : memref<128x128xf32, #tpu.memory_space<vmem>>)
      %dma_wait3A_606 = arith.constant 0 : i32
      %dma_wait3A_607 = arith.constant 0 : i32
      %dma_wait3A_608 = tpu.memref_slice %arg8[%dma_wait3A_606, %dma_wait3A_607] : memref<256x128xf32, #tpu.memory_space<vmem>> -> memref<128x128xf32, #tpu.memory_space<vmem>>
      %dma_wait3A_609 = arith.constant 4352 : i32
      %dma_wait3A_610 = tpu.memref_slice %arg7[%select_n3A_44, %dma_wait3A_609] : memref<2x5120xi32, #tpu.memory_space<vmem>> -> memref<1x128xi32, #tpu.memory_space<vmem>>
      %dma_wait3A_611 = tpu.memref_squeeze %dma_wait3A_610 : memref<1x128xi32, #tpu.memory_space<vmem>> -> memref<128xi32, #tpu.memory_space<vmem>>
      %dma_wait3A_612 = arith.constant 0 : i32
      %dma_wait3A_613 = arith.constant 0 : i32
      %dma_wait3A_614 = tpu.memref_slice %arg9[%dma_wait3A_612, %dma_wait3A_613] : memref<10000x128xf32, #tpu.memory_space<vmem_shared>> -> memref<10000x128xf32, #tpu.memory_space<vmem_shared>>
      tpu.wait_indirect_dma semaphore(%arg10 : memref<!tpu.dma_semaphore, #tpu.memory_space<semaphore_mem>>) src(%dma_wait3A_614 : memref<10000x128xf32, #tpu.memory_space<vmem_shared>>) dst(%dma_wait3A_608 : memref<128x128xf32, #tpu.memory_space<vmem>>)
      %dma_wait3A_615 = arith.constant 0 : i32
      %dma_wait3A_616 = arith.constant 0 : i32
      %dma_wait3A_617 = tpu.memref_slice %arg8[%dma_wait3A_615, %dma_wait3A_616] : memref<256x128xf32, #tpu.memory_space<vmem>> -> memref<128x128xf32, #tpu.memory_space<vmem>>
      %dma_wait3A_618 = arith.constant 4608 : i32
      %dma_wait3A_619 = tpu.memref_slice %arg7[%select_n3A_44, %dma_wait3A_618] : memref<2x5120xi32, #tpu.memory_space<vmem>> -> memref<1x128xi32, #tpu.memory_space<vmem>>
      %dma_wait3A_620 = tpu.memref_squeeze %dma_wait3A_619 : memref<1x128xi32, #tpu.memory_space<vmem>> -> memref<128xi32, #tpu.memory_space<vmem>>
      %dma_wait3A_621 = arith.constant 0 : i32
      %dma_wait3A_622 = arith.constant 0 : i32
      %dma_wait3A_623 = tpu.memref_slice %arg9[%dma_wait3A_621, %dma_wait3A_622] : memref<10000x128xf32, #tpu.memory_space<vmem_shared>> -> memref<10000x128xf32, #tpu.memory_space<vmem_shared>>
      tpu.wait_indirect_dma semaphore(%arg10 : memref<!tpu.dma_semaphore, #tpu.memory_space<semaphore_mem>>) src(%dma_wait3A_623 : memref<10000x128xf32, #tpu.memory_space<vmem_shared>>) dst(%dma_wait3A_617 : memref<128x128xf32, #tpu.memory_space<vmem>>)
      %dma_wait3A_624 = arith.constant 0 : i32
      %dma_wait3A_625 = arith.constant 0 : i32
      %dma_wait3A_626 = tpu.memref_slice %arg8[%dma_wait3A_624, %dma_wait3A_625] : memref<256x128xf32, #tpu.memory_space<vmem>> -> memref<128x128xf32, #tpu.memory_space<vmem>>
      %dma_wait3A_627 = arith.constant 4864 : i32
      %dma_wait3A_628 = tpu.memref_slice %arg7[%select_n3A_44, %dma_wait3A_627] : memref<2x5120xi32, #tpu.memory_space<vmem>> -> memref<1x128xi32, #tpu.memory_space<vmem>>
      %dma_wait3A_629 = tpu.memref_squeeze %dma_wait3A_628 : memref<1x128xi32, #tpu.memory_space<vmem>> -> memref<128xi32, #tpu.memory_space<vmem>>
      %dma_wait3A_630 = arith.constant 0 : i32
      %dma_wait3A_631 = arith.constant 0 : i32
      %dma_wait3A_632 = tpu.memref_slice %arg9[%dma_wait3A_630, %dma_wait3A_631] : memref<10000x128xf32, #tpu.memory_space<vmem_shared>> -> memref<10000x128xf32, #tpu.memory_space<vmem_shared>>
      tpu.wait_indirect_dma semaphore(%arg10 : memref<!tpu.dma_semaphore, #tpu.memory_space<semaphore_mem>>) src(%dma_wait3A_632 : memref<10000x128xf32, #tpu.memory_space<vmem_shared>>) dst(%dma_wait3A_626 : memref<128x128xf32, #tpu.memory_space<vmem>>)
      %dma_wait3A_633 = arith.constant 128 : i32
      %dma_wait3A_634 = arith.constant 0 : i32
      %dma_wait3A_635 = tpu.memref_slice %arg8[%dma_wait3A_633, %dma_wait3A_634] : memref<256x128xf32, #tpu.memory_space<vmem>> -> memref<128x128xf32, #tpu.memory_space<vmem>>
      %dma_wait3A_636 = arith.constant 128 : i32
      %dma_wait3A_637 = tpu.memref_slice %arg7[%select_n3A_44, %dma_wait3A_636] : memref<2x5120xi32, #tpu.memory_space<vmem>> -> memref<1x128xi32, #tpu.memory_space<vmem>>
      %dma_wait3A_638 = tpu.memref_squeeze %dma_wait3A_637 : memref<1x128xi32, #tpu.memory_space<vmem>> -> memref<128xi32, #tpu.memory_space<vmem>>
      %dma_wait3A_639 = arith.constant 0 : i32
      %dma_wait3A_640 = arith.constant 0 : i32
      %dma_wait3A_641 = tpu.memref_slice %arg9[%dma_wait3A_639, %dma_wait3A_640] : memref<10000x128xf32, #tpu.memory_space<vmem_shared>> -> memref<10000x128xf32, #tpu.memory_space<vmem_shared>>
      tpu.wait_indirect_dma semaphore(%arg10 : memref<!tpu.dma_semaphore, #tpu.memory_space<semaphore_mem>>) src(%dma_wait3A_641 : memref<10000x128xf32, #tpu.memory_space<vmem_shared>>) dst(%dma_wait3A_635 : memref<128x128xf32, #tpu.memory_space<vmem>>)
      %dma_wait3A_642 = arith.constant 128 : i32
      %dma_wait3A_643 = arith.constant 0 : i32
      %dma_wait3A_644 = tpu.memref_slice %arg8[%dma_wait3A_642, %dma_wait3A_643] : memref<256x128xf32, #tpu.memory_space<vmem>> -> memref<128x128xf32, #tpu.memory_space<vmem>>
      %dma_wait3A_645 = arith.constant 384 : i32
      %dma_wait3A_646 = tpu.memref_slice %arg7[%select_n3A_44, %dma_wait3A_645] : memref<2x5120xi32, #tpu.memory_space<vmem>> -> memref<1x128xi32, #tpu.memory_space<vmem>>
      %dma_wait3A_647 = tpu.memref_squeeze %dma_wait3A_646 : memref<1x128xi32, #tpu.memory_space<vmem>> -> memref<128xi32, #tpu.memory_space<vmem>>
      %dma_wait3A_648 = arith.constant 0 : i32
      %dma_wait3A_649 = arith.constant 0 : i32
      %dma_wait3A_650 = tpu.memref_slice %arg9[%dma_wait3A_648, %dma_wait3A_649] : memref<10000x128xf32, #tpu.memory_space<vmem_shared>> -> memref<10000x128xf32, #tpu.memory_space<vmem_shared>>
      tpu.wait_indirect_dma semaphore(%arg10 : memref<!tpu.dma_semaphore, #tpu.memory_space<semaphore_mem>>) src(%dma_wait3A_650 : memref<10000x128xf32, #tpu.memory_space<vmem_shared>>) dst(%dma_wait3A_644 : memref<128x128xf32, #tpu.memory_space<vmem>>)
      %dma_wait3A_651 = arith.constant 128 : i32
      %dma_wait3A_652 = arith.constant 0 : i32
      %dma_wait3A_653 = tpu.memref_slice %arg8[%dma_wait3A_651, %dma_wait3A_652] : memref<256x128xf32, #tpu.memory_space<vmem>> -> memref<128x128xf32, #tpu.memory_space<vmem>>
      %dma_wait3A_654 = arith.constant 640 : i32
      %dma_wait3A_655 = tpu.memref_slice %arg7[%select_n3A_44, %dma_wait3A_654] : memref<2x5120xi32, #tpu.memory_space<vmem>> -> memref<1x128xi32, #tpu.memory_space<vmem>>
      %dma_wait3A_656 = tpu.memref_squeeze %dma_wait3A_655 : memref<1x128xi32, #tpu.memory_space<vmem>> -> memref<128xi32, #tpu.memory_space<vmem>>
      %dma_wait3A_657 = arith.constant 0 : i32
      %dma_wait3A_658 = arith.constant 0 : i32
      %dma_wait3A_659 = tpu.memref_slice %arg9[%dma_wait3A_657, %dma_wait3A_658] : memref<10000x128xf32, #tpu.memory_space<vmem_shared>> -> memref<10000x128xf32, #tpu.memory_space<vmem_shared>>
      tpu.wait_indirect_dma semaphore(%arg10 : memref<!tpu.dma_semaphore, #tpu.memory_space<semaphore_mem>>) src(%dma_wait3A_659 : memref<10000x128xf32, #tpu.memory_space<vmem_shared>>) dst(%dma_wait3A_653 : memref<128x128xf32, #tpu.memory_space<vmem>>)
      %dma_wait3A_660 = arith.constant 128 : i32
      %dma_wait3A_661 = arith.constant 0 : i32
      %dma_wait3A_662 = tpu.memref_slice %arg8[%dma_wait3A_660, %dma_wait3A_661] : memref<256x128xf32, #tpu.memory_space<vmem>> -> memref<128x128xf32, #tpu.memory_space<vmem>>
      %dma_wait3A_663 = arith.constant 896 : i32
      %dma_wait3A_664 = tpu.memref_slice %arg7[%select_n3A_44, %dma_wait3A_663] : memref<2x5120xi32, #tpu.memory_space<vmem>> -> memref<1x128xi32, #tpu.memory_space<vmem>>
      %dma_wait3A_665 = tpu.memref_squeeze %dma_wait3A_664 : memref<1x128xi32, #tpu.memory_space<vmem>> -> memref<128xi32, #tpu.memory_space<vmem>>
      %dma_wait3A_666 = arith.constant 0 : i32
      %dma_wait3A_667 = arith.constant 0 : i32
      %dma_wait3A_668 = tpu.memref_slice %arg9[%dma_wait3A_666, %dma_wait3A_667] : memref<10000x128xf32, #tpu.memory_space<vmem_shared>> -> memref<10000x128xf32, #tpu.memory_space<vmem_shared>>
      tpu.wait_indirect_dma semaphore(%arg10 : memref<!tpu.dma_semaphore, #tpu.memory_space<semaphore_mem>>) src(%dma_wait3A_668 : memref<10000x128xf32, #tpu.memory_space<vmem_shared>>) dst(%dma_wait3A_662 : memref<128x128xf32, #tpu.memory_space<vmem>>)
      %dma_wait3A_669 = arith.constant 128 : i32
      %dma_wait3A_670 = arith.constant 0 : i32
      %dma_wait3A_671 = tpu.memref_slice %arg8[%dma_wait3A_669, %dma_wait3A_670] : memref<256x128xf32, #tpu.memory_space<vmem>> -> memref<128x128xf32, #tpu.memory_space<vmem>>
      %dma_wait3A_672 = arith.constant 1152 : i32
      %dma_wait3A_673 = tpu.memref_slice %arg7[%select_n3A_44, %dma_wait3A_672] : memref<2x5120xi32, #tpu.memory_space<vmem>> -> memref<1x128xi32, #tpu.memory_space<vmem>>
      %dma_wait3A_674 = tpu.memref_squeeze %dma_wait3A_673 : memref<1x128xi32, #tpu.memory_space<vmem>> -> memref<128xi32, #tpu.memory_space<vmem>>
      %dma_wait3A_675 = arith.constant 0 : i32
      %dma_wait3A_676 = arith.constant 0 : i32
      %dma_wait3A_677 = tpu.memref_slice %arg9[%dma_wait3A_675, %dma_wait3A_676] : memref<10000x128xf32, #tpu.memory_space<vmem_shared>> -> memref<10000x128xf32, #tpu.memory_space<vmem_shared>>
      tpu.wait_indirect_dma semaphore(%arg10 : memref<!tpu.dma_semaphore, #tpu.memory_space<semaphore_mem>>) src(%dma_wait3A_677 : memref<10000x128xf32, #tpu.memory_space<vmem_shared>>) dst(%dma_wait3A_671 : memref<128x128xf32, #tpu.memory_space<vmem>>)
      %dma_wait3A_678 = arith.constant 128 : i32
      %dma_wait3A_679 = arith.constant 0 : i32
      %dma_wait3A_680 = tpu.memref_slice %arg8[%dma_wait3A_678, %dma_wait3A_679] : memref<256x128xf32, #tpu.memory_space<vmem>> -> memref<128x128xf32, #tpu.memory_space<vmem>>
      %dma_wait3A_681 = arith.constant 1408 : i32
      %dma_wait3A_682 = tpu.memref_slice %arg7[%select_n3A_44, %dma_wait3A_681] : memref<2x5120xi32, #tpu.memory_space<vmem>> -> memref<1x128xi32, #tpu.memory_space<vmem>>
      %dma_wait3A_683 = tpu.memref_squeeze %dma_wait3A_682 : memref<1x128xi32, #tpu.memory_space<vmem>> -> memref<128xi32, #tpu.memory_space<vmem>>
      %dma_wait3A_684 = arith.constant 0 : i32
      %dma_wait3A_685 = arith.constant 0 : i32
      %dma_wait3A_686 = tpu.memref_slice %arg9[%dma_wait3A_684, %dma_wait3A_685] : memref<10000x128xf32, #tpu.memory_space<vmem_shared>> -> memref<10000x128xf32, #tpu.memory_space<vmem_shared>>
      tpu.wait_indirect_dma semaphore(%arg10 : memref<!tpu.dma_semaphore, #tpu.memory_space<semaphore_mem>>) src(%dma_wait3A_686 : memref<10000x128xf32, #tpu.memory_space<vmem_shared>>) dst(%dma_wait3A_680 : memref<128x128xf32, #tpu.memory_space<vmem>>)
      %dma_wait3A_687 = arith.constant 128 : i32
      %dma_wait3A_688 = arith.constant 0 : i32
      %dma_wait3A_689 = tpu.memref_slice %arg8[%dma_wait3A_687, %dma_wait3A_688] : memref<256x128xf32, #tpu.memory_space<vmem>> -> memref<128x128xf32, #tpu.memory_space<vmem>>
      %dma_wait3A_690 = arith.constant 1664 : i32
      %dma_wait3A_691 = tpu.memref_slice %arg7[%select_n3A_44, %dma_wait3A_690] : memref<2x5120xi32, #tpu.memory_space<vmem>> -> memref<1x128xi32, #tpu.memory_space<vmem>>
      %dma_wait3A_692 = tpu.memref_squeeze %dma_wait3A_691 : memref<1x128xi32, #tpu.memory_space<vmem>> -> memref<128xi32, #tpu.memory_space<vmem>>
      %dma_wait3A_693 = arith.constant 0 : i32
      %dma_wait3A_694 = arith.constant 0 : i32
      %dma_wait3A_695 = tpu.memref_slice %arg9[%dma_wait3A_693, %dma_wait3A_694] : memref<10000x128xf32, #tpu.memory_space<vmem_shared>> -> memref<10000x128xf32, #tpu.memory_space<vmem_shared>>
      tpu.wait_indirect_dma semaphore(%arg10 : memref<!tpu.dma_semaphore, #tpu.memory_space<semaphore_mem>>) src(%dma_wait3A_695 : memref<10000x128xf32, #tpu.memory_space<vmem_shared>>) dst(%dma_wait3A_689 : memref<128x128xf32, #tpu.memory_space<vmem>>)
      %dma_wait3A_696 = arith.constant 128 : i32
      %dma_wait3A_697 = arith.constant 0 : i32
      %dma_wait3A_698 = tpu.memref_slice %arg8[%dma_wait3A_696, %dma_wait3A_697] : memref<256x128xf32, #tpu.memory_space<vmem>> -> memref<128x128xf32, #tpu.memory_space<vmem>>
      %dma_wait3A_699 = arith.constant 1920 : i32
      %dma_wait3A_700 = tpu.memref_slice %arg7[%select_n3A_44, %dma_wait3A_699] : memref<2x5120xi32, #tpu.memory_space<vmem>> -> memref<1x128xi32, #tpu.memory_space<vmem>>
      %dma_wait3A_701 = tpu.memref_squeeze %dma_wait3A_700 : memref<1x128xi32, #tpu.memory_space<vmem>> -> memref<128xi32, #tpu.memory_space<vmem>>
      %dma_wait3A_702 = arith.constant 0 : i32
      %dma_wait3A_703 = arith.constant 0 : i32
      %dma_wait3A_704 = tpu.memref_slice %arg9[%dma_wait3A_702, %dma_wait3A_703] : memref<10000x128xf32, #tpu.memory_space<vmem_shared>> -> memref<10000x128xf32, #tpu.memory_space<vmem_shared>>
      tpu.wait_indirect_dma semaphore(%arg10 : memref<!tpu.dma_semaphore, #tpu.memory_space<semaphore_mem>>) src(%dma_wait3A_704 : memref<10000x128xf32, #tpu.memory_space<vmem_shared>>) dst(%dma_wait3A_698 : memref<128x128xf32, #tpu.memory_space<vmem>>)
      %dma_wait3A_705 = arith.constant 128 : i32
      %dma_wait3A_706 = arith.constant 0 : i32
      %dma_wait3A_707 = tpu.memref_slice %arg8[%dma_wait3A_705, %dma_wait3A_706] : memref<256x128xf32, #tpu.memory_space<vmem>> -> memref<128x128xf32, #tpu.memory_space<vmem>>
      %dma_wait3A_708 = arith.constant 2176 : i32
      %dma_wait3A_709 = tpu.memref_slice %arg7[%select_n3A_44, %dma_wait3A_708] : memref<2x5120xi32, #tpu.memory_space<vmem>> -> memref<1x128xi32, #tpu.memory_space<vmem>>
      %dma_wait3A_710 = tpu.memref_squeeze %dma_wait3A_709 : memref<1x128xi32, #tpu.memory_space<vmem>> -> memref<128xi32, #tpu.memory_space<vmem>>
      %dma_wait3A_711 = arith.constant 0 : i32
      %dma_wait3A_712 = arith.constant 0 : i32
      %dma_wait3A_713 = tpu.memref_slice %arg9[%dma_wait3A_711, %dma_wait3A_712] : memref<10000x128xf32, #tpu.memory_space<vmem_shared>> -> memref<10000x128xf32, #tpu.memory_space<vmem_shared>>
      tpu.wait_indirect_dma semaphore(%arg10 : memref<!tpu.dma_semaphore, #tpu.memory_space<semaphore_mem>>) src(%dma_wait3A_713 : memref<10000x128xf32, #tpu.memory_space<vmem_shared>>) dst(%dma_wait3A_707 : memref<128x128xf32, #tpu.memory_space<vmem>>)
      %dma_wait3A_714 = arith.constant 128 : i32
      %dma_wait3A_715 = arith.constant 0 : i32
      %dma_wait3A_716 = tpu.memref_slice %arg8[%dma_wait3A_714, %dma_wait3A_715] : memref<256x128xf32, #tpu.memory_space<vmem>> -> memref<128x128xf32, #tpu.memory_space<vmem>>
      %dma_wait3A_717 = arith.constant 2432 : i32
      %dma_wait3A_718 = tpu.memref_slice %arg7[%select_n3A_44, %dma_wait3A_717] : memref<2x5120xi32, #tpu.memory_space<vmem>> -> memref<1x128xi32, #tpu.memory_space<vmem>>
      %dma_wait3A_719 = tpu.memref_squeeze %dma_wait3A_718 : memref<1x128xi32, #tpu.memory_space<vmem>> -> memref<128xi32, #tpu.memory_space<vmem>>
      %dma_wait3A_720 = arith.constant 0 : i32
      %dma_wait3A_721 = arith.constant 0 : i32
      %dma_wait3A_722 = tpu.memref_slice %arg9[%dma_wait3A_720, %dma_wait3A_721] : memref<10000x128xf32, #tpu.memory_space<vmem_shared>> -> memref<10000x128xf32, #tpu.memory_space<vmem_shared>>
      tpu.wait_indirect_dma semaphore(%arg10 : memref<!tpu.dma_semaphore, #tpu.memory_space<semaphore_mem>>) src(%dma_wait3A_722 : memref<10000x128xf32, #tpu.memory_space<vmem_shared>>) dst(%dma_wait3A_716 : memref<128x128xf32, #tpu.memory_space<vmem>>)
      %dma_wait3A_723 = arith.constant 128 : i32
      %dma_wait3A_724 = arith.constant 0 : i32
      %dma_wait3A_725 = tpu.memref_slice %arg8[%dma_wait3A_723, %dma_wait3A_724] : memref<256x128xf32, #tpu.memory_space<vmem>> -> memref<128x128xf32, #tpu.memory_space<vmem>>
      %dma_wait3A_726 = arith.constant 2688 : i32
      %dma_wait3A_727 = tpu.memref_slice %arg7[%select_n3A_44, %dma_wait3A_726] : memref<2x5120xi32, #tpu.memory_space<vmem>> -> memref<1x128xi32, #tpu.memory_space<vmem>>
      %dma_wait3A_728 = tpu.memref_squeeze %dma_wait3A_727 : memref<1x128xi32, #tpu.memory_space<vmem>> -> memref<128xi32, #tpu.memory_space<vmem>>
      %dma_wait3A_729 = arith.constant 0 : i32
      %dma_wait3A_730 = arith.constant 0 : i32
      %dma_wait3A_731 = tpu.memref_slice %arg9[%dma_wait3A_729, %dma_wait3A_730] : memref<10000x128xf32, #tpu.memory_space<vmem_shared>> -> memref<10000x128xf32, #tpu.memory_space<vmem_shared>>
      tpu.wait_indirect_dma semaphore(%arg10 : memref<!tpu.dma_semaphore, #tpu.memory_space<semaphore_mem>>) src(%dma_wait3A_731 : memref<10000x128xf32, #tpu.memory_space<vmem_shared>>) dst(%dma_wait3A_725 : memref<128x128xf32, #tpu.memory_space<vmem>>)
      %dma_wait3A_732 = arith.constant 128 : i32
      %dma_wait3A_733 = arith.constant 0 : i32
      %dma_wait3A_734 = tpu.memref_slice %arg8[%dma_wait3A_732, %dma_wait3A_733] : memref<256x128xf32, #tpu.memory_space<vmem>> -> memref<128x128xf32, #tpu.memory_space<vmem>>
      %dma_wait3A_735 = arith.constant 2944 : i32
      %dma_wait3A_736 = tpu.memref_slice %arg7[%select_n3A_44, %dma_wait3A_735] : memref<2x5120xi32, #tpu.memory_space<vmem>> -> memref<1x128xi32, #tpu.memory_space<vmem>>
      %dma_wait3A_737 = tpu.memref_squeeze %dma_wait3A_736 : memref<1x128xi32, #tpu.memory_space<vmem>> -> memref<128xi32, #tpu.memory_space<vmem>>
      %dma_wait3A_738 = arith.constant 0 : i32
      %dma_wait3A_739 = arith.constant 0 : i32
      %dma_wait3A_740 = tpu.memref_slice %arg9[%dma_wait3A_738, %dma_wait3A_739] : memref<10000x128xf32, #tpu.memory_space<vmem_shared>> -> memref<10000x128xf32, #tpu.memory_space<vmem_shared>>
      tpu.wait_indirect_dma semaphore(%arg10 : memref<!tpu.dma_semaphore, #tpu.memory_space<semaphore_mem>>) src(%dma_wait3A_740 : memref<10000x128xf32, #tpu.memory_space<vmem_shared>>) dst(%dma_wait3A_734 : memref<128x128xf32, #tpu.memory_space<vmem>>)
      %dma_wait3A_741 = arith.constant 128 : i32
      %dma_wait3A_742 = arith.constant 0 : i32
      %dma_wait3A_743 = tpu.memref_slice %arg8[%dma_wait3A_741, %dma_wait3A_742] : memref<256x128xf32, #tpu.memory_space<vmem>> -> memref<128x128xf32, #tpu.memory_space<vmem>>
      %dma_wait3A_744 = arith.constant 3200 : i32
      %dma_wait3A_745 = tpu.memref_slice %arg7[%select_n3A_44, %dma_wait3A_744] : memref<2x5120xi32, #tpu.memory_space<vmem>> -> memref<1x128xi32, #tpu.memory_space<vmem>>
      %dma_wait3A_746 = tpu.memref_squeeze %dma_wait3A_745 : memref<1x128xi32, #tpu.memory_space<vmem>> -> memref<128xi32, #tpu.memory_space<vmem>>
      %dma_wait3A_747 = arith.constant 0 : i32
      %dma_wait3A_748 = arith.constant 0 : i32
      %dma_wait3A_749 = tpu.memref_slice %arg9[%dma_wait3A_747, %dma_wait3A_748] : memref<10000x128xf32, #tpu.memory_space<vmem_shared>> -> memref<10000x128xf32, #tpu.memory_space<vmem_shared>>
      tpu.wait_indirect_dma semaphore(%arg10 : memref<!tpu.dma_semaphore, #tpu.memory_space<semaphore_mem>>) src(%dma_wait3A_749 : memref<10000x128xf32, #tpu.memory_space<vmem_shared>>) dst(%dma_wait3A_743 : memref<128x128xf32, #tpu.memory_space<vmem>>)
      %dma_wait3A_750 = arith.constant 128 : i32
      %dma_wait3A_751 = arith.constant 0 : i32
      %dma_wait3A_752 = tpu.memref_slice %arg8[%dma_wait3A_750, %dma_wait3A_751] : memref<256x128xf32, #tpu.memory_space<vmem>> -> memref<128x128xf32, #tpu.memory_space<vmem>>
      %dma_wait3A_753 = arith.constant 3456 : i32
      %dma_wait3A_754 = tpu.memref_slice %arg7[%select_n3A_44, %dma_wait3A_753] : memref<2x5120xi32, #tpu.memory_space<vmem>> -> memref<1x128xi32, #tpu.memory_space<vmem>>
      %dma_wait3A_755 = tpu.memref_squeeze %dma_wait3A_754 : memref<1x128xi32, #tpu.memory_space<vmem>> -> memref<128xi32, #tpu.memory_space<vmem>>
      %dma_wait3A_756 = arith.constant 0 : i32
      %dma_wait3A_757 = arith.constant 0 : i32
      %dma_wait3A_758 = tpu.memref_slice %arg9[%dma_wait3A_756, %dma_wait3A_757] : memref<10000x128xf32, #tpu.memory_space<vmem_shared>> -> memref<10000x128xf32, #tpu.memory_space<vmem_shared>>
      tpu.wait_indirect_dma semaphore(%arg10 : memref<!tpu.dma_semaphore, #tpu.memory_space<semaphore_mem>>) src(%dma_wait3A_758 : memref<10000x128xf32, #tpu.memory_space<vmem_shared>>) dst(%dma_wait3A_752 : memref<128x128xf32, #tpu.memory_space<vmem>>)
      %dma_wait3A_759 = arith.constant 128 : i32
      %dma_wait3A_760 = arith.constant 0 : i32
      %dma_wait3A_761 = tpu.memref_slice %arg8[%dma_wait3A_759, %dma_wait3A_760] : memref<256x128xf32, #tpu.memory_space<vmem>> -> memref<128x128xf32, #tpu.memory_space<vmem>>
      %dma_wait3A_762 = arith.constant 3712 : i32
      %dma_wait3A_763 = tpu.memref_slice %arg7[%select_n3A_44, %dma_wait3A_762] : memref<2x5120xi32, #tpu.memory_space<vmem>> -> memref<1x128xi32, #tpu.memory_space<vmem>>
      %dma_wait3A_764 = tpu.memref_squeeze %dma_wait3A_763 : memref<1x128xi32, #tpu.memory_space<vmem>> -> memref<128xi32, #tpu.memory_space<vmem>>
      %dma_wait3A_765 = arith.constant 0 : i32
      %dma_wait3A_766 = arith.constant 0 : i32
      %dma_wait3A_767 = tpu.memref_slice %arg9[%dma_wait3A_765, %dma_wait3A_766] : memref<10000x128xf32, #tpu.memory_space<vmem_shared>> -> memref<10000x128xf32, #tpu.memory_space<vmem_shared>>
      tpu.wait_indirect_dma semaphore(%arg10 : memref<!tpu.dma_semaphore, #tpu.memory_space<semaphore_mem>>) src(%dma_wait3A_767 : memref<10000x128xf32, #tpu.memory_space<vmem_shared>>) dst(%dma_wait3A_761 : memref<128x128xf32, #tpu.memory_space<vmem>>)
      %dma_wait3A_768 = arith.constant 128 : i32
      %dma_wait3A_769 = arith.constant 0 : i32
      %dma_wait3A_770 = tpu.memref_slice %arg8[%dma_wait3A_768, %dma_wait3A_769] : memref<256x128xf32, #tpu.memory_space<vmem>> -> memref<128x128xf32, #tpu.memory_space<vmem>>
      %dma_wait3A_771 = arith.constant 3968 : i32
      %dma_wait3A_772 = tpu.memref_slice %arg7[%select_n3A_44, %dma_wait3A_771] : memref<2x5120xi32, #tpu.memory_space<vmem>> -> memref<1x128xi32, #tpu.memory_space<vmem>>
      %dma_wait3A_773 = tpu.memref_squeeze %dma_wait3A_772 : memref<1x128xi32, #tpu.memory_space<vmem>> -> memref<128xi32, #tpu.memory_space<vmem>>
      %dma_wait3A_774 = arith.constant 0 : i32
      %dma_wait3A_775 = arith.constant 0 : i32
      %dma_wait3A_776 = tpu.memref_slice %arg9[%dma_wait3A_774, %dma_wait3A_775] : memref<10000x128xf32, #tpu.memory_space<vmem_shared>> -> memref<10000x128xf32, #tpu.memory_space<vmem_shared>>
      tpu.wait_indirect_dma semaphore(%arg10 : memref<!tpu.dma_semaphore, #tpu.memory_space<semaphore_mem>>) src(%dma_wait3A_776 : memref<10000x128xf32, #tpu.memory_space<vmem_shared>>) dst(%dma_wait3A_770 : memref<128x128xf32, #tpu.memory_space<vmem>>)
      %dma_wait3A_777 = arith.constant 128 : i32
      %dma_wait3A_778 = arith.constant 0 : i32
      %dma_wait3A_779 = tpu.memref_slice %arg8[%dma_wait3A_777, %dma_wait3A_778] : memref<256x128xf32, #tpu.memory_space<vmem>> -> memref<128x128xf32, #tpu.memory_space<vmem>>
      %dma_wait3A_780 = arith.constant 4224 : i32
      %dma_wait3A_781 = tpu.memref_slice %arg7[%select_n3A_44, %dma_wait3A_780] : memref<2x5120xi32, #tpu.memory_space<vmem>> -> memref<1x128xi32, #tpu.memory_space<vmem>>
      %dma_wait3A_782 = tpu.memref_squeeze %dma_wait3A_781 : memref<1x128xi32, #tpu.memory_space<vmem>> -> memref<128xi32, #tpu.memory_space<vmem>>
      %dma_wait3A_783 = arith.constant 0 : i32
      %dma_wait3A_784 = arith.constant 0 : i32
      %dma_wait3A_785 = tpu.memref_slice %arg9[%dma_wait3A_783, %dma_wait3A_784] : memref<10000x128xf32, #tpu.memory_space<vmem_shared>> -> memref<10000x128xf32, #tpu.memory_space<vmem_shared>>
      tpu.wait_indirect_dma semaphore(%arg10 : memref<!tpu.dma_semaphore, #tpu.memory_space<semaphore_mem>>) src(%dma_wait3A_785 : memref<10000x128xf32, #tpu.memory_space<vmem_shared>>) dst(%dma_wait3A_779 : memref<128x128xf32, #tpu.memory_space<vmem>>)
      %dma_wait3A_786 = arith.constant 128 : i32
      %dma_wait3A_787 = arith.constant 0 : i32
      %dma_wait3A_788 = tpu.memref_slice %arg8[%dma_wait3A_786, %dma_wait3A_787] : memref<256x128xf32, #tpu.memory_space<vmem>> -> memref<128x128xf32, #tpu.memory_space<vmem>>
      %dma_wait3A_789 = arith.constant 4480 : i32
      %dma_wait3A_790 = tpu.memref_slice %arg7[%select_n3A_44, %dma_wait3A_789] : memref<2x5120xi32, #tpu.memory_space<vmem>> -> memref<1x128xi32, #tpu.memory_space<vmem>>
      %dma_wait3A_791 = tpu.memref_squeeze %dma_wait3A_790 : memref<1x128xi32, #tpu.memory_space<vmem>> -> memref<128xi32, #tpu.memory_space<vmem>>
      %dma_wait3A_792 = arith.constant 0 : i32
      %dma_wait3A_793 = arith.constant 0 : i32
      %dma_wait3A_794 = tpu.memref_slice %arg9[%dma_wait3A_792, %dma_wait3A_793] : memref<10000x128xf32, #tpu.memory_space<vmem_shared>> -> memref<10000x128xf32, #tpu.memory_space<vmem_shared>>
      tpu.wait_indirect_dma semaphore(%arg10 : memref<!tpu.dma_semaphore, #tpu.memory_space<semaphore_mem>>) src(%dma_wait3A_794 : memref<10000x128xf32, #tpu.memory_space<vmem_shared>>) dst(%dma_wait3A_788 : memref<128x128xf32, #tpu.memory_space<vmem>>)
      %dma_wait3A_795 = arith.constant 128 : i32
      %dma_wait3A_796 = arith.constant 0 : i32
      %dma_wait3A_797 = tpu.memref_slice %arg8[%dma_wait3A_795, %dma_wait3A_796] : memref<256x128xf32, #tpu.memory_space<vmem>> -> memref<128x128xf32, #tpu.memory_space<vmem>>
      %dma_wait3A_798 = arith.constant 4736 : i32
      %dma_wait3A_799 = tpu.memref_slice %arg7[%select_n3A_44, %dma_wait3A_798] : memref<2x5120xi32, #tpu.memory_space<vmem>> -> memref<1x128xi32, #tpu.memory_space<vmem>>
      %dma_wait3A_800 = tpu.memref_squeeze %dma_wait3A_799 : memref<1x128xi32, #tpu.memory_space<vmem>> -> memref<128xi32, #tpu.memory_space<vmem>>
      %dma_wait3A_801 = arith.constant 0 : i32
      %dma_wait3A_802 = arith.constant 0 : i32
      %dma_wait3A_803 = tpu.memref_slice %arg9[%dma_wait3A_801, %dma_wait3A_802] : memref<10000x128xf32, #tpu.memory_space<vmem_shared>> -> memref<10000x128xf32, #tpu.memory_space<vmem_shared>>
      tpu.wait_indirect_dma semaphore(%arg10 : memref<!tpu.dma_semaphore, #tpu.memory_space<semaphore_mem>>) src(%dma_wait3A_803 : memref<10000x128xf32, #tpu.memory_space<vmem_shared>>) dst(%dma_wait3A_797 : memref<128x128xf32, #tpu.memory_space<vmem>>)
      %dma_wait3A_804 = arith.constant 128 : i32
      %dma_wait3A_805 = arith.constant 0 : i32
      %dma_wait3A_806 = tpu.memref_slice %arg8[%dma_wait3A_804, %dma_wait3A_805] : memref<256x128xf32, #tpu.memory_space<vmem>> -> memref<128x128xf32, #tpu.memory_space<vmem>>
      %dma_wait3A_807 = arith.constant 4992 : i32
      %dma_wait3A_808 = tpu.memref_slice %arg7[%select_n3A_44, %dma_wait3A_807] : memref<2x5120xi32, #tpu.memory_space<vmem>> -> memref<1x128xi32, #tpu.memory_space<vmem>>
      %dma_wait3A_809 = tpu.memref_squeeze %dma_wait3A_808 : memref<1x128xi32, #tpu.memory_space<vmem>> -> memref<128xi32, #tpu.memory_space<vmem>>
      %dma_wait3A_810 = arith.constant 0 : i32
      %dma_wait3A_811 = arith.constant 0 : i32
      %dma_wait3A_812 = tpu.memref_slice %arg9[%dma_wait3A_810, %dma_wait3A_811] : memref<10000x128xf32, #tpu.memory_space<vmem_shared>> -> memref<10000x128xf32, #tpu.memory_space<vmem_shared>>
      tpu.wait_indirect_dma semaphore(%arg10 : memref<!tpu.dma_semaphore, #tpu.memory_space<semaphore_mem>>) src(%dma_wait3A_812 : memref<10000x128xf32, #tpu.memory_space<vmem_shared>>) dst(%dma_wait3A_806 : memref<128x128xf32, #tpu.memory_space<vmem>>)
      %barrier3A_813 = arith.constant 0 : index
      tpu.barrier barrier_id(%barrier3A_813)
    }
    %scan3A_9 = arith.constant 10 : i32
    %mul3A_10 = arith.constant 256 : i32
    %mul3A_11 = arith.muli %add3A, %mul3A_10 : i32
    %add3A_12 = arith.constant 0 : i32
    %add3A_13 = arith.addi %add3A_12, %mul3A_11 : i32
    "tpu.region"() ({
      %run_scoped3A_29 = tpu.sem_alloc : memref<!tpu.dma_semaphore, #tpu.memory_space<semaphore_mem>>
      %dma_start3A = arith.constant 0 : i32
      %dma_start3A_30 = tpu.memref_slice %arg5[%add3A_13, %dma_start3A] : memref<16384x128xf32, #tpu.memory_space<hbm>> -> memref<256x128xf32, #tpu.memory_space<hbm>>
      %dma_start3A_31 = arith.constant 0 : i32
      %dma_start3A_32 = tpu.memref_slice %arg5[%add3A_13, %dma_start3A_31] : memref<16384x128xf32, #tpu.memory_space<hbm>> -> memref<256x128xf32, #tpu.memory_space<hbm>>
      tpu.enqueue_dma source(%arg8 : memref<256x128xf32, #tpu.memory_space<vmem>>) target(%dma_start3A_32 : memref<256x128xf32, #tpu.memory_space<hbm>>) target_semaphore(%run_scoped3A_29 : memref<!tpu.dma_semaphore, #tpu.memory_space<semaphore_mem>>)
      %dma_wait3A = arith.constant 0 : i32
      %dma_wait3A_33 = tpu.memref_slice %arg5[%add3A_13, %dma_wait3A] : memref<16384x128xf32, #tpu.memory_space<hbm>> -> memref<256x128xf32, #tpu.memory_space<hbm>>
      %dma_wait3A_34 = arith.constant 0 : i32
      %dma_wait3A_35 = tpu.memref_slice %arg5[%add3A_13, %dma_wait3A_34] : memref<16384x128xf32, #tpu.memory_space<hbm>> -> memref<256x128xf32, #tpu.memory_space<hbm>>
      tpu.wait_dma2 semaphore(%run_scoped3A_29 : memref<!tpu.dma_semaphore, #tpu.memory_space<semaphore_mem>>) src(%arg8 : memref<256x128xf32, #tpu.memory_space<vmem>>) dst(%dma_wait3A_35 : memref<256x128xf32, #tpu.memory_space<hbm>>)
      tpu.yield
    }) : () -> ()
    %run_scoped3A_14 = arith.constant 1 : i32
    "tpu.region"() ({
      %run_scoped3A_29 = tpu.sem_alloc : memref<!tpu.dma_semaphore, #tpu.memory_space<semaphore_mem>>
      %dma_start3A = arith.constant 0 : i32
      %dma_start3A_30 = tpu.memref_slice %arg2[%run_scoped3A_14, %add3A, %dma_start3A] : memref<2x32x5120xi32, #tpu.memory_space<hbm>> -> memref<1x1x5120xi32, #tpu.memory_space<hbm>>
      %dma_start3A_31 = tpu.memref_squeeze %dma_start3A_30 : memref<1x1x5120xi32, #tpu.memory_space<hbm>> -> memref<5120xi32, #tpu.memory_space<hbm>>
      %dma_start3A_32 = arith.constant 0 : i32
      %dma_start3A_33 = tpu.memref_slice %arg2[%run_scoped3A_14, %add3A, %dma_start3A_32] : memref<2x32x5120xi32, #tpu.memory_space<hbm>> -> memref<1x1x5120xi32, #tpu.memory_space<hbm>>
      %dma_start3A_34 = tpu.memref_squeeze %dma_start3A_33 : memref<1x1x5120xi32, #tpu.memory_space<hbm>> -> memref<5120xi32, #tpu.memory_space<hbm>>
      tpu.enqueue_dma source(%dma_start3A_34 : memref<5120xi32, #tpu.memory_space<hbm>>) target(%arg6 : memref<5120xi32, #tpu.memory_space<vmem>>) target_semaphore(%run_scoped3A_29 : memref<!tpu.dma_semaphore, #tpu.memory_space<semaphore_mem>>)
      %dma_wait3A = arith.constant 0 : i32
      %dma_wait3A_35 = tpu.memref_slice %arg2[%run_scoped3A_14, %add3A, %dma_wait3A] : memref<2x32x5120xi32, #tpu.memory_space<hbm>> -> memref<1x1x5120xi32, #tpu.memory_space<hbm>>
      %dma_wait3A_36 = tpu.memref_squeeze %dma_wait3A_35 : memref<1x1x5120xi32, #tpu.memory_space<hbm>> -> memref<5120xi32, #tpu.memory_space<hbm>>
      %dma_wait3A_37 = arith.constant 0 : i32
      %dma_wait3A_38 = tpu.memref_slice %arg2[%run_scoped3A_14, %add3A, %dma_wait3A_37] : memref<2x32x5120xi32, #tpu.memory_space<hbm>> -> memref<1x1x5120xi32, #tpu.memory_space<hbm>>
      %dma_wait3A_39 = tpu.memref_squeeze %dma_wait3A_38 : memref<1x1x5120xi32, #tpu.memory_space<hbm>> -> memref<5120xi32, #tpu.memory_space<hbm>>
      tpu.wait_dma2 semaphore(%run_scoped3A_29 : memref<!tpu.dma_semaphore, #tpu.memory_space<semaphore_mem>>) src(%dma_wait3A_39 : memref<5120xi32, #tpu.memory_space<hbm>>) dst(%arg6 : memref<5120xi32, #tpu.memory_space<vmem>>)
      tpu.yield
    }) : () -> ()
    "tpu.region"() ({
      %run_scoped3A_29 = tpu.sem_alloc : memref<!tpu.dma_semaphore, #tpu.memory_space<semaphore_mem>>
      tpu.enqueue_dma source(%arg4 : memref<256x128xf32, #tpu.memory_space<hbm>>) target(%arg8 : memref<256x128xf32, #tpu.memory_space<vmem>>) target_semaphore(%run_scoped3A_29 : memref<!tpu.dma_semaphore, #tpu.memory_space<semaphore_mem>>)
      tpu.wait_dma2 semaphore(%run_scoped3A_29 : memref<!tpu.dma_semaphore, #tpu.memory_space<semaphore_mem>>) src(%arg4 : memref<256x128xf32, #tpu.memory_space<hbm>>) dst(%arg8 : memref<256x128xf32, #tpu.memory_space<vmem>>)
      tpu.yield
    }) : () -> ()
    %scan3A_15 = arith.constant 0 : i32
    %scan3A_16 = arith.constant 320 : i32
    %scan3A_17 = arith.addi %scan3A_15, %scan3A_16 : i32
    %scan3A_18 = arith.constant 8 : i32
    scf.for %scan3A_29 = %scan3A_15 to %scan3A_17 step %scan3A_18  : i32 {
      %mul3A_30 = arith.constant 1 : i32
      %mul3A_31 = arith.muli %scan3A_29, %mul3A_30 : i32
      %add3A_32 = arith.constant 0 : i32
      %add3A_33 = arith.addi %add3A_32, %mul3A_31 : i32
      %mul3A_34 = arith.constant 16 : i32
      %mul3A_35 = arith.muli %add3A_33, %mul3A_34 : i32
      %get3A = arith.index_cast %mul3A_35 : i32 to index
      %get3A_36 = tpu.vector_load %arg6[%get3A] {strides = array<i32>} : memref<5120xi32, #tpu.memory_space<vmem>>, vector<16xi32>,
      %get3A_37 = vector.shape_cast %get3A_36 : vector<16xi32> to vector<16xi32>
      %ge3A = arith.constant 0 : i32
      %ge3A_38 = vector.broadcast %ge3A : i32 to vector<16xi32>
      %ge3A_39 = arith.cmpi sge, %get3A_37, %ge3A_38 : vector<16xi32>
      %lt3A = arith.constant 10000 : i32
      %lt3A_40 = vector.broadcast %lt3A : i32 to vector<16xi32>
      %lt3A_41 = arith.cmpi slt, %get3A_37, %lt3A_40 : vector<16xi32>
      %and3A = arith.andi %ge3A_39, %lt3A_41 : vector<16xi1>
      %sub3A = arith.constant 0 : i32
      %sub3A_42 = vector.broadcast %sub3A : i32 to vector<16xi32>
      %sub3A_43 = arith.subi %get3A_37, %sub3A_42 : vector<16xi32>
      %jit3A = arith.constant -1 : i32
      %broadcast_in_dim3A = vector.broadcast %jit3A : i32 to vector<16xi32>
      %select_n3A = arith.select %and3A, %sub3A_43, %broadcast_in_dim3A : vector<16xi1>, vector<16xi32>
      %mul3A_44 = arith.constant 16 : i32
      %mul3A_45 = arith.muli %add3A_33, %mul3A_44 : i32
      %swap3A = arith.constant 0 : i32
      %swap3A_46 = arith.index_cast %swap3A : i32 to index
      %swap3A_47 = arith.index_cast %mul3A_45 : i32 to index
      %swap3A_48 = tpu.vector_load %arg7[%swap3A_46, %swap3A_47] {strides = array<i32>} : memref<2x5120xi32, #tpu.memory_space<vmem>>, vector<1x16xi32>,
      %swap3A_49 = vector.shape_cast %swap3A_48 : vector<1x16xi32> to vector<16xi32>
      %swap3A_50 = vector.shape_cast %select_n3A : vector<16xi32> to vector<1x16xi32>
      tpu.vector_store %arg7[%swap3A_46, %swap3A_47], %swap3A_50 {strides = array<i32>} : memref<2x5120xi32, #tpu.memory_space<vmem>>, vector<1x16xi32>,
      %scan3A_51 = arith.constant 1 : i32
      %scan3A_52 = arith.addi %scan3A_29, %scan3A_51 : i32
      %mul3A_53 = arith.constant 1 : i32
      %mul3A_54 = arith.muli %scan3A_52, %mul3A_53 : i32
      %add3A_55 = arith.constant 0 : i32
      %add3A_56 = arith.addi %add3A_55, %mul3A_54 : i32
      %mul3A_57 = arith.constant 16 : i32
      %mul3A_58 = arith.muli %add3A_56, %mul3A_57 : i32
      %get3A_59 = arith.index_cast %mul3A_58 : i32 to index
      %get3A_60 = tpu.vector_load %arg6[%get3A_59] {strides = array<i32>} : memref<5120xi32, #tpu.memory_space<vmem>>, vector<16xi32>,
      %get3A_61 = vector.shape_cast %get3A_60 : vector<16xi32> to vector<16xi32>
      %ge3A_62 = arith.constant 0 : i32
      %ge3A_63 = vector.broadcast %ge3A_62 : i32 to vector<16xi32>
      %ge3A_64 = arith.cmpi sge, %get3A_61, %ge3A_63 : vector<16xi32>
      %lt3A_65 = arith.constant 10000 : i32
      %lt3A_66 = vector.broadcast %lt3A_65 : i32 to vector<16xi32>
      %lt3A_67 = arith.cmpi slt, %get3A_61, %lt3A_66 : vector<16xi32>
      %and3A_68 = arith.andi %ge3A_64, %lt3A_67 : vector<16xi1>
      %sub3A_69 = arith.constant 0 : i32
      %sub3A_70 = vector.broadcast %sub3A_69 : i32 to vector<16xi32>
      %sub3A_71 = arith.subi %get3A_61, %sub3A_70 : vector<16xi32>
      %jit3A_72 = arith.constant -1 : i32
      %broadcast_in_dim3A_73 = vector.broadcast %jit3A_72 : i32 to vector<16xi32>
      %select_n3A_74 = arith.select %and3A_68, %sub3A_71, %broadcast_in_dim3A_73 : vector<16xi1>, vector<16xi32>
      %mul3A_75 = arith.constant 16 : i32
      %mul3A_76 = arith.muli %add3A_56, %mul3A_75 : i32
      %swap3A_77 = arith.constant 0 : i32
      %swap3A_78 = arith.index_cast %swap3A_77 : i32 to index
      %swap3A_79 = arith.index_cast %mul3A_76 : i32 to index
      %swap3A_80 = tpu.vector_load %arg7[%swap3A_78, %swap3A_79] {strides = array<i32>} : memref<2x5120xi32, #tpu.memory_space<vmem>>, vector<1x16xi32>,
      %swap3A_81 = vector.shape_cast %swap3A_80 : vector<1x16xi32> to vector<16xi32>
      %swap3A_82 = vector.shape_cast %select_n3A_74 : vector<16xi32> to vector<1x16xi32>
      tpu.vector_store %arg7[%swap3A_78, %swap3A_79], %swap3A_82 {strides = array<i32>} : memref<2x5120xi32, #tpu.memory_space<vmem>>, vector<1x16xi32>,
      %scan3A_83 = arith.constant 2 : i32
      %scan3A_84 = arith.addi %scan3A_29, %scan3A_83 : i32
      %mul3A_85 = arith.constant 1 : i32
      %mul3A_86 = arith.muli %scan3A_84, %mul3A_85 : i32
      %add3A_87 = arith.constant 0 : i32
      %add3A_88 = arith.addi %add3A_87, %mul3A_86 : i32
      %mul3A_89 = arith.constant 16 : i32
      %mul3A_90 = arith.muli %add3A_88, %mul3A_89 : i32
      %get3A_91 = arith.index_cast %mul3A_90 : i32 to index
      %get3A_92 = tpu.vector_load %arg6[%get3A_91] {strides = array<i32>} : memref<5120xi32, #tpu.memory_space<vmem>>, vector<16xi32>,
      %get3A_93 = vector.shape_cast %get3A_92 : vector<16xi32> to vector<16xi32>
      %ge3A_94 = arith.constant 0 : i32
      %ge3A_95 = vector.broadcast %ge3A_94 : i32 to vector<16xi32>
      %ge3A_96 = arith.cmpi sge, %get3A_93, %ge3A_95 : vector<16xi32>
      %lt3A_97 = arith.constant 10000 : i32
      %lt3A_98 = vector.broadcast %lt3A_97 : i32 to vector<16xi32>
      %lt3A_99 = arith.cmpi slt, %get3A_93, %lt3A_98 : vector<16xi32>
      %and3A_100 = arith.andi %ge3A_96, %lt3A_99 : vector<16xi1>
      %sub3A_101 = arith.constant 0 : i32
      %sub3A_102 = vector.broadcast %sub3A_101 : i32 to vector<16xi32>
      %sub3A_103 = arith.subi %get3A_93, %sub3A_102 : vector<16xi32>
      %jit3A_104 = arith.constant -1 : i32
      %broadcast_in_dim3A_105 = vector.broadcast %jit3A_104 : i32 to vector<16xi32>
      %select_n3A_106 = arith.select %and3A_100, %sub3A_103, %broadcast_in_dim3A_105 : vector<16xi1>, vector<16xi32>
      %mul3A_107 = arith.constant 16 : i32
      %mul3A_108 = arith.muli %add3A_88, %mul3A_107 : i32
      %swap3A_109 = arith.constant 0 : i32
      %swap3A_110 = arith.index_cast %swap3A_109 : i32 to index
      %swap3A_111 = arith.index_cast %mul3A_108 : i32 to index
      %swap3A_112 = tpu.vector_load %arg7[%swap3A_110, %swap3A_111] {strides = array<i32>} : memref<2x5120xi32, #tpu.memory_space<vmem>>, vector<1x16xi32>,
      %swap3A_113 = vector.shape_cast %swap3A_112 : vector<1x16xi32> to vector<16xi32>
      %swap3A_114 = vector.shape_cast %select_n3A_106 : vector<16xi32> to vector<1x16xi32>
      tpu.vector_store %arg7[%swap3A_110, %swap3A_111], %swap3A_114 {strides = array<i32>} : memref<2x5120xi32, #tpu.memory_space<vmem>>, vector<1x16xi32>,
      %scan3A_115 = arith.constant 3 : i32
      %scan3A_116 = arith.addi %scan3A_29, %scan3A_115 : i32
      %mul3A_117 = arith.constant 1 : i32
      %mul3A_118 = arith.muli %scan3A_116, %mul3A_117 : i32
      %add3A_119 = arith.constant 0 : i32
      %add3A_120 = arith.addi %add3A_119, %mul3A_118 : i32
      %mul3A_121 = arith.constant 16 : i32
      %mul3A_122 = arith.muli %add3A_120, %mul3A_121 : i32
      %get3A_123 = arith.index_cast %mul3A_122 : i32 to index
      %get3A_124 = tpu.vector_load %arg6[%get3A_123] {strides = array<i32>} : memref<5120xi32, #tpu.memory_space<vmem>>, vector<16xi32>,
      %get3A_125 = vector.shape_cast %get3A_124 : vector<16xi32> to vector<16xi32>
      %ge3A_126 = arith.constant 0 : i32
      %ge3A_127 = vector.broadcast %ge3A_126 : i32 to vector<16xi32>
      %ge3A_128 = arith.cmpi sge, %get3A_125, %ge3A_127 : vector<16xi32>
      %lt3A_129 = arith.constant 10000 : i32
      %lt3A_130 = vector.broadcast %lt3A_129 : i32 to vector<16xi32>
      %lt3A_131 = arith.cmpi slt, %get3A_125, %lt3A_130 : vector<16xi32>
      %and3A_132 = arith.andi %ge3A_128, %lt3A_131 : vector<16xi1>
      %sub3A_133 = arith.constant 0 : i32
      %sub3A_134 = vector.broadcast %sub3A_133 : i32 to vector<16xi32>
      %sub3A_135 = arith.subi %get3A_125, %sub3A_134 : vector<16xi32>
      %jit3A_136 = arith.constant -1 : i32
      %broadcast_in_dim3A_137 = vector.broadcast %jit3A_136 : i32 to vector<16xi32>
      %select_n3A_138 = arith.select %and3A_132, %sub3A_135, %broadcast_in_dim3A_137 : vector<16xi1>, vector<16xi32>
      %mul3A_139 = arith.constant 16 : i32
      %mul3A_140 = arith.muli %add3A_120, %mul3A_139 : i32
      %swap3A_141 = arith.constant 0 : i32
      %swap3A_142 = arith.index_cast %swap3A_141 : i32 to index
      %swap3A_143 = arith.index_cast %mul3A_140 : i32 to index
      %swap3A_144 = tpu.vector_load %arg7[%swap3A_142, %swap3A_143] {strides = array<i32>} : memref<2x5120xi32, #tpu.memory_space<vmem>>, vector<1x16xi32>,
      %swap3A_145 = vector.shape_cast %swap3A_144 : vector<1x16xi32> to vector<16xi32>
      %swap3A_146 = vector.shape_cast %select_n3A_138 : vector<16xi32> to vector<1x16xi32>
      tpu.vector_store %arg7[%swap3A_142, %swap3A_143], %swap3A_146 {strides = array<i32>} : memref<2x5120xi32, #tpu.memory_space<vmem>>, vector<1x16xi32>,
      %scan3A_147 = arith.constant 4 : i32
      %scan3A_148 = arith.addi %scan3A_29, %scan3A_147 : i32
      %mul3A_149 = arith.constant 1 : i32
      %mul3A_150 = arith.muli %scan3A_148, %mul3A_149 : i32
      %add3A_151 = arith.constant 0 : i32
      %add3A_152 = arith.addi %add3A_151, %mul3A_150 : i32
      %mul3A_153 = arith.constant 16 : i32
      %mul3A_154 = arith.muli %add3A_152, %mul3A_153 : i32
      %get3A_155 = arith.index_cast %mul3A_154 : i32 to index
      %get3A_156 = tpu.vector_load %arg6[%get3A_155] {strides = array<i32>} : memref<5120xi32, #tpu.memory_space<vmem>>, vector<16xi32>,
      %get3A_157 = vector.shape_cast %get3A_156 : vector<16xi32> to vector<16xi32>
      %ge3A_158 = arith.constant 0 : i32
      %ge3A_159 = vector.broadcast %ge3A_158 : i32 to vector<16xi32>
      %ge3A_160 = arith.cmpi sge, %get3A_157, %ge3A_159 : vector<16xi32>
      %lt3A_161 = arith.constant 10000 : i32
      %lt3A_162 = vector.broadcast %lt3A_161 : i32 to vector<16xi32>
      %lt3A_163 = arith.cmpi slt, %get3A_157, %lt3A_162 : vector<16xi32>
      %and3A_164 = arith.andi %ge3A_160, %lt3A_163 : vector<16xi1>
      %sub3A_165 = arith.constant 0 : i32
      %sub3A_166 = vector.broadcast %sub3A_165 : i32 to vector<16xi32>
      %sub3A_167 = arith.subi %get3A_157, %sub3A_166 : vector<16xi32>
      %jit3A_168 = arith.constant -1 : i32
      %broadcast_in_dim3A_169 = vector.broadcast %jit3A_168 : i32 to vector<16xi32>
      %select_n3A_170 = arith.select %and3A_164, %sub3A_167, %broadcast_in_dim3A_169 : vector<16xi1>, vector<16xi32>
      %mul3A_171 = arith.constant 16 : i32
      %mul3A_172 = arith.muli %add3A_152, %mul3A_171 : i32
      %swap3A_173 = arith.constant 0 : i32
      %swap3A_174 = arith.index_cast %swap3A_173 : i32 to index
      %swap3A_175 = arith.index_cast %mul3A_172 : i32 to index
      %swap3A_176 = tpu.vector_load %arg7[%swap3A_174, %swap3A_175] {strides = array<i32>} : memref<2x5120xi32, #tpu.memory_space<vmem>>, vector<1x16xi32>,
      %swap3A_177 = vector.shape_cast %swap3A_176 : vector<1x16xi32> to vector<16xi32>
      %swap3A_178 = vector.shape_cast %select_n3A_170 : vector<16xi32> to vector<1x16xi32>
      tpu.vector_store %arg7[%swap3A_174, %swap3A_175], %swap3A_178 {strides = array<i32>} : memref<2x5120xi32, #tpu.memory_space<vmem>>, vector<1x16xi32>,
      %scan3A_179 = arith.constant 5 : i32
      %scan3A_180 = arith.addi %scan3A_29, %scan3A_179 : i32
      %mul3A_181 = arith.constant 1 : i32
      %mul3A_182 = arith.muli %scan3A_180, %mul3A_181 : i32
      %add3A_183 = arith.constant 0 : i32
      %add3A_184 = arith.addi %add3A_183, %mul3A_182 : i32
      %mul3A_185 = arith.constant 16 : i32
      %mul3A_186 = arith.muli %add3A_184, %mul3A_185 : i32
      %get3A_187 = arith.index_cast %mul3A_186 : i32 to index
      %get3A_188 = tpu.vector_load %arg6[%get3A_187] {strides = array<i32>} : memref<5120xi32, #tpu.memory_space<vmem>>, vector<16xi32>,
      %get3A_189 = vector.shape_cast %get3A_188 : vector<16xi32> to vector<16xi32>
      %ge3A_190 = arith.constant 0 : i32
      %ge3A_191 = vector.broadcast %ge3A_190 : i32 to vector<16xi32>
      %ge3A_192 = arith.cmpi sge, %get3A_189, %ge3A_191 : vector<16xi32>
      %lt3A_193 = arith.constant 10000 : i32
      %lt3A_194 = vector.broadcast %lt3A_193 : i32 to vector<16xi32>
      %lt3A_195 = arith.cmpi slt, %get3A_189, %lt3A_194 : vector<16xi32>
      %and3A_196 = arith.andi %ge3A_192, %lt3A_195 : vector<16xi1>
      %sub3A_197 = arith.constant 0 : i32
      %sub3A_198 = vector.broadcast %sub3A_197 : i32 to vector<16xi32>
      %sub3A_199 = arith.subi %get3A_189, %sub3A_198 : vector<16xi32>
      %jit3A_200 = arith.constant -1 : i32
      %broadcast_in_dim3A_201 = vector.broadcast %jit3A_200 : i32 to vector<16xi32>
      %select_n3A_202 = arith.select %and3A_196, %sub3A_199, %broadcast_in_dim3A_201 : vector<16xi1>, vector<16xi32>
      %mul3A_203 = arith.constant 16 : i32
      %mul3A_204 = arith.muli %add3A_184, %mul3A_203 : i32
      %swap3A_205 = arith.constant 0 : i32
      %swap3A_206 = arith.index_cast %swap3A_205 : i32 to index
      %swap3A_207 = arith.index_cast %mul3A_204 : i32 to index
      %swap3A_208 = tpu.vector_load %arg7[%swap3A_206, %swap3A_207] {strides = array<i32>} : memref<2x5120xi32, #tpu.memory_space<vmem>>, vector<1x16xi32>,
      %swap3A_209 = vector.shape_cast %swap3A_208 : vector<1x16xi32> to vector<16xi32>
      %swap3A_210 = vector.shape_cast %select_n3A_202 : vector<16xi32> to vector<1x16xi32>
      tpu.vector_store %arg7[%swap3A_206, %swap3A_207], %swap3A_210 {strides = array<i32>} : memref<2x5120xi32, #tpu.memory_space<vmem>>, vector<1x16xi32>,
      %scan3A_211 = arith.constant 6 : i32
      %scan3A_212 = arith.addi %scan3A_29, %scan3A_211 : i32
      %mul3A_213 = arith.constant 1 : i32
      %mul3A_214 = arith.muli %scan3A_212, %mul3A_213 : i32
      %add3A_215 = arith.constant 0 : i32
      %add3A_216 = arith.addi %add3A_215, %mul3A_214 : i32
      %mul3A_217 = arith.constant 16 : i32
      %mul3A_218 = arith.muli %add3A_216, %mul3A_217 : i32
      %get3A_219 = arith.index_cast %mul3A_218 : i32 to index
      %get3A_220 = tpu.vector_load %arg6[%get3A_219] {strides = array<i32>} : memref<5120xi32, #tpu.memory_space<vmem>>, vector<16xi32>,
      %get3A_221 = vector.shape_cast %get3A_220 : vector<16xi32> to vector<16xi32>
      %ge3A_222 = arith.constant 0 : i32
      %ge3A_223 = vector.broadcast %ge3A_222 : i32 to vector<16xi32>
      %ge3A_224 = arith.cmpi sge, %get3A_221, %ge3A_223 : vector<16xi32>
      %lt3A_225 = arith.constant 10000 : i32
      %lt3A_226 = vector.broadcast %lt3A_225 : i32 to vector<16xi32>
      %lt3A_227 = arith.cmpi slt, %get3A_221, %lt3A_226 : vector<16xi32>
      %and3A_228 = arith.andi %ge3A_224, %lt3A_227 : vector<16xi1>
      %sub3A_229 = arith.constant 0 : i32
      %sub3A_230 = vector.broadcast %sub3A_229 : i32 to vector<16xi32>
      %sub3A_231 = arith.subi %get3A_221, %sub3A_230 : vector<16xi32>
      %jit3A_232 = arith.constant -1 : i32
      %broadcast_in_dim3A_233 = vector.broadcast %jit3A_232 : i32 to vector<16xi32>
      %select_n3A_234 = arith.select %and3A_228, %sub3A_231, %broadcast_in_dim3A_233 : vector<16xi1>, vector<16xi32>
      %mul3A_235 = arith.constant 16 : i32
      %mul3A_236 = arith.muli %add3A_216, %mul3A_235 : i32
      %swap3A_237 = arith.constant 0 : i32
      %swap3A_238 = arith.index_cast %swap3A_237 : i32 to index
      %swap3A_239 = arith.index_cast %mul3A_236 : i32 to index
      %swap3A_240 = tpu.vector_load %arg7[%swap3A_238, %swap3A_239] {strides = array<i32>} : memref<2x5120xi32, #tpu.memory_space<vmem>>, vector<1x16xi32>,
      %swap3A_241 = vector.shape_cast %swap3A_240 : vector<1x16xi32> to vector<16xi32>
      %swap3A_242 = vector.shape_cast %select_n3A_234 : vector<16xi32> to vector<1x16xi32>
      tpu.vector_store %arg7[%swap3A_238, %swap3A_239], %swap3A_242 {strides = array<i32>} : memref<2x5120xi32, #tpu.memory_space<vmem>>, vector<1x16xi32>,
      %scan3A_243 = arith.constant 7 : i32
      %scan3A_244 = arith.addi %scan3A_29, %scan3A_243 : i32
      %mul3A_245 = arith.constant 1 : i32
      %mul3A_246 = arith.muli %scan3A_244, %mul3A_245 : i32
      %add3A_247 = arith.constant 0 : i32
      %add3A_248 = arith.addi %add3A_247, %mul3A_246 : i32
      %mul3A_249 = arith.constant 16 : i32
      %mul3A_250 = arith.muli %add3A_248, %mul3A_249 : i32
      %get3A_251 = arith.index_cast %mul3A_250 : i32 to index
      %get3A_252 = tpu.vector_load %arg6[%get3A_251] {strides = array<i32>} : memref<5120xi32, #tpu.memory_space<vmem>>, vector<16xi32>,
      %get3A_253 = vector.shape_cast %get3A_252 : vector<16xi32> to vector<16xi32>
      %ge3A_254 = arith.constant 0 : i32
      %ge3A_255 = vector.broadcast %ge3A_254 : i32 to vector<16xi32>
      %ge3A_256 = arith.cmpi sge, %get3A_253, %ge3A_255 : vector<16xi32>
      %lt3A_257 = arith.constant 10000 : i32
      %lt3A_258 = vector.broadcast %lt3A_257 : i32 to vector<16xi32>
      %lt3A_259 = arith.cmpi slt, %get3A_253, %lt3A_258 : vector<16xi32>
      %and3A_260 = arith.andi %ge3A_256, %lt3A_259 : vector<16xi1>
      %sub3A_261 = arith.constant 0 : i32
      %sub3A_262 = vector.broadcast %sub3A_261 : i32 to vector<16xi32>
      %sub3A_263 = arith.subi %get3A_253, %sub3A_262 : vector<16xi32>
      %jit3A_264 = arith.constant -1 : i32
      %broadcast_in_dim3A_265 = vector.broadcast %jit3A_264 : i32 to vector<16xi32>
      %select_n3A_266 = arith.select %and3A_260, %sub3A_263, %broadcast_in_dim3A_265 : vector<16xi1>, vector<16xi32>
      %mul3A_267 = arith.constant 16 : i32
      %mul3A_268 = arith.muli %add3A_248, %mul3A_267 : i32
      %swap3A_269 = arith.constant 0 : i32
      %swap3A_270 = arith.index_cast %swap3A_269 : i32 to index
      %swap3A_271 = arith.index_cast %mul3A_268 : i32 to index
      %swap3A_272 = tpu.vector_load %arg7[%swap3A_270, %swap3A_271] {strides = array<i32>} : memref<2x5120xi32, #tpu.memory_space<vmem>>, vector<1x16xi32>,
      %swap3A_273 = vector.shape_cast %swap3A_272 : vector<1x16xi32> to vector<16xi32>
      %swap3A_274 = vector.shape_cast %select_n3A_266 : vector<16xi32> to vector<1x16xi32>
      tpu.vector_store %arg7[%swap3A_270, %swap3A_271], %swap3A_274 {strides = array<i32>} : memref<2x5120xi32, #tpu.memory_space<vmem>>, vector<1x16xi32>,
    }
    %scan3A_19 = arith.constant 320 : i32
    %scan3A_20 = arith.constant 0 : i32
    %scan3A_21 = arith.constant 10 : i32
    %scan3A_22 = arith.addi %scan3A_20, %scan3A_21 : i32
    %scan3A_23 = arith.constant 1 : i32
    scf.for %scan3A_29 = %scan3A_20 to %scan3A_22 step %scan3A_23  : i32 {
      %mul3A_30 = arith.constant 1 : i32
      %mul3A_31 = arith.muli %scan3A_29, %mul3A_30 : i32
      %add3A_32 = arith.constant 0 : i32
      %add3A_33 = arith.addi %add3A_32, %mul3A_31 : i32
      %mul3A_34 = arith.constant 10000 : i32
      %mul3A_35 = arith.muli %add3A_33, %mul3A_34 : i32
      %jit3A = arith.constant 2 : i32
      %eq3A = arith.constant 0 : i32
      %eq3A_36 = arith.cmpi eq, %jit3A, %eq3A : i32
      %jit3A_37 = arith.constant 1 : i32
      %select_n3A = arith.select %eq3A_36, %jit3A_37, %jit3A : i32
      %rem3A = arith.remsi %add3A_33, %select_n3A : i32
      %ne3A = arith.constant 0 : i32
      %ne3A_38 = arith.cmpi ne, %rem3A, %ne3A : i32
      %lt3A = arith.constant 0 : i32
      %lt3A_39 = arith.cmpi slt, %rem3A, %lt3A : i32
      %lt3A_40 = arith.constant 0 : i32
      %lt3A_41 = arith.cmpi slt, %select_n3A, %lt3A_40 : i32
      %ne3A_42 = arith.xori %lt3A_39, %lt3A_41 : i1
      %and3A = arith.andi %ne3A_42, %ne3A_38 : i1
      %add3A_43 = arith.addi %rem3A, %select_n3A : i32
      %select_n3A_44 = arith.select %and3A, %add3A_43, %rem3A : i32
      %lt3A_45 = arith.constant 10 : i32
      %lt3A_46 = arith.cmpi slt, %arg1, %lt3A_45 : i32
      %convert_element_type3A = arith.extui %lt3A_46 : i1 to i32
      %cond3A = arith.constant 0 : i32
      %cond3A_47 = arith.cmpi ne, %convert_element_type3A, %cond3A : i32
      scf.if %cond3A_47 {
        %mul3A_814 = arith.constant 1000 : i32
        %mul3A_815 = arith.muli %arg1, %mul3A_814 : i32
        %add3A_816 = arith.addi %mul3A_35, %mul3A_815 : i32
        %mul3A_817 = arith.constant 1000 : i32
        %mul3A_818 = arith.muli %arg1, %mul3A_817 : i32
        "tpu.region"() ({
          %run_scoped3A_819 = tpu.sem_alloc : memref<!tpu.dma_semaphore, #tpu.memory_space<semaphore_mem>>
          %dma_start3A_820 = arith.constant 0 : i32
          %dma_start3A_821 = tpu.memref_slice %arg9[%mul3A_818, %dma_start3A_820] : memref<10000x128xf32, #tpu.memory_space<vmem_shared>> -> memref<1000x128xf32, #tpu.memory_space<vmem_shared>>
          %dma_start3A_822 = arith.constant 0 : i32
          %dma_start3A_823 = tpu.memref_slice %arg3[%add3A_816, %dma_start3A_822] : memref<100000x128xf32, #tpu.memory_space<hbm>> -> memref<1000x128xf32, #tpu.memory_space<hbm>>
          tpu.enqueue_dma source(%dma_start3A_823 : memref<1000x128xf32, #tpu.memory_space<hbm>>) target(%dma_start3A_821 : memref<1000x128xf32, #tpu.memory_space<vmem_shared>>) target_semaphore(%run_scoped3A_819 : memref<!tpu.dma_semaphore, #tpu.memory_space<semaphore_mem>>)
          %dma_wait3A_824 = arith.constant 0 : i32
          %dma_wait3A_825 = tpu.memref_slice %arg9[%mul3A_818, %dma_wait3A_824] : memref<10000x128xf32, #tpu.memory_space<vmem_shared>> -> memref<1000x128xf32, #tpu.memory_space<vmem_shared>>
          %dma_wait3A_826 = arith.constant 0 : i32
          %dma_wait3A_827 = tpu.memref_slice %arg3[%add3A_816, %dma_wait3A_826] : memref<100000x128xf32, #tpu.memory_space<hbm>> -> memref<1000x128xf32, #tpu.memory_space<hbm>>
          tpu.wait_dma2 semaphore(%run_scoped3A_819 : memref<!tpu.dma_semaphore, #tpu.memory_space<semaphore_mem>>) src(%dma_wait3A_827 : memref<1000x128xf32, #tpu.memory_space<hbm>>) dst(%dma_wait3A_825 : memref<1000x128xf32, #tpu.memory_space<vmem_shared>>)
          tpu.yield
        }) : () -> ()
      } else {
      }
      %barrier3A = arith.constant 0 : index
      tpu.barrier barrier_id(%barrier3A)
      %dma_start3A = arith.constant 0 : i32
      %dma_start3A_48 = arith.constant 0 : i32
      %dma_start3A_49 = tpu.memref_slice %arg8[%dma_start3A, %dma_start3A_48] : memref<256x128xf32, #tpu.memory_space<vmem>> -> memref<128x128xf32, #tpu.memory_space<vmem>>
      %dma_start3A_50 = arith.constant 0 : i32
      %dma_start3A_51 = tpu.memref_slice %arg7[%select_n3A_44, %dma_start3A_50] : memref<2x5120xi32, #tpu.memory_space<vmem>> -> memref<1x128xi32, #tpu.memory_space<vmem>>
      %dma_start3A_52 = tpu.memref_squeeze %dma_start3A_51 : memref<1x128xi32, #tpu.memory_space<vmem>> -> memref<128xi32, #tpu.memory_space<vmem>>
      %dma_start3A_53 = arith.constant 0 : i32
      %dma_start3A_54 = arith.constant 0 : i32
      %dma_start3A_55 = tpu.memref_slice %arg9[%dma_start3A_53, %dma_start3A_54] : memref<10000x128xf32, #tpu.memory_space<vmem_shared>> -> memref<10000x128xf32, #tpu.memory_space<vmem_shared>>
      %dma_start3A_56 = arith.constant -1 : i32
      tpu.enqueue_indirect_dma source(%dma_start3A_55 : memref<10000x128xf32, #tpu.memory_space<vmem_shared>>) target(%dma_start3A_49 : memref<128x128xf32, #tpu.memory_space<vmem>>) offsets(%dma_start3A_52 : memref<128xi32, #tpu.memory_space<vmem>>) offset_filter(%dma_start3A_56) semaphore(%arg10 : memref<!tpu.dma_semaphore, #tpu.memory_space<semaphore_mem>>) {add = true}
      %dma_start3A_57 = arith.constant 0 : i32
      %dma_start3A_58 = arith.constant 0 : i32
      %dma_start3A_59 = tpu.memref_slice %arg8[%dma_start3A_57, %dma_start3A_58] : memref<256x128xf32, #tpu.memory_space<vmem>> -> memref<128x128xf32, #tpu.memory_space<vmem>>
      %dma_start3A_60 = arith.constant 256 : i32
      %dma_start3A_61 = tpu.memref_slice %arg7[%select_n3A_44, %dma_start3A_60] : memref<2x5120xi32, #tpu.memory_space<vmem>> -> memref<1x128xi32, #tpu.memory_space<vmem>>
      %dma_start3A_62 = tpu.memref_squeeze %dma_start3A_61 : memref<1x128xi32, #tpu.memory_space<vmem>> -> memref<128xi32, #tpu.memory_space<vmem>>
      %dma_start3A_63 = arith.constant 0 : i32
      %dma_start3A_64 = arith.constant 0 : i32
      %dma_start3A_65 = tpu.memref_slice %arg9[%dma_start3A_63, %dma_start3A_64] : memref<10000x128xf32, #tpu.memory_space<vmem_shared>> -> memref<10000x128xf32, #tpu.memory_space<vmem_shared>>
      %dma_start3A_66 = arith.constant -1 : i32
      tpu.enqueue_indirect_dma source(%dma_start3A_65 : memref<10000x128xf32, #tpu.memory_space<vmem_shared>>) target(%dma_start3A_59 : memref<128x128xf32, #tpu.memory_space<vmem>>) offsets(%dma_start3A_62 : memref<128xi32, #tpu.memory_space<vmem>>) offset_filter(%dma_start3A_66) semaphore(%arg10 : memref<!tpu.dma_semaphore, #tpu.memory_space<semaphore_mem>>) {add = true}
      %dma_start3A_67 = arith.constant 0 : i32
      %dma_start3A_68 = arith.constant 0 : i32
      %dma_start3A_69 = tpu.memref_slice %arg8[%dma_start3A_67, %dma_start3A_68] : memref<256x128xf32, #tpu.memory_space<vmem>> -> memref<128x128xf32, #tpu.memory_space<vmem>>
      %dma_start3A_70 = arith.constant 512 : i32
      %dma_start3A_71 = tpu.memref_slice %arg7[%select_n3A_44, %dma_start3A_70] : memref<2x5120xi32, #tpu.memory_space<vmem>> -> memref<1x128xi32, #tpu.memory_space<vmem>>
      %dma_start3A_72 = tpu.memref_squeeze %dma_start3A_71 : memref<1x128xi32, #tpu.memory_space<vmem>> -> memref<128xi32, #tpu.memory_space<vmem>>
      %dma_start3A_73 = arith.constant 0 : i32
      %dma_start3A_74 = arith.constant 0 : i32
      %dma_start3A_75 = tpu.memref_slice %arg9[%dma_start3A_73, %dma_start3A_74] : memref<10000x128xf32, #tpu.memory_space<vmem_shared>> -> memref<10000x128xf32, #tpu.memory_space<vmem_shared>>
      %dma_start3A_76 = arith.constant -1 : i32
      tpu.enqueue_indirect_dma source(%dma_start3A_75 : memref<10000x128xf32, #tpu.memory_space<vmem_shared>>) target(%dma_start3A_69 : memref<128x128xf32, #tpu.memory_space<vmem>>) offsets(%dma_start3A_72 : memref<128xi32, #tpu.memory_space<vmem>>) offset_filter(%dma_start3A_76) semaphore(%arg10 : memref<!tpu.dma_semaphore, #tpu.memory_space<semaphore_mem>>) {add = true}
      %dma_start3A_77 = arith.constant 0 : i32
      %dma_start3A_78 = arith.constant 0 : i32
      %dma_start3A_79 = tpu.memref_slice %arg8[%dma_start3A_77, %dma_start3A_78] : memref<256x128xf32, #tpu.memory_space<vmem>> -> memref<128x128xf32, #tpu.memory_space<vmem>>
      %dma_start3A_80 = arith.constant 768 : i32
      %dma_start3A_81 = tpu.memref_slice %arg7[%select_n3A_44, %dma_start3A_80] : memref<2x5120xi32, #tpu.memory_space<vmem>> -> memref<1x128xi32, #tpu.memory_space<vmem>>
      %dma_start3A_82 = tpu.memref_squeeze %dma_start3A_81 : memref<1x128xi32, #tpu.memory_space<vmem>> -> memref<128xi32, #tpu.memory_space<vmem>>
      %dma_start3A_83 = arith.constant 0 : i32
      %dma_start3A_84 = arith.constant 0 : i32
      %dma_start3A_85 = tpu.memref_slice %arg9[%dma_start3A_83, %dma_start3A_84] : memref<10000x128xf32, #tpu.memory_space<vmem_shared>> -> memref<10000x128xf32, #tpu.memory_space<vmem_shared>>
      %dma_start3A_86 = arith.constant -1 : i32
      tpu.enqueue_indirect_dma source(%dma_start3A_85 : memref<10000x128xf32, #tpu.memory_space<vmem_shared>>) target(%dma_start3A_79 : memref<128x128xf32, #tpu.memory_space<vmem>>) offsets(%dma_start3A_82 : memref<128xi32, #tpu.memory_space<vmem>>) offset_filter(%dma_start3A_86) semaphore(%arg10 : memref<!tpu.dma_semaphore, #tpu.memory_space<semaphore_mem>>) {add = true}
      %dma_start3A_87 = arith.constant 0 : i32
      %dma_start3A_88 = arith.constant 0 : i32
      %dma_start3A_89 = tpu.memref_slice %arg8[%dma_start3A_87, %dma_start3A_88] : memref<256x128xf32, #tpu.memory_space<vmem>> -> memref<128x128xf32, #tpu.memory_space<vmem>>
      %dma_start3A_90 = arith.constant 1024 : i32
      %dma_start3A_91 = tpu.memref_slice %arg7[%select_n3A_44, %dma_start3A_90] : memref<2x5120xi32, #tpu.memory_space<vmem>> -> memref<1x128xi32, #tpu.memory_space<vmem>>
      %dma_start3A_92 = tpu.memref_squeeze %dma_start3A_91 : memref<1x128xi32, #tpu.memory_space<vmem>> -> memref<128xi32, #tpu.memory_space<vmem>>
      %dma_start3A_93 = arith.constant 0 : i32
      %dma_start3A_94 = arith.constant 0 : i32
      %dma_start3A_95 = tpu.memref_slice %arg9[%dma_start3A_93, %dma_start3A_94] : memref<10000x128xf32, #tpu.memory_space<vmem_shared>> -> memref<10000x128xf32, #tpu.memory_space<vmem_shared>>
      %dma_start3A_96 = arith.constant -1 : i32
      tpu.enqueue_indirect_dma source(%dma_start3A_95 : memref<10000x128xf32, #tpu.memory_space<vmem_shared>>) target(%dma_start3A_89 : memref<128x128xf32, #tpu.memory_space<vmem>>) offsets(%dma_start3A_92 : memref<128xi32, #tpu.memory_space<vmem>>) offset_filter(%dma_start3A_96) semaphore(%arg10 : memref<!tpu.dma_semaphore, #tpu.memory_space<semaphore_mem>>) {add = true}
      %dma_start3A_97 = arith.constant 0 : i32
      %dma_start3A_98 = arith.constant 0 : i32
      %dma_start3A_99 = tpu.memref_slice %arg8[%dma_start3A_97, %dma_start3A_98] : memref<256x128xf32, #tpu.memory_space<vmem>> -> memref<128x128xf32, #tpu.memory_space<vmem>>
      %dma_start3A_100 = arith.constant 1280 : i32
      %dma_start3A_101 = tpu.memref_slice %arg7[%select_n3A_44, %dma_start3A_100] : memref<2x5120xi32, #tpu.memory_space<vmem>> -> memref<1x128xi32, #tpu.memory_space<vmem>>
      %dma_start3A_102 = tpu.memref_squeeze %dma_start3A_101 : memref<1x128xi32, #tpu.memory_space<vmem>> -> memref<128xi32, #tpu.memory_space<vmem>>
      %dma_start3A_103 = arith.constant 0 : i32
      %dma_start3A_104 = arith.constant 0 : i32
      %dma_start3A_105 = tpu.memref_slice %arg9[%dma_start3A_103, %dma_start3A_104] : memref<10000x128xf32, #tpu.memory_space<vmem_shared>> -> memref<10000x128xf32, #tpu.memory_space<vmem_shared>>
      %dma_start3A_106 = arith.constant -1 : i32
      tpu.enqueue_indirect_dma source(%dma_start3A_105 : memref<10000x128xf32, #tpu.memory_space<vmem_shared>>) target(%dma_start3A_99 : memref<128x128xf32, #tpu.memory_space<vmem>>) offsets(%dma_start3A_102 : memref<128xi32, #tpu.memory_space<vmem>>) offset_filter(%dma_start3A_106) semaphore(%arg10 : memref<!tpu.dma_semaphore, #tpu.memory_space<semaphore_mem>>) {add = true}
      %dma_start3A_107 = arith.constant 0 : i32
      %dma_start3A_108 = arith.constant 0 : i32
      %dma_start3A_109 = tpu.memref_slice %arg8[%dma_start3A_107, %dma_start3A_108] : memref<256x128xf32, #tpu.memory_space<vmem>> -> memref<128x128xf32, #tpu.memory_space<vmem>>
      %dma_start3A_110 = arith.constant 1536 : i32
      %dma_start3A_111 = tpu.memref_slice %arg7[%select_n3A_44, %dma_start3A_110] : memref<2x5120xi32, #tpu.memory_space<vmem>> -> memref<1x128xi32, #tpu.memory_space<vmem>>
      %dma_start3A_112 = tpu.memref_squeeze %dma_start3A_111 : memref<1x128xi32, #tpu.memory_space<vmem>> -> memref<128xi32, #tpu.memory_space<vmem>>
      %dma_start3A_113 = arith.constant 0 : i32
      %dma_start3A_114 = arith.constant 0 : i32
      %dma_start3A_115 = tpu.memref_slice %arg9[%dma_start3A_113, %dma_start3A_114] : memref<10000x128xf32, #tpu.memory_space<vmem_shared>> -> memref<10000x128xf32, #tpu.memory_space<vmem_shared>>
      %dma_start3A_116 = arith.constant -1 : i32
      tpu.enqueue_indirect_dma source(%dma_start3A_115 : memref<10000x128xf32, #tpu.memory_space<vmem_shared>>) target(%dma_start3A_109 : memref<128x128xf32, #tpu.memory_space<vmem>>) offsets(%dma_start3A_112 : memref<128xi32, #tpu.memory_space<vmem>>) offset_filter(%dma_start3A_116) semaphore(%arg10 : memref<!tpu.dma_semaphore, #tpu.memory_space<semaphore_mem>>) {add = true}
      %dma_start3A_117 = arith.constant 0 : i32
      %dma_start3A_118 = arith.constant 0 : i32
      %dma_start3A_119 = tpu.memref_slice %arg8[%dma_start3A_117, %dma_start3A_118] : memref<256x128xf32, #tpu.memory_space<vmem>> -> memref<128x128xf32, #tpu.memory_space<vmem>>
      %dma_start3A_120 = arith.constant 1792 : i32
      %dma_start3A_121 = tpu.memref_slice %arg7[%select_n3A_44, %dma_start3A_120] : memref<2x5120xi32, #tpu.memory_space<vmem>> -> memref<1x128xi32, #tpu.memory_space<vmem>>
      %dma_start3A_122 = tpu.memref_squeeze %dma_start3A_121 : memref<1x128xi32, #tpu.memory_space<vmem>> -> memref<128xi32, #tpu.memory_space<vmem>>
      %dma_start3A_123 = arith.constant 0 : i32
      %dma_start3A_124 = arith.constant 0 : i32
      %dma_start3A_125 = tpu.memref_slice %arg9[%dma_start3A_123, %dma_start3A_124] : memref<10000x128xf32, #tpu.memory_space<vmem_shared>> -> memref<10000x128xf32, #tpu.memory_space<vmem_shared>>
      %dma_start3A_126 = arith.constant -1 : i32
      tpu.enqueue_indirect_dma source(%dma_start3A_125 : memref<10000x128xf32, #tpu.memory_space<vmem_shared>>) target(%dma_start3A_119 : memref<128x128xf32, #tpu.memory_space<vmem>>) offsets(%dma_start3A_122 : memref<128xi32, #tpu.memory_space<vmem>>) offset_filter(%dma_start3A_126) semaphore(%arg10 : memref<!tpu.dma_semaphore, #tpu.memory_space<semaphore_mem>>) {add = true}
      %dma_start3A_127 = arith.constant 0 : i32
      %dma_start3A_128 = arith.constant 0 : i32
      %dma_start3A_129 = tpu.memref_slice %arg8[%dma_start3A_127, %dma_start3A_128] : memref<256x128xf32, #tpu.memory_space<vmem>> -> memref<128x128xf32, #tpu.memory_space<vmem>>
      %dma_start3A_130 = arith.constant 2048 : i32
      %dma_start3A_131 = tpu.memref_slice %arg7[%select_n3A_44, %dma_start3A_130] : memref<2x5120xi32, #tpu.memory_space<vmem>> -> memref<1x128xi32, #tpu.memory_space<vmem>>
      %dma_start3A_132 = tpu.memref_squeeze %dma_start3A_131 : memref<1x128xi32, #tpu.memory_space<vmem>> -> memref<128xi32, #tpu.memory_space<vmem>>
      %dma_start3A_133 = arith.constant 0 : i32
      %dma_start3A_134 = arith.constant 0 : i32
      %dma_start3A_135 = tpu.memref_slice %arg9[%dma_start3A_133, %dma_start3A_134] : memref<10000x128xf32, #tpu.memory_space<vmem_shared>> -> memref<10000x128xf32, #tpu.memory_space<vmem_shared>>
      %dma_start3A_136 = arith.constant -1 : i32
      tpu.enqueue_indirect_dma source(%dma_start3A_135 : memref<10000x128xf32, #tpu.memory_space<vmem_shared>>) target(%dma_start3A_129 : memref<128x128xf32, #tpu.memory_space<vmem>>) offsets(%dma_start3A_132 : memref<128xi32, #tpu.memory_space<vmem>>) offset_filter(%dma_start3A_136) semaphore(%arg10 : memref<!tpu.dma_semaphore, #tpu.memory_space<semaphore_mem>>) {add = true}
      %dma_start3A_137 = arith.constant 0 : i32
      %dma_start3A_138 = arith.constant 0 : i32
      %dma_start3A_139 = tpu.memref_slice %arg8[%dma_start3A_137, %dma_start3A_138] : memref<256x128xf32, #tpu.memory_space<vmem>> -> memref<128x128xf32, #tpu.memory_space<vmem>>
      %dma_start3A_140 = arith.constant 2304 : i32
      %dma_start3A_141 = tpu.memref_slice %arg7[%select_n3A_44, %dma_start3A_140] : memref<2x5120xi32, #tpu.memory_space<vmem>> -> memref<1x128xi32, #tpu.memory_space<vmem>>
      %dma_start3A_142 = tpu.memref_squeeze %dma_start3A_141 : memref<1x128xi32, #tpu.memory_space<vmem>> -> memref<128xi32, #tpu.memory_space<vmem>>
      %dma_start3A_143 = arith.constant 0 : i32
      %dma_start3A_144 = arith.constant 0 : i32
      %dma_start3A_145 = tpu.memref_slice %arg9[%dma_start3A_143, %dma_start3A_144] : memref<10000x128xf32, #tpu.memory_space<vmem_shared>> -> memref<10000x128xf32, #tpu.memory_space<vmem_shared>>
      %dma_start3A_146 = arith.constant -1 : i32
      tpu.enqueue_indirect_dma source(%dma_start3A_145 : memref<10000x128xf32, #tpu.memory_space<vmem_shared>>) target(%dma_start3A_139 : memref<128x128xf32, #tpu.memory_space<vmem>>) offsets(%dma_start3A_142 : memref<128xi32, #tpu.memory_space<vmem>>) offset_filter(%dma_start3A_146) semaphore(%arg10 : memref<!tpu.dma_semaphore, #tpu.memory_space<semaphore_mem>>) {add = true}
      %dma_start3A_147 = arith.constant 0 : i32
      %dma_start3A_148 = arith.constant 0 : i32
      %dma_start3A_149 = tpu.memref_slice %arg8[%dma_start3A_147, %dma_start3A_148] : memref<256x128xf32, #tpu.memory_space<vmem>> -> memref<128x128xf32, #tpu.memory_space<vmem>>
      %dma_start3A_150 = arith.constant 2560 : i32
      %dma_start3A_151 = tpu.memref_slice %arg7[%select_n3A_44, %dma_start3A_150] : memref<2x5120xi32, #tpu.memory_space<vmem>> -> memref<1x128xi32, #tpu.memory_space<vmem>>
      %dma_start3A_152 = tpu.memref_squeeze %dma_start3A_151 : memref<1x128xi32, #tpu.memory_space<vmem>> -> memref<128xi32, #tpu.memory_space<vmem>>
      %dma_start3A_153 = arith.constant 0 : i32
      %dma_start3A_154 = arith.constant 0 : i32
      %dma_start3A_155 = tpu.memref_slice %arg9[%dma_start3A_153, %dma_start3A_154] : memref<10000x128xf32, #tpu.memory_space<vmem_shared>> -> memref<10000x128xf32, #tpu.memory_space<vmem_shared>>
      %dma_start3A_156 = arith.constant -1 : i32
      tpu.enqueue_indirect_dma source(%dma_start3A_155 : memref<10000x128xf32, #tpu.memory_space<vmem_shared>>) target(%dma_start3A_149 : memref<128x128xf32, #tpu.memory_space<vmem>>) offsets(%dma_start3A_152 : memref<128xi32, #tpu.memory_space<vmem>>) offset_filter(%dma_start3A_156) semaphore(%arg10 : memref<!tpu.dma_semaphore, #tpu.memory_space<semaphore_mem>>) {add = true}
      %dma_start3A_157 = arith.constant 0 : i32
      %dma_start3A_158 = arith.constant 0 : i32
      %dma_start3A_159 = tpu.memref_slice %arg8[%dma_start3A_157, %dma_start3A_158] : memref<256x128xf32, #tpu.memory_space<vmem>> -> memref<128x128xf32, #tpu.memory_space<vmem>>
      %dma_start3A_160 = arith.constant 2816 : i32
      %dma_start3A_161 = tpu.memref_slice %arg7[%select_n3A_44, %dma_start3A_160] : memref<2x5120xi32, #tpu.memory_space<vmem>> -> memref<1x128xi32, #tpu.memory_space<vmem>>
      %dma_start3A_162 = tpu.memref_squeeze %dma_start3A_161 : memref<1x128xi32, #tpu.memory_space<vmem>> -> memref<128xi32, #tpu.memory_space<vmem>>
      %dma_start3A_163 = arith.constant 0 : i32
      %dma_start3A_164 = arith.constant 0 : i32
      %dma_start3A_165 = tpu.memref_slice %arg9[%dma_start3A_163, %dma_start3A_164] : memref<10000x128xf32, #tpu.memory_space<vmem_shared>> -> memref<10000x128xf32, #tpu.memory_space<vmem_shared>>
      %dma_start3A_166 = arith.constant -1 : i32
      tpu.enqueue_indirect_dma source(%dma_start3A_165 : memref<10000x128xf32, #tpu.memory_space<vmem_shared>>) target(%dma_start3A_159 : memref<128x128xf32, #tpu.memory_space<vmem>>) offsets(%dma_start3A_162 : memref<128xi32, #tpu.memory_space<vmem>>) offset_filter(%dma_start3A_166) semaphore(%arg10 : memref<!tpu.dma_semaphore, #tpu.memory_space<semaphore_mem>>) {add = true}
      %dma_start3A_167 = arith.constant 0 : i32
      %dma_start3A_168 = arith.constant 0 : i32
      %dma_start3A_169 = tpu.memref_slice %arg8[%dma_start3A_167, %dma_start3A_168] : memref<256x128xf32, #tpu.memory_space<vmem>> -> memref<128x128xf32, #tpu.memory_space<vmem>>
      %dma_start3A_170 = arith.constant 3072 : i32
      %dma_start3A_171 = tpu.memref_slice %arg7[%select_n3A_44, %dma_start3A_170] : memref<2x5120xi32, #tpu.memory_space<vmem>> -> memref<1x128xi32, #tpu.memory_space<vmem>>
      %dma_start3A_172 = tpu.memref_squeeze %dma_start3A_171 : memref<1x128xi32, #tpu.memory_space<vmem>> -> memref<128xi32, #tpu.memory_space<vmem>>
      %dma_start3A_173 = arith.constant 0 : i32
      %dma_start3A_174 = arith.constant 0 : i32
      %dma_start3A_175 = tpu.memref_slice %arg9[%dma_start3A_173, %dma_start3A_174] : memref<10000x128xf32, #tpu.memory_space<vmem_shared>> -> memref<10000x128xf32, #tpu.memory_space<vmem_shared>>
      %dma_start3A_176 = arith.constant -1 : i32
      tpu.enqueue_indirect_dma source(%dma_start3A_175 : memref<10000x128xf32, #tpu.memory_space<vmem_shared>>) target(%dma_start3A_169 : memref<128x128xf32, #tpu.memory_space<vmem>>) offsets(%dma_start3A_172 : memref<128xi32, #tpu.memory_space<vmem>>) offset_filter(%dma_start3A_176) semaphore(%arg10 : memref<!tpu.dma_semaphore, #tpu.memory_space<semaphore_mem>>) {add = true}
      %dma_start3A_177 = arith.constant 0 : i32
      %dma_start3A_178 = arith.constant 0 : i32
      %dma_start3A_179 = tpu.memref_slice %arg8[%dma_start3A_177, %dma_start3A_178] : memref<256x128xf32, #tpu.memory_space<vmem>> -> memref<128x128xf32, #tpu.memory_space<vmem>>
      %dma_start3A_180 = arith.constant 3328 : i32
      %dma_start3A_181 = tpu.memref_slice %arg7[%select_n3A_44, %dma_start3A_180] : memref<2x5120xi32, #tpu.memory_space<vmem>> -> memref<1x128xi32, #tpu.memory_space<vmem>>
      %dma_start3A_182 = tpu.memref_squeeze %dma_start3A_181 : memref<1x128xi32, #tpu.memory_space<vmem>> -> memref<128xi32, #tpu.memory_space<vmem>>
      %dma_start3A_183 = arith.constant 0 : i32
      %dma_start3A_184 = arith.constant 0 : i32
      %dma_start3A_185 = tpu.memref_slice %arg9[%dma_start3A_183, %dma_start3A_184] : memref<10000x128xf32, #tpu.memory_space<vmem_shared>> -> memref<10000x128xf32, #tpu.memory_space<vmem_shared>>
      %dma_start3A_186 = arith.constant -1 : i32
      tpu.enqueue_indirect_dma source(%dma_start3A_185 : memref<10000x128xf32, #tpu.memory_space<vmem_shared>>) target(%dma_start3A_179 : memref<128x128xf32, #tpu.memory_space<vmem>>) offsets(%dma_start3A_182 : memref<128xi32, #tpu.memory_space<vmem>>) offset_filter(%dma_start3A_186) semaphore(%arg10 : memref<!tpu.dma_semaphore, #tpu.memory_space<semaphore_mem>>) {add = true}
      %dma_start3A_187 = arith.constant 0 : i32
      %dma_start3A_188 = arith.constant 0 : i32
      %dma_start3A_189 = tpu.memref_slice %arg8[%dma_start3A_187, %dma_start3A_188] : memref<256x128xf32, #tpu.memory_space<vmem>> -> memref<128x128xf32, #tpu.memory_space<vmem>>
      %dma_start3A_190 = arith.constant 3584 : i32
      %dma_start3A_191 = tpu.memref_slice %arg7[%select_n3A_44, %dma_start3A_190] : memref<2x5120xi32, #tpu.memory_space<vmem>> -> memref<1x128xi32, #tpu.memory_space<vmem>>
      %dma_start3A_192 = tpu.memref_squeeze %dma_start3A_191 : memref<1x128xi32, #tpu.memory_space<vmem>> -> memref<128xi32, #tpu.memory_space<vmem>>
      %dma_start3A_193 = arith.constant 0 : i32
      %dma_start3A_194 = arith.constant 0 : i32
      %dma_start3A_195 = tpu.memref_slice %arg9[%dma_start3A_193, %dma_start3A_194] : memref<10000x128xf32, #tpu.memory_space<vmem_shared>> -> memref<10000x128xf32, #tpu.memory_space<vmem_shared>>
      %dma_start3A_196 = arith.constant -1 : i32
      tpu.enqueue_indirect_dma source(%dma_start3A_195 : memref<10000x128xf32, #tpu.memory_space<vmem_shared>>) target(%dma_start3A_189 : memref<128x128xf32, #tpu.memory_space<vmem>>) offsets(%dma_start3A_192 : memref<128xi32, #tpu.memory_space<vmem>>) offset_filter(%dma_start3A_196) semaphore(%arg10 : memref<!tpu.dma_semaphore, #tpu.memory_space<semaphore_mem>>) {add = true}
      %dma_start3A_197 = arith.constant 0 : i32
      %dma_start3A_198 = arith.constant 0 : i32
      %dma_start3A_199 = tpu.memref_slice %arg8[%dma_start3A_197, %dma_start3A_198] : memref<256x128xf32, #tpu.memory_space<vmem>> -> memref<128x128xf32, #tpu.memory_space<vmem>>
      %dma_start3A_200 = arith.constant 3840 : i32
      %dma_start3A_201 = tpu.memref_slice %arg7[%select_n3A_44, %dma_start3A_200] : memref<2x5120xi32, #tpu.memory_space<vmem>> -> memref<1x128xi32, #tpu.memory_space<vmem>>
      %dma_start3A_202 = tpu.memref_squeeze %dma_start3A_201 : memref<1x128xi32, #tpu.memory_space<vmem>> -> memref<128xi32, #tpu.memory_space<vmem>>
      %dma_start3A_203 = arith.constant 0 : i32
      %dma_start3A_204 = arith.constant 0 : i32
      %dma_start3A_205 = tpu.memref_slice %arg9[%dma_start3A_203, %dma_start3A_204] : memref<10000x128xf32, #tpu.memory_space<vmem_shared>> -> memref<10000x128xf32, #tpu.memory_space<vmem_shared>>
      %dma_start3A_206 = arith.constant -1 : i32
      tpu.enqueue_indirect_dma source(%dma_start3A_205 : memref<10000x128xf32, #tpu.memory_space<vmem_shared>>) target(%dma_start3A_199 : memref<128x128xf32, #tpu.memory_space<vmem>>) offsets(%dma_start3A_202 : memref<128xi32, #tpu.memory_space<vmem>>) offset_filter(%dma_start3A_206) semaphore(%arg10 : memref<!tpu.dma_semaphore, #tpu.memory_space<semaphore_mem>>) {add = true}
      %dma_start3A_207 = arith.constant 0 : i32
      %dma_start3A_208 = arith.constant 0 : i32
      %dma_start3A_209 = tpu.memref_slice %arg8[%dma_start3A_207, %dma_start3A_208] : memref<256x128xf32, #tpu.memory_space<vmem>> -> memref<128x128xf32, #tpu.memory_space<vmem>>
      %dma_start3A_210 = arith.constant 4096 : i32
      %dma_start3A_211 = tpu.memref_slice %arg7[%select_n3A_44, %dma_start3A_210] : memref<2x5120xi32, #tpu.memory_space<vmem>> -> memref<1x128xi32, #tpu.memory_space<vmem>>
      %dma_start3A_212 = tpu.memref_squeeze %dma_start3A_211 : memref<1x128xi32, #tpu.memory_space<vmem>> -> memref<128xi32, #tpu.memory_space<vmem>>
      %dma_start3A_213 = arith.constant 0 : i32
      %dma_start3A_214 = arith.constant 0 : i32
      %dma_start3A_215 = tpu.memref_slice %arg9[%dma_start3A_213, %dma_start3A_214] : memref<10000x128xf32, #tpu.memory_space<vmem_shared>> -> memref<10000x128xf32, #tpu.memory_space<vmem_shared>>
      %dma_start3A_216 = arith.constant -1 : i32
      tpu.enqueue_indirect_dma source(%dma_start3A_215 : memref<10000x128xf32, #tpu.memory_space<vmem_shared>>) target(%dma_start3A_209 : memref<128x128xf32, #tpu.memory_space<vmem>>) offsets(%dma_start3A_212 : memref<128xi32, #tpu.memory_space<vmem>>) offset_filter(%dma_start3A_216) semaphore(%arg10 : memref<!tpu.dma_semaphore, #tpu.memory_space<semaphore_mem>>) {add = true}
      %dma_start3A_217 = arith.constant 0 : i32
      %dma_start3A_218 = arith.constant 0 : i32
      %dma_start3A_219 = tpu.memref_slice %arg8[%dma_start3A_217, %dma_start3A_218] : memref<256x128xf32, #tpu.memory_space<vmem>> -> memref<128x128xf32, #tpu.memory_space<vmem>>
      %dma_start3A_220 = arith.constant 4352 : i32
      %dma_start3A_221 = tpu.memref_slice %arg7[%select_n3A_44, %dma_start3A_220] : memref<2x5120xi32, #tpu.memory_space<vmem>> -> memref<1x128xi32, #tpu.memory_space<vmem>>
      %dma_start3A_222 = tpu.memref_squeeze %dma_start3A_221 : memref<1x128xi32, #tpu.memory_space<vmem>> -> memref<128xi32, #tpu.memory_space<vmem>>
      %dma_start3A_223 = arith.constant 0 : i32
      %dma_start3A_224 = arith.constant 0 : i32
      %dma_start3A_225 = tpu.memref_slice %arg9[%dma_start3A_223, %dma_start3A_224] : memref<10000x128xf32, #tpu.memory_space<vmem_shared>> -> memref<10000x128xf32, #tpu.memory_space<vmem_shared>>
      %dma_start3A_226 = arith.constant -1 : i32
      tpu.enqueue_indirect_dma source(%dma_start3A_225 : memref<10000x128xf32, #tpu.memory_space<vmem_shared>>) target(%dma_start3A_219 : memref<128x128xf32, #tpu.memory_space<vmem>>) offsets(%dma_start3A_222 : memref<128xi32, #tpu.memory_space<vmem>>) offset_filter(%dma_start3A_226) semaphore(%arg10 : memref<!tpu.dma_semaphore, #tpu.memory_space<semaphore_mem>>) {add = true}
      %dma_start3A_227 = arith.constant 0 : i32
      %dma_start3A_228 = arith.constant 0 : i32
      %dma_start3A_229 = tpu.memref_slice %arg8[%dma_start3A_227, %dma_start3A_228] : memref<256x128xf32, #tpu.memory_space<vmem>> -> memref<128x128xf32, #tpu.memory_space<vmem>>
      %dma_start3A_230 = arith.constant 4608 : i32
      %dma_start3A_231 = tpu.memref_slice %arg7[%select_n3A_44, %dma_start3A_230] : memref<2x5120xi32, #tpu.memory_space<vmem>> -> memref<1x128xi32, #tpu.memory_space<vmem>>
      %dma_start3A_232 = tpu.memref_squeeze %dma_start3A_231 : memref<1x128xi32, #tpu.memory_space<vmem>> -> memref<128xi32, #tpu.memory_space<vmem>>
      %dma_start3A_233 = arith.constant 0 : i32
      %dma_start3A_234 = arith.constant 0 : i32
      %dma_start3A_235 = tpu.memref_slice %arg9[%dma_start3A_233, %dma_start3A_234] : memref<10000x128xf32, #tpu.memory_space<vmem_shared>> -> memref<10000x128xf32, #tpu.memory_space<vmem_shared>>
      %dma_start3A_236 = arith.constant -1 : i32
      tpu.enqueue_indirect_dma source(%dma_start3A_235 : memref<10000x128xf32, #tpu.memory_space<vmem_shared>>) target(%dma_start3A_229 : memref<128x128xf32, #tpu.memory_space<vmem>>) offsets(%dma_start3A_232 : memref<128xi32, #tpu.memory_space<vmem>>) offset_filter(%dma_start3A_236) semaphore(%arg10 : memref<!tpu.dma_semaphore, #tpu.memory_space<semaphore_mem>>) {add = true}
      %dma_start3A_237 = arith.constant 0 : i32
      %dma_start3A_238 = arith.constant 0 : i32
      %dma_start3A_239 = tpu.memref_slice %arg8[%dma_start3A_237, %dma_start3A_238] : memref<256x128xf32, #tpu.memory_space<vmem>> -> memref<128x128xf32, #tpu.memory_space<vmem>>
      %dma_start3A_240 = arith.constant 4864 : i32
      %dma_start3A_241 = tpu.memref_slice %arg7[%select_n3A_44, %dma_start3A_240] : memref<2x5120xi32, #tpu.memory_space<vmem>> -> memref<1x128xi32, #tpu.memory_space<vmem>>
      %dma_start3A_242 = tpu.memref_squeeze %dma_start3A_241 : memref<1x128xi32, #tpu.memory_space<vmem>> -> memref<128xi32, #tpu.memory_space<vmem>>
      %dma_start3A_243 = arith.constant 0 : i32
      %dma_start3A_244 = arith.constant 0 : i32
      %dma_start3A_245 = tpu.memref_slice %arg9[%dma_start3A_243, %dma_start3A_244] : memref<10000x128xf32, #tpu.memory_space<vmem_shared>> -> memref<10000x128xf32, #tpu.memory_space<vmem_shared>>
      %dma_start3A_246 = arith.constant -1 : i32
      tpu.enqueue_indirect_dma source(%dma_start3A_245 : memref<10000x128xf32, #tpu.memory_space<vmem_shared>>) target(%dma_start3A_239 : memref<128x128xf32, #tpu.memory_space<vmem>>) offsets(%dma_start3A_242 : memref<128xi32, #tpu.memory_space<vmem>>) offset_filter(%dma_start3A_246) semaphore(%arg10 : memref<!tpu.dma_semaphore, #tpu.memory_space<semaphore_mem>>) {add = true}
      %dma_start3A_247 = arith.constant 128 : i32
      %dma_start3A_248 = arith.constant 0 : i32
      %dma_start3A_249 = tpu.memref_slice %arg8[%dma_start3A_247, %dma_start3A_248] : memref<256x128xf32, #tpu.memory_space<vmem>> -> memref<128x128xf32, #tpu.memory_space<vmem>>
      %dma_start3A_250 = arith.constant 128 : i32
      %dma_start3A_251 = tpu.memref_slice %arg7[%select_n3A_44, %dma_start3A_250] : memref<2x5120xi32, #tpu.memory_space<vmem>> -> memref<1x128xi32, #tpu.memory_space<vmem>>
      %dma_start3A_252 = tpu.memref_squeeze %dma_start3A_251 : memref<1x128xi32, #tpu.memory_space<vmem>> -> memref<128xi32, #tpu.memory_space<vmem>>
      %dma_start3A_253 = arith.constant 0 : i32
      %dma_start3A_254 = arith.constant 0 : i32
      %dma_start3A_255 = tpu.memref_slice %arg9[%dma_start3A_253, %dma_start3A_254] : memref<10000x128xf32, #tpu.memory_space<vmem_shared>> -> memref<10000x128xf32, #tpu.memory_space<vmem_shared>>
      %dma_start3A_256 = arith.constant -1 : i32
      tpu.enqueue_indirect_dma source(%dma_start3A_255 : memref<10000x128xf32, #tpu.memory_space<vmem_shared>>) target(%dma_start3A_249 : memref<128x128xf32, #tpu.memory_space<vmem>>) offsets(%dma_start3A_252 : memref<128xi32, #tpu.memory_space<vmem>>) offset_filter(%dma_start3A_256) semaphore(%arg10 : memref<!tpu.dma_semaphore, #tpu.memory_space<semaphore_mem>>) {add = true}
      %dma_start3A_257 = arith.constant 128 : i32
      %dma_start3A_258 = arith.constant 0 : i32
      %dma_start3A_259 = tpu.memref_slice %arg8[%dma_start3A_257, %dma_start3A_258] : memref<256x128xf32, #tpu.memory_space<vmem>> -> memref<128x128xf32, #tpu.memory_space<vmem>>
      %dma_start3A_260 = arith.constant 384 : i32
      %dma_start3A_261 = tpu.memref_slice %arg7[%select_n3A_44, %dma_start3A_260] : memref<2x5120xi32, #tpu.memory_space<vmem>> -> memref<1x128xi32, #tpu.memory_space<vmem>>
      %dma_start3A_262 = tpu.memref_squeeze %dma_start3A_261 : memref<1x128xi32, #tpu.memory_space<vmem>> -> memref<128xi32, #tpu.memory_space<vmem>>
      %dma_start3A_263 = arith.constant 0 : i32
      %dma_start3A_264 = arith.constant 0 : i32
      %dma_start3A_265 = tpu.memref_slice %arg9[%dma_start3A_263, %dma_start3A_264] : memref<10000x128xf32, #tpu.memory_space<vmem_shared>> -> memref<10000x128xf32, #tpu.memory_space<vmem_shared>>
      %dma_start3A_266 = arith.constant -1 : i32
      tpu.enqueue_indirect_dma source(%dma_start3A_265 : memref<10000x128xf32, #tpu.memory_space<vmem_shared>>) target(%dma_start3A_259 : memref<128x128xf32, #tpu.memory_space<vmem>>) offsets(%dma_start3A_262 : memref<128xi32, #tpu.memory_space<vmem>>) offset_filter(%dma_start3A_266) semaphore(%arg10 : memref<!tpu.dma_semaphore, #tpu.memory_space<semaphore_mem>>) {add = true}
      %dma_start3A_267 = arith.constant 128 : i32
      %dma_start3A_268 = arith.constant 0 : i32
      %dma_start3A_269 = tpu.memref_slice %arg8[%dma_start3A_267, %dma_start3A_268] : memref<256x128xf32, #tpu.memory_space<vmem>> -> memref<128x128xf32, #tpu.memory_space<vmem>>
      %dma_start3A_270 = arith.constant 640 : i32
      %dma_start3A_271 = tpu.memref_slice %arg7[%select_n3A_44, %dma_start3A_270] : memref<2x5120xi32, #tpu.memory_space<vmem>> -> memref<1x128xi32, #tpu.memory_space<vmem>>
      %dma_start3A_272 = tpu.memref_squeeze %dma_start3A_271 : memref<1x128xi32, #tpu.memory_space<vmem>> -> memref<128xi32, #tpu.memory_space<vmem>>
      %dma_start3A_273 = arith.constant 0 : i32
      %dma_start3A_274 = arith.constant 0 : i32
      %dma_start3A_275 = tpu.memref_slice %arg9[%dma_start3A_273, %dma_start3A_274] : memref<10000x128xf32, #tpu.memory_space<vmem_shared>> -> memref<10000x128xf32, #tpu.memory_space<vmem_shared>>
      %dma_start3A_276 = arith.constant -1 : i32
      tpu.enqueue_indirect_dma source(%dma_start3A_275 : memref<10000x128xf32, #tpu.memory_space<vmem_shared>>) target(%dma_start3A_269 : memref<128x128xf32, #tpu.memory_space<vmem>>) offsets(%dma_start3A_272 : memref<128xi32, #tpu.memory_space<vmem>>) offset_filter(%dma_start3A_276) semaphore(%arg10 : memref<!tpu.dma_semaphore, #tpu.memory_space<semaphore_mem>>) {add = true}
      %dma_start3A_277 = arith.constant 128 : i32
      %dma_start3A_278 = arith.constant 0 : i32
      %dma_start3A_279 = tpu.memref_slice %arg8[%dma_start3A_277, %dma_start3A_278] : memref<256x128xf32, #tpu.memory_space<vmem>> -> memref<128x128xf32, #tpu.memory_space<vmem>>
      %dma_start3A_280 = arith.constant 896 : i32
      %dma_start3A_281 = tpu.memref_slice %arg7[%select_n3A_44, %dma_start3A_280] : memref<2x5120xi32, #tpu.memory_space<vmem>> -> memref<1x128xi32, #tpu.memory_space<vmem>>
      %dma_start3A_282 = tpu.memref_squeeze %dma_start3A_281 : memref<1x128xi32, #tpu.memory_space<vmem>> -> memref<128xi32, #tpu.memory_space<vmem>>
      %dma_start3A_283 = arith.constant 0 : i32
      %dma_start3A_284 = arith.constant 0 : i32
      %dma_start3A_285 = tpu.memref_slice %arg9[%dma_start3A_283, %dma_start3A_284] : memref<10000x128xf32, #tpu.memory_space<vmem_shared>> -> memref<10000x128xf32, #tpu.memory_space<vmem_shared>>
      %dma_start3A_286 = arith.constant -1 : i32
      tpu.enqueue_indirect_dma source(%dma_start3A_285 : memref<10000x128xf32, #tpu.memory_space<vmem_shared>>) target(%dma_start3A_279 : memref<128x128xf32, #tpu.memory_space<vmem>>) offsets(%dma_start3A_282 : memref<128xi32, #tpu.memory_space<vmem>>) offset_filter(%dma_start3A_286) semaphore(%arg10 : memref<!tpu.dma_semaphore, #tpu.memory_space<semaphore_mem>>) {add = true}
      %dma_start3A_287 = arith.constant 128 : i32
      %dma_start3A_288 = arith.constant 0 : i32
      %dma_start3A_289 = tpu.memref_slice %arg8[%dma_start3A_287, %dma_start3A_288] : memref<256x128xf32, #tpu.memory_space<vmem>> -> memref<128x128xf32, #tpu.memory_space<vmem>>
      %dma_start3A_290 = arith.constant 1152 : i32
      %dma_start3A_291 = tpu.memref_slice %arg7[%select_n3A_44, %dma_start3A_290] : memref<2x5120xi32, #tpu.memory_space<vmem>> -> memref<1x128xi32, #tpu.memory_space<vmem>>
      %dma_start3A_292 = tpu.memref_squeeze %dma_start3A_291 : memref<1x128xi32, #tpu.memory_space<vmem>> -> memref<128xi32, #tpu.memory_space<vmem>>
      %dma_start3A_293 = arith.constant 0 : i32
      %dma_start3A_294 = arith.constant 0 : i32
      %dma_start3A_295 = tpu.memref_slice %arg9[%dma_start3A_293, %dma_start3A_294] : memref<10000x128xf32, #tpu.memory_space<vmem_shared>> -> memref<10000x128xf32, #tpu.memory_space<vmem_shared>>
      %dma_start3A_296 = arith.constant -1 : i32
      tpu.enqueue_indirect_dma source(%dma_start3A_295 : memref<10000x128xf32, #tpu.memory_space<vmem_shared>>) target(%dma_start3A_289 : memref<128x128xf32, #tpu.memory_space<vmem>>) offsets(%dma_start3A_292 : memref<128xi32, #tpu.memory_space<vmem>>) offset_filter(%dma_start3A_296) semaphore(%arg10 : memref<!tpu.dma_semaphore, #tpu.memory_space<semaphore_mem>>) {add = true}
      %dma_start3A_297 = arith.constant 128 : i32
      %dma_start3A_298 = arith.constant 0 : i32
      %dma_start3A_299 = tpu.memref_slice %arg8[%dma_start3A_297, %dma_start3A_298] : memref<256x128xf32, #tpu.memory_space<vmem>> -> memref<128x128xf32, #tpu.memory_space<vmem>>
      %dma_start3A_300 = arith.constant 1408 : i32
      %dma_start3A_301 = tpu.memref_slice %arg7[%select_n3A_44, %dma_start3A_300] : memref<2x5120xi32, #tpu.memory_space<vmem>> -> memref<1x128xi32, #tpu.memory_space<vmem>>
      %dma_start3A_302 = tpu.memref_squeeze %dma_start3A_301 : memref<1x128xi32, #tpu.memory_space<vmem>> -> memref<128xi32, #tpu.memory_space<vmem>>
      %dma_start3A_303 = arith.constant 0 : i32
      %dma_start3A_304 = arith.constant 0 : i32
      %dma_start3A_305 = tpu.memref_slice %arg9[%dma_start3A_303, %dma_start3A_304] : memref<10000x128xf32, #tpu.memory_space<vmem_shared>> -> memref<10000x128xf32, #tpu.memory_space<vmem_shared>>
      %dma_start3A_306 = arith.constant -1 : i32
      tpu.enqueue_indirect_dma source(%dma_start3A_305 : memref<10000x128xf32, #tpu.memory_space<vmem_shared>>) target(%dma_start3A_299 : memref<128x128xf32, #tpu.memory_space<vmem>>) offsets(%dma_start3A_302 : memref<128xi32, #tpu.memory_space<vmem>>) offset_filter(%dma_start3A_306) semaphore(%arg10 : memref<!tpu.dma_semaphore, #tpu.memory_space<semaphore_mem>>) {add = true}
      %dma_start3A_307 = arith.constant 128 : i32
      %dma_start3A_308 = arith.constant 0 : i32
      %dma_start3A_309 = tpu.memref_slice %arg8[%dma_start3A_307, %dma_start3A_308] : memref<256x128xf32, #tpu.memory_space<vmem>> -> memref<128x128xf32, #tpu.memory_space<vmem>>
      %dma_start3A_310 = arith.constant 1664 : i32
      %dma_start3A_311 = tpu.memref_slice %arg7[%select_n3A_44, %dma_start3A_310] : memref<2x5120xi32, #tpu.memory_space<vmem>> -> memref<1x128xi32, #tpu.memory_space<vmem>>
      %dma_start3A_312 = tpu.memref_squeeze %dma_start3A_311 : memref<1x128xi32, #tpu.memory_space<vmem>> -> memref<128xi32, #tpu.memory_space<vmem>>
      %dma_start3A_313 = arith.constant 0 : i32
      %dma_start3A_314 = arith.constant 0 : i32
      %dma_start3A_315 = tpu.memref_slice %arg9[%dma_start3A_313, %dma_start3A_314] : memref<10000x128xf32, #tpu.memory_space<vmem_shared>> -> memref<10000x128xf32, #tpu.memory_space<vmem_shared>>
      %dma_start3A_316 = arith.constant -1 : i32
      tpu.enqueue_indirect_dma source(%dma_start3A_315 : memref<10000x128xf32, #tpu.memory_space<vmem_shared>>) target(%dma_start3A_309 : memref<128x128xf32, #tpu.memory_space<vmem>>) offsets(%dma_start3A_312 : memref<128xi32, #tpu.memory_space<vmem>>) offset_filter(%dma_start3A_316) semaphore(%arg10 : memref<!tpu.dma_semaphore, #tpu.memory_space<semaphore_mem>>) {add = true}
      %dma_start3A_317 = arith.constant 128 : i32
      %dma_start3A_318 = arith.constant 0 : i32
      %dma_start3A_319 = tpu.memref_slice %arg8[%dma_start3A_317, %dma_start3A_318] : memref<256x128xf32, #tpu.memory_space<vmem>> -> memref<128x128xf32, #tpu.memory_space<vmem>>
      %dma_start3A_320 = arith.constant 1920 : i32
      %dma_start3A_321 = tpu.memref_slice %arg7[%select_n3A_44, %dma_start3A_320] : memref<2x5120xi32, #tpu.memory_space<vmem>> -> memref<1x128xi32, #tpu.memory_space<vmem>>
      %dma_start3A_322 = tpu.memref_squeeze %dma_start3A_321 : memref<1x128xi32, #tpu.memory_space<vmem>> -> memref<128xi32, #tpu.memory_space<vmem>>
      %dma_start3A_323 = arith.constant 0 : i32
      %dma_start3A_324 = arith.constant 0 : i32
      %dma_start3A_325 = tpu.memref_slice %arg9[%dma_start3A_323, %dma_start3A_324] : memref<10000x128xf32, #tpu.memory_space<vmem_shared>> -> memref<10000x128xf32, #tpu.memory_space<vmem_shared>>
      %dma_start3A_326 = arith.constant -1 : i32
      tpu.enqueue_indirect_dma source(%dma_start3A_325 : memref<10000x128xf32, #tpu.memory_space<vmem_shared>>) target(%dma_start3A_319 : memref<128x128xf32, #tpu.memory_space<vmem>>) offsets(%dma_start3A_322 : memref<128xi32, #tpu.memory_space<vmem>>) offset_filter(%dma_start3A_326) semaphore(%arg10 : memref<!tpu.dma_semaphore, #tpu.memory_space<semaphore_mem>>) {add = true}
      %dma_start3A_327 = arith.constant 128 : i32
      %dma_start3A_328 = arith.constant 0 : i32
      %dma_start3A_329 = tpu.memref_slice %arg8[%dma_start3A_327, %dma_start3A_328] : memref<256x128xf32, #tpu.memory_space<vmem>> -> memref<128x128xf32, #tpu.memory_space<vmem>>
      %dma_start3A_330 = arith.constant 2176 : i32
      %dma_start3A_331 = tpu.memref_slice %arg7[%select_n3A_44, %dma_start3A_330] : memref<2x5120xi32, #tpu.memory_space<vmem>> -> memref<1x128xi32, #tpu.memory_space<vmem>>
      %dma_start3A_332 = tpu.memref_squeeze %dma_start3A_331 : memref<1x128xi32, #tpu.memory_space<vmem>> -> memref<128xi32, #tpu.memory_space<vmem>>
      %dma_start3A_333 = arith.constant 0 : i32
      %dma_start3A_334 = arith.constant 0 : i32
      %dma_start3A_335 = tpu.memref_slice %arg9[%dma_start3A_333, %dma_start3A_334] : memref<10000x128xf32, #tpu.memory_space<vmem_shared>> -> memref<10000x128xf32, #tpu.memory_space<vmem_shared>>
      %dma_start3A_336 = arith.constant -1 : i32
      tpu.enqueue_indirect_dma source(%dma_start3A_335 : memref<10000x128xf32, #tpu.memory_space<vmem_shared>>) target(%dma_start3A_329 : memref<128x128xf32, #tpu.memory_space<vmem>>) offsets(%dma_start3A_332 : memref<128xi32, #tpu.memory_space<vmem>>) offset_filter(%dma_start3A_336) semaphore(%arg10 : memref<!tpu.dma_semaphore, #tpu.memory_space<semaphore_mem>>) {add = true}
      %dma_start3A_337 = arith.constant 128 : i32
      %dma_start3A_338 = arith.constant 0 : i32
      %dma_start3A_339 = tpu.memref_slice %arg8[%dma_start3A_337, %dma_start3A_338] : memref<256x128xf32, #tpu.memory_space<vmem>> -> memref<128x128xf32, #tpu.memory_space<vmem>>
      %dma_start3A_340 = arith.constant 2432 : i32
      %dma_start3A_341 = tpu.memref_slice %arg7[%select_n3A_44, %dma_start3A_340] : memref<2x5120xi32, #tpu.memory_space<vmem>> -> memref<1x128xi32, #tpu.memory_space<vmem>>
      %dma_start3A_342 = tpu.memref_squeeze %dma_start3A_341 : memref<1x128xi32, #tpu.memory_space<vmem>> -> memref<128xi32, #tpu.memory_space<vmem>>
      %dma_start3A_343 = arith.constant 0 : i32
      %dma_start3A_344 = arith.constant 0 : i32
      %dma_start3A_345 = tpu.memref_slice %arg9[%dma_start3A_343, %dma_start3A_344] : memref<10000x128xf32, #tpu.memory_space<vmem_shared>> -> memref<10000x128xf32, #tpu.memory_space<vmem_shared>>
      %dma_start3A_346 = arith.constant -1 : i32
      tpu.enqueue_indirect_dma source(%dma_start3A_345 : memref<10000x128xf32, #tpu.memory_space<vmem_shared>>) target(%dma_start3A_339 : memref<128x128xf32, #tpu.memory_space<vmem>>) offsets(%dma_start3A_342 : memref<128xi32, #tpu.memory_space<vmem>>) offset_filter(%dma_start3A_346) semaphore(%arg10 : memref<!tpu.dma_semaphore, #tpu.memory_space<semaphore_mem>>) {add = true}
      %dma_start3A_347 = arith.constant 128 : i32
      %dma_start3A_348 = arith.constant 0 : i32
      %dma_start3A_349 = tpu.memref_slice %arg8[%dma_start3A_347, %dma_start3A_348] : memref<256x128xf32, #tpu.memory_space<vmem>> -> memref<128x128xf32, #tpu.memory_space<vmem>>
      %dma_start3A_350 = arith.constant 2688 : i32
      %dma_start3A_351 = tpu.memref_slice %arg7[%select_n3A_44, %dma_start3A_350] : memref<2x5120xi32, #tpu.memory_space<vmem>> -> memref<1x128xi32, #tpu.memory_space<vmem>>
      %dma_start3A_352 = tpu.memref_squeeze %dma_start3A_351 : memref<1x128xi32, #tpu.memory_space<vmem>> -> memref<128xi32, #tpu.memory_space<vmem>>
      %dma_start3A_353 = arith.constant 0 : i32
      %dma_start3A_354 = arith.constant 0 : i32
      %dma_start3A_355 = tpu.memref_slice %arg9[%dma_start3A_353, %dma_start3A_354] : memref<10000x128xf32, #tpu.memory_space<vmem_shared>> -> memref<10000x128xf32, #tpu.memory_space<vmem_shared>>
      %dma_start3A_356 = arith.constant -1 : i32
      tpu.enqueue_indirect_dma source(%dma_start3A_355 : memref<10000x128xf32, #tpu.memory_space<vmem_shared>>) target(%dma_start3A_349 : memref<128x128xf32, #tpu.memory_space<vmem>>) offsets(%dma_start3A_352 : memref<128xi32, #tpu.memory_space<vmem>>) offset_filter(%dma_start3A_356) semaphore(%arg10 : memref<!tpu.dma_semaphore, #tpu.memory_space<semaphore_mem>>) {add = true}
      %dma_start3A_357 = arith.constant 128 : i32
      %dma_start3A_358 = arith.constant 0 : i32
      %dma_start3A_359 = tpu.memref_slice %arg8[%dma_start3A_357, %dma_start3A_358] : memref<256x128xf32, #tpu.memory_space<vmem>> -> memref<128x128xf32, #tpu.memory_space<vmem>>
      %dma_start3A_360 = arith.constant 2944 : i32
      %dma_start3A_361 = tpu.memref_slice %arg7[%select_n3A_44, %dma_start3A_360] : memref<2x5120xi32, #tpu.memory_space<vmem>> -> memref<1x128xi32, #tpu.memory_space<vmem>>
      %dma_start3A_362 = tpu.memref_squeeze %dma_start3A_361 : memref<1x128xi32, #tpu.memory_space<vmem>> -> memref<128xi32, #tpu.memory_space<vmem>>
      %dma_start3A_363 = arith.constant 0 : i32
      %dma_start3A_364 = arith.constant 0 : i32
      %dma_start3A_365 = tpu.memref_slice %arg9[%dma_start3A_363, %dma_start3A_364] : memref<10000x128xf32, #tpu.memory_space<vmem_shared>> -> memref<10000x128xf32, #tpu.memory_space<vmem_shared>>
      %dma_start3A_366 = arith.constant -1 : i32
      tpu.enqueue_indirect_dma source(%dma_start3A_365 : memref<10000x128xf32, #tpu.memory_space<vmem_shared>>) target(%dma_start3A_359 : memref<128x128xf32, #tpu.memory_space<vmem>>) offsets(%dma_start3A_362 : memref<128xi32, #tpu.memory_space<vmem>>) offset_filter(%dma_start3A_366) semaphore(%arg10 : memref<!tpu.dma_semaphore, #tpu.memory_space<semaphore_mem>>) {add = true}
      %dma_start3A_367 = arith.constant 128 : i32
      %dma_start3A_368 = arith.constant 0 : i32
      %dma_start3A_369 = tpu.memref_slice %arg8[%dma_start3A_367, %dma_start3A_368] : memref<256x128xf32, #tpu.memory_space<vmem>> -> memref<128x128xf32, #tpu.memory_space<vmem>>
      %dma_start3A_370 = arith.constant 3200 : i32
      %dma_start3A_371 = tpu.memref_slice %arg7[%select_n3A_44, %dma_start3A_370] : memref<2x5120xi32, #tpu.memory_space<vmem>> -> memref<1x128xi32, #tpu.memory_space<vmem>>
      %dma_start3A_372 = tpu.memref_squeeze %dma_start3A_371 : memref<1x128xi32, #tpu.memory_space<vmem>> -> memref<128xi32, #tpu.memory_space<vmem>>
      %dma_start3A_373 = arith.constant 0 : i32
      %dma_start3A_374 = arith.constant 0 : i32
      %dma_start3A_375 = tpu.memref_slice %arg9[%dma_start3A_373, %dma_start3A_374] : memref<10000x128xf32, #tpu.memory_space<vmem_shared>> -> memref<10000x128xf32, #tpu.memory_space<vmem_shared>>
      %dma_start3A_376 = arith.constant -1 : i32
      tpu.enqueue_indirect_dma source(%dma_start3A_375 : memref<10000x128xf32, #tpu.memory_space<vmem_shared>>) target(%dma_start3A_369 : memref<128x128xf32, #tpu.memory_space<vmem>>) offsets(%dma_start3A_372 : memref<128xi32, #tpu.memory_space<vmem>>) offset_filter(%dma_start3A_376) semaphore(%arg10 : memref<!tpu.dma_semaphore, #tpu.memory_space<semaphore_mem>>) {add = true}
      %dma_start3A_377 = arith.constant 128 : i32
      %dma_start3A_378 = arith.constant 0 : i32
      %dma_start3A_379 = tpu.memref_slice %arg8[%dma_start3A_377, %dma_start3A_378] : memref<256x128xf32, #tpu.memory_space<vmem>> -> memref<128x128xf32, #tpu.memory_space<vmem>>
      %dma_start3A_380 = arith.constant 3456 : i32
      %dma_start3A_381 = tpu.memref_slice %arg7[%select_n3A_44, %dma_start3A_380] : memref<2x5120xi32, #tpu.memory_space<vmem>> -> memref<1x128xi32, #tpu.memory_space<vmem>>
      %dma_start3A_382 = tpu.memref_squeeze %dma_start3A_381 : memref<1x128xi32, #tpu.memory_space<vmem>> -> memref<128xi32, #tpu.memory_space<vmem>>
      %dma_start3A_383 = arith.constant 0 : i32
      %dma_start3A_384 = arith.constant 0 : i32
      %dma_start3A_385 = tpu.memref_slice %arg9[%dma_start3A_383, %dma_start3A_384] : memref<10000x128xf32, #tpu.memory_space<vmem_shared>> -> memref<10000x128xf32, #tpu.memory_space<vmem_shared>>
      %dma_start3A_386 = arith.constant -1 : i32
      tpu.enqueue_indirect_dma source(%dma_start3A_385 : memref<10000x128xf32, #tpu.memory_space<vmem_shared>>) target(%dma_start3A_379 : memref<128x128xf32, #tpu.memory_space<vmem>>) offsets(%dma_start3A_382 : memref<128xi32, #tpu.memory_space<vmem>>) offset_filter(%dma_start3A_386) semaphore(%arg10 : memref<!tpu.dma_semaphore, #tpu.memory_space<semaphore_mem>>) {add = true}
      %dma_start3A_387 = arith.constant 128 : i32
      %dma_start3A_388 = arith.constant 0 : i32
      %dma_start3A_389 = tpu.memref_slice %arg8[%dma_start3A_387, %dma_start3A_388] : memref<256x128xf32, #tpu.memory_space<vmem>> -> memref<128x128xf32, #tpu.memory_space<vmem>>
      %dma_start3A_390 = arith.constant 3712 : i32
      %dma_start3A_391 = tpu.memref_slice %arg7[%select_n3A_44, %dma_start3A_390] : memref<2x5120xi32, #tpu.memory_space<vmem>> -> memref<1x128xi32, #tpu.memory_space<vmem>>
      %dma_start3A_392 = tpu.memref_squeeze %dma_start3A_391 : memref<1x128xi32, #tpu.memory_space<vmem>> -> memref<128xi32, #tpu.memory_space<vmem>>
      %dma_start3A_393 = arith.constant 0 : i32
      %dma_start3A_394 = arith.constant 0 : i32
      %dma_start3A_395 = tpu.memref_slice %arg9[%dma_start3A_393, %dma_start3A_394] : memref<10000x128xf32, #tpu.memory_space<vmem_shared>> -> memref<10000x128xf32, #tpu.memory_space<vmem_shared>>
      %dma_start3A_396 = arith.constant -1 : i32
      tpu.enqueue_indirect_dma source(%dma_start3A_395 : memref<10000x128xf32, #tpu.memory_space<vmem_shared>>) target(%dma_start3A_389 : memref<128x128xf32, #tpu.memory_space<vmem>>) offsets(%dma_start3A_392 : memref<128xi32, #tpu.memory_space<vmem>>) offset_filter(%dma_start3A_396) semaphore(%arg10 : memref<!tpu.dma_semaphore, #tpu.memory_space<semaphore_mem>>) {add = true}
      %dma_start3A_397 = arith.constant 128 : i32
      %dma_start3A_398 = arith.constant 0 : i32
      %dma_start3A_399 = tpu.memref_slice %arg8[%dma_start3A_397, %dma_start3A_398] : memref<256x128xf32, #tpu.memory_space<vmem>> -> memref<128x128xf32, #tpu.memory_space<vmem>>
      %dma_start3A_400 = arith.constant 3968 : i32
      %dma_start3A_401 = tpu.memref_slice %arg7[%select_n3A_44, %dma_start3A_400] : memref<2x5120xi32, #tpu.memory_space<vmem>> -> memref<1x128xi32, #tpu.memory_space<vmem>>
      %dma_start3A_402 = tpu.memref_squeeze %dma_start3A_401 : memref<1x128xi32, #tpu.memory_space<vmem>> -> memref<128xi32, #tpu.memory_space<vmem>>
      %dma_start3A_403 = arith.constant 0 : i32
      %dma_start3A_404 = arith.constant 0 : i32
      %dma_start3A_405 = tpu.memref_slice %arg9[%dma_start3A_403, %dma_start3A_404] : memref<10000x128xf32, #tpu.memory_space<vmem_shared>> -> memref<10000x128xf32, #tpu.memory_space<vmem_shared>>
      %dma_start3A_406 = arith.constant -1 : i32
      tpu.enqueue_indirect_dma source(%dma_start3A_405 : memref<10000x128xf32, #tpu.memory_space<vmem_shared>>) target(%dma_start3A_399 : memref<128x128xf32, #tpu.memory_space<vmem>>) offsets(%dma_start3A_402 : memref<128xi32, #tpu.memory_space<vmem>>) offset_filter(%dma_start3A_406) semaphore(%arg10 : memref<!tpu.dma_semaphore, #tpu.memory_space<semaphore_mem>>) {add = true}
      %dma_start3A_407 = arith.constant 128 : i32
      %dma_start3A_408 = arith.constant 0 : i32
      %dma_start3A_409 = tpu.memref_slice %arg8[%dma_start3A_407, %dma_start3A_408] : memref<256x128xf32, #tpu.memory_space<vmem>> -> memref<128x128xf32, #tpu.memory_space<vmem>>
      %dma_start3A_410 = arith.constant 4224 : i32
      %dma_start3A_411 = tpu.memref_slice %arg7[%select_n3A_44, %dma_start3A_410] : memref<2x5120xi32, #tpu.memory_space<vmem>> -> memref<1x128xi32, #tpu.memory_space<vmem>>
      %dma_start3A_412 = tpu.memref_squeeze %dma_start3A_411 : memref<1x128xi32, #tpu.memory_space<vmem>> -> memref<128xi32, #tpu.memory_space<vmem>>
      %dma_start3A_413 = arith.constant 0 : i32
      %dma_start3A_414 = arith.constant 0 : i32
      %dma_start3A_415 = tpu.memref_slice %arg9[%dma_start3A_413, %dma_start3A_414] : memref<10000x128xf32, #tpu.memory_space<vmem_shared>> -> memref<10000x128xf32, #tpu.memory_space<vmem_shared>>
      %dma_start3A_416 = arith.constant -1 : i32
      tpu.enqueue_indirect_dma source(%dma_start3A_415 : memref<10000x128xf32, #tpu.memory_space<vmem_shared>>) target(%dma_start3A_409 : memref<128x128xf32, #tpu.memory_space<vmem>>) offsets(%dma_start3A_412 : memref<128xi32, #tpu.memory_space<vmem>>) offset_filter(%dma_start3A_416) semaphore(%arg10 : memref<!tpu.dma_semaphore, #tpu.memory_space<semaphore_mem>>) {add = true}
      %dma_start3A_417 = arith.constant 128 : i32
      %dma_start3A_418 = arith.constant 0 : i32
      %dma_start3A_419 = tpu.memref_slice %arg8[%dma_start3A_417, %dma_start3A_418] : memref<256x128xf32, #tpu.memory_space<vmem>> -> memref<128x128xf32, #tpu.memory_space<vmem>>
      %dma_start3A_420 = arith.constant 4480 : i32
      %dma_start3A_421 = tpu.memref_slice %arg7[%select_n3A_44, %dma_start3A_420] : memref<2x5120xi32, #tpu.memory_space<vmem>> -> memref<1x128xi32, #tpu.memory_space<vmem>>
      %dma_start3A_422 = tpu.memref_squeeze %dma_start3A_421 : memref<1x128xi32, #tpu.memory_space<vmem>> -> memref<128xi32, #tpu.memory_space<vmem>>
      %dma_start3A_423 = arith.constant 0 : i32
      %dma_start3A_424 = arith.constant 0 : i32
      %dma_start3A_425 = tpu.memref_slice %arg9[%dma_start3A_423, %dma_start3A_424] : memref<10000x128xf32, #tpu.memory_space<vmem_shared>> -> memref<10000x128xf32, #tpu.memory_space<vmem_shared>>
      %dma_start3A_426 = arith.constant -1 : i32
      tpu.enqueue_indirect_dma source(%dma_start3A_425 : memref<10000x128xf32, #tpu.memory_space<vmem_shared>>) target(%dma_start3A_419 : memref<128x128xf32, #tpu.memory_space<vmem>>) offsets(%dma_start3A_422 : memref<128xi32, #tpu.memory_space<vmem>>) offset_filter(%dma_start3A_426) semaphore(%arg10 : memref<!tpu.dma_semaphore, #tpu.memory_space<semaphore_mem>>) {add = true}
      %dma_start3A_427 = arith.constant 128 : i32
      %dma_start3A_428 = arith.constant 0 : i32
      %dma_start3A_429 = tpu.memref_slice %arg8[%dma_start3A_427, %dma_start3A_428] : memref<256x128xf32, #tpu.memory_space<vmem>> -> memref<128x128xf32, #tpu.memory_space<vmem>>
      %dma_start3A_430 = arith.constant 4736 : i32
      %dma_start3A_431 = tpu.memref_slice %arg7[%select_n3A_44, %dma_start3A_430] : memref<2x5120xi32, #tpu.memory_space<vmem>> -> memref<1x128xi32, #tpu.memory_space<vmem>>
      %dma_start3A_432 = tpu.memref_squeeze %dma_start3A_431 : memref<1x128xi32, #tpu.memory_space<vmem>> -> memref<128xi32, #tpu.memory_space<vmem>>
      %dma_start3A_433 = arith.constant 0 : i32
      %dma_start3A_434 = arith.constant 0 : i32
      %dma_start3A_435 = tpu.memref_slice %arg9[%dma_start3A_433, %dma_start3A_434] : memref<10000x128xf32, #tpu.memory_space<vmem_shared>> -> memref<10000x128xf32, #tpu.memory_space<vmem_shared>>
      %dma_start3A_436 = arith.constant -1 : i32
      tpu.enqueue_indirect_dma source(%dma_start3A_435 : memref<10000x128xf32, #tpu.memory_space<vmem_shared>>) target(%dma_start3A_429 : memref<128x128xf32, #tpu.memory_space<vmem>>) offsets(%dma_start3A_432 : memref<128xi32, #tpu.memory_space<vmem>>) offset_filter(%dma_start3A_436) semaphore(%arg10 : memref<!tpu.dma_semaphore, #tpu.memory_space<semaphore_mem>>) {add = true}
      %dma_start3A_437 = arith.constant 128 : i32
      %dma_start3A_438 = arith.constant 0 : i32
      %dma_start3A_439 = tpu.memref_slice %arg8[%dma_start3A_437, %dma_start3A_438] : memref<256x128xf32, #tpu.memory_space<vmem>> -> memref<128x128xf32, #tpu.memory_space<vmem>>
      %dma_start3A_440 = arith.constant 4992 : i32
      %dma_start3A_441 = tpu.memref_slice %arg7[%select_n3A_44, %dma_start3A_440] : memref<2x5120xi32, #tpu.memory_space<vmem>> -> memref<1x128xi32, #tpu.memory_space<vmem>>
      %dma_start3A_442 = tpu.memref_squeeze %dma_start3A_441 : memref<1x128xi32, #tpu.memory_space<vmem>> -> memref<128xi32, #tpu.memory_space<vmem>>
      %dma_start3A_443 = arith.constant 0 : i32
      %dma_start3A_444 = arith.constant 0 : i32
      %dma_start3A_445 = tpu.memref_slice %arg9[%dma_start3A_443, %dma_start3A_444] : memref<10000x128xf32, #tpu.memory_space<vmem_shared>> -> memref<10000x128xf32, #tpu.memory_space<vmem_shared>>
      %dma_start3A_446 = arith.constant -1 : i32
      tpu.enqueue_indirect_dma source(%dma_start3A_445 : memref<10000x128xf32, #tpu.memory_space<vmem_shared>>) target(%dma_start3A_439 : memref<128x128xf32, #tpu.memory_space<vmem>>) offsets(%dma_start3A_442 : memref<128xi32, #tpu.memory_space<vmem>>) offset_filter(%dma_start3A_446) semaphore(%arg10 : memref<!tpu.dma_semaphore, #tpu.memory_space<semaphore_mem>>) {add = true}
      %add3A_447 = arith.constant 1 : i32
      %add3A_448 = arith.addi %add3A_33, %add3A_447 : i32
      %lt3A_449 = arith.constant 10 : i32
      %lt3A_450 = arith.cmpi slt, %add3A_448, %lt3A_449 : i32
      %convert_element_type3A_451 = arith.extui %lt3A_450 : i1 to i32
      %cond3A_452 = arith.constant 0 : i32
      %cond3A_453 = arith.cmpi ne, %convert_element_type3A_451, %cond3A_452 : i32
      scf.if %cond3A_453 {
        %add3A_814 = arith.constant 1 : i32
        %add3A_815 = arith.addi %add3A_33, %add3A_814 : i32
        %mul3A_816 = arith.constant 10000 : i32
        %mul3A_817 = arith.muli %add3A_815, %mul3A_816 : i32
        %sub3A = arith.constant 1 : i32
        %sub3A_818 = arith.subi %sub3A, %select_n3A_44 : i32
        %scan3A_819 = arith.constant 0 : i32
        %scan3A_820 = arith.constant 320 : i32
        %scan3A_821 = arith.addi %scan3A_819, %scan3A_820 : i32
        %scan3A_822 = arith.constant 8 : i32
        scf.for %scan3A_824 = %scan3A_819 to %scan3A_821 step %scan3A_822  : i32 {
          %mul3A_825 = arith.constant 1 : i32
          %mul3A_826 = arith.muli %scan3A_824, %mul3A_825 : i32
          %add3A_827 = arith.constant 0 : i32
          %add3A_828 = arith.addi %add3A_827, %mul3A_826 : i32
          %mul3A_829 = arith.constant 16 : i32
          %mul3A_830 = arith.muli %add3A_828, %mul3A_829 : i32
          %get3A = arith.index_cast %mul3A_830 : i32 to index
          %get3A_831 = tpu.vector_load %arg6[%get3A] {strides = array<i32>} : memref<5120xi32, #tpu.memory_space<vmem>>, vector<16xi32>,
          %get3A_832 = vector.shape_cast %get3A_831 : vector<16xi32> to vector<16xi32>
          %ge3A = vector.broadcast %mul3A_817 : i32 to vector<16xi32>
          %ge3A_833 = arith.cmpi sge, %get3A_832, %ge3A : vector<16xi32>
          %add3A_834 = arith.constant 10000 : i32
          %add3A_835 = arith.addi %mul3A_817, %add3A_834 : i32
          %lt3A_836 = vector.broadcast %add3A_835 : i32 to vector<16xi32>
          %lt3A_837 = arith.cmpi slt, %get3A_832, %lt3A_836 : vector<16xi32>
          %and3A_838 = arith.andi %ge3A_833, %lt3A_837 : vector<16xi1>
          %sub3A_839 = vector.broadcast %mul3A_817 : i32 to vector<16xi32>
          %sub3A_840 = arith.subi %get3A_832, %sub3A_839 : vector<16xi32>
          %jit3A_841 = arith.constant -1 : i32
          %broadcast_in_dim3A = vector.broadcast %jit3A_841 : i32 to vector<16xi32>
          %select_n3A_842 = arith.select %and3A_838, %sub3A_840, %broadcast_in_dim3A : vector<16xi1>, vector<16xi32>
          %mul3A_843 = arith.constant 16 : i32
          %mul3A_844 = arith.muli %add3A_828, %mul3A_843 : i32
          %swap3A = arith.index_cast %sub3A_818 : i32 to index
          %swap3A_845 = arith.index_cast %mul3A_844 : i32 to index
          %swap3A_846 = tpu.vector_load %arg7[%swap3A, %swap3A_845] {strides = array<i32>} : memref<2x5120xi32, #tpu.memory_space<vmem>>, vector<1x16xi32>,
          %swap3A_847 = vector.shape_cast %swap3A_846 : vector<1x16xi32> to vector<16xi32>
          %swap3A_848 = vector.shape_cast %select_n3A_842 : vector<16xi32> to vector<1x16xi32>
          tpu.vector_store %arg7[%swap3A, %swap3A_845], %swap3A_848 {strides = array<i32>} : memref<2x5120xi32, #tpu.memory_space<vmem>>, vector<1x16xi32>,
          %scan3A_849 = arith.constant 1 : i32
          %scan3A_850 = arith.addi %scan3A_824, %scan3A_849 : i32
          %mul3A_851 = arith.constant 1 : i32
          %mul3A_852 = arith.muli %scan3A_850, %mul3A_851 : i32
          %add3A_853 = arith.constant 0 : i32
          %add3A_854 = arith.addi %add3A_853, %mul3A_852 : i32
          %mul3A_855 = arith.constant 16 : i32
          %mul3A_856 = arith.muli %add3A_854, %mul3A_855 : i32
          %get3A_857 = arith.index_cast %mul3A_856 : i32 to index
          %get3A_858 = tpu.vector_load %arg6[%get3A_857] {strides = array<i32>} : memref<5120xi32, #tpu.memory_space<vmem>>, vector<16xi32>,
          %get3A_859 = vector.shape_cast %get3A_858 : vector<16xi32> to vector<16xi32>
          %ge3A_860 = vector.broadcast %mul3A_817 : i32 to vector<16xi32>
          %ge3A_861 = arith.cmpi sge, %get3A_859, %ge3A_860 : vector<16xi32>
          %add3A_862 = arith.constant 10000 : i32
          %add3A_863 = arith.addi %mul3A_817, %add3A_862 : i32
          %lt3A_864 = vector.broadcast %add3A_863 : i32 to vector<16xi32>
          %lt3A_865 = arith.cmpi slt, %get3A_859, %lt3A_864 : vector<16xi32>
          %and3A_866 = arith.andi %ge3A_861, %lt3A_865 : vector<16xi1>
          %sub3A_867 = vector.broadcast %mul3A_817 : i32 to vector<16xi32>
          %sub3A_868 = arith.subi %get3A_859, %sub3A_867 : vector<16xi32>
          %jit3A_869 = arith.constant -1 : i32
          %broadcast_in_dim3A_870 = vector.broadcast %jit3A_869 : i32 to vector<16xi32>
          %select_n3A_871 = arith.select %and3A_866, %sub3A_868, %broadcast_in_dim3A_870 : vector<16xi1>, vector<16xi32>
          %mul3A_872 = arith.constant 16 : i32
          %mul3A_873 = arith.muli %add3A_854, %mul3A_872 : i32
          %swap3A_874 = arith.index_cast %sub3A_818 : i32 to index
          %swap3A_875 = arith.index_cast %mul3A_873 : i32 to index
          %swap3A_876 = tpu.vector_load %arg7[%swap3A_874, %swap3A_875] {strides = array<i32>} : memref<2x5120xi32, #tpu.memory_space<vmem>>, vector<1x16xi32>,
          %swap3A_877 = vector.shape_cast %swap3A_876 : vector<1x16xi32> to vector<16xi32>
          %swap3A_878 = vector.shape_cast %select_n3A_871 : vector<16xi32> to vector<1x16xi32>
          tpu.vector_store %arg7[%swap3A_874, %swap3A_875], %swap3A_878 {strides = array<i32>} : memref<2x5120xi32, #tpu.memory_space<vmem>>, vector<1x16xi32>,
          %scan3A_879 = arith.constant 2 : i32
          %scan3A_880 = arith.addi %scan3A_824, %scan3A_879 : i32
          %mul3A_881 = arith.constant 1 : i32
          %mul3A_882 = arith.muli %scan3A_880, %mul3A_881 : i32
          %add3A_883 = arith.constant 0 : i32
          %add3A_884 = arith.addi %add3A_883, %mul3A_882 : i32
          %mul3A_885 = arith.constant 16 : i32
          %mul3A_886 = arith.muli %add3A_884, %mul3A_885 : i32
          %get3A_887 = arith.index_cast %mul3A_886 : i32 to index
          %get3A_888 = tpu.vector_load %arg6[%get3A_887] {strides = array<i32>} : memref<5120xi32, #tpu.memory_space<vmem>>, vector<16xi32>,
          %get3A_889 = vector.shape_cast %get3A_888 : vector<16xi32> to vector<16xi32>
          %ge3A_890 = vector.broadcast %mul3A_817 : i32 to vector<16xi32>
          %ge3A_891 = arith.cmpi sge, %get3A_889, %ge3A_890 : vector<16xi32>
          %add3A_892 = arith.constant 10000 : i32
          %add3A_893 = arith.addi %mul3A_817, %add3A_892 : i32
          %lt3A_894 = vector.broadcast %add3A_893 : i32 to vector<16xi32>
          %lt3A_895 = arith.cmpi slt, %get3A_889, %lt3A_894 : vector<16xi32>
          %and3A_896 = arith.andi %ge3A_891, %lt3A_895 : vector<16xi1>
          %sub3A_897 = vector.broadcast %mul3A_817 : i32 to vector<16xi32>
          %sub3A_898 = arith.subi %get3A_889, %sub3A_897 : vector<16xi32>
          %jit3A_899 = arith.constant -1 : i32
          %broadcast_in_dim3A_900 = vector.broadcast %jit3A_899 : i32 to vector<16xi32>
          %select_n3A_901 = arith.select %and3A_896, %sub3A_898, %broadcast_in_dim3A_900 : vector<16xi1>, vector<16xi32>
          %mul3A_902 = arith.constant 16 : i32
          %mul3A_903 = arith.muli %add3A_884, %mul3A_902 : i32
          %swap3A_904 = arith.index_cast %sub3A_818 : i32 to index
          %swap3A_905 = arith.index_cast %mul3A_903 : i32 to index
          %swap3A_906 = tpu.vector_load %arg7[%swap3A_904, %swap3A_905] {strides = array<i32>} : memref<2x5120xi32, #tpu.memory_space<vmem>>, vector<1x16xi32>,
          %swap3A_907 = vector.shape_cast %swap3A_906 : vector<1x16xi32> to vector<16xi32>
          %swap3A_908 = vector.shape_cast %select_n3A_901 : vector<16xi32> to vector<1x16xi32>
          tpu.vector_store %arg7[%swap3A_904, %swap3A_905], %swap3A_908 {strides = array<i32>} : memref<2x5120xi32, #tpu.memory_space<vmem>>, vector<1x16xi32>,
          %scan3A_909 = arith.constant 3 : i32
          %scan3A_910 = arith.addi %scan3A_824, %scan3A_909 : i32
          %mul3A_911 = arith.constant 1 : i32
          %mul3A_912 = arith.muli %scan3A_910, %mul3A_911 : i32
          %add3A_913 = arith.constant 0 : i32
          %add3A_914 = arith.addi %add3A_913, %mul3A_912 : i32
          %mul3A_915 = arith.constant 16 : i32
          %mul3A_916 = arith.muli %add3A_914, %mul3A_915 : i32
          %get3A_917 = arith.index_cast %mul3A_916 : i32 to index
          %get3A_918 = tpu.vector_load %arg6[%get3A_917] {strides = array<i32>} : memref<5120xi32, #tpu.memory_space<vmem>>, vector<16xi32>,
          %get3A_919 = vector.shape_cast %get3A_918 : vector<16xi32> to vector<16xi32>
          %ge3A_920 = vector.broadcast %mul3A_817 : i32 to vector<16xi32>
          %ge3A_921 = arith.cmpi sge, %get3A_919, %ge3A_920 : vector<16xi32>
          %add3A_922 = arith.constant 10000 : i32
          %add3A_923 = arith.addi %mul3A_817, %add3A_922 : i32
          %lt3A_924 = vector.broadcast %add3A_923 : i32 to vector<16xi32>
          %lt3A_925 = arith.cmpi slt, %get3A_919, %lt3A_924 : vector<16xi32>
          %and3A_926 = arith.andi %ge3A_921, %lt3A_925 : vector<16xi1>
          %sub3A_927 = vector.broadcast %mul3A_817 : i32 to vector<16xi32>
          %sub3A_928 = arith.subi %get3A_919, %sub3A_927 : vector<16xi32>
          %jit3A_929 = arith.constant -1 : i32
          %broadcast_in_dim3A_930 = vector.broadcast %jit3A_929 : i32 to vector<16xi32>
          %select_n3A_931 = arith.select %and3A_926, %sub3A_928, %broadcast_in_dim3A_930 : vector<16xi1>, vector<16xi32>
          %mul3A_932 = arith.constant 16 : i32
          %mul3A_933 = arith.muli %add3A_914, %mul3A_932 : i32
          %swap3A_934 = arith.index_cast %sub3A_818 : i32 to index
          %swap3A_935 = arith.index_cast %mul3A_933 : i32 to index
          %swap3A_936 = tpu.vector_load %arg7[%swap3A_934, %swap3A_935] {strides = array<i32>} : memref<2x5120xi32, #tpu.memory_space<vmem>>, vector<1x16xi32>,
          %swap3A_937 = vector.shape_cast %swap3A_936 : vector<1x16xi32> to vector<16xi32>
          %swap3A_938 = vector.shape_cast %select_n3A_931 : vector<16xi32> to vector<1x16xi32>
          tpu.vector_store %arg7[%swap3A_934, %swap3A_935], %swap3A_938 {strides = array<i32>} : memref<2x5120xi32, #tpu.memory_space<vmem>>, vector<1x16xi32>,
          %scan3A_939 = arith.constant 4 : i32
          %scan3A_940 = arith.addi %scan3A_824, %scan3A_939 : i32
          %mul3A_941 = arith.constant 1 : i32
          %mul3A_942 = arith.muli %scan3A_940, %mul3A_941 : i32
          %add3A_943 = arith.constant 0 : i32
          %add3A_944 = arith.addi %add3A_943, %mul3A_942 : i32
          %mul3A_945 = arith.constant 16 : i32
          %mul3A_946 = arith.muli %add3A_944, %mul3A_945 : i32
          %get3A_947 = arith.index_cast %mul3A_946 : i32 to index
          %get3A_948 = tpu.vector_load %arg6[%get3A_947] {strides = array<i32>} : memref<5120xi32, #tpu.memory_space<vmem>>, vector<16xi32>,
          %get3A_949 = vector.shape_cast %get3A_948 : vector<16xi32> to vector<16xi32>
          %ge3A_950 = vector.broadcast %mul3A_817 : i32 to vector<16xi32>
          %ge3A_951 = arith.cmpi sge, %get3A_949, %ge3A_950 : vector<16xi32>
          %add3A_952 = arith.constant 10000 : i32
          %add3A_953 = arith.addi %mul3A_817, %add3A_952 : i32
          %lt3A_954 = vector.broadcast %add3A_953 : i32 to vector<16xi32>
          %lt3A_955 = arith.cmpi slt, %get3A_949, %lt3A_954 : vector<16xi32>
          %and3A_956 = arith.andi %ge3A_951, %lt3A_955 : vector<16xi1>
          %sub3A_957 = vector.broadcast %mul3A_817 : i32 to vector<16xi32>
          %sub3A_958 = arith.subi %get3A_949, %sub3A_957 : vector<16xi32>
          %jit3A_959 = arith.constant -1 : i32
          %broadcast_in_dim3A_960 = vector.broadcast %jit3A_959 : i32 to vector<16xi32>
          %select_n3A_961 = arith.select %and3A_956, %sub3A_958, %broadcast_in_dim3A_960 : vector<16xi1>, vector<16xi32>
          %mul3A_962 = arith.constant 16 : i32
          %mul3A_963 = arith.muli %add3A_944, %mul3A_962 : i32
          %swap3A_964 = arith.index_cast %sub3A_818 : i32 to index
          %swap3A_965 = arith.index_cast %mul3A_963 : i32 to index
          %swap3A_966 = tpu.vector_load %arg7[%swap3A_964, %swap3A_965] {strides = array<i32>} : memref<2x5120xi32, #tpu.memory_space<vmem>>, vector<1x16xi32>,
          %swap3A_967 = vector.shape_cast %swap3A_966 : vector<1x16xi32> to vector<16xi32>
          %swap3A_968 = vector.shape_cast %select_n3A_961 : vector<16xi32> to vector<1x16xi32>
          tpu.vector_store %arg7[%swap3A_964, %swap3A_965], %swap3A_968 {strides = array<i32>} : memref<2x5120xi32, #tpu.memory_space<vmem>>, vector<1x16xi32>,
          %scan3A_969 = arith.constant 5 : i32
          %scan3A_970 = arith.addi %scan3A_824, %scan3A_969 : i32
          %mul3A_971 = arith.constant 1 : i32
          %mul3A_972 = arith.muli %scan3A_970, %mul3A_971 : i32
          %add3A_973 = arith.constant 0 : i32
          %add3A_974 = arith.addi %add3A_973, %mul3A_972 : i32
          %mul3A_975 = arith.constant 16 : i32
          %mul3A_976 = arith.muli %add3A_974, %mul3A_975 : i32
          %get3A_977 = arith.index_cast %mul3A_976 : i32 to index
          %get3A_978 = tpu.vector_load %arg6[%get3A_977] {strides = array<i32>} : memref<5120xi32, #tpu.memory_space<vmem>>, vector<16xi32>,
          %get3A_979 = vector.shape_cast %get3A_978 : vector<16xi32> to vector<16xi32>
          %ge3A_980 = vector.broadcast %mul3A_817 : i32 to vector<16xi32>
          %ge3A_981 = arith.cmpi sge, %get3A_979, %ge3A_980 : vector<16xi32>
          %add3A_982 = arith.constant 10000 : i32
          %add3A_983 = arith.addi %mul3A_817, %add3A_982 : i32
          %lt3A_984 = vector.broadcast %add3A_983 : i32 to vector<16xi32>
          %lt3A_985 = arith.cmpi slt, %get3A_979, %lt3A_984 : vector<16xi32>
          %and3A_986 = arith.andi %ge3A_981, %lt3A_985 : vector<16xi1>
          %sub3A_987 = vector.broadcast %mul3A_817 : i32 to vector<16xi32>
          %sub3A_988 = arith.subi %get3A_979, %sub3A_987 : vector<16xi32>
          %jit3A_989 = arith.constant -1 : i32
          %broadcast_in_dim3A_990 = vector.broadcast %jit3A_989 : i32 to vector<16xi32>
          %select_n3A_991 = arith.select %and3A_986, %sub3A_988, %broadcast_in_dim3A_990 : vector<16xi1>, vector<16xi32>
          %mul3A_992 = arith.constant 16 : i32
          %mul3A_993 = arith.muli %add3A_974, %mul3A_992 : i32
          %swap3A_994 = arith.index_cast %sub3A_818 : i32 to index
          %swap3A_995 = arith.index_cast %mul3A_993 : i32 to index
          %swap3A_996 = tpu.vector_load %arg7[%swap3A_994, %swap3A_995] {strides = array<i32>} : memref<2x5120xi32, #tpu.memory_space<vmem>>, vector<1x16xi32>,
          %swap3A_997 = vector.shape_cast %swap3A_996 : vector<1x16xi32> to vector<16xi32>
          %swap3A_998 = vector.shape_cast %select_n3A_991 : vector<16xi32> to vector<1x16xi32>
          tpu.vector_store %arg7[%swap3A_994, %swap3A_995], %swap3A_998 {strides = array<i32>} : memref<2x5120xi32, #tpu.memory_space<vmem>>, vector<1x16xi32>,
          %scan3A_999 = arith.constant 6 : i32
          %scan3A_1000 = arith.addi %scan3A_824, %scan3A_999 : i32
          %mul3A_1001 = arith.constant 1 : i32
          %mul3A_1002 = arith.muli %scan3A_1000, %mul3A_1001 : i32
          %add3A_1003 = arith.constant 0 : i32
          %add3A_1004 = arith.addi %add3A_1003, %mul3A_1002 : i32
          %mul3A_1005 = arith.constant 16 : i32
          %mul3A_1006 = arith.muli %add3A_1004, %mul3A_1005 : i32
          %get3A_1007 = arith.index_cast %mul3A_1006 : i32 to index
          %get3A_1008 = tpu.vector_load %arg6[%get3A_1007] {strides = array<i32>} : memref<5120xi32, #tpu.memory_space<vmem>>, vector<16xi32>,
          %get3A_1009 = vector.shape_cast %get3A_1008 : vector<16xi32> to vector<16xi32>
          %ge3A_1010 = vector.broadcast %mul3A_817 : i32 to vector<16xi32>
          %ge3A_1011 = arith.cmpi sge, %get3A_1009, %ge3A_1010 : vector<16xi32>
          %add3A_1012 = arith.constant 10000 : i32
          %add3A_1013 = arith.addi %mul3A_817, %add3A_1012 : i32
          %lt3A_1014 = vector.broadcast %add3A_1013 : i32 to vector<16xi32>
          %lt3A_1015 = arith.cmpi slt, %get3A_1009, %lt3A_1014 : vector<16xi32>
          %and3A_1016 = arith.andi %ge3A_1011, %lt3A_1015 : vector<16xi1>
          %sub3A_1017 = vector.broadcast %mul3A_817 : i32 to vector<16xi32>
          %sub3A_1018 = arith.subi %get3A_1009, %sub3A_1017 : vector<16xi32>
          %jit3A_1019 = arith.constant -1 : i32
          %broadcast_in_dim3A_1020 = vector.broadcast %jit3A_1019 : i32 to vector<16xi32>
          %select_n3A_1021 = arith.select %and3A_1016, %sub3A_1018, %broadcast_in_dim3A_1020 : vector<16xi1>, vector<16xi32>
          %mul3A_1022 = arith.constant 16 : i32
          %mul3A_1023 = arith.muli %add3A_1004, %mul3A_1022 : i32
          %swap3A_1024 = arith.index_cast %sub3A_818 : i32 to index
          %swap3A_1025 = arith.index_cast %mul3A_1023 : i32 to index
          %swap3A_1026 = tpu.vector_load %arg7[%swap3A_1024, %swap3A_1025] {strides = array<i32>} : memref<2x5120xi32, #tpu.memory_space<vmem>>, vector<1x16xi32>,
          %swap3A_1027 = vector.shape_cast %swap3A_1026 : vector<1x16xi32> to vector<16xi32>
          %swap3A_1028 = vector.shape_cast %select_n3A_1021 : vector<16xi32> to vector<1x16xi32>
          tpu.vector_store %arg7[%swap3A_1024, %swap3A_1025], %swap3A_1028 {strides = array<i32>} : memref<2x5120xi32, #tpu.memory_space<vmem>>, vector<1x16xi32>,
          %scan3A_1029 = arith.constant 7 : i32
          %scan3A_1030 = arith.addi %scan3A_824, %scan3A_1029 : i32
          %mul3A_1031 = arith.constant 1 : i32
          %mul3A_1032 = arith.muli %scan3A_1030, %mul3A_1031 : i32
          %add3A_1033 = arith.constant 0 : i32
          %add3A_1034 = arith.addi %add3A_1033, %mul3A_1032 : i32
          %mul3A_1035 = arith.constant 16 : i32
          %mul3A_1036 = arith.muli %add3A_1034, %mul3A_1035 : i32
          %get3A_1037 = arith.index_cast %mul3A_1036 : i32 to index
          %get3A_1038 = tpu.vector_load %arg6[%get3A_1037] {strides = array<i32>} : memref<5120xi32, #tpu.memory_space<vmem>>, vector<16xi32>,
          %get3A_1039 = vector.shape_cast %get3A_1038 : vector<16xi32> to vector<16xi32>
          %ge3A_1040 = vector.broadcast %mul3A_817 : i32 to vector<16xi32>
          %ge3A_1041 = arith.cmpi sge, %get3A_1039, %ge3A_1040 : vector<16xi32>
          %add3A_1042 = arith.constant 10000 : i32
          %add3A_1043 = arith.addi %mul3A_817, %add3A_1042 : i32
          %lt3A_1044 = vector.broadcast %add3A_1043 : i32 to vector<16xi32>
          %lt3A_1045 = arith.cmpi slt, %get3A_1039, %lt3A_1044 : vector<16xi32>
          %and3A_1046 = arith.andi %ge3A_1041, %lt3A_1045 : vector<16xi1>
          %sub3A_1047 = vector.broadcast %mul3A_817 : i32 to vector<16xi32>
          %sub3A_1048 = arith.subi %get3A_1039, %sub3A_1047 : vector<16xi32>
          %jit3A_1049 = arith.constant -1 : i32
          %broadcast_in_dim3A_1050 = vector.broadcast %jit3A_1049 : i32 to vector<16xi32>
          %select_n3A_1051 = arith.select %and3A_1046, %sub3A_1048, %broadcast_in_dim3A_1050 : vector<16xi1>, vector<16xi32>
          %mul3A_1052 = arith.constant 16 : i32
          %mul3A_1053 = arith.muli %add3A_1034, %mul3A_1052 : i32
          %swap3A_1054 = arith.index_cast %sub3A_818 : i32 to index
          %swap3A_1055 = arith.index_cast %mul3A_1053 : i32 to index
          %swap3A_1056 = tpu.vector_load %arg7[%swap3A_1054, %swap3A_1055] {strides = array<i32>} : memref<2x5120xi32, #tpu.memory_space<vmem>>, vector<1x16xi32>,
          %swap3A_1057 = vector.shape_cast %swap3A_1056 : vector<1x16xi32> to vector<16xi32>
          %swap3A_1058 = vector.shape_cast %select_n3A_1051 : vector<16xi32> to vector<1x16xi32>
          tpu.vector_store %arg7[%swap3A_1054, %swap3A_1055], %swap3A_1058 {strides = array<i32>} : memref<2x5120xi32, #tpu.memory_space<vmem>>, vector<1x16xi32>,
        }
        %scan3A_823 = arith.constant 320 : i32
      } else {
      }
      %dma_wait3A = arith.constant 0 : i32
      %dma_wait3A_454 = arith.constant 0 : i32
      %dma_wait3A_455 = tpu.memref_slice %arg8[%dma_wait3A, %dma_wait3A_454] : memref<256x128xf32, #tpu.memory_space<vmem>> -> memref<128x128xf32, #tpu.memory_space<vmem>>
      %dma_wait3A_456 = arith.constant 0 : i32
      %dma_wait3A_457 = tpu.memref_slice %arg7[%select_n3A_44, %dma_wait3A_456] : memref<2x5120xi32, #tpu.memory_space<vmem>> -> memref<1x128xi32, #tpu.memory_space<vmem>>
      %dma_wait3A_458 = tpu.memref_squeeze %dma_wait3A_457 : memref<1x128xi32, #tpu.memory_space<vmem>> -> memref<128xi32, #tpu.memory_space<vmem>>
      %dma_wait3A_459 = arith.constant 0 : i32
      %dma_wait3A_460 = arith.constant 0 : i32
      %dma_wait3A_461 = tpu.memref_slice %arg9[%dma_wait3A_459, %dma_wait3A_460] : memref<10000x128xf32, #tpu.memory_space<vmem_shared>> -> memref<10000x128xf32, #tpu.memory_space<vmem_shared>>
      tpu.wait_indirect_dma semaphore(%arg10 : memref<!tpu.dma_semaphore, #tpu.memory_space<semaphore_mem>>) src(%dma_wait3A_461 : memref<10000x128xf32, #tpu.memory_space<vmem_shared>>) dst(%dma_wait3A_455 : memref<128x128xf32, #tpu.memory_space<vmem>>)
      %dma_wait3A_462 = arith.constant 0 : i32
      %dma_wait3A_463 = arith.constant 0 : i32
      %dma_wait3A_464 = tpu.memref_slice %arg8[%dma_wait3A_462, %dma_wait3A_463] : memref<256x128xf32, #tpu.memory_space<vmem>> -> memref<128x128xf32, #tpu.memory_space<vmem>>
      %dma_wait3A_465 = arith.constant 256 : i32
      %dma_wait3A_466 = tpu.memref_slice %arg7[%select_n3A_44, %dma_wait3A_465] : memref<2x5120xi32, #tpu.memory_space<vmem>> -> memref<1x128xi32, #tpu.memory_space<vmem>>
      %dma_wait3A_467 = tpu.memref_squeeze %dma_wait3A_466 : memref<1x128xi32, #tpu.memory_space<vmem>> -> memref<128xi32, #tpu.memory_space<vmem>>
      %dma_wait3A_468 = arith.constant 0 : i32
      %dma_wait3A_469 = arith.constant 0 : i32
      %dma_wait3A_470 = tpu.memref_slice %arg9[%dma_wait3A_468, %dma_wait3A_469] : memref<10000x128xf32, #tpu.memory_space<vmem_shared>> -> memref<10000x128xf32, #tpu.memory_space<vmem_shared>>
      tpu.wait_indirect_dma semaphore(%arg10 : memref<!tpu.dma_semaphore, #tpu.memory_space<semaphore_mem>>) src(%dma_wait3A_470 : memref<10000x128xf32, #tpu.memory_space<vmem_shared>>) dst(%dma_wait3A_464 : memref<128x128xf32, #tpu.memory_space<vmem>>)
      %dma_wait3A_471 = arith.constant 0 : i32
      %dma_wait3A_472 = arith.constant 0 : i32
      %dma_wait3A_473 = tpu.memref_slice %arg8[%dma_wait3A_471, %dma_wait3A_472] : memref<256x128xf32, #tpu.memory_space<vmem>> -> memref<128x128xf32, #tpu.memory_space<vmem>>
      %dma_wait3A_474 = arith.constant 512 : i32
      %dma_wait3A_475 = tpu.memref_slice %arg7[%select_n3A_44, %dma_wait3A_474] : memref<2x5120xi32, #tpu.memory_space<vmem>> -> memref<1x128xi32, #tpu.memory_space<vmem>>
      %dma_wait3A_476 = tpu.memref_squeeze %dma_wait3A_475 : memref<1x128xi32, #tpu.memory_space<vmem>> -> memref<128xi32, #tpu.memory_space<vmem>>
      %dma_wait3A_477 = arith.constant 0 : i32
      %dma_wait3A_478 = arith.constant 0 : i32
      %dma_wait3A_479 = tpu.memref_slice %arg9[%dma_wait3A_477, %dma_wait3A_478] : memref<10000x128xf32, #tpu.memory_space<vmem_shared>> -> memref<10000x128xf32, #tpu.memory_space<vmem_shared>>
      tpu.wait_indirect_dma semaphore(%arg10 : memref<!tpu.dma_semaphore, #tpu.memory_space<semaphore_mem>>) src(%dma_wait3A_479 : memref<10000x128xf32, #tpu.memory_space<vmem_shared>>) dst(%dma_wait3A_473 : memref<128x128xf32, #tpu.memory_space<vmem>>)
      %dma_wait3A_480 = arith.constant 0 : i32
      %dma_wait3A_481 = arith.constant 0 : i32
      %dma_wait3A_482 = tpu.memref_slice %arg8[%dma_wait3A_480, %dma_wait3A_481] : memref<256x128xf32, #tpu.memory_space<vmem>> -> memref<128x128xf32, #tpu.memory_space<vmem>>
      %dma_wait3A_483 = arith.constant 768 : i32
      %dma_wait3A_484 = tpu.memref_slice %arg7[%select_n3A_44, %dma_wait3A_483] : memref<2x5120xi32, #tpu.memory_space<vmem>> -> memref<1x128xi32, #tpu.memory_space<vmem>>
      %dma_wait3A_485 = tpu.memref_squeeze %dma_wait3A_484 : memref<1x128xi32, #tpu.memory_space<vmem>> -> memref<128xi32, #tpu.memory_space<vmem>>
      %dma_wait3A_486 = arith.constant 0 : i32
      %dma_wait3A_487 = arith.constant 0 : i32
      %dma_wait3A_488 = tpu.memref_slice %arg9[%dma_wait3A_486, %dma_wait3A_487] : memref<10000x128xf32, #tpu.memory_space<vmem_shared>> -> memref<10000x128xf32, #tpu.memory_space<vmem_shared>>
      tpu.wait_indirect_dma semaphore(%arg10 : memref<!tpu.dma_semaphore, #tpu.memory_space<semaphore_mem>>) src(%dma_wait3A_488 : memref<10000x128xf32, #tpu.memory_space<vmem_shared>>) dst(%dma_wait3A_482 : memref<128x128xf32, #tpu.memory_space<vmem>>)
      %dma_wait3A_489 = arith.constant 0 : i32
      %dma_wait3A_490 = arith.constant 0 : i32
      %dma_wait3A_491 = tpu.memref_slice %arg8[%dma_wait3A_489, %dma_wait3A_490] : memref<256x128xf32, #tpu.memory_space<vmem>> -> memref<128x128xf32, #tpu.memory_space<vmem>>
      %dma_wait3A_492 = arith.constant 1024 : i32
      %dma_wait3A_493 = tpu.memref_slice %arg7[%select_n3A_44, %dma_wait3A_492] : memref<2x5120xi32, #tpu.memory_space<vmem>> -> memref<1x128xi32, #tpu.memory_space<vmem>>
      %dma_wait3A_494 = tpu.memref_squeeze %dma_wait3A_493 : memref<1x128xi32, #tpu.memory_space<vmem>> -> memref<128xi32, #tpu.memory_space<vmem>>
      %dma_wait3A_495 = arith.constant 0 : i32
      %dma_wait3A_496 = arith.constant 0 : i32
      %dma_wait3A_497 = tpu.memref_slice %arg9[%dma_wait3A_495, %dma_wait3A_496] : memref<10000x128xf32, #tpu.memory_space<vmem_shared>> -> memref<10000x128xf32, #tpu.memory_space<vmem_shared>>
      tpu.wait_indirect_dma semaphore(%arg10 : memref<!tpu.dma_semaphore, #tpu.memory_space<semaphore_mem>>) src(%dma_wait3A_497 : memref<10000x128xf32, #tpu.memory_space<vmem_shared>>) dst(%dma_wait3A_491 : memref<128x128xf32, #tpu.memory_space<vmem>>)
      %dma_wait3A_498 = arith.constant 0 : i32
      %dma_wait3A_499 = arith.constant 0 : i32
      %dma_wait3A_500 = tpu.memref_slice %arg8[%dma_wait3A_498, %dma_wait3A_499] : memref<256x128xf32, #tpu.memory_space<vmem>> -> memref<128x128xf32, #tpu.memory_space<vmem>>
      %dma_wait3A_501 = arith.constant 1280 : i32
      %dma_wait3A_502 = tpu.memref_slice %arg7[%select_n3A_44, %dma_wait3A_501] : memref<2x5120xi32, #tpu.memory_space<vmem>> -> memref<1x128xi32, #tpu.memory_space<vmem>>
      %dma_wait3A_503 = tpu.memref_squeeze %dma_wait3A_502 : memref<1x128xi32, #tpu.memory_space<vmem>> -> memref<128xi32, #tpu.memory_space<vmem>>
      %dma_wait3A_504 = arith.constant 0 : i32
      %dma_wait3A_505 = arith.constant 0 : i32
      %dma_wait3A_506 = tpu.memref_slice %arg9[%dma_wait3A_504, %dma_wait3A_505] : memref<10000x128xf32, #tpu.memory_space<vmem_shared>> -> memref<10000x128xf32, #tpu.memory_space<vmem_shared>>
      tpu.wait_indirect_dma semaphore(%arg10 : memref<!tpu.dma_semaphore, #tpu.memory_space<semaphore_mem>>) src(%dma_wait3A_506 : memref<10000x128xf32, #tpu.memory_space<vmem_shared>>) dst(%dma_wait3A_500 : memref<128x128xf32, #tpu.memory_space<vmem>>)
      %dma_wait3A_507 = arith.constant 0 : i32
      %dma_wait3A_508 = arith.constant 0 : i32
      %dma_wait3A_509 = tpu.memref_slice %arg8[%dma_wait3A_507, %dma_wait3A_508] : memref<256x128xf32, #tpu.memory_space<vmem>> -> memref<128x128xf32, #tpu.memory_space<vmem>>
      %dma_wait3A_510 = arith.constant 1536 : i32
      %dma_wait3A_511 = tpu.memref_slice %arg7[%select_n3A_44, %dma_wait3A_510] : memref<2x5120xi32, #tpu.memory_space<vmem>> -> memref<1x128xi32, #tpu.memory_space<vmem>>
      %dma_wait3A_512 = tpu.memref_squeeze %dma_wait3A_511 : memref<1x128xi32, #tpu.memory_space<vmem>> -> memref<128xi32, #tpu.memory_space<vmem>>
      %dma_wait3A_513 = arith.constant 0 : i32
      %dma_wait3A_514 = arith.constant 0 : i32
      %dma_wait3A_515 = tpu.memref_slice %arg9[%dma_wait3A_513, %dma_wait3A_514] : memref<10000x128xf32, #tpu.memory_space<vmem_shared>> -> memref<10000x128xf32, #tpu.memory_space<vmem_shared>>
      tpu.wait_indirect_dma semaphore(%arg10 : memref<!tpu.dma_semaphore, #tpu.memory_space<semaphore_mem>>) src(%dma_wait3A_515 : memref<10000x128xf32, #tpu.memory_space<vmem_shared>>) dst(%dma_wait3A_509 : memref<128x128xf32, #tpu.memory_space<vmem>>)
      %dma_wait3A_516 = arith.constant 0 : i32
      %dma_wait3A_517 = arith.constant 0 : i32
      %dma_wait3A_518 = tpu.memref_slice %arg8[%dma_wait3A_516, %dma_wait3A_517] : memref<256x128xf32, #tpu.memory_space<vmem>> -> memref<128x128xf32, #tpu.memory_space<vmem>>
      %dma_wait3A_519 = arith.constant 1792 : i32
      %dma_wait3A_520 = tpu.memref_slice %arg7[%select_n3A_44, %dma_wait3A_519] : memref<2x5120xi32, #tpu.memory_space<vmem>> -> memref<1x128xi32, #tpu.memory_space<vmem>>
      %dma_wait3A_521 = tpu.memref_squeeze %dma_wait3A_520 : memref<1x128xi32, #tpu.memory_space<vmem>> -> memref<128xi32, #tpu.memory_space<vmem>>
      %dma_wait3A_522 = arith.constant 0 : i32
      %dma_wait3A_523 = arith.constant 0 : i32
      %dma_wait3A_524 = tpu.memref_slice %arg9[%dma_wait3A_522, %dma_wait3A_523] : memref<10000x128xf32, #tpu.memory_space<vmem_shared>> -> memref<10000x128xf32, #tpu.memory_space<vmem_shared>>
      tpu.wait_indirect_dma semaphore(%arg10 : memref<!tpu.dma_semaphore, #tpu.memory_space<semaphore_mem>>) src(%dma_wait3A_524 : memref<10000x128xf32, #tpu.memory_space<vmem_shared>>) dst(%dma_wait3A_518 : memref<128x128xf32, #tpu.memory_space<vmem>>)
      %dma_wait3A_525 = arith.constant 0 : i32
      %dma_wait3A_526 = arith.constant 0 : i32
      %dma_wait3A_527 = tpu.memref_slice %arg8[%dma_wait3A_525, %dma_wait3A_526] : memref<256x128xf32, #tpu.memory_space<vmem>> -> memref<128x128xf32, #tpu.memory_space<vmem>>
      %dma_wait3A_528 = arith.constant 2048 : i32
      %dma_wait3A_529 = tpu.memref_slice %arg7[%select_n3A_44, %dma_wait3A_528] : memref<2x5120xi32, #tpu.memory_space<vmem>> -> memref<1x128xi32, #tpu.memory_space<vmem>>
      %dma_wait3A_530 = tpu.memref_squeeze %dma_wait3A_529 : memref<1x128xi32, #tpu.memory_space<vmem>> -> memref<128xi32, #tpu.memory_space<vmem>>
      %dma_wait3A_531 = arith.constant 0 : i32
      %dma_wait3A_532 = arith.constant 0 : i32
      %dma_wait3A_533 = tpu.memref_slice %arg9[%dma_wait3A_531, %dma_wait3A_532] : memref<10000x128xf32, #tpu.memory_space<vmem_shared>> -> memref<10000x128xf32, #tpu.memory_space<vmem_shared>>
      tpu.wait_indirect_dma semaphore(%arg10 : memref<!tpu.dma_semaphore, #tpu.memory_space<semaphore_mem>>) src(%dma_wait3A_533 : memref<10000x128xf32, #tpu.memory_space<vmem_shared>>) dst(%dma_wait3A_527 : memref<128x128xf32, #tpu.memory_space<vmem>>)
      %dma_wait3A_534 = arith.constant 0 : i32
      %dma_wait3A_535 = arith.constant 0 : i32
      %dma_wait3A_536 = tpu.memref_slice %arg8[%dma_wait3A_534, %dma_wait3A_535] : memref<256x128xf32, #tpu.memory_space<vmem>> -> memref<128x128xf32, #tpu.memory_space<vmem>>
      %dma_wait3A_537 = arith.constant 2304 : i32
      %dma_wait3A_538 = tpu.memref_slice %arg7[%select_n3A_44, %dma_wait3A_537] : memref<2x5120xi32, #tpu.memory_space<vmem>> -> memref<1x128xi32, #tpu.memory_space<vmem>>
      %dma_wait3A_539 = tpu.memref_squeeze %dma_wait3A_538 : memref<1x128xi32, #tpu.memory_space<vmem>> -> memref<128xi32, #tpu.memory_space<vmem>>
      %dma_wait3A_540 = arith.constant 0 : i32
      %dma_wait3A_541 = arith.constant 0 : i32
      %dma_wait3A_542 = tpu.memref_slice %arg9[%dma_wait3A_540, %dma_wait3A_541] : memref<10000x128xf32, #tpu.memory_space<vmem_shared>> -> memref<10000x128xf32, #tpu.memory_space<vmem_shared>>
      tpu.wait_indirect_dma semaphore(%arg10 : memref<!tpu.dma_semaphore, #tpu.memory_space<semaphore_mem>>) src(%dma_wait3A_542 : memref<10000x128xf32, #tpu.memory_space<vmem_shared>>) dst(%dma_wait3A_536 : memref<128x128xf32, #tpu.memory_space<vmem>>)
      %dma_wait3A_543 = arith.constant 0 : i32
      %dma_wait3A_544 = arith.constant 0 : i32
      %dma_wait3A_545 = tpu.memref_slice %arg8[%dma_wait3A_543, %dma_wait3A_544] : memref<256x128xf32, #tpu.memory_space<vmem>> -> memref<128x128xf32, #tpu.memory_space<vmem>>
      %dma_wait3A_546 = arith.constant 2560 : i32
      %dma_wait3A_547 = tpu.memref_slice %arg7[%select_n3A_44, %dma_wait3A_546] : memref<2x5120xi32, #tpu.memory_space<vmem>> -> memref<1x128xi32, #tpu.memory_space<vmem>>
      %dma_wait3A_548 = tpu.memref_squeeze %dma_wait3A_547 : memref<1x128xi32, #tpu.memory_space<vmem>> -> memref<128xi32, #tpu.memory_space<vmem>>
      %dma_wait3A_549 = arith.constant 0 : i32
      %dma_wait3A_550 = arith.constant 0 : i32
      %dma_wait3A_551 = tpu.memref_slice %arg9[%dma_wait3A_549, %dma_wait3A_550] : memref<10000x128xf32, #tpu.memory_space<vmem_shared>> -> memref<10000x128xf32, #tpu.memory_space<vmem_shared>>
      tpu.wait_indirect_dma semaphore(%arg10 : memref<!tpu.dma_semaphore, #tpu.memory_space<semaphore_mem>>) src(%dma_wait3A_551 : memref<10000x128xf32, #tpu.memory_space<vmem_shared>>) dst(%dma_wait3A_545 : memref<128x128xf32, #tpu.memory_space<vmem>>)
      %dma_wait3A_552 = arith.constant 0 : i32
      %dma_wait3A_553 = arith.constant 0 : i32
      %dma_wait3A_554 = tpu.memref_slice %arg8[%dma_wait3A_552, %dma_wait3A_553] : memref<256x128xf32, #tpu.memory_space<vmem>> -> memref<128x128xf32, #tpu.memory_space<vmem>>
      %dma_wait3A_555 = arith.constant 2816 : i32
      %dma_wait3A_556 = tpu.memref_slice %arg7[%select_n3A_44, %dma_wait3A_555] : memref<2x5120xi32, #tpu.memory_space<vmem>> -> memref<1x128xi32, #tpu.memory_space<vmem>>
      %dma_wait3A_557 = tpu.memref_squeeze %dma_wait3A_556 : memref<1x128xi32, #tpu.memory_space<vmem>> -> memref<128xi32, #tpu.memory_space<vmem>>
      %dma_wait3A_558 = arith.constant 0 : i32
      %dma_wait3A_559 = arith.constant 0 : i32
      %dma_wait3A_560 = tpu.memref_slice %arg9[%dma_wait3A_558, %dma_wait3A_559] : memref<10000x128xf32, #tpu.memory_space<vmem_shared>> -> memref<10000x128xf32, #tpu.memory_space<vmem_shared>>
      tpu.wait_indirect_dma semaphore(%arg10 : memref<!tpu.dma_semaphore, #tpu.memory_space<semaphore_mem>>) src(%dma_wait3A_560 : memref<10000x128xf32, #tpu.memory_space<vmem_shared>>) dst(%dma_wait3A_554 : memref<128x128xf32, #tpu.memory_space<vmem>>)
      %dma_wait3A_561 = arith.constant 0 : i32
      %dma_wait3A_562 = arith.constant 0 : i32
      %dma_wait3A_563 = tpu.memref_slice %arg8[%dma_wait3A_561, %dma_wait3A_562] : memref<256x128xf32, #tpu.memory_space<vmem>> -> memref<128x128xf32, #tpu.memory_space<vmem>>
      %dma_wait3A_564 = arith.constant 3072 : i32
      %dma_wait3A_565 = tpu.memref_slice %arg7[%select_n3A_44, %dma_wait3A_564] : memref<2x5120xi32, #tpu.memory_space<vmem>> -> memref<1x128xi32, #tpu.memory_space<vmem>>
      %dma_wait3A_566 = tpu.memref_squeeze %dma_wait3A_565 : memref<1x128xi32, #tpu.memory_space<vmem>> -> memref<128xi32, #tpu.memory_space<vmem>>
      %dma_wait3A_567 = arith.constant 0 : i32
      %dma_wait3A_568 = arith.constant 0 : i32
      %dma_wait3A_569 = tpu.memref_slice %arg9[%dma_wait3A_567, %dma_wait3A_568] : memref<10000x128xf32, #tpu.memory_space<vmem_shared>> -> memref<10000x128xf32, #tpu.memory_space<vmem_shared>>
      tpu.wait_indirect_dma semaphore(%arg10 : memref<!tpu.dma_semaphore, #tpu.memory_space<semaphore_mem>>) src(%dma_wait3A_569 : memref<10000x128xf32, #tpu.memory_space<vmem_shared>>) dst(%dma_wait3A_563 : memref<128x128xf32, #tpu.memory_space<vmem>>)
      %dma_wait3A_570 = arith.constant 0 : i32
      %dma_wait3A_571 = arith.constant 0 : i32
      %dma_wait3A_572 = tpu.memref_slice %arg8[%dma_wait3A_570, %dma_wait3A_571] : memref<256x128xf32, #tpu.memory_space<vmem>> -> memref<128x128xf32, #tpu.memory_space<vmem>>
      %dma_wait3A_573 = arith.constant 3328 : i32
      %dma_wait3A_574 = tpu.memref_slice %arg7[%select_n3A_44, %dma_wait3A_573] : memref<2x5120xi32, #tpu.memory_space<vmem>> -> memref<1x128xi32, #tpu.memory_space<vmem>>
      %dma_wait3A_575 = tpu.memref_squeeze %dma_wait3A_574 : memref<1x128xi32, #tpu.memory_space<vmem>> -> memref<128xi32, #tpu.memory_space<vmem>>
      %dma_wait3A_576 = arith.constant 0 : i32
      %dma_wait3A_577 = arith.constant 0 : i32
      %dma_wait3A_578 = tpu.memref_slice %arg9[%dma_wait3A_576, %dma_wait3A_577] : memref<10000x128xf32, #tpu.memory_space<vmem_shared>> -> memref<10000x128xf32, #tpu.memory_space<vmem_shared>>
      tpu.wait_indirect_dma semaphore(%arg10 : memref<!tpu.dma_semaphore, #tpu.memory_space<semaphore_mem>>) src(%dma_wait3A_578 : memref<10000x128xf32, #tpu.memory_space<vmem_shared>>) dst(%dma_wait3A_572 : memref<128x128xf32, #tpu.memory_space<vmem>>)
      %dma_wait3A_579 = arith.constant 0 : i32
      %dma_wait3A_580 = arith.constant 0 : i32
      %dma_wait3A_581 = tpu.memref_slice %arg8[%dma_wait3A_579, %dma_wait3A_580] : memref<256x128xf32, #tpu.memory_space<vmem>> -> memref<128x128xf32, #tpu.memory_space<vmem>>
      %dma_wait3A_582 = arith.constant 3584 : i32
      %dma_wait3A_583 = tpu.memref_slice %arg7[%select_n3A_44, %dma_wait3A_582] : memref<2x5120xi32, #tpu.memory_space<vmem>> -> memref<1x128xi32, #tpu.memory_space<vmem>>
      %dma_wait3A_584 = tpu.memref_squeeze %dma_wait3A_583 : memref<1x128xi32, #tpu.memory_space<vmem>> -> memref<128xi32, #tpu.memory_space<vmem>>
      %dma_wait3A_585 = arith.constant 0 : i32
      %dma_wait3A_586 = arith.constant 0 : i32
      %dma_wait3A_587 = tpu.memref_slice %arg9[%dma_wait3A_585, %dma_wait3A_586] : memref<10000x128xf32, #tpu.memory_space<vmem_shared>> -> memref<10000x128xf32, #tpu.memory_space<vmem_shared>>
      tpu.wait_indirect_dma semaphore(%arg10 : memref<!tpu.dma_semaphore, #tpu.memory_space<semaphore_mem>>) src(%dma_wait3A_587 : memref<10000x128xf32, #tpu.memory_space<vmem_shared>>) dst(%dma_wait3A_581 : memref<128x128xf32, #tpu.memory_space<vmem>>)
      %dma_wait3A_588 = arith.constant 0 : i32
      %dma_wait3A_589 = arith.constant 0 : i32
      %dma_wait3A_590 = tpu.memref_slice %arg8[%dma_wait3A_588, %dma_wait3A_589] : memref<256x128xf32, #tpu.memory_space<vmem>> -> memref<128x128xf32, #tpu.memory_space<vmem>>
      %dma_wait3A_591 = arith.constant 3840 : i32
      %dma_wait3A_592 = tpu.memref_slice %arg7[%select_n3A_44, %dma_wait3A_591] : memref<2x5120xi32, #tpu.memory_space<vmem>> -> memref<1x128xi32, #tpu.memory_space<vmem>>
      %dma_wait3A_593 = tpu.memref_squeeze %dma_wait3A_592 : memref<1x128xi32, #tpu.memory_space<vmem>> -> memref<128xi32, #tpu.memory_space<vmem>>
      %dma_wait3A_594 = arith.constant 0 : i32
      %dma_wait3A_595 = arith.constant 0 : i32
      %dma_wait3A_596 = tpu.memref_slice %arg9[%dma_wait3A_594, %dma_wait3A_595] : memref<10000x128xf32, #tpu.memory_space<vmem_shared>> -> memref<10000x128xf32, #tpu.memory_space<vmem_shared>>
      tpu.wait_indirect_dma semaphore(%arg10 : memref<!tpu.dma_semaphore, #tpu.memory_space<semaphore_mem>>) src(%dma_wait3A_596 : memref<10000x128xf32, #tpu.memory_space<vmem_shared>>) dst(%dma_wait3A_590 : memref<128x128xf32, #tpu.memory_space<vmem>>)
      %dma_wait3A_597 = arith.constant 0 : i32
      %dma_wait3A_598 = arith.constant 0 : i32
      %dma_wait3A_599 = tpu.memref_slice %arg8[%dma_wait3A_597, %dma_wait3A_598] : memref<256x128xf32, #tpu.memory_space<vmem>> -> memref<128x128xf32, #tpu.memory_space<vmem>>
      %dma_wait3A_600 = arith.constant 4096 : i32
      %dma_wait3A_601 = tpu.memref_slice %arg7[%select_n3A_44, %dma_wait3A_600] : memref<2x5120xi32, #tpu.memory_space<vmem>> -> memref<1x128xi32, #tpu.memory_space<vmem>>
      %dma_wait3A_602 = tpu.memref_squeeze %dma_wait3A_601 : memref<1x128xi32, #tpu.memory_space<vmem>> -> memref<128xi32, #tpu.memory_space<vmem>>
      %dma_wait3A_603 = arith.constant 0 : i32
      %dma_wait3A_604 = arith.constant 0 : i32
      %dma_wait3A_605 = tpu.memref_slice %arg9[%dma_wait3A_603, %dma_wait3A_604] : memref<10000x128xf32, #tpu.memory_space<vmem_shared>> -> memref<10000x128xf32, #tpu.memory_space<vmem_shared>>
      tpu.wait_indirect_dma semaphore(%arg10 : memref<!tpu.dma_semaphore, #tpu.memory_space<semaphore_mem>>) src(%dma_wait3A_605 : memref<10000x128xf32, #tpu.memory_space<vmem_shared>>) dst(%dma_wait3A_599 : memref<128x128xf32, #tpu.memory_space<vmem>>)
      %dma_wait3A_606 = arith.constant 0 : i32
      %dma_wait3A_607 = arith.constant 0 : i32
      %dma_wait3A_608 = tpu.memref_slice %arg8[%dma_wait3A_606, %dma_wait3A_607] : memref<256x128xf32, #tpu.memory_space<vmem>> -> memref<128x128xf32, #tpu.memory_space<vmem>>
      %dma_wait3A_609 = arith.constant 4352 : i32
      %dma_wait3A_610 = tpu.memref_slice %arg7[%select_n3A_44, %dma_wait3A_609] : memref<2x5120xi32, #tpu.memory_space<vmem>> -> memref<1x128xi32, #tpu.memory_space<vmem>>
      %dma_wait3A_611 = tpu.memref_squeeze %dma_wait3A_610 : memref<1x128xi32, #tpu.memory_space<vmem>> -> memref<128xi32, #tpu.memory_space<vmem>>
      %dma_wait3A_612 = arith.constant 0 : i32
      %dma_wait3A_613 = arith.constant 0 : i32
      %dma_wait3A_614 = tpu.memref_slice %arg9[%dma_wait3A_612, %dma_wait3A_613] : memref<10000x128xf32, #tpu.memory_space<vmem_shared>> -> memref<10000x128xf32, #tpu.memory_space<vmem_shared>>
      tpu.wait_indirect_dma semaphore(%arg10 : memref<!tpu.dma_semaphore, #tpu.memory_space<semaphore_mem>>) src(%dma_wait3A_614 : memref<10000x128xf32, #tpu.memory_space<vmem_shared>>) dst(%dma_wait3A_608 : memref<128x128xf32, #tpu.memory_space<vmem>>)
      %dma_wait3A_615 = arith.constant 0 : i32
      %dma_wait3A_616 = arith.constant 0 : i32
      %dma_wait3A_617 = tpu.memref_slice %arg8[%dma_wait3A_615, %dma_wait3A_616] : memref<256x128xf32, #tpu.memory_space<vmem>> -> memref<128x128xf32, #tpu.memory_space<vmem>>
      %dma_wait3A_618 = arith.constant 4608 : i32
      %dma_wait3A_619 = tpu.memref_slice %arg7[%select_n3A_44, %dma_wait3A_618] : memref<2x5120xi32, #tpu.memory_space<vmem>> -> memref<1x128xi32, #tpu.memory_space<vmem>>
      %dma_wait3A_620 = tpu.memref_squeeze %dma_wait3A_619 : memref<1x128xi32, #tpu.memory_space<vmem>> -> memref<128xi32, #tpu.memory_space<vmem>>
      %dma_wait3A_621 = arith.constant 0 : i32
      %dma_wait3A_622 = arith.constant 0 : i32
      %dma_wait3A_623 = tpu.memref_slice %arg9[%dma_wait3A_621, %dma_wait3A_622] : memref<10000x128xf32, #tpu.memory_space<vmem_shared>> -> memref<10000x128xf32, #tpu.memory_space<vmem_shared>>
      tpu.wait_indirect_dma semaphore(%arg10 : memref<!tpu.dma_semaphore, #tpu.memory_space<semaphore_mem>>) src(%dma_wait3A_623 : memref<10000x128xf32, #tpu.memory_space<vmem_shared>>) dst(%dma_wait3A_617 : memref<128x128xf32, #tpu.memory_space<vmem>>)
      %dma_wait3A_624 = arith.constant 0 : i32
      %dma_wait3A_625 = arith.constant 0 : i32
      %dma_wait3A_626 = tpu.memref_slice %arg8[%dma_wait3A_624, %dma_wait3A_625] : memref<256x128xf32, #tpu.memory_space<vmem>> -> memref<128x128xf32, #tpu.memory_space<vmem>>
      %dma_wait3A_627 = arith.constant 4864 : i32
      %dma_wait3A_628 = tpu.memref_slice %arg7[%select_n3A_44, %dma_wait3A_627] : memref<2x5120xi32, #tpu.memory_space<vmem>> -> memref<1x128xi32, #tpu.memory_space<vmem>>
      %dma_wait3A_629 = tpu.memref_squeeze %dma_wait3A_628 : memref<1x128xi32, #tpu.memory_space<vmem>> -> memref<128xi32, #tpu.memory_space<vmem>>
      %dma_wait3A_630 = arith.constant 0 : i32
      %dma_wait3A_631 = arith.constant 0 : i32
      %dma_wait3A_632 = tpu.memref_slice %arg9[%dma_wait3A_630, %dma_wait3A_631] : memref<10000x128xf32, #tpu.memory_space<vmem_shared>> -> memref<10000x128xf32, #tpu.memory_space<vmem_shared>>
      tpu.wait_indirect_dma semaphore(%arg10 : memref<!tpu.dma_semaphore, #tpu.memory_space<semaphore_mem>>) src(%dma_wait3A_632 : memref<10000x128xf32, #tpu.memory_space<vmem_shared>>) dst(%dma_wait3A_626 : memref<128x128xf32, #tpu.memory_space<vmem>>)
      %dma_wait3A_633 = arith.constant 128 : i32
      %dma_wait3A_634 = arith.constant 0 : i32
      %dma_wait3A_635 = tpu.memref_slice %arg8[%dma_wait3A_633, %dma_wait3A_634] : memref<256x128xf32, #tpu.memory_space<vmem>> -> memref<128x128xf32, #tpu.memory_space<vmem>>
      %dma_wait3A_636 = arith.constant 128 : i32
      %dma_wait3A_637 = tpu.memref_slice %arg7[%select_n3A_44, %dma_wait3A_636] : memref<2x5120xi32, #tpu.memory_space<vmem>> -> memref<1x128xi32, #tpu.memory_space<vmem>>
      %dma_wait3A_638 = tpu.memref_squeeze %dma_wait3A_637 : memref<1x128xi32, #tpu.memory_space<vmem>> -> memref<128xi32, #tpu.memory_space<vmem>>
      %dma_wait3A_639 = arith.constant 0 : i32
      %dma_wait3A_640 = arith.constant 0 : i32
      %dma_wait3A_641 = tpu.memref_slice %arg9[%dma_wait3A_639, %dma_wait3A_640] : memref<10000x128xf32, #tpu.memory_space<vmem_shared>> -> memref<10000x128xf32, #tpu.memory_space<vmem_shared>>
      tpu.wait_indirect_dma semaphore(%arg10 : memref<!tpu.dma_semaphore, #tpu.memory_space<semaphore_mem>>) src(%dma_wait3A_641 : memref<10000x128xf32, #tpu.memory_space<vmem_shared>>) dst(%dma_wait3A_635 : memref<128x128xf32, #tpu.memory_space<vmem>>)
      %dma_wait3A_642 = arith.constant 128 : i32
      %dma_wait3A_643 = arith.constant 0 : i32
      %dma_wait3A_644 = tpu.memref_slice %arg8[%dma_wait3A_642, %dma_wait3A_643] : memref<256x128xf32, #tpu.memory_space<vmem>> -> memref<128x128xf32, #tpu.memory_space<vmem>>
      %dma_wait3A_645 = arith.constant 384 : i32
      %dma_wait3A_646 = tpu.memref_slice %arg7[%select_n3A_44, %dma_wait3A_645] : memref<2x5120xi32, #tpu.memory_space<vmem>> -> memref<1x128xi32, #tpu.memory_space<vmem>>
      %dma_wait3A_647 = tpu.memref_squeeze %dma_wait3A_646 : memref<1x128xi32, #tpu.memory_space<vmem>> -> memref<128xi32, #tpu.memory_space<vmem>>
      %dma_wait3A_648 = arith.constant 0 : i32
      %dma_wait3A_649 = arith.constant 0 : i32
      %dma_wait3A_650 = tpu.memref_slice %arg9[%dma_wait3A_648, %dma_wait3A_649] : memref<10000x128xf32, #tpu.memory_space<vmem_shared>> -> memref<10000x128xf32, #tpu.memory_space<vmem_shared>>
      tpu.wait_indirect_dma semaphore(%arg10 : memref<!tpu.dma_semaphore, #tpu.memory_space<semaphore_mem>>) src(%dma_wait3A_650 : memref<10000x128xf32, #tpu.memory_space<vmem_shared>>) dst(%dma_wait3A_644 : memref<128x128xf32, #tpu.memory_space<vmem>>)
      %dma_wait3A_651 = arith.constant 128 : i32
      %dma_wait3A_652 = arith.constant 0 : i32
      %dma_wait3A_653 = tpu.memref_slice %arg8[%dma_wait3A_651, %dma_wait3A_652] : memref<256x128xf32, #tpu.memory_space<vmem>> -> memref<128x128xf32, #tpu.memory_space<vmem>>
      %dma_wait3A_654 = arith.constant 640 : i32
      %dma_wait3A_655 = tpu.memref_slice %arg7[%select_n3A_44, %dma_wait3A_654] : memref<2x5120xi32, #tpu.memory_space<vmem>> -> memref<1x128xi32, #tpu.memory_space<vmem>>
      %dma_wait3A_656 = tpu.memref_squeeze %dma_wait3A_655 : memref<1x128xi32, #tpu.memory_space<vmem>> -> memref<128xi32, #tpu.memory_space<vmem>>
      %dma_wait3A_657 = arith.constant 0 : i32
      %dma_wait3A_658 = arith.constant 0 : i32
      %dma_wait3A_659 = tpu.memref_slice %arg9[%dma_wait3A_657, %dma_wait3A_658] : memref<10000x128xf32, #tpu.memory_space<vmem_shared>> -> memref<10000x128xf32, #tpu.memory_space<vmem_shared>>
      tpu.wait_indirect_dma semaphore(%arg10 : memref<!tpu.dma_semaphore, #tpu.memory_space<semaphore_mem>>) src(%dma_wait3A_659 : memref<10000x128xf32, #tpu.memory_space<vmem_shared>>) dst(%dma_wait3A_653 : memref<128x128xf32, #tpu.memory_space<vmem>>)
      %dma_wait3A_660 = arith.constant 128 : i32
      %dma_wait3A_661 = arith.constant 0 : i32
      %dma_wait3A_662 = tpu.memref_slice %arg8[%dma_wait3A_660, %dma_wait3A_661] : memref<256x128xf32, #tpu.memory_space<vmem>> -> memref<128x128xf32, #tpu.memory_space<vmem>>
      %dma_wait3A_663 = arith.constant 896 : i32
      %dma_wait3A_664 = tpu.memref_slice %arg7[%select_n3A_44, %dma_wait3A_663] : memref<2x5120xi32, #tpu.memory_space<vmem>> -> memref<1x128xi32, #tpu.memory_space<vmem>>
      %dma_wait3A_665 = tpu.memref_squeeze %dma_wait3A_664 : memref<1x128xi32, #tpu.memory_space<vmem>> -> memref<128xi32, #tpu.memory_space<vmem>>
      %dma_wait3A_666 = arith.constant 0 : i32
      %dma_wait3A_667 = arith.constant 0 : i32
      %dma_wait3A_668 = tpu.memref_slice %arg9[%dma_wait3A_666, %dma_wait3A_667] : memref<10000x128xf32, #tpu.memory_space<vmem_shared>> -> memref<10000x128xf32, #tpu.memory_space<vmem_shared>>
      tpu.wait_indirect_dma semaphore(%arg10 : memref<!tpu.dma_semaphore, #tpu.memory_space<semaphore_mem>>) src(%dma_wait3A_668 : memref<10000x128xf32, #tpu.memory_space<vmem_shared>>) dst(%dma_wait3A_662 : memref<128x128xf32, #tpu.memory_space<vmem>>)
      %dma_wait3A_669 = arith.constant 128 : i32
      %dma_wait3A_670 = arith.constant 0 : i32
      %dma_wait3A_671 = tpu.memref_slice %arg8[%dma_wait3A_669, %dma_wait3A_670] : memref<256x128xf32, #tpu.memory_space<vmem>> -> memref<128x128xf32, #tpu.memory_space<vmem>>
      %dma_wait3A_672 = arith.constant 1152 : i32
      %dma_wait3A_673 = tpu.memref_slice %arg7[%select_n3A_44, %dma_wait3A_672] : memref<2x5120xi32, #tpu.memory_space<vmem>> -> memref<1x128xi32, #tpu.memory_space<vmem>>
      %dma_wait3A_674 = tpu.memref_squeeze %dma_wait3A_673 : memref<1x128xi32, #tpu.memory_space<vmem>> -> memref<128xi32, #tpu.memory_space<vmem>>
      %dma_wait3A_675 = arith.constant 0 : i32
      %dma_wait3A_676 = arith.constant 0 : i32
      %dma_wait3A_677 = tpu.memref_slice %arg9[%dma_wait3A_675, %dma_wait3A_676] : memref<10000x128xf32, #tpu.memory_space<vmem_shared>> -> memref<10000x128xf32, #tpu.memory_space<vmem_shared>>
      tpu.wait_indirect_dma semaphore(%arg10 : memref<!tpu.dma_semaphore, #tpu.memory_space<semaphore_mem>>) src(%dma_wait3A_677 : memref<10000x128xf32, #tpu.memory_space<vmem_shared>>) dst(%dma_wait3A_671 : memref<128x128xf32, #tpu.memory_space<vmem>>)
      %dma_wait3A_678 = arith.constant 128 : i32
      %dma_wait3A_679 = arith.constant 0 : i32
      %dma_wait3A_680 = tpu.memref_slice %arg8[%dma_wait3A_678, %dma_wait3A_679] : memref<256x128xf32, #tpu.memory_space<vmem>> -> memref<128x128xf32, #tpu.memory_space<vmem>>
      %dma_wait3A_681 = arith.constant 1408 : i32
      %dma_wait3A_682 = tpu.memref_slice %arg7[%select_n3A_44, %dma_wait3A_681] : memref<2x5120xi32, #tpu.memory_space<vmem>> -> memref<1x128xi32, #tpu.memory_space<vmem>>
      %dma_wait3A_683 = tpu.memref_squeeze %dma_wait3A_682 : memref<1x128xi32, #tpu.memory_space<vmem>> -> memref<128xi32, #tpu.memory_space<vmem>>
      %dma_wait3A_684 = arith.constant 0 : i32
      %dma_wait3A_685 = arith.constant 0 : i32
      %dma_wait3A_686 = tpu.memref_slice %arg9[%dma_wait3A_684, %dma_wait3A_685] : memref<10000x128xf32, #tpu.memory_space<vmem_shared>> -> memref<10000x128xf32, #tpu.memory_space<vmem_shared>>
      tpu.wait_indirect_dma semaphore(%arg10 : memref<!tpu.dma_semaphore, #tpu.memory_space<semaphore_mem>>) src(%dma_wait3A_686 : memref<10000x128xf32, #tpu.memory_space<vmem_shared>>) dst(%dma_wait3A_680 : memref<128x128xf32, #tpu.memory_space<vmem>>)
      %dma_wait3A_687 = arith.constant 128 : i32
      %dma_wait3A_688 = arith.constant 0 : i32
      %dma_wait3A_689 = tpu.memref_slice %arg8[%dma_wait3A_687, %dma_wait3A_688] : memref<256x128xf32, #tpu.memory_space<vmem>> -> memref<128x128xf32, #tpu.memory_space<vmem>>
      %dma_wait3A_690 = arith.constant 1664 : i32
      %dma_wait3A_691 = tpu.memref_slice %arg7[%select_n3A_44, %dma_wait3A_690] : memref<2x5120xi32, #tpu.memory_space<vmem>> -> memref<1x128xi32, #tpu.memory_space<vmem>>
      %dma_wait3A_692 = tpu.memref_squeeze %dma_wait3A_691 : memref<1x128xi32, #tpu.memory_space<vmem>> -> memref<128xi32, #tpu.memory_space<vmem>>
      %dma_wait3A_693 = arith.constant 0 : i32
      %dma_wait3A_694 = arith.constant 0 : i32
      %dma_wait3A_695 = tpu.memref_slice %arg9[%dma_wait3A_693, %dma_wait3A_694] : memref<10000x128xf32, #tpu.memory_space<vmem_shared>> -> memref<10000x128xf32, #tpu.memory_space<vmem_shared>>
      tpu.wait_indirect_dma semaphore(%arg10 : memref<!tpu.dma_semaphore, #tpu.memory_space<semaphore_mem>>) src(%dma_wait3A_695 : memref<10000x128xf32, #tpu.memory_space<vmem_shared>>) dst(%dma_wait3A_689 : memref<128x128xf32, #tpu.memory_space<vmem>>)
      %dma_wait3A_696 = arith.constant 128 : i32
      %dma_wait3A_697 = arith.constant 0 : i32
      %dma_wait3A_698 = tpu.memref_slice %arg8[%dma_wait3A_696, %dma_wait3A_697] : memref<256x128xf32, #tpu.memory_space<vmem>> -> memref<128x128xf32, #tpu.memory_space<vmem>>
      %dma_wait3A_699 = arith.constant 1920 : i32
      %dma_wait3A_700 = tpu.memref_slice %arg7[%select_n3A_44, %dma_wait3A_699] : memref<2x5120xi32, #tpu.memory_space<vmem>> -> memref<1x128xi32, #tpu.memory_space<vmem>>
      %dma_wait3A_701 = tpu.memref_squeeze %dma_wait3A_700 : memref<1x128xi32, #tpu.memory_space<vmem>> -> memref<128xi32, #tpu.memory_space<vmem>>
      %dma_wait3A_702 = arith.constant 0 : i32
      %dma_wait3A_703 = arith.constant 0 : i32
      %dma_wait3A_704 = tpu.memref_slice %arg9[%dma_wait3A_702, %dma_wait3A_703] : memref<10000x128xf32, #tpu.memory_space<vmem_shared>> -> memref<10000x128xf32, #tpu.memory_space<vmem_shared>>
      tpu.wait_indirect_dma semaphore(%arg10 : memref<!tpu.dma_semaphore, #tpu.memory_space<semaphore_mem>>) src(%dma_wait3A_704 : memref<10000x128xf32, #tpu.memory_space<vmem_shared>>) dst(%dma_wait3A_698 : memref<128x128xf32, #tpu.memory_space<vmem>>)
      %dma_wait3A_705 = arith.constant 128 : i32
      %dma_wait3A_706 = arith.constant 0 : i32
      %dma_wait3A_707 = tpu.memref_slice %arg8[%dma_wait3A_705, %dma_wait3A_706] : memref<256x128xf32, #tpu.memory_space<vmem>> -> memref<128x128xf32, #tpu.memory_space<vmem>>
      %dma_wait3A_708 = arith.constant 2176 : i32
      %dma_wait3A_709 = tpu.memref_slice %arg7[%select_n3A_44, %dma_wait3A_708] : memref<2x5120xi32, #tpu.memory_space<vmem>> -> memref<1x128xi32, #tpu.memory_space<vmem>>
      %dma_wait3A_710 = tpu.memref_squeeze %dma_wait3A_709 : memref<1x128xi32, #tpu.memory_space<vmem>> -> memref<128xi32, #tpu.memory_space<vmem>>
      %dma_wait3A_711 = arith.constant 0 : i32
      %dma_wait3A_712 = arith.constant 0 : i32
      %dma_wait3A_713 = tpu.memref_slice %arg9[%dma_wait3A_711, %dma_wait3A_712] : memref<10000x128xf32, #tpu.memory_space<vmem_shared>> -> memref<10000x128xf32, #tpu.memory_space<vmem_shared>>
      tpu.wait_indirect_dma semaphore(%arg10 : memref<!tpu.dma_semaphore, #tpu.memory_space<semaphore_mem>>) src(%dma_wait3A_713 : memref<10000x128xf32, #tpu.memory_space<vmem_shared>>) dst(%dma_wait3A_707 : memref<128x128xf32, #tpu.memory_space<vmem>>)
      %dma_wait3A_714 = arith.constant 128 : i32
      %dma_wait3A_715 = arith.constant 0 : i32
      %dma_wait3A_716 = tpu.memref_slice %arg8[%dma_wait3A_714, %dma_wait3A_715] : memref<256x128xf32, #tpu.memory_space<vmem>> -> memref<128x128xf32, #tpu.memory_space<vmem>>
      %dma_wait3A_717 = arith.constant 2432 : i32
      %dma_wait3A_718 = tpu.memref_slice %arg7[%select_n3A_44, %dma_wait3A_717] : memref<2x5120xi32, #tpu.memory_space<vmem>> -> memref<1x128xi32, #tpu.memory_space<vmem>>
      %dma_wait3A_719 = tpu.memref_squeeze %dma_wait3A_718 : memref<1x128xi32, #tpu.memory_space<vmem>> -> memref<128xi32, #tpu.memory_space<vmem>>
      %dma_wait3A_720 = arith.constant 0 : i32
      %dma_wait3A_721 = arith.constant 0 : i32
      %dma_wait3A_722 = tpu.memref_slice %arg9[%dma_wait3A_720, %dma_wait3A_721] : memref<10000x128xf32, #tpu.memory_space<vmem_shared>> -> memref<10000x128xf32, #tpu.memory_space<vmem_shared>>
      tpu.wait_indirect_dma semaphore(%arg10 : memref<!tpu.dma_semaphore, #tpu.memory_space<semaphore_mem>>) src(%dma_wait3A_722 : memref<10000x128xf32, #tpu.memory_space<vmem_shared>>) dst(%dma_wait3A_716 : memref<128x128xf32, #tpu.memory_space<vmem>>)
      %dma_wait3A_723 = arith.constant 128 : i32
      %dma_wait3A_724 = arith.constant 0 : i32
      %dma_wait3A_725 = tpu.memref_slice %arg8[%dma_wait3A_723, %dma_wait3A_724] : memref<256x128xf32, #tpu.memory_space<vmem>> -> memref<128x128xf32, #tpu.memory_space<vmem>>
      %dma_wait3A_726 = arith.constant 2688 : i32
      %dma_wait3A_727 = tpu.memref_slice %arg7[%select_n3A_44, %dma_wait3A_726] : memref<2x5120xi32, #tpu.memory_space<vmem>> -> memref<1x128xi32, #tpu.memory_space<vmem>>
      %dma_wait3A_728 = tpu.memref_squeeze %dma_wait3A_727 : memref<1x128xi32, #tpu.memory_space<vmem>> -> memref<128xi32, #tpu.memory_space<vmem>>
      %dma_wait3A_729 = arith.constant 0 : i32
      %dma_wait3A_730 = arith.constant 0 : i32
      %dma_wait3A_731 = tpu.memref_slice %arg9[%dma_wait3A_729, %dma_wait3A_730] : memref<10000x128xf32, #tpu.memory_space<vmem_shared>> -> memref<10000x128xf32, #tpu.memory_space<vmem_shared>>
      tpu.wait_indirect_dma semaphore(%arg10 : memref<!tpu.dma_semaphore, #tpu.memory_space<semaphore_mem>>) src(%dma_wait3A_731 : memref<10000x128xf32, #tpu.memory_space<vmem_shared>>) dst(%dma_wait3A_725 : memref<128x128xf32, #tpu.memory_space<vmem>>)
      %dma_wait3A_732 = arith.constant 128 : i32
      %dma_wait3A_733 = arith.constant 0 : i32
      %dma_wait3A_734 = tpu.memref_slice %arg8[%dma_wait3A_732, %dma_wait3A_733] : memref<256x128xf32, #tpu.memory_space<vmem>> -> memref<128x128xf32, #tpu.memory_space<vmem>>
      %dma_wait3A_735 = arith.constant 2944 : i32
      %dma_wait3A_736 = tpu.memref_slice %arg7[%select_n3A_44, %dma_wait3A_735] : memref<2x5120xi32, #tpu.memory_space<vmem>> -> memref<1x128xi32, #tpu.memory_space<vmem>>
      %dma_wait3A_737 = tpu.memref_squeeze %dma_wait3A_736 : memref<1x128xi32, #tpu.memory_space<vmem>> -> memref<128xi32, #tpu.memory_space<vmem>>
      %dma_wait3A_738 = arith.constant 0 : i32
      %dma_wait3A_739 = arith.constant 0 : i32
      %dma_wait3A_740 = tpu.memref_slice %arg9[%dma_wait3A_738, %dma_wait3A_739] : memref<10000x128xf32, #tpu.memory_space<vmem_shared>> -> memref<10000x128xf32, #tpu.memory_space<vmem_shared>>
      tpu.wait_indirect_dma semaphore(%arg10 : memref<!tpu.dma_semaphore, #tpu.memory_space<semaphore_mem>>) src(%dma_wait3A_740 : memref<10000x128xf32, #tpu.memory_space<vmem_shared>>) dst(%dma_wait3A_734 : memref<128x128xf32, #tpu.memory_space<vmem>>)
      %dma_wait3A_741 = arith.constant 128 : i32
      %dma_wait3A_742 = arith.constant 0 : i32
      %dma_wait3A_743 = tpu.memref_slice %arg8[%dma_wait3A_741, %dma_wait3A_742] : memref<256x128xf32, #tpu.memory_space<vmem>> -> memref<128x128xf32, #tpu.memory_space<vmem>>
      %dma_wait3A_744 = arith.constant 3200 : i32
      %dma_wait3A_745 = tpu.memref_slice %arg7[%select_n3A_44, %dma_wait3A_744] : memref<2x5120xi32, #tpu.memory_space<vmem>> -> memref<1x128xi32, #tpu.memory_space<vmem>>
      %dma_wait3A_746 = tpu.memref_squeeze %dma_wait3A_745 : memref<1x128xi32, #tpu.memory_space<vmem>> -> memref<128xi32, #tpu.memory_space<vmem>>
      %dma_wait3A_747 = arith.constant 0 : i32
      %dma_wait3A_748 = arith.constant 0 : i32
      %dma_wait3A_749 = tpu.memref_slice %arg9[%dma_wait3A_747, %dma_wait3A_748] : memref<10000x128xf32, #tpu.memory_space<vmem_shared>> -> memref<10000x128xf32, #tpu.memory_space<vmem_shared>>
      tpu.wait_indirect_dma semaphore(%arg10 : memref<!tpu.dma_semaphore, #tpu.memory_space<semaphore_mem>>) src(%dma_wait3A_749 : memref<10000x128xf32, #tpu.memory_space<vmem_shared>>) dst(%dma_wait3A_743 : memref<128x128xf32, #tpu.memory_space<vmem>>)
      %dma_wait3A_750 = arith.constant 128 : i32
      %dma_wait3A_751 = arith.constant 0 : i32
      %dma_wait3A_752 = tpu.memref_slice %arg8[%dma_wait3A_750, %dma_wait3A_751] : memref<256x128xf32, #tpu.memory_space<vmem>> -> memref<128x128xf32, #tpu.memory_space<vmem>>
      %dma_wait3A_753 = arith.constant 3456 : i32
      %dma_wait3A_754 = tpu.memref_slice %arg7[%select_n3A_44, %dma_wait3A_753] : memref<2x5120xi32, #tpu.memory_space<vmem>> -> memref<1x128xi32, #tpu.memory_space<vmem>>
      %dma_wait3A_755 = tpu.memref_squeeze %dma_wait3A_754 : memref<1x128xi32, #tpu.memory_space<vmem>> -> memref<128xi32, #tpu.memory_space<vmem>>
      %dma_wait3A_756 = arith.constant 0 : i32
      %dma_wait3A_757 = arith.constant 0 : i32
      %dma_wait3A_758 = tpu.memref_slice %arg9[%dma_wait3A_756, %dma_wait3A_757] : memref<10000x128xf32, #tpu.memory_space<vmem_shared>> -> memref<10000x128xf32, #tpu.memory_space<vmem_shared>>
      tpu.wait_indirect_dma semaphore(%arg10 : memref<!tpu.dma_semaphore, #tpu.memory_space<semaphore_mem>>) src(%dma_wait3A_758 : memref<10000x128xf32, #tpu.memory_space<vmem_shared>>) dst(%dma_wait3A_752 : memref<128x128xf32, #tpu.memory_space<vmem>>)
      %dma_wait3A_759 = arith.constant 128 : i32
      %dma_wait3A_760 = arith.constant 0 : i32
      %dma_wait3A_761 = tpu.memref_slice %arg8[%dma_wait3A_759, %dma_wait3A_760] : memref<256x128xf32, #tpu.memory_space<vmem>> -> memref<128x128xf32, #tpu.memory_space<vmem>>
      %dma_wait3A_762 = arith.constant 3712 : i32
      %dma_wait3A_763 = tpu.memref_slice %arg7[%select_n3A_44, %dma_wait3A_762] : memref<2x5120xi32, #tpu.memory_space<vmem>> -> memref<1x128xi32, #tpu.memory_space<vmem>>
      %dma_wait3A_764 = tpu.memref_squeeze %dma_wait3A_763 : memref<1x128xi32, #tpu.memory_space<vmem>> -> memref<128xi32, #tpu.memory_space<vmem>>
      %dma_wait3A_765 = arith.constant 0 : i32
      %dma_wait3A_766 = arith.constant 0 : i32
      %dma_wait3A_767 = tpu.memref_slice %arg9[%dma_wait3A_765, %dma_wait3A_766] : memref<10000x128xf32, #tpu.memory_space<vmem_shared>> -> memref<10000x128xf32, #tpu.memory_space<vmem_shared>>
      tpu.wait_indirect_dma semaphore(%arg10 : memref<!tpu.dma_semaphore, #tpu.memory_space<semaphore_mem>>) src(%dma_wait3A_767 : memref<10000x128xf32, #tpu.memory_space<vmem_shared>>) dst(%dma_wait3A_761 : memref<128x128xf32, #tpu.memory_space<vmem>>)
      %dma_wait3A_768 = arith.constant 128 : i32
      %dma_wait3A_769 = arith.constant 0 : i32
      %dma_wait3A_770 = tpu.memref_slice %arg8[%dma_wait3A_768, %dma_wait3A_769] : memref<256x128xf32, #tpu.memory_space<vmem>> -> memref<128x128xf32, #tpu.memory_space<vmem>>
      %dma_wait3A_771 = arith.constant 3968 : i32
      %dma_wait3A_772 = tpu.memref_slice %arg7[%select_n3A_44, %dma_wait3A_771] : memref<2x5120xi32, #tpu.memory_space<vmem>> -> memref<1x128xi32, #tpu.memory_space<vmem>>
      %dma_wait3A_773 = tpu.memref_squeeze %dma_wait3A_772 : memref<1x128xi32, #tpu.memory_space<vmem>> -> memref<128xi32, #tpu.memory_space<vmem>>
      %dma_wait3A_774 = arith.constant 0 : i32
      %dma_wait3A_775 = arith.constant 0 : i32
      %dma_wait3A_776 = tpu.memref_slice %arg9[%dma_wait3A_774, %dma_wait3A_775] : memref<10000x128xf32, #tpu.memory_space<vmem_shared>> -> memref<10000x128xf32, #tpu.memory_space<vmem_shared>>
      tpu.wait_indirect_dma semaphore(%arg10 : memref<!tpu.dma_semaphore, #tpu.memory_space<semaphore_mem>>) src(%dma_wait3A_776 : memref<10000x128xf32, #tpu.memory_space<vmem_shared>>) dst(%dma_wait3A_770 : memref<128x128xf32, #tpu.memory_space<vmem>>)
      %dma_wait3A_777 = arith.constant 128 : i32
      %dma_wait3A_778 = arith.constant 0 : i32
      %dma_wait3A_779 = tpu.memref_slice %arg8[%dma_wait3A_777, %dma_wait3A_778] : memref<256x128xf32, #tpu.memory_space<vmem>> -> memref<128x128xf32, #tpu.memory_space<vmem>>
      %dma_wait3A_780 = arith.constant 4224 : i32
      %dma_wait3A_781 = tpu.memref_slice %arg7[%select_n3A_44, %dma_wait3A_780] : memref<2x5120xi32, #tpu.memory_space<vmem>> -> memref<1x128xi32, #tpu.memory_space<vmem>>
      %dma_wait3A_782 = tpu.memref_squeeze %dma_wait3A_781 : memref<1x128xi32, #tpu.memory_space<vmem>> -> memref<128xi32, #tpu.memory_space<vmem>>
      %dma_wait3A_783 = arith.constant 0 : i32
      %dma_wait3A_784 = arith.constant 0 : i32
      %dma_wait3A_785 = tpu.memref_slice %arg9[%dma_wait3A_783, %dma_wait3A_784] : memref<10000x128xf32, #tpu.memory_space<vmem_shared>> -> memref<10000x128xf32, #tpu.memory_space<vmem_shared>>
      tpu.wait_indirect_dma semaphore(%arg10 : memref<!tpu.dma_semaphore, #tpu.memory_space<semaphore_mem>>) src(%dma_wait3A_785 : memref<10000x128xf32, #tpu.memory_space<vmem_shared>>) dst(%dma_wait3A_779 : memref<128x128xf32, #tpu.memory_space<vmem>>)
      %dma_wait3A_786 = arith.constant 128 : i32
      %dma_wait3A_787 = arith.constant 0 : i32
      %dma_wait3A_788 = tpu.memref_slice %arg8[%dma_wait3A_786, %dma_wait3A_787] : memref<256x128xf32, #tpu.memory_space<vmem>> -> memref<128x128xf32, #tpu.memory_space<vmem>>
      %dma_wait3A_789 = arith.constant 4480 : i32
      %dma_wait3A_790 = tpu.memref_slice %arg7[%select_n3A_44, %dma_wait3A_789] : memref<2x5120xi32, #tpu.memory_space<vmem>> -> memref<1x128xi32, #tpu.memory_space<vmem>>
      %dma_wait3A_791 = tpu.memref_squeeze %dma_wait3A_790 : memref<1x128xi32, #tpu.memory_space<vmem>> -> memref<128xi32, #tpu.memory_space<vmem>>
      %dma_wait3A_792 = arith.constant 0 : i32
      %dma_wait3A_793 = arith.constant 0 : i32
      %dma_wait3A_794 = tpu.memref_slice %arg9[%dma_wait3A_792, %dma_wait3A_793] : memref<10000x128xf32, #tpu.memory_space<vmem_shared>> -> memref<10000x128xf32, #tpu.memory_space<vmem_shared>>
      tpu.wait_indirect_dma semaphore(%arg10 : memref<!tpu.dma_semaphore, #tpu.memory_space<semaphore_mem>>) src(%dma_wait3A_794 : memref<10000x128xf32, #tpu.memory_space<vmem_shared>>) dst(%dma_wait3A_788 : memref<128x128xf32, #tpu.memory_space<vmem>>)
      %dma_wait3A_795 = arith.constant 128 : i32
      %dma_wait3A_796 = arith.constant 0 : i32
      %dma_wait3A_797 = tpu.memref_slice %arg8[%dma_wait3A_795, %dma_wait3A_796] : memref<256x128xf32, #tpu.memory_space<vmem>> -> memref<128x128xf32, #tpu.memory_space<vmem>>
      %dma_wait3A_798 = arith.constant 4736 : i32
      %dma_wait3A_799 = tpu.memref_slice %arg7[%select_n3A_44, %dma_wait3A_798] : memref<2x5120xi32, #tpu.memory_space<vmem>> -> memref<1x128xi32, #tpu.memory_space<vmem>>
      %dma_wait3A_800 = tpu.memref_squeeze %dma_wait3A_799 : memref<1x128xi32, #tpu.memory_space<vmem>> -> memref<128xi32, #tpu.memory_space<vmem>>
      %dma_wait3A_801 = arith.constant 0 : i32
      %dma_wait3A_802 = arith.constant 0 : i32
      %dma_wait3A_803 = tpu.memref_slice %arg9[%dma_wait3A_801, %dma_wait3A_802] : memref<10000x128xf32, #tpu.memory_space<vmem_shared>> -> memref<10000x128xf32, #tpu.memory_space<vmem_shared>>
      tpu.wait_indirect_dma semaphore(%arg10 : memref<!tpu.dma_semaphore, #tpu.memory_space<semaphore_mem>>) src(%dma_wait3A_803 : memref<10000x128xf32, #tpu.memory_space<vmem_shared>>) dst(%dma_wait3A_797 : memref<128x128xf32, #tpu.memory_space<vmem>>)
      %dma_wait3A_804 = arith.constant 128 : i32
      %dma_wait3A_805 = arith.constant 0 : i32
      %dma_wait3A_806 = tpu.memref_slice %arg8[%dma_wait3A_804, %dma_wait3A_805] : memref<256x128xf32, #tpu.memory_space<vmem>> -> memref<128x128xf32, #tpu.memory_space<vmem>>
      %dma_wait3A_807 = arith.constant 4992 : i32
      %dma_wait3A_808 = tpu.memref_slice %arg7[%select_n3A_44, %dma_wait3A_807] : memref<2x5120xi32, #tpu.memory_space<vmem>> -> memref<1x128xi32, #tpu.memory_space<vmem>>
      %dma_wait3A_809 = tpu.memref_squeeze %dma_wait3A_808 : memref<1x128xi32, #tpu.memory_space<vmem>> -> memref<128xi32, #tpu.memory_space<vmem>>
      %dma_wait3A_810 = arith.constant 0 : i32
      %dma_wait3A_811 = arith.constant 0 : i32
      %dma_wait3A_812 = tpu.memref_slice %arg9[%dma_wait3A_810, %dma_wait3A_811] : memref<10000x128xf32, #tpu.memory_space<vmem_shared>> -> memref<10000x128xf32, #tpu.memory_space<vmem_shared>>
      tpu.wait_indirect_dma semaphore(%arg10 : memref<!tpu.dma_semaphore, #tpu.memory_space<semaphore_mem>>) src(%dma_wait3A_812 : memref<10000x128xf32, #tpu.memory_space<vmem_shared>>) dst(%dma_wait3A_806 : memref<128x128xf32, #tpu.memory_space<vmem>>)
      %barrier3A_813 = arith.constant 0 : index
      tpu.barrier barrier_id(%barrier3A_813)
    }
    %scan3A_24 = arith.constant 10 : i32
    %mul3A_25 = arith.constant 256 : i32
    %mul3A_26 = arith.muli %add3A, %mul3A_25 : i32
    %add3A_27 = arith.constant 8192 : i32
    %add3A_28 = arith.addi %add3A_27, %mul3A_26 : i32
    "tpu.region"() ({
      %run_scoped3A_29 = tpu.sem_alloc : memref<!tpu.dma_semaphore, #tpu.memory_space<semaphore_mem>>
      %dma_start3A = arith.constant 0 : i32
      %dma_start3A_30 = tpu.memref_slice %arg5[%add3A_28, %dma_start3A] : memref<16384x128xf32, #tpu.memory_space<hbm>> -> memref<256x128xf32, #tpu.memory_space<hbm>>
      %dma_start3A_31 = arith.constant 0 : i32
      %dma_start3A_32 = tpu.memref_slice %arg5[%add3A_28, %dma_start3A_31] : memref<16384x128xf32, #tpu.memory_space<hbm>> -> memref<256x128xf32, #tpu.memory_space<hbm>>
      tpu.enqueue_dma source(%arg8 : memref<256x128xf32, #tpu.memory_space<vmem>>) target(%dma_start3A_32 : memref<256x128xf32, #tpu.memory_space<hbm>>) target_semaphore(%run_scoped3A_29 : memref<!tpu.dma_semaphore, #tpu.memory_space<semaphore_mem>>)
      %dma_wait3A = arith.constant 0 : i32
      %dma_wait3A_33 = tpu.memref_slice %arg5[%add3A_28, %dma_wait3A] : memref<16384x128xf32, #tpu.memory_space<hbm>> -> memref<256x128xf32, #tpu.memory_space<hbm>>
      %dma_wait3A_34 = arith.constant 0 : i32
      %dma_wait3A_35 = tpu.memref_slice %arg5[%add3A_28, %dma_wait3A_34] : memref<16384x128xf32, #tpu.memory_space<hbm>> -> memref<256x128xf32, #tpu.memory_space<hbm>>
      tpu.wait_dma2 semaphore(%run_scoped3A_29 : memref<!tpu.dma_semaphore, #tpu.memory_space<semaphore_mem>>) src(%arg8 : memref<256x128xf32, #tpu.memory_space<vmem>>) dst(%dma_wait3A_35 : memref<256x128xf32, #tpu.memory_space<hbm>>)
      tpu.yield
    }) : () -> ()
    return
  }
}

module attributes {stable_mosaic.version = 14 : i64} {
  func.func @body(%arg0: i32, %arg1: memref<2048x128xf32, #tpu.memory_space<vmem>>, %arg2: memref<2048x20xi32, #tpu.memory_space<vmem>>, %arg3: memref<2048x1xf32, #tpu.memory_space<vmem>>, %arg4: memref<2048x1xi32, #tpu.memory_space<vmem>>, %arg5: memref<3x128xf32, #tpu.memory_space<vmem>>, %arg6: memref<1x128xf32, #tpu.memory_space<vmem>>, %arg7: memref<2048x128xf32, #tpu.memory_space<vmem>>) attributes {dimension_semantics = [#tpu.dimension_semantics<arbitrary>], iteration_bounds = array<i64: 8>, scalar_prefetch = 0 : i64, scratch_operands = 0 : i64, tpu.core_type = #tpu.core_type<tc>, window_params = [{transform_indices = @transform_0, window_bounds = array<i64: 2048, 128>}, {transform_indices = @transform_1, window_bounds = array<i64: 2048, 20>}, {transform_indices = @transform_2, window_bounds = array<i64: 2048, 1>}, {transform_indices = @transform_3, window_bounds = array<i64: 2048, 1>}, {pipeline_mode = #tpu.pipeline_mode<synchronous>, transform_indices = @transform_4, window_bounds = array<i64: 3, 128>}, {pipeline_mode = #tpu.pipeline_mode<synchronous>, transform_indices = @transform_5, window_bounds = array<i64: 1, 128>}, {transform_indices = @transform_6, window_bounds = array<i64: 2048, 128>}]} {
    %get3A = arith.constant 0 : index
    %get3A_0 = arith.constant 0 : index
    %get3A_1 = vector.load %arg2[%get3A, %get3A_0] : memref<2048x20xi32, #tpu.memory_space<vmem>>, vector<2048x20xi32>
    %ge3A = arith.constant 0 : i32
    %ge3A_2 = vector.broadcast %ge3A : i32 to vector<2048x20xi32>
    %ge3A_3 = arith.cmpi sge, %get3A_1, %ge3A_2 : vector<2048x20xi32>
    %convert_element_type3A = arith.extui %ge3A_3 : vector<2048x20xi1> to vector<2048x20xi32>
    %convert_element_type3A_4 = arith.sitofp %convert_element_type3A : vector<2048x20xi32> to vector<2048x20xf32>
    %reduce_sum3A = arith.constant dense<0.000000e+00> : vector<2048xf32>
    %reduce_sum3A_5 = vector.multi_reduction <add>, %convert_element_type3A_4, %reduce_sum3A [1] : vector<2048x20xf32> to vector<2048xf32>
    %broadcast_in_dim3A = vector.shape_cast %reduce_sum3A_5 : vector<2048xf32> to vector<2048x1xf32>
    %get3A_6 = arith.constant 0 : index
    %get3A_7 = arith.constant 0 : index
    %get3A_8 = vector.load %arg1[%get3A_6, %get3A_7] : memref<2048x128xf32, #tpu.memory_space<vmem>>, vector<2048x128xf32>
    %max3A = arith.constant 1.000000e+00 : f32
    %max3A_9 = vector.broadcast %max3A : f32 to vector<2048x1xf32>
    %max3A_10 = arith.maximumf %broadcast_in_dim3A, %max3A_9 : vector<2048x1xf32>
    %div3A = vector.broadcast %max3A_10 : vector<2048x1xf32> to vector<2048x128xf32>
    %div3A_11 = arith.divf %get3A_8, %div3A : vector<2048x128xf32>
    %get3A_12 = arith.constant 0 : index
    %get3A_13 = arith.constant 0 : index
    %get3A_14 = vector.load %arg5[%get3A_12, %get3A_13] : memref<3x128xf32, #tpu.memory_space<vmem>>, vector<3x128xf32>
    %get3A_15 = arith.constant 0 : index
    %get3A_16 = arith.constant 0 : index
    %get3A_17 = vector.load %arg3[%get3A_15, %get3A_16] : memref<2048x1xf32, #tpu.memory_space<vmem>>, vector<2048x1xf32>
    %slice3A = vector.extract_strided_slice %get3A_14 {offsets = [0, 0], sizes = [1, 128], strides = [1, 1]} : vector<3x128xf32> to vector<1x128xf32>
    %mul3A = vector.broadcast %get3A_17 : vector<2048x1xf32> to vector<2048x128xf32>
    %mul3A_18 = vector.broadcast %slice3A : vector<1x128xf32> to vector<2048x128xf32>
    %mul3A_19 = arith.mulf %mul3A, %mul3A_18 : vector<2048x128xf32>
    %get3A_20 = arith.constant 0 : index
    %get3A_21 = arith.constant 0 : index
    %get3A_22 = vector.load %arg4[%get3A_20, %get3A_21] : memref<2048x1xi32, #tpu.memory_space<vmem>>, vector<2048x1xi32>
    %eq3A = arith.constant 0 : i32
    %eq3A_23 = vector.broadcast %eq3A : i32 to vector<2048x1xi32>
    %eq3A_24 = arith.cmpi eq, %get3A_22, %eq3A_23 : vector<2048x1xi32>
    %slice3A_25 = vector.extract_strided_slice %get3A_14 {offsets = [1, 0], sizes = [1, 128], strides = [1, 1]} : vector<3x128xf32> to vector<1x128xf32>
    %slice3A_26 = vector.extract_strided_slice %get3A_14 {offsets = [2, 0], sizes = [1, 128], strides = [1, 1]} : vector<3x128xf32> to vector<1x128xf32>
    %broadcast_in_dim3A_27 = vector.shape_cast %eq3A_24 : vector<2048x1xi1> to vector<2048x1xi1>
    %broadcast_in_dim3A_28 = vector.broadcast %broadcast_in_dim3A_27 : vector<2048x1xi1> to vector<2048x128xi1>
    %broadcast_in_dim3A_29 = vector.shape_cast %slice3A_25 : vector<1x128xf32> to vector<1x128xf32>
    %broadcast_in_dim3A_30 = vector.broadcast %broadcast_in_dim3A_29 : vector<1x128xf32> to vector<2048x128xf32>
    %broadcast_in_dim3A_31 = vector.shape_cast %slice3A_26 : vector<1x128xf32> to vector<1x128xf32>
    %broadcast_in_dim3A_32 = vector.broadcast %broadcast_in_dim3A_31 : vector<1x128xf32> to vector<2048x128xf32>
    %select_n3A = arith.select %broadcast_in_dim3A_28, %broadcast_in_dim3A_30, %broadcast_in_dim3A_32 : vector<2048x128xi1>, vector<2048x128xf32>
    %add3A = arith.addf %mul3A_19, %select_n3A : vector<2048x128xf32>
    %get3A_33 = arith.constant 0 : index
    %get3A_34 = arith.constant 0 : index
    %get3A_35 = vector.load %arg6[%get3A_33, %get3A_34] : memref<1x128xf32, #tpu.memory_space<vmem>>, vector<1x128xf32>
    %add3A_36 = vector.broadcast %get3A_35 : vector<1x128xf32> to vector<2048x128xf32>
    %add3A_37 = arith.addf %add3A, %add3A_36 : vector<2048x128xf32>
    %add3A_38 = arith.addf %div3A_11, %add3A_37 : vector<2048x128xf32>
    %swap3A = arith.constant 0 : index
    %swap3A_39 = arith.constant 0 : index
    %swap3A_40 = vector.load %arg7[%swap3A, %swap3A_39] : memref<2048x128xf32, #tpu.memory_space<vmem>>, vector<2048x128xf32>
    tpu.vector_store %arg7[%swap3A, %swap3A_39], %add3A_38 {strides = array<i32>} : memref<2048x128xf32, #tpu.memory_space<vmem>>, vector<2048x128xf32>,
    return
  }
  func.func @transform_0(%arg0: i32) -> (i32, i32) {
    %c0_i32 = arith.constant 0 : i32
    %c0_i32_0 = arith.constant 0 : i32
    return %arg0, %c0_i32 : i32, i32
  }
  func.func @transform_1(%arg0: i32) -> (i32, i32) {
    %c0_i32 = arith.constant 0 : i32
    %c0_i32_0 = arith.constant 0 : i32
    return %arg0, %c0_i32 : i32, i32
  }
  func.func @transform_2(%arg0: i32) -> (i32, i32) {
    %c0_i32 = arith.constant 0 : i32
    %c0_i32_0 = arith.constant 0 : i32
    return %arg0, %c0_i32 : i32, i32
  }
  func.func @transform_3(%arg0: i32) -> (i32, i32) {
    %c0_i32 = arith.constant 0 : i32
    %c0_i32_0 = arith.constant 0 : i32
    return %arg0, %c0_i32 : i32, i32
  }
  func.func @transform_4(%arg0: i32) -> (i32, i32) {
    %c0_i32 = arith.constant 0 : i32
    %c0_i32_0 = arith.constant 0 : i32
    %c0_i32_1 = arith.constant 0 : i32
    return %c0_i32, %c0_i32_0 : i32, i32
  }
  func.func @transform_5(%arg0: i32) -> (i32, i32) {
    %c0_i32 = arith.constant 0 : i32
    %c0_i32_0 = arith.constant 0 : i32
    %c0_i32_1 = arith.constant 0 : i32
    return %c0_i32, %c0_i32_0 : i32, i32
  }
  func.func @transform_6(%arg0: i32) -> (i32, i32) {
    %c0_i32 = arith.constant 0 : i32
    %c0_i32_0 = arith.constant 0 : i32
    return %arg0, %c0_i32 : i32, i32
  }
}

</mosaic_0001>

<sc_bundles>
// kernel: kernel.4.cloned.1.call-start
scs
__scs_entry_jumppad:
0x0: {  	(pc) =	sbr.rel $0x88, $3  }
0x1: {  	(tag) =	ssettag $0x0;
	lr =	simm.s32 $0x1  }
0x2: {  	[smem:$0x3F9B] =	sst lr;
	_ =	strace $0xD0000000  }
0x3: {  	_ = 	snop  }
0x4: {  	_ = 	snop  }
0x5: {  	_ = 	snop  }
0x6: {  	_ = 	snop  }
0x7: {  	_ = 	snop  }
__scs_overlays_trampoline_lowered:
0x8: {  	[smem:$0x3FAA] =	sst s0  }
0x9: {  	[smem:$0x3FAB] =	sst s1  }
0xa: {  	[smem:$0x3FAC] =	sst s2  }
0xb: {  	[smem:$0x3FAD] =	sst s3  }
0xc: {  	[smem:$0x3FAE] =	sst s4  }
0xd: {  	[smem:$0x3FAF] =	sst s5  }
0xe: {  	[smem:$0x3FB0] =	sst s6  }
0xf: {  	[smem:$0x3FB1] =	sst s7  }
0x10: {  	[smem:$0x3FB2] =	sst s8  }
0x11: {  	[smem:$0x3FB3] =	sst s9;
	s0 =	simm.s32 @!p0 $0x0  }
0x12: {  	s1 =	sld [smem:$0x3F99];
	s0 =	simm.s32 @p0 $0x1  }
0x13: {  	[smem:$0x3FB4] =	sst s0;
	s0 =	simm.s32 @!p1 $0x0  }
0x14: {  	s2 =	sld [smem:$0x3F98];
	s0 =	simm.s32 @p1 $0x1  }
0x15: {  	[smem:$0x3FB5] =	sst s0;
	s0 =	simm.s32 @!p2 $0x0  }
0x16: {  	s3 =	sld [smem:$0x3FDB];
	s0 =	simm.s32 @p2 $0x1  }
0x17: {  	s4 =	simm.s32 $0x1BF5;
	[smem:$0x3FB7] =	sst s0  }
0x18: {  	s0 =	sld [smem:$0x3F9A];
	_ =	swait.ge [sflag:s4], $0x0  }
0x19: {  	s7 =	sld [smem:$0x3F9B]  }
0x1a: {  	s8 =	sadd.s32 $0xFFFFE003, lr  }
0x1b: {  	s9 =	sadd.s32 $0xFFFFFEF7, lr;
	s5 =	simm.s32 $0xFFFFFFFF;
	p2 =	slt.u32 s8, $0xFFFFF086  }
0x1c: {  	p1 =	slt.u32 s9, $0xF7A;
	s5 =	simm.s32 @!p2 $0x0  }
0x1d: {  	s5 =	simm.s32 @p1 $0x1;
	p0 =	seq.s32 s7, s2  }
0x1e: {  	s7 =	smul.u32 @!p0 $0xF7A, s2;
	p2 =	seq.s32 @!p0 s5, $0x0  }
0x1f: {  	s9 =	smul.u32 $0xF7A, s1;
	s8 =	simm.s32 @!p0 $0x1BF5;
	p2 =	por !p2, p0  }
0x20: {  	[sflag:s8] =	ssyncset.s32 @!p0 $0xFFFFF086;
	s6 =	sadd.s32 @!p0 s3, s7;
	s7 =	simm.s32 @!p0 $0x108  }
0x21: {  	s3 =	sadd.s32 s3, s9;
	s6 =	sadd.s32 @!p0 $0x88, s6;
	s7 =	simm.s32 @p2 $0x1082  }
0x22: {  	[simem:s7], [sflag:s8] =	dma.local @!p0 [hbm:s6], $0xF7A  }
0x23: {  	s9 =	sor.u32 $0xD0000000, s2;
	s6 =	simm.s32 $0x108;
	_ =	swait.ge @!p0 [sflag:s8], $0x0  }
0x24: {  	s3 =	sadd.s32 $0x88, s3;
	s6 =	simm.s32 @!p1 $0x1082;
	[sflag:s4] =	ssyncset.s32 $0xFFFFF086  }
0x25: {  	[simem:s6], [sflag:s4] =	dma.local [hbm:s3], $0xF7A  }
0x26: {  	[smem:$0x3F9B] =	sst s1;
	(tag) =	ssettag s2;
	_ =	strace s9  }
0x27: {  	s1 =	sld [smem:$0x3FAB]  }
0x28: {  	s2 =	sld [smem:$0x3FAC]  }
0x29: {  	s4 =	sld [smem:$0x3FAE]  }
0x2a: {  	p0 =	seq.s32 s5, $0x0;
	s5 =	sld [smem:$0x3FAF]  }
0x2b: {  	s6 =	sld [smem:$0x3FB0]  }
0x2c: {  	s7 =	sld [smem:$0x3FB1]  }
0x2d: {  	s3 =	simm.s32 $0x108;
	s8 =	sld [smem:$0x3FB2]  }
0x2e: {  	s3 =	simm.s32 @!p0 $0x1082;
	s9 =	sld [smem:$0x3FB3]  }
0x2f: {  	lr =	sadd.s32 s0, s3;
	s0 =	sld [smem:$0x3FAA]  }
0x30: {  	s3 =	sld [smem:$0x3FAD]  }
0x31: {  	[smem:$0x3FB6] =	sst s10  }
0x32: {  	s10 =	sld [smem:$0x3FB4];
	_ =	sdelay $0x3  }
0x33: {  	p0 =	seq.s32 s10, $0x1;
	s10 =	sld [smem:$0x3FB6];
	_ =	sdelay $0x3  }
0x34: {  	[smem:$0x3FB6] =	sst s10  }
0x35: {  	s10 =	sld [smem:$0x3FB5];
	_ =	sdelay $0x3  }
0x36: {  	p1 =	seq.s32 s10, $0x1;
	s10 =	sld [smem:$0x3FB6];
	_ =	sdelay $0x3  }
0x37: {  	[smem:$0x3FB6] =	sst s10  }
0x38: {  	s10 =	sld [smem:$0x3FB7]  }
0x39: {  	_ = 	snop;
	(pc) =	sbr.ind lr, $3  }
0x3a: {  	_ = 	snop  }
0x3b: {  	_ = 	snop  }
0x3c: {  	p2 =	seq.s32 s10, $0x1;
	s10 =	sld [smem:$0x3FB6]  }
0x3d: {  	_ =	shalt  }
0x3e: {  	_ =	shalt  }
0x3f: {  	_ =	shalt  }
0x40: {  	_ =	shalt  }
0x41: {  	_ =	shalt  }
0x42: {  	_ =	shalt  }
0x43: {  	_ =	shalt  }
0x44: {  	_ =	shalt  }
0x45: {  	_ =	shalt  }
0x46: {  	_ =	shalt  }
0x47: {  	_ =	shalt  }
0x48: {  	_ =	shalt  }
0x49: {  	_ =	shalt  }
0x4a: {  	_ =	shalt  }
0x4b: {  	_ =	shalt  }
0x4c: {  	_ =	shalt  }
0x4d: {  	_ =	shalt  }
0x4e: {  	_ =	shalt  }
0x4f: {  	_ =	shalt  }
0x50: {  	_ =	shalt  }
0x51: {  	_ =	shalt  }
0x52: {  	_ =	shalt  }
0x53: {  	_ =	shalt  }
0x54: {  	_ =	shalt  }
0x55: {  	_ =	shalt  }
0x56: {  	_ =	shalt  }
0x57: {  	_ =	shalt  }
0x58: {  	_ =	shalt  }
0x59: {  	_ =	shalt  }
0x5a: {  	_ =	shalt  }
0x5b: {  	_ =	shalt  }
0x5c: {  	_ =	shalt  }
0x5d: {  	_ =	shalt  }
0x5e: {  	_ =	shalt  }
0x5f: {  	_ =	shalt  }
0x60: {  	_ =	shalt  }
0x61: {  	_ =	shalt  }
0x62: {  	_ =	shalt  }
0x63: {  	_ =	shalt  }
0x64: {  	_ =	shalt  }
0x65: {  	_ =	shalt  }
0x66: {  	_ =	shalt  }
0x67: {  	_ =	shalt  }
0x68: {  	_ =	shalt  }
0x69: {  	_ =	shalt  }
0x6a: {  	_ =	shalt  }
0x6b: {  	_ =	shalt  }
0x6c: {  	_ =	shalt  }
0x6d: {  	_ =	shalt  }
0x6e: {  	_ =	shalt  }
0x6f: {  	_ =	shalt  }
0x70: {  	_ =	shalt  }
0x71: {  	_ =	shalt  }
0x72: {  	_ =	shalt  }
0x73: {  	_ =	shalt  }
0x74: {  	_ =	shalt  }
0x75: {  	_ =	shalt  }
0x76: {  	_ =	shalt  }
0x77: {  	_ =	shalt  }
0x78: {  	_ =	shalt  }
0x79: {  	_ =	shalt  }
0x7a: {  	_ =	shalt  }
0x7b: {  	_ =	shalt  }
0x7c: {  	_ =	shalt  }
0x7d: {  	_ =	shalt  }
0x7e: {  	_ =	shalt  }
0x7f: {  	_ =	shalt  }
0x80: {  	_ =	shalt  }
0x81: {  	_ =	shalt  }
0x82: {  	_ =	shalt  }
0x83: {  	_ =	shalt  }
0x84: {  	_ =	shalt  }
0x85: {  	_ =	shalt  }
0x86: {  	_ =	shalt  }
0x87: {  	_ =	shalt  }
.Lfunc_end0:
.L_simem_size_0:
called_computation_lowered:
.L_overlay_start_0:
0x88: {  	s2 =	sld [smem:$0x3FD9]  }
0x89: {  	s3 =	sld [smem:$0x3FFE];
	_ =	sdelay $0x1  }
0x8a: {  	s1 =	srdreg.scid  }
0x8b: {  	s0 =	sand.u32 $0x1, s1  }
0x8c: {  	s17 =	sshll.u32 s0, $0xA;
	s2 =	sadd.s32 s3, s2  }
0x8d: {  	s2 =	sadd.s32 s2, s17  }
0x8e: {  	[smem:$0x3FC2] =	sst s2  }
0x8f: {  	_ = 	snop  }
0x90: {  	s2 =	sld [smem:$0x3FC6]  }
0x91: {  	s18 =	sld [smem:$0x3FD0];
	(tm) =	ssettm $0x1  }
0x92: {  	s4 =	sld [smem:$0x3FFB];
	_ =	sdelay $0x3  }
0x93: {  	_ =	strace s4  }
0x94: {  	s4 =	sld [smem:$0x3FFC];
	_ =	sdelay $0x3  }
0x95: {  	_ =	strace s4  }
0x96: {  	s4 =	sld [smem:$0x3FFD];
	_ =	sdelay $0x3  }
0x97: {  	_ =	strace s4  }
0x98: {  	_ =	strace $0x8FFFFFFF  }
0x99: {  	s19 =	sld [smem:$0x3FDB];
	_ =	sdelay $0x1  }
0x9a: {  	s5 =	simm.s32 $_scs_section_size  }
0x9b: {  	s6 =	simm.s32 $_size__tile_overlayer_lowered;
	s7 =	simm.s32 $_tile_overlayer_lowered  }
0x9c: {  	s22 =	simm.s32 $0x1BFF;
	s21 =	sshll.u32 s7, $0x1;
	s4 =	sadd.s32 s5, s19  }
0x9d: {  	s8 =	simm.s32 $0x0;
	s20 =	sshll.u32 s6, $0x1;
	s6 =	sadd.s32 s21, s4  }
0x9e: {  	[timem:s8], [sflag:s22] =	dma.local [hbm:s6], s20  }
0x9f: {  	_ =	swait.ge [sflag:s22], s20  }
0xa0: {  	s5 =	ssub.s32 $0x0, s20;
	[sflag:s22] =	ssyncset.done $0x0  }
0xa1: {  	[sflag:s22] =	ssyncadd.s32 s5;
	_ =	sdelay $0x1  }
0xa2: {  	s23 =	simm.s32 $0x1B8B  }
0xa3: {  	_ =	swait.ge [sflag:s23], $0x1  }
0xa4: {  	[sflag:s23] =	ssyncset.done $0x0  }
0xa5: {  	s25 =	simm.s32 $0x1B8E;
	s24 =	sld [smem:$0x3FFE];
	[sflag:s23] =	ssyncadd.s32 $0xFFFFFFFF  }
0xa6: {  	s26 =	simm.s32 $execute0_lowered;
	[smem:$0x3FD2] =	sst s25  }
0xa7: {  	s6 =	sshll.u32 s26, $0x1;
	_ =	strace $0x80000046;
	[dreg:$0x1] =	wrdreg $0xFFFFFFFF  }
0xa8: {  	s28 =	simm.s32 $_size_execute0_lowered;
	s4 =	sadd.s32 s4, s6;
	[dreg:$0x0] =	wrdreg $0x0  }
0xa9: {  	s6 =	sshll.u32 s28, $0x1;
	[dreg:$0x2] =	wrdreg s4  }
0xaa: {  	[dreg:$0x3] =	wrdreg s6  }
0xab: {  	[dreg:$0x4] =	wrdreg $0xC0  }
0xac: {  	_ =	task [dreg:s8], $0x5FFFF  }
0xad: {  	[dreg:$0x1] =	wrdreg $0xFFFFFFFF  }
0xae: {  	[dreg:$0x0] =	wrdreg $0x60  }
0xaf: {  	[dreg:$0x2] =	wrdreg s24  }
0xb0: {  	[dreg:$0x3] =	wrdreg s2  }
0xb1: {  	[dreg:$0x4] =	wrdreg s18  }
0xb2: {  	[dreg:$0x5] =	wrdreg $0xBC000  }
0xb3: {  	[dreg:$0x6] =	wrdreg $0x9  }
0xb4: {  	_ =	task.clear_ibuf [dreg:s8], $0x7FFFF;
	_ =	strace $0x90000046  }
0xb5: {  	s29 =	simm.s32 $0x9;
	_ =	strace $0x80000048  }
0xb6: {  	_ =	swait.ge [sflag:s29], $0x1  }
0xb7: {  	[sflag:s29] =	ssyncadd.s32 $0xFFFFFFFF  }
0xb8: {  	_ =	strace $0x90000048  }
0xb9: {  	_ =	sfence  }
0xba: {  	s30 =	sld [smem:$0x0];
	_ =	sdelay $0x2  }
0xbb: {  	s31 =	sshll.u32 s1, $0xD;
	s1 =	sshrl.u32 s1, $0x2  }
0xbc: {  	s3 =	sand.u32 $0x4000, s31;
	s1 =	sadd.s32 s1, s30  }
0xbd: {  	s0 =	sor.u32 s3, s0;
	s1 =	sshll.u32 s1, $0x11  }
0xbe: {  	s0 =	sor.u32 s1, s0  }
0xbf: {  	s0 =	sadd.s32 $0x8F2B, s0  }
0xc0: {  	[sflag:s0] =	ssyncadd.remote.s32 $0x1  }
0xc1: {  	_ =	sfence.sel $0xFFFF  }
0xc2: {  	[dreg:$0x0] =	wrdreg $0xFFFFFFFF;
	(pc) =	sbr.abs _section_cstart, $3  }
0xc3: {  	[dreg:$0x1] =	wrdreg $0xFFFFFFFF  }
0xc4: {  	_ =	task.clear_ibuf [dreg:s8], $0x2FFFF;
	_ =	strace $0x9FFFFFFF  }
0xc5: {  	(tm) =	ssettm $0x7FFFFFFF  }
tec
execute0_lowered:
.L_overlay_start_1:
0x0: {  	(tag) =	ssettag $0x1  }
0x1: {  	s4 =	rddreg [dreg:$0x0]  }
0x2: {  	s7 =	rddreg [dreg:$0x1]  }
0x3: {  	s6 =	rddreg [dreg:$0x2]  }
0x4: {  	s2 =	rddreg [dreg:$0x3];
	s3 =	srdreg.scid  }
0x5: {  	s1 =	stileid.u32;
	s0 =	rddreg [dreg:$0x4]  }
0x6: {  	s14 =	simm.s32 $0x3C00;
	s17 =	simm.s32 $0x7C00;
	s18 =	simm.s32 $0x1  }
0x7: {  	s19 =	simm.s32 $0x0;
	s5 =	sand.u32 $0x1, s3;
	s8 =	sshll.u32 s1, $0x1  }
0x8: {  	s3 =	simm.s32 $0x0;
	s9 =	sshrl.u32 s1, $0x2;
	s13 =	smul.u32 $0x7D000, s1  }
0x9: {  	s11 =	sadd.s32 $0x1000, s4;
	s4 =	sadd.s32 $0xB000, s4;
	s30 =	smul.u32 $0x3E80, s1  }
0xa: {  	p0 =	sgt.u32 s1, $0x9;
	s8 =	sor.u32 s5, s8;
	[smem:$0x7FF] =	sst s3  }
0xb: {  	s9 =	smul.u32 $0xA000, s9;
	s5 =	ssub.s32 $0x2, s5;
	s15 =	sshll.u32 @!p0 s1, $0x6  }
0xc: {  	s10 =	sshll.u32 s8, $0x7;
	_ =	strace $0x80000047;
	s29 =	sshrl.u32 s5, $0x1  }
0xd: {  	s13 =	sshrl.u32 s13, $0x2;
	s8 =	sshll.u32 s8, $0xC;
	s7 =	sadd.s32 s7, s30  }
0xe: {  	s15 =	sor.u32 @!p0 $0x1C02, s15;
	s10 =	sand.u32 $0x380, s10;
	s16 =	sadd.s32 s13, s2  }
.Ltmp0:
0xf: {  	s6 =	sadd.s32 s6, s8;
	s13 =	simm.s32 $0x2;
	(pc) =	sbr.rel .LBB2_1-.Ltmp0, $4  }
0x10: {  	s9 =	sor.u32 s9, s10;
	s10 =	ssub.s32 s5, s29;
	s16 =	sshrl.u32 @!p0 s16, $0x3  }
0x11: {  	s12 =	sshrl.u32 s9, $0x3;
	s9 =	sadd.s32 $0x28000, s9;
	s10 =	smax.u32 s10, $0x1  }
0x12: {  	s5 =	sadd.s32 s11, s12;
	s31 =	sshrl.u32 s9, $0x3;
	s9 =	sadd.s32 $0x20000, s6  }
0x13: {  	s12 =	simm.s32 $0x400;
	s8 =	sadd.s32 s11, s31;
	s11 =	simm.s32 $0x80  }
.LBB2_15:
0x14: {  	s19 =	sadd.s32 $0x1, s19  }
0x15: {  	p1 =	sne.s32 s19, s10  }
.Ltmp1:
0x16: {  	_ = 	snop;
	(pc) =	sbr.rel @!p1 .LBB2_16-.Ltmp1, $4  }
0x17: {  	[hbm4b:s9+s3] =	stream.linear.scatter [tilespmem:s14], [sflag:$0x2], $0x8000, $0x38;
	[tilespmem:$0x1F480] =	vst v63  }
0x18: {  	_ =	swait.ge [sflag:s13], $0x8000  }
0x19: {  	[sflag:s13] =	ssyncset.done $0x0  }
0x1a: {  	[sflag:s13] =	ssyncadd.s32 $0xFFFF8000  }
.LBB2_1:
0x1b: {  	[tilespmem:s3], [sflag:$0x2] =	stream.strided.gather [hbm4b:s5+s11], $0x1400, s12, s11, $0x38;
	[tilespmem:$0x1F480] =	vst v63  }
0x1c: {  	_ =	swait.ge [sflag:s13], $0x1400  }
0x1d: {  	[sflag:s13] =	ssyncset.done $0x0  }
0x1e: {  	[sflag:s13] =	ssyncadd.s32 $0xFFFFEC00  }
0x1f: {  	[tilespmem:s14], [sflag:$0x2] =	stream.linear.gather [hbm4b:s4+s3], $0x8000, $0x38;
	[tilespmem:$0x1F480] =	vst v63  }
0x20: {  	_ =	swait.ge [sflag:s13], $0x8000  }
0x21: {  	[sflag:s13] =	ssyncset.done $0x0  }
0x22: {  	s20 =	simm.s32 $0x40;
	[sflag:s13] =	ssyncadd.s32 $0xFFFF8000  }
0x23: {  	v0 =	vld [tilespmem:s20+$0xFFFFFFC0];
	_ =	sdelay $0x4  }
0x24: {  	vm0 =	vlt.u32 v0, $0x2710  }
0x25: {  	s21 =	simm.s32 $0x1440;
	v0 =	vnsel vm0, $0xFFFFFFFF, v0  }
0x26: {  	[tilespmem:s21+$0xFFFFFFC0] =	vst v0  }
0x27: {  	v0 =	vld [tilespmem:s20+$0xFFFFFFD0];
	_ =	sdelay $0x4  }
0x28: {  	vm9 =	vlt.u32 v0, $0x2710  }
0x29: {  	v0 =	vnsel vm9, $0xFFFFFFFF, v0  }
0x2a: {  	[tilespmem:s21+$0xFFFFFFD0] =	vst v0  }
0x2b: {  	v0 =	vld [tilespmem:s20+$0xFFFFFFE0];
	_ =	sdelay $0x4  }
0x2c: {  	vm10 =	vlt.u32 v0, $0x2710  }
0x2d: {  	v0 =	vnsel vm10, $0xFFFFFFFF, v0  }
0x2e: {  	[tilespmem:s21+$0xFFFFFFE0] =	vst v0  }
0x2f: {  	v0 =	vld [tilespmem:s20+$0xFFFFFFF0];
	_ =	sdelay $0x4  }
0x30: {  	vm11 =	vlt.u32 v0, $0x2710  }
0x31: {  	v0 =	vnsel vm11, $0xFFFFFFFF, v0  }
0x32: {  	[tilespmem:s21+$0xFFFFFFF0] =	vst v0  }
0x33: {  	v0 =	vld [tilespmem:s20+$0x0];
	_ =	sdelay $0x4  }
0x34: {  	vm12 =	vlt.u32 v0, $0x2710  }
0x35: {  	v0 =	vnsel vm12, $0xFFFFFFFF, v0  }
0x36: {  	[tilespmem:s21+$0x0] =	vst v0  }
0x37: {  	v0 =	vld [tilespmem:s20+$0x10];
	_ =	sdelay $0x4  }
0x38: {  	vm13 =	vlt.u32 v0, $0x2710  }
0x39: {  	v0 =	vnsel vm13, $0xFFFFFFFF, v0  }
0x3a: {  	[tilespmem:s21+$0x10] =	vst v0  }
0x3b: {  	v0 =	vld [tilespmem:s20+$0x20];
	_ =	sdelay $0x4  }
0x3c: {  	vm14 =	vlt.u32 v0, $0x2710  }
0x3d: {  	v0 =	vnsel vm14, $0xFFFFFFFF, v0  }
0x3e: {  	[tilespmem:s21+$0x20] =	vst v0  }
0x3f: {  	v0 =	vld [tilespmem:s20+$0x30];
	_ =	sdelay $0x4  }
0x40: {  	vm15 =	vlt.u32 v0, $0x2710  }
0x41: {  	v0 =	vnsel vm15, $0xFFFFFFFF, v0  }
0x42: {  	s22 =	simm.s32 $0x0;
	s23 =	simm.s32 $0xC0;
	[tilespmem:s21+$0x30] =	vst v0  }
.LBB2_2:
0x43: {  	v0 =	vld [tilespmem:s23+$0xFFFFFFC0];
	s22 =	sadd.s32 $0x8, s22  }
0x44: {  	p1 =	slt.u32 s22, $0x138;
	_ =	sdelay $0x3  }
0x45: {  	vm0 =	vlt.u32 v0, $0x2710  }
0x46: {  	s21 =	sadd.s32 $0x100, s21;
	v0 =	vnsel vm0, $0xFFFFFFFF, v0  }
0x47: {  	[tilespmem:s21+$0xFFFFFFC0] =	vst v0  }
0x48: {  	v0 =	vld [tilespmem:s23+$0xFFFFFFD0];
	_ =	sdelay $0x4  }
0x49: {  	vm0 =	vlt.u32 v0, $0x2710  }
0x4a: {  	v0 =	vnsel vm0, $0xFFFFFFFF, v0  }
0x4b: {  	[tilespmem:s21+$0xFFFFFFD0] =	vst v0  }
0x4c: {  	v0 =	vld [tilespmem:s23+$0xFFFFFFE0];
	_ =	sdelay $0x4  }
0x4d: {  	vm0 =	vlt.u32 v0, $0x2710  }
0x4e: {  	v0 =	vnsel vm0, $0xFFFFFFFF, v0  }
0x4f: {  	[tilespmem:s21+$0xFFFFFFE0] =	vst v0  }
0x50: {  	v0 =	vld [tilespmem:s23+$0xFFFFFFF0];
	_ =	sdelay $0x4  }
0x51: {  	vm0 =	vlt.u32 v0, $0x2710  }
0x52: {  	v0 =	vnsel vm0, $0xFFFFFFFF, v0  }
0x53: {  	[tilespmem:s21+$0xFFFFFFF0] =	vst v0  }
0x54: {  	v0 =	vld [tilespmem:s23+$0x0];
	_ =	sdelay $0x4  }
0x55: {  	vm0 =	vlt.u32 v0, $0x2710  }
0x56: {  	v0 =	vnsel vm0, $0xFFFFFFFF, v0  }
0x57: {  	[tilespmem:s21+$0x0] =	vst v0  }
0x58: {  	v0 =	vld [tilespmem:s23+$0x10];
	_ =	sdelay $0x4  }
0x59: {  	vm0 =	vlt.u32 v0, $0x2710  }
0x5a: {  	v0 =	vnsel vm0, $0xFFFFFFFF, v0  }
0x5b: {  	[tilespmem:s21+$0x10] =	vst v0  }
0x5c: {  	v0 =	vld [tilespmem:s23+$0x20];
	_ =	sdelay $0x4  }
0x5d: {  	vm0 =	vlt.u32 v0, $0x2710  }
0x5e: {  	v0 =	vnsel vm0, $0xFFFFFFFF, v0  }
0x5f: {  	[tilespmem:s21+$0x20] =	vst v0  }
0x60: {  	v0 =	vld [tilespmem:s23+$0x30];
	_ =	sdelay $0x2  }
.Ltmp2:
0x61: {  	(pc) =	sbr.rel @p1 .LBB2_2-.Ltmp2, $4  }
0x62: {  	_ = 	snop  }
0x63: {  	vm0 =	vlt.u32 v0, $0x2710  }
0x64: {  	v0 =	vnsel vm0, $0xFFFFFFFF, v0  }
0x65: {  	s20 =	simm.s32 $0x0;
	s23 =	sadd.s32 $0x80, s23;
	[tilespmem:s21+$0x30] =	vst v0  }
.Ltmp3:
0x66: {  	_ = 	snop;
	(pc) =	sbr.rel .LBB2_3-.Ltmp3, $1  }
0x67: {  	_ =	sdelay $0x3  }
.LBB2_7:
0x68: {  	_ =	swait.ge [sflag:s18], $0x4000  }
0x69: {  	[sflag:s18] =	ssyncset.done $0x0  }
0x6a: {  	[sflag:s18] =	ssyncadd.s32 $0xFFFFC000  }
0x6b: {  	_ =	swait.ge [sflag:s18], $0x4000  }
0x6c: {  	[sflag:s18] =	ssyncset.done $0x0  }
0x6d: {  	[sflag:s18] =	ssyncadd.s32 $0xFFFFC000  }
0x6e: {  	_ =	swait.ge [sflag:s18], $0x4000  }
0x6f: {  	[sflag:s18] =	ssyncset.done $0x0  }
0x70: {  	[sflag:s18] =	ssyncadd.s32 $0xFFFFC000  }
0x71: {  	_ =	swait.ge [sflag:s18], $0x4000  }
0x72: {  	[sflag:s18] =	ssyncset.done $0x0  }
0x73: {  	[sflag:s18] =	ssyncadd.s32 $0xFFFFC000  }
0x74: {  	_ =	swait.ge [sflag:s18], $0x4000  }
0x75: {  	[sflag:s18] =	ssyncset.done $0x0  }
0x76: {  	[sflag:s18] =	ssyncadd.s32 $0xFFFFC000  }
0x77: {  	_ =	swait.ge [sflag:s18], $0x4000  }
0x78: {  	[sflag:s18] =	ssyncset.done $0x0  }
0x79: {  	[sflag:s18] =	ssyncadd.s32 $0xFFFFC000  }
0x7a: {  	_ =	swait.ge [sflag:s18], $0x4000  }
0x7b: {  	[sflag:s18] =	ssyncset.done $0x0  }
0x7c: {  	[sflag:s18] =	ssyncadd.s32 $0xFFFFC000  }
0x7d: {  	_ =	swait.ge [sflag:s18], $0x4000  }
0x7e: {  	[sflag:s18] =	ssyncset.done $0x0  }
0x7f: {  	[sflag:s18] =	ssyncadd.s32 $0xFFFFC000  }
0x80: {  	_ =	swait.ge [sflag:s18], $0x4000  }
0x81: {  	[sflag:s18] =	ssyncset.done $0x0  }
0x82: {  	[sflag:s18] =	ssyncadd.s32 $0xFFFFC000  }
0x83: {  	_ =	swait.ge [sflag:s18], $0x4000  }
0x84: {  	[sflag:s18] =	ssyncset.done $0x0  }
0x85: {  	[sflag:s18] =	ssyncadd.s32 $0xFFFFC000  }
0x86: {  	_ =	swait.ge [sflag:s18], $0x4000  }
0x87: {  	[sflag:s18] =	ssyncset.done $0x0  }
0x88: {  	[sflag:s18] =	ssyncadd.s32 $0xFFFFC000  }
0x89: {  	_ =	swait.ge [sflag:s18], $0x4000  }
0x8a: {  	[sflag:s18] =	ssyncset.done $0x0  }
0x8b: {  	[sflag:s18] =	ssyncadd.s32 $0xFFFFC000  }
0x8c: {  	_ =	swait.ge [sflag:s18], $0x4000  }
0x8d: {  	[sflag:s18] =	ssyncset.done $0x0  }
0x8e: {  	[sflag:s18] =	ssyncadd.s32 $0xFFFFC000  }
0x8f: {  	_ =	swait.ge [sflag:s18], $0x4000  }
0x90: {  	[sflag:s18] =	ssyncset.done $0x0  }
0x91: {  	[sflag:s18] =	ssyncadd.s32 $0xFFFFC000  }
0x92: {  	_ =	swait.ge [sflag:s18], $0x4000  }
0x93: {  	[sflag:s18] =	ssyncset.done $0x0  }
0x94: {  	[sflag:s18] =	ssyncadd.s32 $0xFFFFC000  }
0x95: {  	_ =	swait.ge [sflag:s18], $0x4000  }
0x96: {  	[sflag:s18] =	ssyncset.done $0x0  }
0x97: {  	[sflag:s18] =	ssyncadd.s32 $0xFFFFC000  }
0x98: {  	_ =	swait.ge [sflag:s18], $0x4000  }
0x99: {  	[sflag:s18] =	ssyncset.done $0x0  }
0x9a: {  	[sflag:s18] =	ssyncadd.s32 $0xFFFFC000  }
0x9b: {  	_ =	swait.ge [sflag:s18], $0x4000  }
0x9c: {  	[sflag:s18] =	ssyncset.done $0x0  }
0x9d: {  	[sflag:s18] =	ssyncadd.s32 $0xFFFFC000  }
0x9e: {  	_ =	swait.ge [sflag:s18], $0x4000  }
0x9f: {  	[sflag:s18] =	ssyncset.done $0x0  }
0xa0: {  	[sflag:s18] =	ssyncadd.s32 $0xFFFFC000  }
0xa1: {  	_ =	swait.ge [sflag:s18], $0x4000  }
0xa2: {  	[sflag:s18] =	ssyncset.done $0x0  }
0xa3: {  	[sflag:s18] =	ssyncadd.s32 $0xFFFFC000  }
0xa4: {  	_ =	swait.ge [sflag:s18], $0x4000  }
0xa5: {  	[sflag:s18] =	ssyncset.done $0x0  }
0xa6: {  	[sflag:s18] =	ssyncadd.s32 $0xFFFFC000  }
0xa7: {  	_ =	swait.ge [sflag:s18], $0x4000  }
0xa8: {  	[sflag:s18] =	ssyncset.done $0x0  }
0xa9: {  	[sflag:s18] =	ssyncadd.s32 $0xFFFFC000  }
0xaa: {  	_ =	swait.ge [sflag:s18], $0x4000  }
0xab: {  	[sflag:s18] =	ssyncset.done $0x0  }
0xac: {  	[sflag:s18] =	ssyncadd.s32 $0xFFFFC000  }
0xad: {  	_ =	swait.ge [sflag:s18], $0x4000  }
0xae: {  	[sflag:s18] =	ssyncset.done $0x0  }
0xaf: {  	[sflag:s18] =	ssyncadd.s32 $0xFFFFC000  }
0xb0: {  	_ =	swait.ge [sflag:s18], $0x4000  }
0xb1: {  	[sflag:s18] =	ssyncset.done $0x0  }
0xb2: {  	[sflag:s18] =	ssyncadd.s32 $0xFFFFC000  }
0xb3: {  	_ =	swait.ge [sflag:s18], $0x4000  }
0xb4: {  	[sflag:s18] =	ssyncset.done $0x0  }
0xb5: {  	[sflag:s18] =	ssyncadd.s32 $0xFFFFC000  }
0xb6: {  	_ =	swait.ge [sflag:s18], $0x4000  }
0xb7: {  	[sflag:s18] =	ssyncset.done $0x0  }
0xb8: {  	[sflag:s18] =	ssyncadd.s32 $0xFFFFC000  }
0xb9: {  	_ =	swait.ge [sflag:s18], $0x4000  }
0xba: {  	[sflag:s18] =	ssyncset.done $0x0  }
0xbb: {  	[sflag:s18] =	ssyncadd.s32 $0xFFFFC000  }
0xbc: {  	_ =	swait.ge [sflag:s18], $0x4000  }
0xbd: {  	[sflag:s18] =	ssyncset.done $0x0  }
0xbe: {  	[sflag:s18] =	ssyncadd.s32 $0xFFFFC000  }
0xbf: {  	_ =	swait.ge [sflag:s18], $0x4000  }
0xc0: {  	[sflag:s18] =	ssyncset.done $0x0  }
0xc1: {  	[sflag:s18] =	ssyncadd.s32 $0xFFFFC000  }
0xc2: {  	_ =	swait.ge [sflag:s18], $0x4000  }
0xc3: {  	[sflag:s18] =	ssyncset.done $0x0  }
0xc4: {  	[sflag:s18] =	ssyncadd.s32 $0xFFFFC000  }
0xc5: {  	_ =	swait.ge [sflag:s18], $0x4000  }
0xc6: {  	[sflag:s18] =	ssyncset.done $0x0  }
0xc7: {  	[sflag:s18] =	ssyncadd.s32 $0xFFFFC000  }
0xc8: {  	_ =	swait.ge [sflag:s18], $0x4000  }
0xc9: {  	[sflag:s18] =	ssyncset.done $0x0  }
0xca: {  	[sflag:s18] =	ssyncadd.s32 $0xFFFFC000  }
0xcb: {  	_ =	swait.ge [sflag:s18], $0x4000  }
0xcc: {  	[sflag:s18] =	ssyncset.done $0x0  }
0xcd: {  	[sflag:s18] =	ssyncadd.s32 $0xFFFFC000  }
0xce: {  	_ =	swait.ge [sflag:s18], $0x4000  }
0xcf: {  	[sflag:s18] =	ssyncset.done $0x0  }
0xd0: {  	[sflag:s18] =	ssyncadd.s32 $0xFFFFC000  }
0xd1: {  	_ =	swait.ge [sflag:s18], $0x4000  }
0xd2: {  	[sflag:s18] =	ssyncset.done $0x0  }
0xd3: {  	[sflag:s18] =	ssyncadd.s32 $0xFFFFC000  }
0xd4: {  	_ =	swait.ge [sflag:s18], $0x4000  }
0xd5: {  	[sflag:s18] =	ssyncset.done $0x0  }
0xd6: {  	[sflag:s18] =	ssyncadd.s32 $0xFFFFC000  }
0xd7: {  	_ =	swait.ge [sflag:s18], $0x4000  }
0xd8: {  	[sflag:s18] =	ssyncset.done $0x0  }
0xd9: {  	[sflag:s18] =	ssyncadd.s32 $0xFFFFC000  }
0xda: {  	_ =	swait.ge [sflag:s18], $0x4000  }
0xdb: {  	[sflag:s18] =	ssyncset.done $0x0  }
0xdc: {  	p1 =	sne.s32 s20, $0xA;
	[sflag:s18] =	ssyncadd.s32 $0xFFFFC000  }
.Ltmp4:
0xdd: {  	_ =	swait.ge [sflag:s18], $0x4000;
	(pc) =	sbr.rel @!p1 .LBB2_8-.Ltmp4, $3  }
0xde: {  	[sflag:s18] =	ssyncset.done $0x0  }
0xdf: {  	[sflag:s18] =	ssyncadd.s32 $0xFFFFC000  }
0xe0: {  	[bflag:$0x0] =	sbarrier.arrive $0xFFFF;
	_ =	sdelay $0x1  }
.LBB2_3:
0xe1: {  	s21 =	smul.u32 @!p0 $0x27100, s20;
	_ =	sdelay $0x1  }
0xe2: {  	s21 =	sadd.s32 @!p0 s7, s21  }
0xe3: {  	[spmem:s16], [sflag:s15] =	dma.local @!p0 [hbm:s21], $0x3E80  }
0xe4: {  	s21 =	simm.s32 @!p0 $0x2  }
0xe5: {  	_ =	swait.ge @!p0 [sflag:s21], $0x3E80  }
0xe6: {  	[sflag:s21] =	ssyncset.done @!p0 $0x0  }
0xe7: {  	s23 =	sshll.u32 s20, $0x7;
	[sflag:s21] =	ssyncadd.s32 @!p0 $0xFFFFC180  }
0xe8: {  	s22 =	sand.u32 $0x80, s23;
	[bflag:$0x0] =	sbarrier.arrive $0xFFFF  }
0xe9: {  	s21 =	sor.u32 $0x1400, s22;
	(ifvalue) =	ssetifvalue $0xFFFFFFFF  }
0xea: {  	[tilespmem:s14], [sflag:$0x1] =	stream.indirect.gather.add.f32 [spmem:s2], $0x80, s21, s11, $0x40b8;
	[tilespmem:$0x1F480] =	vst v63  }
0xeb: {  	s24 =	sor.u32 $0x1600, s22;
	(ifvalue) =	ssetifvalue $0xFFFFFFFF  }
0xec: {  	[tilespmem:s14], [sflag:$0x1] =	stream.indirect.gather.add.f32 [spmem:s2], $0x80, s24, s11, $0x40b8;
	[tilespmem:$0x1F480] =	vst v63  }
0xed: {  	s25 =	sor.u32 $0x1800, s22;
	(ifvalue) =	ssetifvalue $0xFFFFFFFF  }
0xee: {  	[tilespmem:s14], [sflag:$0x1] =	stream.indirect.gather.add.f32 [spmem:s2], $0x80, s25, s11, $0x40b8;
	[tilespmem:$0x1F480] =	vst v63  }
0xef: {  	s26 =	sor.u32 $0x1A00, s22;
	(ifvalue) =	ssetifvalue $0xFFFFFFFF  }
0xf0: {  	[tilespmem:s14], [sflag:$0x1] =	stream.indirect.gather.add.f32 [spmem:s2], $0x80, s26, s11, $0x40b8;
	[tilespmem:$0x1F480] =	vst v63  }
0xf1: {  	s28 =	sor.u32 $0x1C00, s22;
	(ifvalue) =	ssetifvalue $0xFFFFFFFF  }
0xf2: {  	[tilespmem:s14], [sflag:$0x1] =	stream.indirect.gather.add.f32 [spmem:s2], $0x80, s28, s11, $0x40b8;
	[tilespmem:$0x1F480] =	vst v63  }
0xf3: {  	s29 =	sor.u32 $0x1E00, s22;
	(ifvalue) =	ssetifvalue $0xFFFFFFFF  }
0xf4: {  	[tilespmem:s14], [sflag:$0x1] =	stream.indirect.gather.add.f32 [spmem:s2], $0x80, s29, s11, $0x40b8;
	[tilespmem:$0x1F480] =	vst v63  }
0xf5: {  	s30 =	sor.u32 $0x2000, s22;
	(ifvalue) =	ssetifvalue $0xFFFFFFFF  }
0xf6: {  	[tilespmem:s14], [sflag:$0x1] =	stream.indirect.gather.add.f32 [spmem:s2], $0x80, s30, s11, $0x40b8;
	[tilespmem:$0x1F480] =	vst v63  }
0xf7: {  	s31 =	sor.u32 $0x2200, s22;
	(ifvalue) =	ssetifvalue $0xFFFFFFFF  }
0xf8: {  	[tilespmem:s14], [sflag:$0x1] =	stream.indirect.gather.add.f32 [spmem:s2], $0x80, s31, s11, $0x40b8;
	[tilespmem:$0x1F480] =	vst v63  }
0xf9: {  	s23 =	sor.u32 $0x2400, s22;
	(ifvalue) =	ssetifvalue $0xFFFFFFFF  }
0xfa: {  	[tilespmem:s14], [sflag:$0x1] =	stream.indirect.gather.add.f32 [spmem:s2], $0x80, s23, s11, $0x40b8;
	[tilespmem:$0x1F480] =	vst v63  }
0xfb: {  	s24 =	sor.u32 $0x2600, s22;
	(ifvalue) =	ssetifvalue $0xFFFFFFFF  }
0xfc: {  	[tilespmem:s14], [sflag:$0x1] =	stream.indirect.gather.add.f32 [spmem:s2], $0x80, s24, s11, $0x40b8;
	[tilespmem:$0x1F480] =	vst v63  }
0xfd: {  	s25 =	sor.u32 $0x2800, s22;
	(ifvalue) =	ssetifvalue $0xFFFFFFFF  }
0xfe: {  	[tilespmem:s14], [sflag:$0x1] =	stream.indirect.gather.add.f32 [spmem:s2], $0x80, s25, s11, $0x40b8;
	[tilespmem:$0x1F480] =	vst v63  }
0xff: {  	s26 =	sor.u32 $0x2A00, s22;
	(ifvalue) =	ssetifvalue $0xFFFFFFFF  }
0x100: {  	[tilespmem:s14], [sflag:$0x1] =	stream.indirect.gather.add.f32 [spmem:s2], $0x80, s26, s11, $0x40b8;
	[tilespmem:$0x1F480] =	vst v63  }
0x101: {  	s28 =	sor.u32 $0x2C00, s22;
	(ifvalue) =	ssetifvalue $0xFFFFFFFF  }
0x102: {  	[tilespmem:s14], [sflag:$0x1] =	stream.indirect.gather.add.f32 [spmem:s2], $0x80, s28, s11, $0x40b8;
	[tilespmem:$0x1F480] =	vst v63  }
0x103: {  	s29 =	sor.u32 $0x2E00, s22;
	(ifvalue) =	ssetifvalue $0xFFFFFFFF  }
0x104: {  	[tilespmem:s14], [sflag:$0x1] =	stream.indirect.gather.add.f32 [spmem:s2], $0x80, s29, s11, $0x40b8;
	[tilespmem:$0x1F480] =	vst v63  }
0x105: {  	s30 =	sor.u32 $0x3000, s22;
	(ifvalue) =	ssetifvalue $0xFFFFFFFF  }
0x106: {  	[tilespmem:s14], [sflag:$0x1] =	stream.indirect.gather.add.f32 [spmem:s2], $0x80, s30, s11, $0x40b8;
	[tilespmem:$0x1F480] =	vst v63  }
0x107: {  	s31 =	sor.u32 $0x3200, s22;
	(ifvalue) =	ssetifvalue $0xFFFFFFFF  }
0x108: {  	[tilespmem:s14], [sflag:$0x1] =	stream.indirect.gather.add.f32 [spmem:s2], $0x80, s31, s11, $0x40b8;
	[tilespmem:$0x1F480] =	vst v63  }
0x109: {  	s23 =	sor.u32 $0x3400, s22;
	(ifvalue) =	ssetifvalue $0xFFFFFFFF  }
0x10a: {  	[tilespmem:s14], [sflag:$0x1] =	stream.indirect.gather.add.f32 [spmem:s2], $0x80, s23, s11, $0x40b8;
	[tilespmem:$0x1F480] =	vst v63  }
0x10b: {  	s24 =	sor.u32 $0x3600, s22;
	(ifvalue) =	ssetifvalue $0xFFFFFFFF  }
0x10c: {  	[tilespmem:s14], [sflag:$0x1] =	stream.indirect.gather.add.f32 [spmem:s2], $0x80, s24, s11, $0x40b8;
	[tilespmem:$0x1F480] =	vst v63  }
0x10d: {  	s25 =	sor.u32 $0x3800, s22;
	(ifvalue) =	ssetifvalue $0xFFFFFFFF  }
0x10e: {  	[tilespmem:s14], [sflag:$0x1] =	stream.indirect.gather.add.f32 [spmem:s2], $0x80, s25, s11, $0x40b8;
	[tilespmem:$0x1F480] =	vst v63  }
0x10f: {  	s26 =	sor.u32 $0x3A00, s22;
	(ifvalue) =	ssetifvalue $0xFFFFFFFF  }
0x110: {  	[tilespmem:s14], [sflag:$0x1] =	stream.indirect.gather.add.f32 [spmem:s2], $0x80, s26, s11, $0x40b8;
	[tilespmem:$0x1F480] =	vst v63  }
0x111: {  	s28 =	sor.u32 $0x1500, s22;
	(ifvalue) =	ssetifvalue $0xFFFFFFFF  }
0x112: {  	[tilespmem:s17], [sflag:$0x1] =	stream.indirect.gather.add.f32 [spmem:s2], $0x80, s28, s11, $0x40b8;
	[tilespmem:$0x1F480] =	vst v63  }
0x113: {  	s29 =	sor.u32 $0x1700, s22;
	(ifvalue) =	ssetifvalue $0xFFFFFFFF  }
0x114: {  	[tilespmem:s17], [sflag:$0x1] =	stream.indirect.gather.add.f32 [spmem:s2], $0x80, s29, s11, $0x40b8;
	[tilespmem:$0x1F480] =	vst v63  }
0x115: {  	s30 =	sor.u32 $0x1900, s22;
	(ifvalue) =	ssetifvalue $0xFFFFFFFF  }
0x116: {  	[tilespmem:s17], [sflag:$0x1] =	stream.indirect.gather.add.f32 [spmem:s2], $0x80, s30, s11, $0x40b8;
	[tilespmem:$0x1F480] =	vst v63  }
0x117: {  	s31 =	sor.u32 $0x1B00, s22;
	(ifvalue) =	ssetifvalue $0xFFFFFFFF  }
0x118: {  	[tilespmem:s17], [sflag:$0x1] =	stream.indirect.gather.add.f32 [spmem:s2], $0x80, s31, s11, $0x40b8;
	[tilespmem:$0x1F480] =	vst v63  }
0x119: {  	s23 =	sor.u32 $0x1D00, s22;
	(ifvalue) =	ssetifvalue $0xFFFFFFFF  }
0x11a: {  	[tilespmem:s17], [sflag:$0x1] =	stream.indirect.gather.add.f32 [spmem:s2], $0x80, s23, s11, $0x40b8;
	[tilespmem:$0x1F480] =	vst v63  }
0x11b: {  	s24 =	sor.u32 $0x1F00, s22;
	(ifvalue) =	ssetifvalue $0xFFFFFFFF  }
0x11c: {  	[tilespmem:s17], [sflag:$0x1] =	stream.indirect.gather.add.f32 [spmem:s2], $0x80, s24, s11, $0x40b8;
	[tilespmem:$0x1F480] =	vst v63  }
0x11d: {  	s25 =	sor.u32 $0x2100, s22;
	(ifvalue) =	ssetifvalue $0xFFFFFFFF  }
0x11e: {  	[tilespmem:s17], [sflag:$0x1] =	stream.indirect.gather.add.f32 [spmem:s2], $0x80, s25, s11, $0x40b8;
	[tilespmem:$0x1F480] =	vst v63  }
0x11f: {  	s26 =	sor.u32 $0x2300, s22;
	(ifvalue) =	ssetifvalue $0xFFFFFFFF  }
0x120: {  	[tilespmem:s17], [sflag:$0x1] =	stream.indirect.gather.add.f32 [spmem:s2], $0x80, s26, s11, $0x40b8;
	[tilespmem:$0x1F480] =	vst v63  }
0x121: {  	s28 =	sor.u32 $0x2500, s22;
	(ifvalue) =	ssetifvalue $0xFFFFFFFF  }
0x122: {  	[tilespmem:s17], [sflag:$0x1] =	stream.indirect.gather.add.f32 [spmem:s2], $0x80, s28, s11, $0x40b8;
	[tilespmem:$0x1F480] =	vst v63  }
0x123: {  	s29 =	sor.u32 $0x2700, s22;
	(ifvalue) =	ssetifvalue $0xFFFFFFFF  }
0x124: {  	[tilespmem:s17], [sflag:$0x1] =	stream.indirect.gather.add.f32 [spmem:s2], $0x80, s29, s11, $0x40b8;
	[tilespmem:$0x1F480] =	vst v63  }
0x125: {  	s30 =	sor.u32 $0x2900, s22;
	(ifvalue) =	ssetifvalue $0xFFFFFFFF  }
0x126: {  	[tilespmem:s17], [sflag:$0x1] =	stream.indirect.gather.add.f32 [spmem:s2], $0x80, s30, s11, $0x40b8;
	[tilespmem:$0x1F480] =	vst v63  }
0x127: {  	s31 =	sor.u32 $0x2B00, s22;
	(ifvalue) =	ssetifvalue $0xFFFFFFFF  }
0x128: {  	[tilespmem:s17], [sflag:$0x1] =	stream.indirect.gather.add.f32 [spmem:s2], $0x80, s31, s11, $0x40b8;
	[tilespmem:$0x1F480] =	vst v63  }
0x129: {  	s23 =	sor.u32 $0x2D00, s22;
	(ifvalue) =	ssetifvalue $0xFFFFFFFF  }
0x12a: {  	[tilespmem:s17], [sflag:$0x1] =	stream.indirect.gather.add.f32 [spmem:s2], $0x80, s23, s11, $0x40b8;
	[tilespmem:$0x1F480] =	vst v63  }
0x12b: {  	s24 =	sor.u32 $0x2F00, s22;
	(ifvalue) =	ssetifvalue $0xFFFFFFFF  }
0x12c: {  	[tilespmem:s17], [sflag:$0x1] =	stream.indirect.gather.add.f32 [spmem:s2], $0x80, s24, s11, $0x40b8;
	[tilespmem:$0x1F480] =	vst v63  }
0x12d: {  	s25 =	sor.u32 $0x3100, s22;
	(ifvalue) =	ssetifvalue $0xFFFFFFFF  }
0x12e: {  	[tilespmem:s17], [sflag:$0x1] =	stream.indirect.gather.add.f32 [spmem:s2], $0x80, s25, s11, $0x40b8;
	[tilespmem:$0x1F480] =	vst v63  }
0x12f: {  	s26 =	sor.u32 $0x3300, s22;
	(ifvalue) =	ssetifvalue $0xFFFFFFFF  }
0x130: {  	[tilespmem:s17], [sflag:$0x1] =	stream.indirect.gather.add.f32 [spmem:s2], $0x80, s26, s11, $0x40b8;
	[tilespmem:$0x1F480] =	vst v63  }
0x131: {  	s28 =	sor.u32 $0x3500, s22;
	(ifvalue) =	ssetifvalue $0xFFFFFFFF  }
0x132: {  	[tilespmem:s17], [sflag:$0x1] =	stream.indirect.gather.add.f32 [spmem:s2], $0x80, s28, s11, $0x40b8;
	[tilespmem:$0x1F480] =	vst v63  }
0x133: {  	p1 =	seq.s32 s20, $0x9;
	s29 =	sor.u32 $0x3700, s22;
	(ifvalue) =	ssetifvalue $0xFFFFFFFF  }
0x134: {  	[tilespmem:s17], [sflag:$0x1] =	stream.indirect.gather.add.f32 [spmem:s2], $0x80, s29, s11, $0x40b8;
	[tilespmem:$0x1F480] =	vst v63  }
.Ltmp5:
0x135: {  	_ = 	snop;
	(pc) =	sbr.rel @p1 .LBB2_7-.Ltmp5, $4  }
0x136: {  	s30 =	sor.u32 $0x3900, s22;
	(ifvalue) =	ssetifvalue $0xFFFFFFFF  }
0x137: {  	[tilespmem:s17], [sflag:$0x1] =	stream.indirect.gather.add.f32 [spmem:s2], $0x80, s30, s11, $0x40b8;
	[tilespmem:$0x1F480] =	vst v63  }
0x138: {  	s20 =	sadd.s32 $0x1, s20;
	s31 =	sor.u32 $0x3B00, s22;
	(ifvalue) =	ssetifvalue $0xFFFFFFFF  }
0x139: {  	[tilespmem:s17], [sflag:$0x1] =	stream.indirect.gather.add.f32 [spmem:s2], $0x80, s31, s11, $0x40b8;
	[tilespmem:$0x1F480] =	vst v63  }
0x13a: {  	s21 =	simm.s32 $0x40  }
0x13b: {  	v2 =	vld [tilespmem:s21+$0xFFFFFFC0]  }
0x13c: {  	s23 =	smul.u32 $0x2710, s20;
	_ =	sdelay $0x1  }
0x13d: {  	s24 =	sadd.s32 $0x2710, s23  }
0x13e: {  	v0 =	vmov s23;
	v1 =	vmov s24  }
0x13f: {  	vm0 =	vge.s32 v2, v0;
	vm1 =	vlt.s32 v2, v1  }
0x140: {  	s22 =	sxor.u32 $0x80, s22;
	v2 =	vsub.s32 v2, v0;
	vm0 =	vmand vm0, vm1  }
0x141: {  	s22 =	sadd.s32 $0x1440, s22;
	v2 =	vnsel vm0, $0xFFFFFFFF, v2  }
0x142: {  	[tilespmem:s22+$0xFFFFFFC0] =	vst v2  }
0x143: {  	v2 =	vld [tilespmem:s21+$0xFFFFFFD0];
	_ =	sdelay $0x4  }
0x144: {  	vm14 =	vge.s32 v2, v0;
	vm15 =	vlt.s32 v2, v1  }
0x145: {  	v2 =	vsub.s32 v2, v0;
	vm0 =	vmand vm14, vm15  }
0x146: {  	v2 =	vnsel vm0, $0xFFFFFFFF, v2  }
0x147: {  	[tilespmem:s22+$0xFFFFFFD0] =	vst v2  }
0x148: {  	v2 =	vld [tilespmem:s21+$0xFFFFFFE0];
	_ =	sdelay $0x4  }
0x149: {  	vm4 =	vge.s32 v2, v0;
	vm5 =	vlt.s32 v2, v1  }
0x14a: {  	v2 =	vsub.s32 v2, v0;
	vm0 =	vmand vm4, vm5  }
0x14b: {  	v2 =	vnsel vm0, $0xFFFFFFFF, v2  }
0x14c: {  	[tilespmem:s22+$0xFFFFFFE0] =	vst v2  }
0x14d: {  	v2 =	vld [tilespmem:s21+$0xFFFFFFF0];
	_ =	sdelay $0x4  }
0x14e: {  	vm6 =	vge.s32 v2, v0;
	vm7 =	vlt.s32 v2, v1  }
0x14f: {  	v2 =	vsub.s32 v2, v0;
	vm0 =	vmand vm6, vm7  }
0x150: {  	v2 =	vnsel vm0, $0xFFFFFFFF, v2  }
0x151: {  	[tilespmem:s22+$0xFFFFFFF0] =	vst v2  }
0x152: {  	v2 =	vld [tilespmem:s21+$0x0];
	_ =	sdelay $0x4  }
0x153: {  	vm8 =	vge.s32 v2, v0;
	vm9 =	vlt.s32 v2, v1  }
0x154: {  	v2 =	vsub.s32 v2, v0;
	vm0 =	vmand vm8, vm9  }
0x155: {  	v2 =	vnsel vm0, $0xFFFFFFFF, v2  }
0x156: {  	[tilespmem:s22+$0x0] =	vst v2  }
0x157: {  	v2 =	vld [tilespmem:s21+$0x10];
	_ =	sdelay $0x4  }
0x158: {  	vm10 =	vge.s32 v2, v0;
	vm11 =	vlt.s32 v2, v1  }
0x159: {  	v2 =	vsub.s32 v2, v0;
	vm0 =	vmand vm10, vm11  }
0x15a: {  	v2 =	vnsel vm0, $0xFFFFFFFF, v2  }
0x15b: {  	[tilespmem:s22+$0x10] =	vst v2  }
0x15c: {  	v2 =	vld [tilespmem:s21+$0x20];
	_ =	sdelay $0x4  }
0x15d: {  	vm12 =	vge.s32 v2, v0;
	vm13 =	vlt.s32 v2, v1  }
0x15e: {  	v2 =	vsub.s32 v2, v0;
	vm0 =	vmand vm12, vm13  }
0x15f: {  	v2 =	vnsel vm0, $0xFFFFFFFF, v2  }
0x160: {  	[tilespmem:s22+$0x20] =	vst v2  }
0x161: {  	v2 =	vld [tilespmem:s21+$0x30];
	_ =	sdelay $0x4  }
0x162: {  	vm14 =	vge.s32 v2, v0;
	vm15 =	vlt.s32 v2, v1  }
0x163: {  	v2 =	vsub.s32 v2, v0;
	vm0 =	vmand vm14, vm15  }
0x164: {  	s23 =	simm.s32 $0x0;
	v2 =	vnsel vm0, $0xFFFFFFFF, v2  }
.LBB2_5:
0x165: {  	s23 =	sadd.s32 $0x8, s23;
	[tilespmem:s22+$0x30] =	vst v2;
	s21 =	sadd.s32 $0x80, s21;
	s22 =	sadd.s32 $0x100, s22  }
0x166: {  	v2 =	vld [tilespmem:s21+$0xFFFFFFC0];
	p1 =	slt.u32 s23, $0x138;
	_ =	sdelay $0x4  }
0x167: {  	vm0 =	vge.s32 v2, v0;
	vm1 =	vlt.s32 v2, v1  }
0x168: {  	v2 =	vsub.s32 v2, v0;
	vm0 =	vmand vm0, vm1  }
0x169: {  	v2 =	vnsel vm0, $0xFFFFFFFF, v2  }
0x16a: {  	[tilespmem:s22+$0xFFFFFFC0] =	vst v2  }
0x16b: {  	v2 =	vld [tilespmem:s21+$0xFFFFFFD0];
	_ =	sdelay $0x4  }
0x16c: {  	vm0 =	vge.s32 v2, v0;
	vm1 =	vlt.s32 v2, v1  }
0x16d: {  	v2 =	vsub.s32 v2, v0;
	vm0 =	vmand vm0, vm1  }
0x16e: {  	v2 =	vnsel vm0, $0xFFFFFFFF, v2  }
0x16f: {  	[tilespmem:s22+$0xFFFFFFD0] =	vst v2  }
0x170: {  	v2 =	vld [tilespmem:s21+$0xFFFFFFE0];
	_ =	sdelay $0x4  }
0x171: {  	vm0 =	vge.s32 v2, v0;
	vm1 =	vlt.s32 v2, v1  }
0x172: {  	v2 =	vsub.s32 v2, v0;
	vm0 =	vmand vm0, vm1  }
0x173: {  	v2 =	vnsel vm0, $0xFFFFFFFF, v2  }
0x174: {  	[tilespmem:s22+$0xFFFFFFE0] =	vst v2  }
0x175: {  	v2 =	vld [tilespmem:s21+$0xFFFFFFF0];
	_ =	sdelay $0x4  }
0x176: {  	vm0 =	vge.s32 v2, v0;
	vm1 =	vlt.s32 v2, v1  }
0x177: {  	v2 =	vsub.s32 v2, v0;
	vm0 =	vmand vm0, vm1  }
0x178: {  	v2 =	vnsel vm0, $0xFFFFFFFF, v2  }
0x179: {  	[tilespmem:s22+$0xFFFFFFF0] =	vst v2  }
0x17a: {  	v2 =	vld [tilespmem:s21+$0x0];
	_ =	sdelay $0x4  }
0x17b: {  	vm0 =	vge.s32 v2, v0;
	vm1 =	vlt.s32 v2, v1  }
0x17c: {  	v2 =	vsub.s32 v2, v0;
	vm0 =	vmand vm0, vm1  }
0x17d: {  	v2 =	vnsel vm0, $0xFFFFFFFF, v2  }
0x17e: {  	[tilespmem:s22+$0x0] =	vst v2  }
0x17f: {  	v2 =	vld [tilespmem:s21+$0x10];
	_ =	sdelay $0x4  }
0x180: {  	vm0 =	vge.s32 v2, v0;
	vm1 =	vlt.s32 v2, v1  }
0x181: {  	v2 =	vsub.s32 v2, v0;
	vm0 =	vmand vm0, vm1  }
0x182: {  	v2 =	vnsel vm0, $0xFFFFFFFF, v2  }
0x183: {  	[tilespmem:s22+$0x10] =	vst v2  }
0x184: {  	v2 =	vld [tilespmem:s21+$0x20];
	_ =	sdelay $0x4  }
0x185: {  	vm0 =	vge.s32 v2, v0;
	vm1 =	vlt.s32 v2, v1  }
0x186: {  	v2 =	vsub.s32 v2, v0;
	vm0 =	vmand vm0, vm1  }
0x187: {  	v2 =	vnsel vm0, $0xFFFFFFFF, v2  }
0x188: {  	[tilespmem:s22+$0x20] =	vst v2  }
0x189: {  	v2 =	vld [tilespmem:s21+$0x30];
	_ =	sdelay $0x2  }
.Ltmp6:
0x18a: {  	(pc) =	sbr.rel @p1 .LBB2_5-.Ltmp6, $4  }
0x18b: {  	_ = 	snop  }
0x18c: {  	vm0 =	vge.s32 v2, v0;
	vm1 =	vlt.s32 v2, v1  }
0x18d: {  	v2 =	vsub.s32 v2, v0;
	vm0 =	vmand vm0, vm1  }
0x18e: {  	v2 =	vnsel vm0, $0xFFFFFFFF, v2  }
.Ltmp7:
0x18f: {  	(pc) =	sbr.rel .LBB2_7-.Ltmp7, $2  }
0x190: {  	_ =	sdelay $0x2  }
0x191: {  	[tilespmem:s22+$0x30] =	vst v2  }
.LBB2_8:
0x192: {  	[hbm4b:s6+s3] =	stream.linear.scatter [tilespmem:s14], [sflag:$0x2], $0x8000, $0x38;
	[tilespmem:$0x1F480] =	vst v63  }
0x193: {  	_ =	swait.ge [sflag:s13], $0x8000  }
0x194: {  	[sflag:s13] =	ssyncset.done $0x0  }
0x195: {  	[sflag:s13] =	ssyncadd.s32 $0xFFFF8000  }
0x196: {  	[tilespmem:s3], [sflag:$0x2] =	stream.strided.gather [hbm4b:s8+s11], $0x1400, s12, s11, $0x38;
	[tilespmem:$0x1F480] =	vst v63  }
0x197: {  	_ =	swait.ge [sflag:s13], $0x1400  }
0x198: {  	[sflag:s13] =	ssyncset.done $0x0  }
0x199: {  	[sflag:s13] =	ssyncadd.s32 $0xFFFFEC00  }
0x19a: {  	[tilespmem:s14], [sflag:$0x2] =	stream.linear.gather [hbm4b:s4+s3], $0x8000, $0x38;
	[tilespmem:$0x1F480] =	vst v63  }
0x19b: {  	_ =	swait.ge [sflag:s13], $0x8000  }
0x19c: {  	[sflag:s13] =	ssyncset.done $0x0  }
0x19d: {  	s20 =	simm.s32 $0x40;
	[sflag:s13] =	ssyncadd.s32 $0xFFFF8000  }
0x19e: {  	v0 =	vld [tilespmem:s20+$0xFFFFFFC0];
	_ =	sdelay $0x4  }
0x19f: {  	vm0 =	vlt.u32 v0, $0x2710  }
0x1a0: {  	s21 =	simm.s32 $0x1440;
	v0 =	vnsel vm0, $0xFFFFFFFF, v0  }
0x1a1: {  	[tilespmem:s21+$0xFFFFFFC0] =	vst v0  }
0x1a2: {  	v0 =	vld [tilespmem:s20+$0xFFFFFFD0];
	_ =	sdelay $0x4  }
0x1a3: {  	vm9 =	vlt.u32 v0, $0x2710  }
0x1a4: {  	v0 =	vnsel vm9, $0xFFFFFFFF, v0  }
0x1a5: {  	[tilespmem:s21+$0xFFFFFFD0] =	vst v0  }
0x1a6: {  	v0 =	vld [tilespmem:s20+$0xFFFFFFE0];
	_ =	sdelay $0x4  }
0x1a7: {  	vm10 =	vlt.u32 v0, $0x2710  }
0x1a8: {  	v0 =	vnsel vm10, $0xFFFFFFFF, v0  }
0x1a9: {  	[tilespmem:s21+$0xFFFFFFE0] =	vst v0  }
0x1aa: {  	v0 =	vld [tilespmem:s20+$0xFFFFFFF0];
	_ =	sdelay $0x4  }
0x1ab: {  	vm11 =	vlt.u32 v0, $0x2710  }
0x1ac: {  	v0 =	vnsel vm11, $0xFFFFFFFF, v0  }
0x1ad: {  	[tilespmem:s21+$0xFFFFFFF0] =	vst v0  }
0x1ae: {  	v0 =	vld [tilespmem:s20+$0x0];
	_ =	sdelay $0x4  }
0x1af: {  	vm12 =	vlt.u32 v0, $0x2710  }
0x1b0: {  	v0 =	vnsel vm12, $0xFFFFFFFF, v0  }
0x1b1: {  	[tilespmem:s21+$0x0] =	vst v0  }
0x1b2: {  	v0 =	vld [tilespmem:s20+$0x10];
	_ =	sdelay $0x4  }
0x1b3: {  	vm13 =	vlt.u32 v0, $0x2710  }
0x1b4: {  	v0 =	vnsel vm13, $0xFFFFFFFF, v0  }
0x1b5: {  	[tilespmem:s21+$0x10] =	vst v0  }
0x1b6: {  	v0 =	vld [tilespmem:s20+$0x20];
	_ =	sdelay $0x4  }
0x1b7: {  	vm14 =	vlt.u32 v0, $0x2710  }
0x1b8: {  	v0 =	vnsel vm14, $0xFFFFFFFF, v0  }
0x1b9: {  	[tilespmem:s21+$0x20] =	vst v0  }
0x1ba: {  	v0 =	vld [tilespmem:s20+$0x30];
	_ =	sdelay $0x4  }
0x1bb: {  	vm15 =	vlt.u32 v0, $0x2710  }
0x1bc: {  	v0 =	vnsel vm15, $0xFFFFFFFF, v0  }
0x1bd: {  	s22 =	simm.s32 $0x0;
	s23 =	simm.s32 $0xC0;
	[tilespmem:s21+$0x30] =	vst v0  }
.LBB2_9:
0x1be: {  	v0 =	vld [tilespmem:s23+$0xFFFFFFC0];
	s22 =	sadd.s32 $0x8, s22  }
0x1bf: {  	p1 =	slt.u32 s22, $0x138;
	_ =	sdelay $0x3  }
0x1c0: {  	vm0 =	vlt.u32 v0, $0x2710  }
0x1c1: {  	s21 =	sadd.s32 $0x100, s21;
	v0 =	vnsel vm0, $0xFFFFFFFF, v0  }
0x1c2: {  	[tilespmem:s21+$0xFFFFFFC0] =	vst v0  }
0x1c3: {  	v0 =	vld [tilespmem:s23+$0xFFFFFFD0];
	_ =	sdelay $0x4  }
0x1c4: {  	vm0 =	vlt.u32 v0, $0x2710  }
0x1c5: {  	v0 =	vnsel vm0, $0xFFFFFFFF, v0  }
0x1c6: {  	[tilespmem:s21+$0xFFFFFFD0] =	vst v0  }
0x1c7: {  	v0 =	vld [tilespmem:s23+$0xFFFFFFE0];
	_ =	sdelay $0x4  }
0x1c8: {  	vm0 =	vlt.u32 v0, $0x2710  }
0x1c9: {  	v0 =	vnsel vm0, $0xFFFFFFFF, v0  }
0x1ca: {  	[tilespmem:s21+$0xFFFFFFE0] =	vst v0  }
0x1cb: {  	v0 =	vld [tilespmem:s23+$0xFFFFFFF0];
	_ =	sdelay $0x4  }
0x1cc: {  	vm0 =	vlt.u32 v0, $0x2710  }
0x1cd: {  	v0 =	vnsel vm0, $0xFFFFFFFF, v0  }
0x1ce: {  	[tilespmem:s21+$0xFFFFFFF0] =	vst v0  }
0x1cf: {  	v0 =	vld [tilespmem:s23+$0x0];
	_ =	sdelay $0x4  }
0x1d0: {  	vm0 =	vlt.u32 v0, $0x2710  }
0x1d1: {  	v0 =	vnsel vm0, $0xFFFFFFFF, v0  }
0x1d2: {  	[tilespmem:s21+$0x0] =	vst v0  }
0x1d3: {  	v0 =	vld [tilespmem:s23+$0x10];
	_ =	sdelay $0x4  }
0x1d4: {  	vm0 =	vlt.u32 v0, $0x2710  }
0x1d5: {  	v0 =	vnsel vm0, $0xFFFFFFFF, v0  }
0x1d6: {  	[tilespmem:s21+$0x10] =	vst v0  }
0x1d7: {  	v0 =	vld [tilespmem:s23+$0x20];
	_ =	sdelay $0x4  }
0x1d8: {  	vm0 =	vlt.u32 v0, $0x2710  }
0x1d9: {  	v0 =	vnsel vm0, $0xFFFFFFFF, v0  }
0x1da: {  	[tilespmem:s21+$0x20] =	vst v0  }
0x1db: {  	v0 =	vld [tilespmem:s23+$0x30];
	_ =	sdelay $0x2  }
.Ltmp8:
0x1dc: {  	(pc) =	sbr.rel @p1 .LBB2_9-.Ltmp8, $4  }
0x1dd: {  	_ = 	snop  }
0x1de: {  	vm0 =	vlt.u32 v0, $0x2710  }
0x1df: {  	v0 =	vnsel vm0, $0xFFFFFFFF, v0  }
0x1e0: {  	s20 =	simm.s32 $0x0;
	s23 =	sadd.s32 $0x80, s23;
	[tilespmem:s21+$0x30] =	vst v0  }
.Ltmp9:
0x1e1: {  	_ = 	snop;
	(pc) =	sbr.rel .LBB2_10-.Ltmp9, $1  }
0x1e2: {  	_ =	sdelay $0x3  }
.LBB2_14:
0x1e3: {  	_ =	swait.ge [sflag:s18], $0x4000  }
0x1e4: {  	[sflag:s18] =	ssyncset.done $0x0  }
0x1e5: {  	[sflag:s18] =	ssyncadd.s32 $0xFFFFC000  }
0x1e6: {  	_ =	swait.ge [sflag:s18], $0x4000  }
0x1e7: {  	[sflag:s18] =	ssyncset.done $0x0  }
0x1e8: {  	[sflag:s18] =	ssyncadd.s32 $0xFFFFC000  }
0x1e9: {  	_ =	swait.ge [sflag:s18], $0x4000  }
0x1ea: {  	[sflag:s18] =	ssyncset.done $0x0  }
0x1eb: {  	[sflag:s18] =	ssyncadd.s32 $0xFFFFC000  }
0x1ec: {  	_ =	swait.ge [sflag:s18], $0x4000  }
0x1ed: {  	[sflag:s18] =	ssyncset.done $0x0  }
0x1ee: {  	[sflag:s18] =	ssyncadd.s32 $0xFFFFC000  }
0x1ef: {  	_ =	swait.ge [sflag:s18], $0x4000  }
0x1f0: {  	[sflag:s18] =	ssyncset.done $0x0  }
0x1f1: {  	[sflag:s18] =	ssyncadd.s32 $0xFFFFC000  }
0x1f2: {  	_ =	swait.ge [sflag:s18], $0x4000  }
0x1f3: {  	[sflag:s18] =	ssyncset.done $0x0  }
0x1f4: {  	[sflag:s18] =	ssyncadd.s32 $0xFFFFC000  }
0x1f5: {  	_ =	swait.ge [sflag:s18], $0x4000  }
0x1f6: {  	[sflag:s18] =	ssyncset.done $0x0  }
0x1f7: {  	[sflag:s18] =	ssyncadd.s32 $0xFFFFC000  }
0x1f8: {  	_ =	swait.ge [sflag:s18], $0x4000  }
0x1f9: {  	[sflag:s18] =	ssyncset.done $0x0  }
0x1fa: {  	[sflag:s18] =	ssyncadd.s32 $0xFFFFC000  }
0x1fb: {  	_ =	swait.ge [sflag:s18], $0x4000  }
0x1fc: {  	[sflag:s18] =	ssyncset.done $0x0  }
0x1fd: {  	[sflag:s18] =	ssyncadd.s32 $0xFFFFC000  }
0x1fe: {  	_ =	swait.ge [sflag:s18], $0x4000  }
0x1ff: {  	[sflag:s18] =	ssyncset.done $0x0  }
0x200: {  	[sflag:s18] =	ssyncadd.s32 $0xFFFFC000  }
0x201: {  	_ =	swait.ge [sflag:s18], $0x4000  }
0x202: {  	[sflag:s18] =	ssyncset.done $0x0  }
0x203: {  	[sflag:s18] =	ssyncadd.s32 $0xFFFFC000  }
0x204: {  	_ =	swait.ge [sflag:s18], $0x4000  }
0x205: {  	[sflag:s18] =	ssyncset.done $0x0  }
0x206: {  	[sflag:s18] =	ssyncadd.s32 $0xFFFFC000  }
0x207: {  	_ =	swait.ge [sflag:s18], $0x4000  }
0x208: {  	[sflag:s18] =	ssyncset.done $0x0  }
0x209: {  	[sflag:s18] =	ssyncadd.s32 $0xFFFFC000  }
0x20a: {  	_ =	swait.ge [sflag:s18], $0x4000  }
0x20b: {  	[sflag:s18] =	ssyncset.done $0x0  }
0x20c: {  	[sflag:s18] =	ssyncadd.s32 $0xFFFFC000  }
0x20d: {  	_ =	swait.ge [sflag:s18], $0x4000  }
0x20e: {  	[sflag:s18] =	ssyncset.done $0x0  }
0x20f: {  	[sflag:s18] =	ssyncadd.s32 $0xFFFFC000  }
0x210: {  	_ =	swait.ge [sflag:s18], $0x4000  }
0x211: {  	[sflag:s18] =	ssyncset.done $0x0  }
0x212: {  	[sflag:s18] =	ssyncadd.s32 $0xFFFFC000  }
0x213: {  	_ =	swait.ge [sflag:s18], $0x4000  }
0x214: {  	[sflag:s18] =	ssyncset.done $0x0  }
0x215: {  	[sflag:s18] =	ssyncadd.s32 $0xFFFFC000  }
0x216: {  	_ =	swait.ge [sflag:s18], $0x4000  }
0x217: {  	[sflag:s18] =	ssyncset.done $0x0  }
0x218: {  	[sflag:s18] =	ssyncadd.s32 $0xFFFFC000  }
0x219: {  	_ =	swait.ge [sflag:s18], $0x4000  }
0x21a: {  	[sflag:s18] =	ssyncset.done $0x0  }
0x21b: {  	[sflag:s18] =	ssyncadd.s32 $0xFFFFC000  }
0x21c: {  	_ =	swait.ge [sflag:s18], $0x4000  }
0x21d: {  	[sflag:s18] =	ssyncset.done $0x0  }
0x21e: {  	[sflag:s18] =	ssyncadd.s32 $0xFFFFC000  }
0x21f: {  	_ =	swait.ge [sflag:s18], $0x4000  }
0x220: {  	[sflag:s18] =	ssyncset.done $0x0  }
0x221: {  	[sflag:s18] =	ssyncadd.s32 $0xFFFFC000  }
0x222: {  	_ =	swait.ge [sflag:s18], $0x4000  }
0x223: {  	[sflag:s18] =	ssyncset.done $0x0  }
0x224: {  	[sflag:s18] =	ssyncadd.s32 $0xFFFFC000  }
0x225: {  	_ =	swait.ge [sflag:s18], $0x4000  }
0x226: {  	[sflag:s18] =	ssyncset.done $0x0  }
0x227: {  	[sflag:s18] =	ssyncadd.s32 $0xFFFFC000  }
0x228: {  	_ =	swait.ge [sflag:s18], $0x4000  }
0x229: {  	[sflag:s18] =	ssyncset.done $0x0  }
0x22a: {  	[sflag:s18] =	ssyncadd.s32 $0xFFFFC000  }
0x22b: {  	_ =	swait.ge [sflag:s18], $0x4000  }
0x22c: {  	[sflag:s18] =	ssyncset.done $0x0  }
0x22d: {  	[sflag:s18] =	ssyncadd.s32 $0xFFFFC000  }
0x22e: {  	_ =	swait.ge [sflag:s18], $0x4000  }
0x22f: {  	[sflag:s18] =	ssyncset.done $0x0  }
0x230: {  	[sflag:s18] =	ssyncadd.s32 $0xFFFFC000  }
0x231: {  	_ =	swait.ge [sflag:s18], $0x4000  }
0x232: {  	[sflag:s18] =	ssyncset.done $0x0  }
0x233: {  	[sflag:s18] =	ssyncadd.s32 $0xFFFFC000  }
0x234: {  	_ =	swait.ge [sflag:s18], $0x4000  }
0x235: {  	[sflag:s18] =	ssyncset.done $0x0  }
0x236: {  	[sflag:s18] =	ssyncadd.s32 $0xFFFFC000  }
0x237: {  	_ =	swait.ge [sflag:s18], $0x4000  }
0x238: {  	[sflag:s18] =	ssyncset.done $0x0  }
0x239: {  	[sflag:s18] =	ssyncadd.s32 $0xFFFFC000  }
0x23a: {  	_ =	swait.ge [sflag:s18], $0x4000  }
0x23b: {  	[sflag:s18] =	ssyncset.done $0x0  }
0x23c: {  	[sflag:s18] =	ssyncadd.s32 $0xFFFFC000  }
0x23d: {  	_ =	swait.ge [sflag:s18], $0x4000  }
0x23e: {  	[sflag:s18] =	ssyncset.done $0x0  }
0x23f: {  	[sflag:s18] =	ssyncadd.s32 $0xFFFFC000  }
0x240: {  	_ =	swait.ge [sflag:s18], $0x4000  }
0x241: {  	[sflag:s18] =	ssyncset.done $0x0  }
0x242: {  	[sflag:s18] =	ssyncadd.s32 $0xFFFFC000  }
0x243: {  	_ =	swait.ge [sflag:s18], $0x4000  }
0x244: {  	[sflag:s18] =	ssyncset.done $0x0  }
0x245: {  	[sflag:s18] =	ssyncadd.s32 $0xFFFFC000  }
0x246: {  	_ =	swait.ge [sflag:s18], $0x4000  }
0x247: {  	[sflag:s18] =	ssyncset.done $0x0  }
0x248: {  	[sflag:s18] =	ssyncadd.s32 $0xFFFFC000  }
0x249: {  	_ =	swait.ge [sflag:s18], $0x4000  }
0x24a: {  	[sflag:s18] =	ssyncset.done $0x0  }
0x24b: {  	[sflag:s18] =	ssyncadd.s32 $0xFFFFC000  }
0x24c: {  	_ =	swait.ge [sflag:s18], $0x4000  }
0x24d: {  	[sflag:s18] =	ssyncset.done $0x0  }
0x24e: {  	[sflag:s18] =	ssyncadd.s32 $0xFFFFC000  }
0x24f: {  	_ =	swait.ge [sflag:s18], $0x4000  }
0x250: {  	[sflag:s18] =	ssyncset.done $0x0  }
0x251: {  	[sflag:s18] =	ssyncadd.s32 $0xFFFFC000  }
0x252: {  	_ =	swait.ge [sflag:s18], $0x4000  }
0x253: {  	[sflag:s18] =	ssyncset.done $0x0  }
0x254: {  	[sflag:s18] =	ssyncadd.s32 $0xFFFFC000  }
0x255: {  	_ =	swait.ge [sflag:s18], $0x4000  }
0x256: {  	[sflag:s18] =	ssyncset.done $0x0  }
0x257: {  	p1 =	sne.s32 s20, $0xA;
	[sflag:s18] =	ssyncadd.s32 $0xFFFFC000  }
.Ltmp10:
0x258: {  	_ =	swait.ge [sflag:s18], $0x4000;
	(pc) =	sbr.rel @!p1 .LBB2_15-.Ltmp10, $3  }
0x259: {  	[sflag:s18] =	ssyncset.done $0x0  }
0x25a: {  	[sflag:s18] =	ssyncadd.s32 $0xFFFFC000  }
0x25b: {  	[bflag:$0x0] =	sbarrier.arrive $0xFFFF;
	_ =	sdelay $0x1  }
.LBB2_10:
0x25c: {  	s21 =	smul.u32 @!p0 $0x27100, s20;
	_ =	sdelay $0x1  }
0x25d: {  	s21 =	sadd.s32 @!p0 s7, s21  }
0x25e: {  	[spmem:s16], [sflag:s15] =	dma.local @!p0 [hbm:s21], $0x3E80  }
0x25f: {  	s21 =	simm.s32 @!p0 $0x2  }
0x260: {  	_ =	swait.ge @!p0 [sflag:s21], $0x3E80  }
0x261: {  	[sflag:s21] =	ssyncset.done @!p0 $0x0  }
0x262: {  	s23 =	sshll.u32 s20, $0x7;
	[sflag:s21] =	ssyncadd.s32 @!p0 $0xFFFFC180  }
0x263: {  	s22 =	sand.u32 $0x80, s23;
	[bflag:$0x0] =	sbarrier.arrive $0xFFFF  }
0x264: {  	s21 =	sor.u32 $0x1400, s22;
	(ifvalue) =	ssetifvalue $0xFFFFFFFF  }
0x265: {  	[tilespmem:s14], [sflag:$0x1] =	stream.indirect.gather.add.f32 [spmem:s2], $0x80, s21, s11, $0x40b8;
	[tilespmem:$0x1F480] =	vst v63  }
0x266: {  	s24 =	sor.u32 $0x1600, s22;
	(ifvalue) =	ssetifvalue $0xFFFFFFFF  }
0x267: {  	[tilespmem:s14], [sflag:$0x1] =	stream.indirect.gather.add.f32 [spmem:s2], $0x80, s24, s11, $0x40b8;
	[tilespmem:$0x1F480] =	vst v63  }
0x268: {  	s25 =	sor.u32 $0x1800, s22;
	(ifvalue) =	ssetifvalue $0xFFFFFFFF  }
0x269: {  	[tilespmem:s14], [sflag:$0x1] =	stream.indirect.gather.add.f32 [spmem:s2], $0x80, s25, s11, $0x40b8;
	[tilespmem:$0x1F480] =	vst v63  }
0x26a: {  	s26 =	sor.u32 $0x1A00, s22;
	(ifvalue) =	ssetifvalue $0xFFFFFFFF  }
0x26b: {  	[tilespmem:s14], [sflag:$0x1] =	stream.indirect.gather.add.f32 [spmem:s2], $0x80, s26, s11, $0x40b8;
	[tilespmem:$0x1F480] =	vst v63  }
0x26c: {  	s28 =	sor.u32 $0x1C00, s22;
	(ifvalue) =	ssetifvalue $0xFFFFFFFF  }
0x26d: {  	[tilespmem:s14], [sflag:$0x1] =	stream.indirect.gather.add.f32 [spmem:s2], $0x80, s28, s11, $0x40b8;
	[tilespmem:$0x1F480] =	vst v63  }
0x26e: {  	s29 =	sor.u32 $0x1E00, s22;
	(ifvalue) =	ssetifvalue $0xFFFFFFFF  }
0x26f: {  	[tilespmem:s14], [sflag:$0x1] =	stream.indirect.gather.add.f32 [spmem:s2], $0x80, s29, s11, $0x40b8;
	[tilespmem:$0x1F480] =	vst v63  }
0x270: {  	s30 =	sor.u32 $0x2000, s22;
	(ifvalue) =	ssetifvalue $0xFFFFFFFF  }
0x271: {  	[tilespmem:s14], [sflag:$0x1] =	stream.indirect.gather.add.f32 [spmem:s2], $0x80, s30, s11, $0x40b8;
	[tilespmem:$0x1F480] =	vst v63  }
0x272: {  	s31 =	sor.u32 $0x2200, s22;
	(ifvalue) =	ssetifvalue $0xFFFFFFFF  }
0x273: {  	[tilespmem:s14], [sflag:$0x1] =	stream.indirect.gather.add.f32 [spmem:s2], $0x80, s31, s11, $0x40b8;
	[tilespmem:$0x1F480] =	vst v63  }
0x274: {  	s23 =	sor.u32 $0x2400, s22;
	(ifvalue) =	ssetifvalue $0xFFFFFFFF  }
0x275: {  	[tilespmem:s14], [sflag:$0x1] =	stream.indirect.gather.add.f32 [spmem:s2], $0x80, s23, s11, $0x40b8;
	[tilespmem:$0x1F480] =	vst v63  }
0x276: {  	s24 =	sor.u32 $0x2600, s22;
	(ifvalue) =	ssetifvalue $0xFFFFFFFF  }
0x277: {  	[tilespmem:s14], [sflag:$0x1] =	stream.indirect.gather.add.f32 [spmem:s2], $0x80, s24, s11, $0x40b8;
	[tilespmem:$0x1F480] =	vst v63  }
0x278: {  	s25 =	sor.u32 $0x2800, s22;
	(ifvalue) =	ssetifvalue $0xFFFFFFFF  }
0x279: {  	[tilespmem:s14], [sflag:$0x1] =	stream.indirect.gather.add.f32 [spmem:s2], $0x80, s25, s11, $0x40b8;
	[tilespmem:$0x1F480] =	vst v63  }
0x27a: {  	s26 =	sor.u32 $0x2A00, s22;
	(ifvalue) =	ssetifvalue $0xFFFFFFFF  }
0x27b: {  	[tilespmem:s14], [sflag:$0x1] =	stream.indirect.gather.add.f32 [spmem:s2], $0x80, s26, s11, $0x40b8;
	[tilespmem:$0x1F480] =	vst v63  }
0x27c: {  	s28 =	sor.u32 $0x2C00, s22;
	(ifvalue) =	ssetifvalue $0xFFFFFFFF  }
0x27d: {  	[tilespmem:s14], [sflag:$0x1] =	stream.indirect.gather.add.f32 [spmem:s2], $0x80, s28, s11, $0x40b8;
	[tilespmem:$0x1F480] =	vst v63  }
0x27e: {  	s29 =	sor.u32 $0x2E00, s22;
	(ifvalue) =	ssetifvalue $0xFFFFFFFF  }
0x27f: {  	[tilespmem:s14], [sflag:$0x1] =	stream.indirect.gather.add.f32 [spmem:s2], $0x80, s29, s11, $0x40b8;
	[tilespmem:$0x1F480] =	vst v63  }
0x280: {  	s30 =	sor.u32 $0x3000, s22;
	(ifvalue) =	ssetifvalue $0xFFFFFFFF  }
0x281: {  	[tilespmem:s14], [sflag:$0x1] =	stream.indirect.gather.add.f32 [spmem:s2], $0x80, s30, s11, $0x40b8;
	[tilespmem:$0x1F480] =	vst v63  }
0x282: {  	s31 =	sor.u32 $0x3200, s22;
	(ifvalue) =	ssetifvalue $0xFFFFFFFF  }
0x283: {  	[tilespmem:s14], [sflag:$0x1] =	stream.indirect.gather.add.f32 [spmem:s2], $0x80, s31, s11, $0x40b8;
	[tilespmem:$0x1F480] =	vst v63  }
0x284: {  	s23 =	sor.u32 $0x3400, s22;
	(ifvalue) =	ssetifvalue $0xFFFFFFFF  }
0x285: {  	[tilespmem:s14], [sflag:$0x1] =	stream.indirect.gather.add.f32 [spmem:s2], $0x80, s23, s11, $0x40b8;
	[tilespmem:$0x1F480] =	vst v63  }
0x286: {  	s24 =	sor.u32 $0x3600, s22;
	(ifvalue) =	ssetifvalue $0xFFFFFFFF  }
0x287: {  	[tilespmem:s14], [sflag:$0x1] =	stream.indirect.gather.add.f32 [spmem:s2], $0x80, s24, s11, $0x40b8;
	[tilespmem:$0x1F480] =	vst v63  }
0x288: {  	s25 =	sor.u32 $0x3800, s22;
	(ifvalue) =	ssetifvalue $0xFFFFFFFF  }
0x289: {  	[tilespmem:s14], [sflag:$0x1] =	stream.indirect.gather.add.f32 [spmem:s2], $0x80, s25, s11, $0x40b8;
	[tilespmem:$0x1F480] =	vst v63  }
0x28a: {  	s26 =	sor.u32 $0x3A00, s22;
	(ifvalue) =	ssetifvalue $0xFFFFFFFF  }
0x28b: {  	[tilespmem:s14], [sflag:$0x1] =	stream.indirect.gather.add.f32 [spmem:s2], $0x80, s26, s11, $0x40b8;
	[tilespmem:$0x1F480] =	vst v63  }
0x28c: {  	s28 =	sor.u32 $0x1500, s22;
	(ifvalue) =	ssetifvalue $0xFFFFFFFF  }
0x28d: {  	[tilespmem:s17], [sflag:$0x1] =	stream.indirect.gather.add.f32 [spmem:s2], $0x80, s28, s11, $0x40b8;
	[tilespmem:$0x1F480] =	vst v63  }
0x28e: {  	s29 =	sor.u32 $0x1700, s22;
	(ifvalue) =	ssetifvalue $0xFFFFFFFF  }
0x28f: {  	[tilespmem:s17], [sflag:$0x1] =	stream.indirect.gather.add.f32 [spmem:s2], $0x80, s29, s11, $0x40b8;
	[tilespmem:$0x1F480] =	vst v63  }
0x290: {  	s30 =	sor.u32 $0x1900, s22;
	(ifvalue) =	ssetifvalue $0xFFFFFFFF  }
0x291: {  	[tilespmem:s17], [sflag:$0x1] =	stream.indirect.gather.add.f32 [spmem:s2], $0x80, s30, s11, $0x40b8;
	[tilespmem:$0x1F480] =	vst v63  }
0x292: {  	s31 =	sor.u32 $0x1B00, s22;
	(ifvalue) =	ssetifvalue $0xFFFFFFFF  }
0x293: {  	[tilespmem:s17], [sflag:$0x1] =	stream.indirect.gather.add.f32 [spmem:s2], $0x80, s31, s11, $0x40b8;
	[tilespmem:$0x1F480] =	vst v63  }
0x294: {  	s23 =	sor.u32 $0x1D00, s22;
	(ifvalue) =	ssetifvalue $0xFFFFFFFF  }
0x295: {  	[tilespmem:s17], [sflag:$0x1] =	stream.indirect.gather.add.f32 [spmem:s2], $0x80, s23, s11, $0x40b8;
	[tilespmem:$0x1F480] =	vst v63  }
0x296: {  	s24 =	sor.u32 $0x1F00, s22;
	(ifvalue) =	ssetifvalue $0xFFFFFFFF  }
0x297: {  	[tilespmem:s17], [sflag:$0x1] =	stream.indirect.gather.add.f32 [spmem:s2], $0x80, s24, s11, $0x40b8;
	[tilespmem:$0x1F480] =	vst v63  }
0x298: {  	s25 =	sor.u32 $0x2100, s22;
	(ifvalue) =	ssetifvalue $0xFFFFFFFF  }
0x299: {  	[tilespmem:s17], [sflag:$0x1] =	stream.indirect.gather.add.f32 [spmem:s2], $0x80, s25, s11, $0x40b8;
	[tilespmem:$0x1F480] =	vst v63  }
0x29a: {  	s26 =	sor.u32 $0x2300, s22;
	(ifvalue) =	ssetifvalue $0xFFFFFFFF  }
0x29b: {  	[tilespmem:s17], [sflag:$0x1] =	stream.indirect.gather.add.f32 [spmem:s2], $0x80, s26, s11, $0x40b8;
	[tilespmem:$0x1F480] =	vst v63  }
0x29c: {  	s28 =	sor.u32 $0x2500, s22;
	(ifvalue) =	ssetifvalue $0xFFFFFFFF  }
0x29d: {  	[tilespmem:s17], [sflag:$0x1] =	stream.indirect.gather.add.f32 [spmem:s2], $0x80, s28, s11, $0x40b8;
	[tilespmem:$0x1F480] =	vst v63  }
0x29e: {  	s29 =	sor.u32 $0x2700, s22;
	(ifvalue) =	ssetifvalue $0xFFFFFFFF  }
0x29f: {  	[tilespmem:s17], [sflag:$0x1] =	stream.indirect.gather.add.f32 [spmem:s2], $0x80, s29, s11, $0x40b8;
	[tilespmem:$0x1F480] =	vst v63  }
0x2a0: {  	s30 =	sor.u32 $0x2900, s22;
	(ifvalue) =	ssetifvalue $0xFFFFFFFF  }
0x2a1: {  	[tilespmem:s17], [sflag:$0x1] =	stream.indirect.gather.add.f32 [spmem:s2], $0x80, s30, s11, $0x40b8;
	[tilespmem:$0x1F480] =	vst v63  }
0x2a2: {  	s31 =	sor.u32 $0x2B00, s22;
	(ifvalue) =	ssetifvalue $0xFFFFFFFF  }
0x2a3: {  	[tilespmem:s17], [sflag:$0x1] =	stream.indirect.gather.add.f32 [spmem:s2], $0x80, s31, s11, $0x40b8;
	[tilespmem:$0x1F480] =	vst v63  }
0x2a4: {  	s23 =	sor.u32 $0x2D00, s22;
	(ifvalue) =	ssetifvalue $0xFFFFFFFF  }
0x2a5: {  	[tilespmem:s17], [sflag:$0x1] =	stream.indirect.gather.add.f32 [spmem:s2], $0x80, s23, s11, $0x40b8;
	[tilespmem:$0x1F480] =	vst v63  }
0x2a6: {  	s24 =	sor.u32 $0x2F00, s22;
	(ifvalue) =	ssetifvalue $0xFFFFFFFF  }
0x2a7: {  	[tilespmem:s17], [sflag:$0x1] =	stream.indirect.gather.add.f32 [spmem:s2], $0x80, s24, s11, $0x40b8;
	[tilespmem:$0x1F480] =	vst v63  }
0x2a8: {  	s25 =	sor.u32 $0x3100, s22;
	(ifvalue) =	ssetifvalue $0xFFFFFFFF  }
0x2a9: {  	[tilespmem:s17], [sflag:$0x1] =	stream.indirect.gather.add.f32 [spmem:s2], $0x80, s25, s11, $0x40b8;
	[tilespmem:$0x1F480] =	vst v63  }
0x2aa: {  	s26 =	sor.u32 $0x3300, s22;
	(ifvalue) =	ssetifvalue $0xFFFFFFFF  }
0x2ab: {  	[tilespmem:s17], [sflag:$0x1] =	stream.indirect.gather.add.f32 [spmem:s2], $0x80, s26, s11, $0x40b8;
	[tilespmem:$0x1F480] =	vst v63  }
0x2ac: {  	s28 =	sor.u32 $0x3500, s22;
	(ifvalue) =	ssetifvalue $0xFFFFFFFF  }
0x2ad: {  	[tilespmem:s17], [sflag:$0x1] =	stream.indirect.gather.add.f32 [spmem:s2], $0x80, s28, s11, $0x40b8;
	[tilespmem:$0x1F480] =	vst v63  }
0x2ae: {  	p1 =	seq.s32 s20, $0x9;
	s29 =	sor.u32 $0x3700, s22;
	(ifvalue) =	ssetifvalue $0xFFFFFFFF  }
0x2af: {  	[tilespmem:s17], [sflag:$0x1] =	stream.indirect.gather.add.f32 [spmem:s2], $0x80, s29, s11, $0x40b8;
	[tilespmem:$0x1F480] =	vst v63  }
.Ltmp11:
0x2b0: {  	_ = 	snop;
	(pc) =	sbr.rel @p1 .LBB2_14-.Ltmp11, $4  }
0x2b1: {  	s30 =	sor.u32 $0x3900, s22;
	(ifvalue) =	ssetifvalue $0xFFFFFFFF  }
0x2b2: {  	[tilespmem:s17], [sflag:$0x1] =	stream.indirect.gather.add.f32 [spmem:s2], $0x80, s30, s11, $0x40b8;
	[tilespmem:$0x1F480] =	vst v63  }
0x2b3: {  	s20 =	sadd.s32 $0x1, s20;
	s31 =	sor.u32 $0x3B00, s22;
	(ifvalue) =	ssetifvalue $0xFFFFFFFF  }
0x2b4: {  	[tilespmem:s17], [sflag:$0x1] =	stream.indirect.gather.add.f32 [spmem:s2], $0x80, s31, s11, $0x40b8;
	[tilespmem:$0x1F480] =	vst v63  }
0x2b5: {  	s21 =	simm.s32 $0x40  }
0x2b6: {  	v2 =	vld [tilespmem:s21+$0xFFFFFFC0]  }
0x2b7: {  	s23 =	smul.u32 $0x2710, s20;
	_ =	sdelay $0x1  }
0x2b8: {  	s24 =	sadd.s32 $0x2710, s23  }
0x2b9: {  	v0 =	vmov s23;
	v1 =	vmov s24  }
0x2ba: {  	vm0 =	vge.s32 v2, v0;
	vm1 =	vlt.s32 v2, v1  }
0x2bb: {  	s22 =	sxor.u32 $0x80, s22;
	v2 =	vsub.s32 v2, v0;
	vm0 =	vmand vm0, vm1  }
0x2bc: {  	s22 =	sadd.s32 $0x1440, s22;
	v2 =	vnsel vm0, $0xFFFFFFFF, v2  }
0x2bd: {  	[tilespmem:s22+$0xFFFFFFC0] =	vst v2  }
0x2be: {  	v2 =	vld [tilespmem:s21+$0xFFFFFFD0];
	_ =	sdelay $0x4  }
0x2bf: {  	vm14 =	vge.s32 v2, v0;
	vm15 =	vlt.s32 v2, v1  }
0x2c0: {  	v2 =	vsub.s32 v2, v0;
	vm0 =	vmand vm14, vm15  }
0x2c1: {  	v2 =	vnsel vm0, $0xFFFFFFFF, v2  }
0x2c2: {  	[tilespmem:s22+$0xFFFFFFD0] =	vst v2  }
0x2c3: {  	v2 =	vld [tilespmem:s21+$0xFFFFFFE0];
	_ =	sdelay $0x4  }
0x2c4: {  	vm4 =	vge.s32 v2, v0;
	vm5 =	vlt.s32 v2, v1  }
0x2c5: {  	v2 =	vsub.s32 v2, v0;
	vm0 =	vmand vm4, vm5  }
0x2c6: {  	v2 =	vnsel vm0, $0xFFFFFFFF, v2  }
0x2c7: {  	[tilespmem:s22+$0xFFFFFFE0] =	vst v2  }
0x2c8: {  	v2 =	vld [tilespmem:s21+$0xFFFFFFF0];
	_ =	sdelay $0x4  }
0x2c9: {  	vm6 =	vge.s32 v2, v0;
	vm7 =	vlt.s32 v2, v1  }
0x2ca: {  	v2 =	vsub.s32 v2, v0;
	vm0 =	vmand vm6, vm7  }
0x2cb: {  	v2 =	vnsel vm0, $0xFFFFFFFF, v2  }
0x2cc: {  	[tilespmem:s22+$0xFFFFFFF0] =	vst v2  }
0x2cd: {  	v2 =	vld [tilespmem:s21+$0x0];
	_ =	sdelay $0x4  }
0x2ce: {  	vm8 =	vge.s32 v2, v0;
	vm9 =	vlt.s32 v2, v1  }
0x2cf: {  	v2 =	vsub.s32 v2, v0;
	vm0 =	vmand vm8, vm9  }
0x2d0: {  	v2 =	vnsel vm0, $0xFFFFFFFF, v2  }
0x2d1: {  	[tilespmem:s22+$0x0] =	vst v2  }
0x2d2: {  	v2 =	vld [tilespmem:s21+$0x10];
	_ =	sdelay $0x4  }
0x2d3: {  	vm10 =	vge.s32 v2, v0;
	vm11 =	vlt.s32 v2, v1  }
0x2d4: {  	v2 =	vsub.s32 v2, v0;
	vm0 =	vmand vm10, vm11  }
0x2d5: {  	v2 =	vnsel vm0, $0xFFFFFFFF, v2  }
0x2d6: {  	[tilespmem:s22+$0x10] =	vst v2  }
0x2d7: {  	v2 =	vld [tilespmem:s21+$0x20];
	_ =	sdelay $0x4  }
0x2d8: {  	vm12 =	vge.s32 v2, v0;
	vm13 =	vlt.s32 v2, v1  }
0x2d9: {  	v2 =	vsub.s32 v2, v0;
	vm0 =	vmand vm12, vm13  }
0x2da: {  	v2 =	vnsel vm0, $0xFFFFFFFF, v2  }
0x2db: {  	[tilespmem:s22+$0x20] =	vst v2  }
0x2dc: {  	v2 =	vld [tilespmem:s21+$0x30];
	_ =	sdelay $0x4  }
0x2dd: {  	vm14 =	vge.s32 v2, v0;
	vm15 =	vlt.s32 v2, v1  }
0x2de: {  	v2 =	vsub.s32 v2, v0;
	vm0 =	vmand vm14, vm15  }
0x2df: {  	s23 =	simm.s32 $0x0;
	v2 =	vnsel vm0, $0xFFFFFFFF, v2  }
.LBB2_12:
0x2e0: {  	s23 =	sadd.s32 $0x8, s23;
	[tilespmem:s22+$0x30] =	vst v2;
	s21 =	sadd.s32 $0x80, s21;
	s22 =	sadd.s32 $0x100, s22  }
0x2e1: {  	v2 =	vld [tilespmem:s21+$0xFFFFFFC0];
	p1 =	slt.u32 s23, $0x138;
	_ =	sdelay $0x4  }
0x2e2: {  	vm0 =	vge.s32 v2, v0;
	vm1 =	vlt.s32 v2, v1  }
0x2e3: {  	v2 =	vsub.s32 v2, v0;
	vm0 =	vmand vm0, vm1  }
0x2e4: {  	v2 =	vnsel vm0, $0xFFFFFFFF, v2  }
0x2e5: {  	[tilespmem:s22+$0xFFFFFFC0] =	vst v2  }
0x2e6: {  	v2 =	vld [tilespmem:s21+$0xFFFFFFD0];
	_ =	sdelay $0x4  }
0x2e7: {  	vm0 =	vge.s32 v2, v0;
	vm1 =	vlt.s32 v2, v1  }
0x2e8: {  	v2 =	vsub.s32 v2, v0;
	vm0 =	vmand vm0, vm1  }
0x2e9: {  	v2 =	vnsel vm0, $0xFFFFFFFF, v2  }
0x2ea: {  	[tilespmem:s22+$0xFFFFFFD0] =	vst v2  }
0x2eb: {  	v2 =	vld [tilespmem:s21+$0xFFFFFFE0];
	_ =	sdelay $0x4  }
0x2ec: {  	vm0 =	vge.s32 v2, v0;
	vm1 =	vlt.s32 v2, v1  }
0x2ed: {  	v2 =	vsub.s32 v2, v0;
	vm0 =	vmand vm0, vm1  }
0x2ee: {  	v2 =	vnsel vm0, $0xFFFFFFFF, v2  }
0x2ef: {  	[tilespmem:s22+$0xFFFFFFE0] =	vst v2  }
0x2f0: {  	v2 =	vld [tilespmem:s21+$0xFFFFFFF0];
	_ =	sdelay $0x4  }
0x2f1: {  	vm0 =	vge.s32 v2, v0;
	vm1 =	vlt.s32 v2, v1  }
0x2f2: {  	v2 =	vsub.s32 v2, v0;
	vm0 =	vmand vm0, vm1  }
0x2f3: {  	v2 =	vnsel vm0, $0xFFFFFFFF, v2  }
0x2f4: {  	[tilespmem:s22+$0xFFFFFFF0] =	vst v2  }
0x2f5: {  	v2 =	vld [tilespmem:s21+$0x0];
	_ =	sdelay $0x4  }
0x2f6: {  	vm0 =	vge.s32 v2, v0;
	vm1 =	vlt.s32 v2, v1  }
0x2f7: {  	v2 =	vsub.s32 v2, v0;
	vm0 =	vmand vm0, vm1  }
0x2f8: {  	v2 =	vnsel vm0, $0xFFFFFFFF, v2  }
0x2f9: {  	[tilespmem:s22+$0x0] =	vst v2  }
0x2fa: {  	v2 =	vld [tilespmem:s21+$0x10];
	_ =	sdelay $0x4  }
0x2fb: {  	vm0 =	vge.s32 v2, v0;
	vm1 =	vlt.s32 v2, v1  }
0x2fc: {  	v2 =	vsub.s32 v2, v0;
	vm0 =	vmand vm0, vm1  }
0x2fd: {  	v2 =	vnsel vm0, $0xFFFFFFFF, v2  }
0x2fe: {  	[tilespmem:s22+$0x10] =	vst v2  }
0x2ff: {  	v2 =	vld [tilespmem:s21+$0x20];
	_ =	sdelay $0x4  }
0x300: {  	vm0 =	vge.s32 v2, v0;
	vm1 =	vlt.s32 v2, v1  }
0x301: {  	v2 =	vsub.s32 v2, v0;
	vm0 =	vmand vm0, vm1  }
0x302: {  	v2 =	vnsel vm0, $0xFFFFFFFF, v2  }
0x303: {  	[tilespmem:s22+$0x20] =	vst v2  }
0x304: {  	v2 =	vld [tilespmem:s21+$0x30];
	_ =	sdelay $0x2  }
.Ltmp12:
0x305: {  	(pc) =	sbr.rel @p1 .LBB2_12-.Ltmp12, $4  }
0x306: {  	_ = 	snop  }
0x307: {  	vm0 =	vge.s32 v2, v0;
	vm1 =	vlt.s32 v2, v1  }
0x308: {  	v2 =	vsub.s32 v2, v0;
	vm0 =	vmand vm0, vm1  }
0x309: {  	v2 =	vnsel vm0, $0xFFFFFFFF, v2  }
.Ltmp13:
0x30a: {  	(pc) =	sbr.rel .LBB2_14-.Ltmp13, $2  }
0x30b: {  	_ =	sdelay $0x2  }
0x30c: {  	[tilespmem:s22+$0x30] =	vst v2  }
.LBB2_16:
0x30d: {  	_ =	sfence.sel $0x180000  }
0x30e: {  	[bflag:$0x0] =	sbarrier.arrive $0xFFFF  }
0x30f: {  	p0 =	sne.s32 s1, $0x0;
	_ =	strace $0x90000047  }
0x310: {  	s0 =	sadd.s32 @!p0 $0x100000, s0;
	[bflag:$0x2] =	sbarrier.arrive $0xFFFF  }
0x311: {  	[sflag:s0] =	ssyncadd.tile.s32 @!p0 $0x1;
	_ =	shalt  }
.Lfunc_end2:
_tile_overlayer_lowered:
.L_overlay_start_2:
0x312: {  	(tag) =	ssettag $0x2  }
0x313: {  	s0 =	rddreg [dreg:$0x0];
	s2 =	stileid.u32  }
0x314: {  	s1 =	rddreg [dreg:$0x1];
	p0 =	sne.s32 s2, $0x0  }
0x315: {  	s3 =	rddreg [dreg:$0x2];
	[bflag:$0x3] =	sbarrier.arrive $0xFFFF;
	s2 =	simm.s32 @!p0 $0x1C02  }
0x316: {  	[timem:s3], [sflag:s2] =	dma.local @!p0 [hbm:s0], s1  }
0x317: {  	s0 =	simm.s32 @!p0 $0x2  }
0x318: {  	_ =	swait.ge @!p0 [sflag:s0], s1  }
0x319: {  	s1 =	ssub.s32 @!p0 $0x0, s1;
	[sflag:s0] =	ssyncset.done @!p0 $0x0  }
0x31a: {  	[sflag:s0] =	ssyncadd.s32 @!p0 s1  }
0x31b: {  	[bflag:$0x3] =	sbarrier.arrive $0xFFFF  }
0x31c: {  	_ =	shalt  }

</sc_bundles>
